<compile_context>
chip_gen: v7x
topology: tpu7x:2x2x1
jax: 0.10.2.dev20260603
libtpu: 0.0.44.dev20260713+nightly
codegen_flags: <defaults>
</compile_context>

<pallas_src>
import functools

import jax
import jax.numpy as jnp
from jax import lax
from jax.experimental import pallas as pl
from jax.experimental.pallas import tpu as pltpu
from jax.experimental.pallas import tpu_sc as plsc

N = 10000
E = 320000
D = 128
NP = 10240
NC, NS, L = 2, 16, 16
ROWS_PER_TILE = NP // NS
EDGES_PER_TILE = E // NS
G = 80
NG = E // (NS * G)
DH = D // NC
EPS = 1e-5

_mesh = plsc.VectorSubcoreMesh(
    core_axis_name="c", subcore_axis_name="s", num_cores=NC, num_subcores=NS)
_sc_params = pltpu.CompilerParams(needs_layout_passes=False)


def _newton_rsqrt(x):
    bits = plsc.bitcast(x, jnp.int32)
    bits = 0x5F3759DF - (bits >> 1)
    y = plsc.bitcast(bits, jnp.float32)
    for _ in range(3):
        y = y * (1.5 - 0.5 * x * y * y)
    return y


@functools.partial(
    pl.kernel,
    out_type=(
        jax.ShapeDtypeStruct((NP, D), jnp.float32),
        jax.ShapeDtypeStruct((NP,), jnp.float32),
    ),
    mesh=_mesh,
    scratch_types=(
        pltpu.VMEM((2, EDGES_PER_TILE + 96), jnp.int32),
        pltpu.VMEM((NP,), jnp.float32),
        pltpu.VMEM((NP,), jnp.float32),
        pltpu.VMEM((NS, 2, ROWS_PER_TILE), jnp.float32),
        pltpu.VMEM((ROWS_PER_TILE,), jnp.float32),
        pltpu.VMEM((ROWS_PER_TILE,), jnp.float32),
        pltpu.VMEM((ROWS_PER_TILE,), jnp.float32),
        pltpu.VMEM((ROWS_PER_TILE,), jnp.float32),
        pltpu.VMEM((2, 80, D), jnp.float32),
        pltpu.VMEM_SHARED((NS, 2, NP), jnp.float32),
        pltpu.SemaphoreType.DMA,
        pltpu.SemaphoreType.DMA,
    ),
    compiler_params=_sc_params,
)
def _k1(feat_hbm, ei_hbm, h_hbm, sin_hbm,
        ei_v, cnt_s, cnt_d, red_v,
        acc_s, acc_d, sout_v, sinl_v, fbuf, sh, semi, semo):
    c = lax.axis_index("c")
    s = lax.axis_index("s")
    ones = jnp.full((L,), 1.0, jnp.float32)
    zeros = jnp.zeros((L,), jnp.float32)

    base_e = s * EDGES_PER_TILE
    win = (base_e // 128) * 128
    off = base_e - win
    pltpu.async_copy(ei_hbm.at[:, pl.ds(win, EDGES_PER_TILE + 96)], ei_v, semi)

    def zero_body(i, _):
        cnt_s[pl.ds(i * L, L)] = zeros
        cnt_d[pl.ds(i * L, L)] = zeros
        return _
    lax.fori_loop(0, NP // L, zero_body, None)
    pltpu.make_async_copy(ei_hbm.at[:, pl.ds(win, EDGES_PER_TILE + 96)], ei_v,
                          semi).wait()

    lane = jnp.arange(L, dtype=jnp.int32)
    row0i = jnp.zeros((L,), jnp.int32)
    row1i = jnp.ones((L,), jnp.int32)

    def scat_body(i, _):
        cols = off + i * L + lane
        si = plsc.load_gather(ei_v, [row0i, cols])
        di = plsc.load_gather(ei_v, [row1i, cols])
        plsc.addupdate_scatter(cnt_s, [si], ones)
        plsc.addupdate_scatter(cnt_d, [di], ones)
        return _
    lax.fori_loop(0, EDGES_PER_TILE // L, scat_body, None)

    pltpu.sync_copy(cnt_s, sh.at[s, 0])
    pltpu.sync_copy(cnt_d, sh.at[s, 1])
    plsc.subcore_barrier()

    base_n = s * ROWS_PER_TILE
    pltpu.sync_copy(sh.at[:, :, pl.ds(base_n, ROWS_PER_TILE)], red_v)
    for k in range(NS):
        if k == 0:
            def acc_body0(i, _):
                acc_s[pl.ds(i * L, L)] = red_v[0, 0, pl.ds(i * L, L)]
                acc_d[pl.ds(i * L, L)] = red_v[0, 1, pl.ds(i * L, L)]
                return _
            lax.fori_loop(0, ROWS_PER_TILE // L, acc_body0, None)
        else:
            def acc_body(i, _):
                acc_s[pl.ds(i * L, L)] = acc_s[pl.ds(i * L, L)] + red_v[k, 0, pl.ds(i * L, L)]
                acc_d[pl.ds(i * L, L)] = acc_d[pl.ds(i * L, L)] + red_v[k, 1, pl.ds(i * L, L)]
                return _
            lax.fori_loop(0, ROWS_PER_TILE // L, acc_body, None)

    def rs_body(i, _):
        xs = jnp.maximum(acc_s[pl.ds(i * L, L)], 1.0)
        xd = jnp.maximum(acc_d[pl.ds(i * L, L)], 1.0)
        sout_v[pl.ds(i * L, L)] = _newton_rsqrt(xs)
        sinl_v[pl.ds(i * L, L)] = _newton_rsqrt(xd)
        return _
    lax.fori_loop(0, ROWS_PER_TILE // L, rs_body, None)

    @pl.when(c == 0)
    def _():
        pltpu.sync_copy(sinl_v, sin_hbm.at[pl.ds(base_n, ROWS_PER_TILE)])

    half_rows = ROWS_PER_TILE // NC
    nch = half_rows // 80

    def chunk_row0(ch):
        return base_n + c * half_rows + ch * 80

    @pl.when(chunk_row0(0) < N)
    def _():
        pltpu.async_copy(feat_hbm.at[pl.ds(chunk_row0(0), 80), :], fbuf.at[0], semi)
    for ch in range(nch):
        bank = ch % 2
        row0 = chunk_row0(ch)
        loc0 = c * half_rows + ch * 80

        @pl.when(row0 < N)
        def _():
            pltpu.make_async_copy(feat_hbm.at[pl.ds(row0, 80), :],
                                  fbuf.at[bank], semi).wait()
            if ch + 1 < nch:
                @pl.when(chunk_row0(ch + 1) < N)
                def _():
                    pltpu.async_copy(feat_hbm.at[pl.ds(chunk_row0(ch + 1), 80), :],
                                     fbuf.at[1 - bank], semi)
            if ch >= 2:
                pltpu.make_async_copy(fbuf.at[bank],
                                      h_hbm.at[pl.ds(chunk_row0(ch - 2), 80), :],
                                      semo).wait()

            def h_body(r, _):
                sv = plsc.load_gather(sout_v, [jnp.broadcast_to(loc0 + r, (L,))])
                for g in range(D // L):
                    fbuf[bank, r, pl.ds(g * L, L)] = fbuf[bank, r, pl.ds(g * L, L)] * sv
                return _
            lax.fori_loop(0, 80, h_body, None)
            pltpu.async_copy(fbuf.at[bank], h_hbm.at[pl.ds(row0, 80), :], semo)
    for ch in range(nch):
        row0 = chunk_row0(ch)
        cond = row0 < N
        if ch + 2 < nch:
            cond = jnp.logical_and(cond, chunk_row0(ch + 2) >= N)

        @pl.when(cond)
        def _():
            pltpu.make_async_copy(fbuf.at[ch % 2],
                                  h_hbm.at[pl.ds(row0, 80), :], semo).wait()


@functools.partial(
    pl.kernel,
    out_type=jax.ShapeDtypeStruct((NC, NP, D), jnp.float32),
    mesh=_mesh,
    scratch_types=(
        pltpu.VMEM((2, E // (NC * NS) + 112), jnp.int32),
        pltpu.VMEM((2, G, D), jnp.float32),
        pltpu.VMEM_SHARED((NP, D), jnp.float32),
        pltpu.SemaphoreType.DMA,
        pltpu.SemaphoreType.DMA,
        pltpu.SemaphoreType.DMA,
        pltpu.SemaphoreType.DMA,
    ),
    compiler_params=_sc_params,
)
def _k2(h_hbm, ei_hbm, agg_hbm, ei_v, rows, agg_sh,
        semg0, semg1, sems0, sems1):
    c = lax.axis_index("c")
    s = lax.axis_index("s")
    zeros = jnp.zeros((L,), jnp.float32)
    ept = E // (NC * NS)
    ng = ept // G

    def zrow(r, _):
        for g in range(D // L):
            rows[0, r, pl.ds(g * L, L)] = zeros
        return _
    lax.fori_loop(0, G, zrow, None)
    for k in range(ROWS_PER_TILE // G):
        pltpu.async_copy(rows.at[0],
                         agg_sh.at[pl.ds(s * ROWS_PER_TILE + k * G, G), :], semg0)
    for k in range(ROWS_PER_TILE // G):
        pltpu.make_async_copy(rows.at[0],
                              agg_sh.at[pl.ds(s * ROWS_PER_TILE + k * G, G), :],
                              semg0).wait()
    plsc.subcore_barrier()

    lane = jnp.arange(L, dtype=jnp.int32)
    row0i = jnp.zeros((L,), jnp.int32)
    row1i = jnp.ones((L,), jnp.int32)
    zi = jnp.zeros((L,), jnp.int32)

    def gather(g, bank_rows, semg):
        for q in range(G // L):
            cols = off + g * G + q * L + lane
            si = plsc.load_gather(ei_v, [row0i, cols])
            pltpu.async_copy(h_hbm.at[si], bank_rows.at[pl.ds(q * L, L), :], semg)

    def wait_gather(bank_rows, semg):
        for q in range(G // L):
            pltpu.make_async_copy(h_hbm.at[zi], bank_rows.at[pl.ds(q * L, L), :],
                                  semg).wait()

    def scatter(g, bank_rows, sems):
        for q in range(G // L):
            cols = off + g * G + q * L + lane
            di = plsc.load_gather(ei_v, [row1i, cols])
            pltpu.async_copy(bank_rows.at[pl.ds(q * L, L), :],
                             agg_sh.at[di], sems, add=True)

    def wait_scatter(bank_rows, sems):
        for q in range(G // L):
            pltpu.make_async_copy(bank_rows.at[pl.ds(q * L, L), :],
                                  agg_sh.at[zi], sems).wait()

    base_e = (c * NS + s) * ept
    win = (base_e // 128) * 128
    off = base_e - win
    pltpu.sync_copy(ei_hbm.at[:, pl.ds(win, ept + 112)], ei_v)

    gather(0, rows.at[0], semg0)

    def body(k, _):
        g0 = 2 * k
        wait_gather(rows.at[0], semg0)

        @pl.when(k > 0)
        def _():
            wait_scatter(rows.at[1], sems1)
        gather(g0 + 1, rows.at[1], semg1)
        scatter(g0, rows.at[0], sems0)
        wait_gather(rows.at[1], semg1)
        wait_scatter(rows.at[0], sems0)
        gather(g0 + 2, rows.at[0], semg0)
        scatter(g0 + 1, rows.at[1], sems1)
        return _
    lax.fori_loop(0, (ng - 1) // 2, body, None)
    wait_gather(rows.at[0], semg0)
    wait_scatter(rows.at[1], sems1)
    scatter(ng - 1, rows.at[0], sems0)
    wait_scatter(rows.at[0], sems0)
    plsc.subcore_barrier()

    for k in range(ROWS_PER_TILE // 128):
        r0 = s * ROWS_PER_TILE + k * 128
        pltpu.sync_copy(agg_sh.at[pl.ds(r0, 128), :],
                        agg_hbm.at[c, pl.ds(r0, 128), :])


def _k3_body(aggp_ref, w_ref, b_ref, sin_ref, gamma_ref, beta_ref, out_ref):
    agg = aggp_ref[0, :N, :] + aggp_ref[1, :N, :]
    rst = jnp.dot(agg, w_ref[...], preferred_element_type=jnp.float32)
    rst = rst * sin_ref[:N, :] + b_ref[...]
    mean = jnp.mean(rst, axis=0, keepdims=True)
    var = jnp.mean(jnp.square(rst - mean), axis=0, keepdims=True)
    out_ref[...] = (rst - mean) * lax.rsqrt(var + EPS) * gamma_ref[...] + beta_ref[...]


def kernel(feat, edge_index, W, b, gamma, beta):
    ei = edge_index.astype(jnp.int32)
    h_p, s_in = _k1(feat, ei)
    aggp = _k2(h_p, ei)
    out = pl.pallas_call(
        _k3_body,
        out_shape=jax.ShapeDtypeStruct((N, D), jnp.float32),
    )(aggp, W, b.reshape(1, D), s_in.reshape(NP, 1),
      gamma.reshape(1, D), beta.reshape(1, D))
    return out

# --- scband reference (transcript-rebuilt; emitter-appended) ---
"""Pipeline reference for scband-graph-conv-dropout-batch-80745385165392 (READ-ONLY COPY).

The authoritative reference and input builder live on the scoring server;
editing this copy changes nothing except your own understanding.
"""

import jax, jax.numpy as jnp
import numpy as np

N_NODES = 10000
N_EDGES = 320000
D_IN = 128
D_OUT = 128
EPS = 1e-5

def setup_inputs(seed: int = 0) -> dict:
    key = jax.random.key(seed)
    k1, k2, k3, k4 = jax.random.split(key, 4)
    feat = jax.random.normal(k1, (N_NODES, D_IN), dtype=jnp.float32)
    edge_index = jax.random.randint(k2, (2, N_EDGES), 0, N_NODES, dtype=jnp.int64)
    # learned params: GraphConv weight (in_feats, out_feats) + bias, BatchNorm gamma/beta
    W = jax.random.normal(k3, (D_IN, D_OUT), dtype=jnp.float32) * (1.0 / np.sqrt(D_IN))
    b = jnp.zeros((D_OUT,), dtype=jnp.float32)
    gamma = jnp.ones((D_OUT,), dtype=jnp.float32)
    beta = jnp.zeros((D_OUT,), dtype=jnp.float32)
    return {"feat": feat, "edge_index": edge_index, "W": W, "b": b, "gamma": gamma, "beta": beta}

def reference(feat, edge_index, W, b, gamma, beta):
    src = edge_index[0]
    dst = edge_index[1]
    N = feat.shape[0]
    # DGL GraphConv, norm='both':
    # scale src features by out-degree^{-1/2}
    out_deg = jnp.bincount(src, length=N).astype(feat.dtype)
    out_deg = jnp.clip(out_deg, 1.0)
    h = feat * (out_deg ** -0.5)[:, None]
    # message passing: gather at src, scatter-add at dst
    msgs = jnp.take(h, src, axis=0)
    agg = jax.ops.segment_sum(msgs, dst, num_segments=N)
    # in_feats <= out_feats -> aggregate first, then linear
    rst = agg @ W
    # scale by in-degree^{-1/2}
    in_deg = jnp.bincount(dst, length=N).astype(feat.dtype)
    in_deg = jnp.clip(in_deg, 1.0)
    rst = rst * (in_deg ** -0.5)[:, None]
    rst = rst + b
    # dropout: identity in eval / deterministic reference
    # BatchNorm1d (training-mode batch statistics, biased variance)
    mean = jnp.mean(rst, axis=0)
    var = jnp.mean((rst - mean) ** 2, axis=0)
    out = (rst - mean) / jnp.sqrt(var + EPS) * gamma + beta
    return out

if __name__ == "__main__":
    import jax
    _d = setup_inputs()
    print(jax.jit(kernel)(*tuple(_d.values())))

</pallas_src>

<mosaic_0001>
#map = affine_map<(d0, d1) -> (0, 0)>
#map1 = affine_map<(d0, d1) -> (0, 0, 0)>
module attributes {stable_mosaic.version = 14 : i64} {
  func.func @_k2(%arg0: i32, %arg1: i32, %arg2: memref<10240x128xf32, #tpu.memory_space<hbm>>, %arg3: memref<2x320000xi32, #tpu.memory_space<hbm>>, %arg4: memref<2x10240x128xf32, #tpu.memory_space<hbm>>, %arg5: memref<2x10112xi32, #tpu.memory_space<vmem>>, %arg6: memref<2x80x128xf32, #tpu.memory_space<vmem>>, %arg7: memref<10240x128xf32, #tpu.memory_space<vmem_shared>>, %arg8: memref<!tpu.dma_semaphore, #tpu.memory_space<semaphore_mem>>, %arg9: memref<!tpu.dma_semaphore, #tpu.memory_space<semaphore_mem>>, %arg10: memref<!tpu.dma_semaphore, #tpu.memory_space<semaphore_mem>>, %arg11: memref<!tpu.dma_semaphore, #tpu.memory_space<semaphore_mem>>) attributes {dimension_semantics = [#tpu.dimension_semantics<core_parallel>, #tpu.dimension_semantics<subcore_parallel>], iteration_bounds = array<i64: 2, 16>, scalar_prefetch = 0 : i64, scratch_operands = 7 : i64, tpu.core_type = #tpu.core_type<sc_vector_subcore>, window_params = [{transform_indices = #map}, {transform_indices = #map}, {transform_indices = #map1}]} {
    %broadcast_in_dim3A = arith.constant 0.000000e+00 : f32
    %broadcast_in_dim3A_0 = vector.broadcast %broadcast_in_dim3A : f32 to vector<16xf32>
    %scan3A = arith.constant 0 : i32
    %scan3A_1 = arith.constant 80 : i32
    %scan3A_2 = arith.addi %scan3A, %scan3A_1 : i32
    %scan3A_3 = arith.constant 1 : i32
    scf.for %scan3A_673 = %scan3A to %scan3A_2 step %scan3A_3  : i32 {
      %swap3A = arith.constant 0 : i32
      %swap3A_674 = arith.index_cast %swap3A : i32 to index
      %swap3A_675 = arith.index_cast %scan3A_673 : i32 to index
      %swap3A_676 = arith.constant 0 : index
      %swap3A_677 = tpu.vector_load %arg6[%swap3A_674, %swap3A_675, %swap3A_676] {strides = array<i32>} : memref<2x80x128xf32, #tpu.memory_space<vmem>>, vector<16xf32>,
      tpu.vector_store %arg6[%swap3A_674, %swap3A_675, %swap3A_676], %broadcast_in_dim3A_0 {strides = array<i32>} : memref<2x80x128xf32, #tpu.memory_space<vmem>>, vector<16xf32>,
      %swap3A_678 = arith.constant 0 : i32
      %swap3A_679 = arith.index_cast %swap3A_678 : i32 to index
      %swap3A_680 = arith.index_cast %scan3A_673 : i32 to index
      %swap3A_681 = arith.constant 16 : index
      %swap3A_682 = tpu.vector_load %arg6[%swap3A_679, %swap3A_680, %swap3A_681] {strides = array<i32>} : memref<2x80x128xf32, #tpu.memory_space<vmem>>, vector<16xf32>,
      tpu.vector_store %arg6[%swap3A_679, %swap3A_680, %swap3A_681], %broadcast_in_dim3A_0 {strides = array<i32>} : memref<2x80x128xf32, #tpu.memory_space<vmem>>, vector<16xf32>,
      %swap3A_683 = arith.constant 0 : i32
      %swap3A_684 = arith.index_cast %swap3A_683 : i32 to index
      %swap3A_685 = arith.index_cast %scan3A_673 : i32 to index
      %swap3A_686 = arith.constant 32 : index
      %swap3A_687 = tpu.vector_load %arg6[%swap3A_684, %swap3A_685, %swap3A_686] {strides = array<i32>} : memref<2x80x128xf32, #tpu.memory_space<vmem>>, vector<16xf32>,
      tpu.vector_store %arg6[%swap3A_684, %swap3A_685, %swap3A_686], %broadcast_in_dim3A_0 {strides = array<i32>} : memref<2x80x128xf32, #tpu.memory_space<vmem>>, vector<16xf32>,
      %swap3A_688 = arith.constant 0 : i32
      %swap3A_689 = arith.index_cast %swap3A_688 : i32 to index
      %swap3A_690 = arith.index_cast %scan3A_673 : i32 to index
      %swap3A_691 = arith.constant 48 : index
      %swap3A_692 = tpu.vector_load %arg6[%swap3A_689, %swap3A_690, %swap3A_691] {strides = array<i32>} : memref<2x80x128xf32, #tpu.memory_space<vmem>>, vector<16xf32>,
      tpu.vector_store %arg6[%swap3A_689, %swap3A_690, %swap3A_691], %broadcast_in_dim3A_0 {strides = array<i32>} : memref<2x80x128xf32, #tpu.memory_space<vmem>>, vector<16xf32>,
      %swap3A_693 = arith.constant 0 : i32
      %swap3A_694 = arith.index_cast %swap3A_693 : i32 to index
      %swap3A_695 = arith.index_cast %scan3A_673 : i32 to index
      %swap3A_696 = arith.constant 64 : index
      %swap3A_697 = tpu.vector_load %arg6[%swap3A_694, %swap3A_695, %swap3A_696] {strides = array<i32>} : memref<2x80x128xf32, #tpu.memory_space<vmem>>, vector<16xf32>,
      tpu.vector_store %arg6[%swap3A_694, %swap3A_695, %swap3A_696], %broadcast_in_dim3A_0 {strides = array<i32>} : memref<2x80x128xf32, #tpu.memory_space<vmem>>, vector<16xf32>,
      %swap3A_698 = arith.constant 0 : i32
      %swap3A_699 = arith.index_cast %swap3A_698 : i32 to index
      %swap3A_700 = arith.index_cast %scan3A_673 : i32 to index
      %swap3A_701 = arith.constant 80 : index
      %swap3A_702 = tpu.vector_load %arg6[%swap3A_699, %swap3A_700, %swap3A_701] {strides = array<i32>} : memref<2x80x128xf32, #tpu.memory_space<vmem>>, vector<16xf32>,
      tpu.vector_store %arg6[%swap3A_699, %swap3A_700, %swap3A_701], %broadcast_in_dim3A_0 {strides = array<i32>} : memref<2x80x128xf32, #tpu.memory_space<vmem>>, vector<16xf32>,
      %swap3A_703 = arith.constant 0 : i32
      %swap3A_704 = arith.index_cast %swap3A_703 : i32 to index
      %swap3A_705 = arith.index_cast %scan3A_673 : i32 to index
      %swap3A_706 = arith.constant 96 : index
      %swap3A_707 = tpu.vector_load %arg6[%swap3A_704, %swap3A_705, %swap3A_706] {strides = array<i32>} : memref<2x80x128xf32, #tpu.memory_space<vmem>>, vector<16xf32>,
      tpu.vector_store %arg6[%swap3A_704, %swap3A_705, %swap3A_706], %broadcast_in_dim3A_0 {strides = array<i32>} : memref<2x80x128xf32, #tpu.memory_space<vmem>>, vector<16xf32>,
      %swap3A_708 = arith.constant 0 : i32
      %swap3A_709 = arith.index_cast %swap3A_708 : i32 to index
      %swap3A_710 = arith.index_cast %scan3A_673 : i32 to index
      %swap3A_711 = arith.constant 112 : index
      %swap3A_712 = tpu.vector_load %arg6[%swap3A_709, %swap3A_710, %swap3A_711] {strides = array<i32>} : memref<2x80x128xf32, #tpu.memory_space<vmem>>, vector<16xf32>,
      tpu.vector_store %arg6[%swap3A_709, %swap3A_710, %swap3A_711], %broadcast_in_dim3A_0 {strides = array<i32>} : memref<2x80x128xf32, #tpu.memory_space<vmem>>, vector<16xf32>,
    }
    %scan3A_4 = arith.constant 80 : i32
    %mul3A = arith.constant 640 : i32
    %mul3A_5 = arith.muli %arg1, %mul3A : i32
    %add3A = arith.constant 0 : i32
    %add3A_6 = arith.addi %mul3A_5, %add3A : i32
    %dma_start3A = arith.constant 0 : i32
    %dma_start3A_7 = arith.constant 0 : i32
    %dma_start3A_8 = arith.constant 0 : i32
    %dma_start3A_9 = tpu.memref_slice %arg6[%dma_start3A, %dma_start3A_7, %dma_start3A_8] : memref<2x80x128xf32, #tpu.memory_space<vmem>> -> memref<1x80x128xf32, #tpu.memory_space<vmem>>
    %dma_start3A_10 = tpu.memref_squeeze %dma_start3A_9 : memref<1x80x128xf32, #tpu.memory_space<vmem>> -> memref<80x128xf32, #tpu.memory_space<vmem>>
    %dma_start3A_11 = arith.constant 0 : i32
    %dma_start3A_12 = tpu.memref_slice %arg7[%add3A_6, %dma_start3A_11] : memref<10240x128xf32, #tpu.memory_space<vmem_shared>> -> memref<80x128xf32, #tpu.memory_space<vmem_shared>>
    %dma_start3A_13 = arith.constant 0 : i32
    %dma_start3A_14 = tpu.memref_slice %arg7[%add3A_6, %dma_start3A_13] : memref<10240x128xf32, #tpu.memory_space<vmem_shared>> -> memref<80x128xf32, #tpu.memory_space<vmem_shared>>
    %dma_start3A_15 = arith.constant 0 : i32
    %dma_start3A_16 = arith.constant 0 : i32
    %dma_start3A_17 = tpu.memref_slice %arg6[%dma_start3A, %dma_start3A_15, %dma_start3A_16] : memref<2x80x128xf32, #tpu.memory_space<vmem>> -> memref<1x80x128xf32, #tpu.memory_space<vmem>>
    %dma_start3A_18 = tpu.memref_squeeze %dma_start3A_17 : memref<1x80x128xf32, #tpu.memory_space<vmem>> -> memref<80x128xf32, #tpu.memory_space<vmem>>
    tpu.enqueue_dma source(%dma_start3A_18 : memref<80x128xf32, #tpu.memory_space<vmem>>) target(%dma_start3A_14 : memref<80x128xf32, #tpu.memory_space<vmem_shared>>) target_semaphore(%arg8 : memref<!tpu.dma_semaphore, #tpu.memory_space<semaphore_mem>>)
    %mul3A_19 = arith.constant 640 : i32
    %mul3A_20 = arith.muli %arg1, %mul3A_19 : i32
    %add3A_21 = arith.constant 80 : i32
    %add3A_22 = arith.addi %mul3A_20, %add3A_21 : i32
    %dma_start3A_23 = arith.constant 0 : i32
    %dma_start3A_24 = arith.constant 0 : i32
    %dma_start3A_25 = arith.constant 0 : i32
    %dma_start3A_26 = tpu.memref_slice %arg6[%dma_start3A_23, %dma_start3A_24, %dma_start3A_25] : memref<2x80x128xf32, #tpu.memory_space<vmem>> -> memref<1x80x128xf32, #tpu.memory_space<vmem>>
    %dma_start3A_27 = tpu.memref_squeeze %dma_start3A_26 : memref<1x80x128xf32, #tpu.memory_space<vmem>> -> memref<80x128xf32, #tpu.memory_space<vmem>>
    %dma_start3A_28 = arith.constant 0 : i32
    %dma_start3A_29 = tpu.memref_slice %arg7[%add3A_22, %dma_start3A_28] : memref<10240x128xf32, #tpu.memory_space<vmem_shared>> -> memref<80x128xf32, #tpu.memory_space<vmem_shared>>
    %dma_start3A_30 = arith.constant 0 : i32
    %dma_start3A_31 = tpu.memref_slice %arg7[%add3A_22, %dma_start3A_30] : memref<10240x128xf32, #tpu.memory_space<vmem_shared>> -> memref<80x128xf32, #tpu.memory_space<vmem_shared>>
    %dma_start3A_32 = arith.constant 0 : i32
    %dma_start3A_33 = arith.constant 0 : i32
    %dma_start3A_34 = tpu.memref_slice %arg6[%dma_start3A_23, %dma_start3A_32, %dma_start3A_33] : memref<2x80x128xf32, #tpu.memory_space<vmem>> -> memref<1x80x128xf32, #tpu.memory_space<vmem>>
    %dma_start3A_35 = tpu.memref_squeeze %dma_start3A_34 : memref<1x80x128xf32, #tpu.memory_space<vmem>> -> memref<80x128xf32, #tpu.memory_space<vmem>>
    tpu.enqueue_dma source(%dma_start3A_35 : memref<80x128xf32, #tpu.memory_space<vmem>>) target(%dma_start3A_31 : memref<80x128xf32, #tpu.memory_space<vmem_shared>>) target_semaphore(%arg8 : memref<!tpu.dma_semaphore, #tpu.memory_space<semaphore_mem>>)
    %mul3A_36 = arith.constant 640 : i32
    %mul3A_37 = arith.muli %arg1, %mul3A_36 : i32
    %add3A_38 = arith.constant 160 : i32
    %add3A_39 = arith.addi %mul3A_37, %add3A_38 : i32
    %dma_start3A_40 = arith.constant 0 : i32
    %dma_start3A_41 = arith.constant 0 : i32
    %dma_start3A_42 = arith.constant 0 : i32
    %dma_start3A_43 = tpu.memref_slice %arg6[%dma_start3A_40, %dma_start3A_41, %dma_start3A_42] : memref<2x80x128xf32, #tpu.memory_space<vmem>> -> memref<1x80x128xf32, #tpu.memory_space<vmem>>
    %dma_start3A_44 = tpu.memref_squeeze %dma_start3A_43 : memref<1x80x128xf32, #tpu.memory_space<vmem>> -> memref<80x128xf32, #tpu.memory_space<vmem>>
    %dma_start3A_45 = arith.constant 0 : i32
    %dma_start3A_46 = tpu.memref_slice %arg7[%add3A_39, %dma_start3A_45] : memref<10240x128xf32, #tpu.memory_space<vmem_shared>> -> memref<80x128xf32, #tpu.memory_space<vmem_shared>>
    %dma_start3A_47 = arith.constant 0 : i32
    %dma_start3A_48 = tpu.memref_slice %arg7[%add3A_39, %dma_start3A_47] : memref<10240x128xf32, #tpu.memory_space<vmem_shared>> -> memref<80x128xf32, #tpu.memory_space<vmem_shared>>
    %dma_start3A_49 = arith.constant 0 : i32
    %dma_start3A_50 = arith.constant 0 : i32
    %dma_start3A_51 = tpu.memref_slice %arg6[%dma_start3A_40, %dma_start3A_49, %dma_start3A_50] : memref<2x80x128xf32, #tpu.memory_space<vmem>> -> memref<1x80x128xf32, #tpu.memory_space<vmem>>
    %dma_start3A_52 = tpu.memref_squeeze %dma_start3A_51 : memref<1x80x128xf32, #tpu.memory_space<vmem>> -> memref<80x128xf32, #tpu.memory_space<vmem>>
    tpu.enqueue_dma source(%dma_start3A_52 : memref<80x128xf32, #tpu.memory_space<vmem>>) target(%dma_start3A_48 : memref<80x128xf32, #tpu.memory_space<vmem_shared>>) target_semaphore(%arg8 : memref<!tpu.dma_semaphore, #tpu.memory_space<semaphore_mem>>)
    %mul3A_53 = arith.constant 640 : i32
    %mul3A_54 = arith.muli %arg1, %mul3A_53 : i32
    %add3A_55 = arith.constant 240 : i32
    %add3A_56 = arith.addi %mul3A_54, %add3A_55 : i32
    %dma_start3A_57 = arith.constant 0 : i32
    %dma_start3A_58 = arith.constant 0 : i32
    %dma_start3A_59 = arith.constant 0 : i32
    %dma_start3A_60 = tpu.memref_slice %arg6[%dma_start3A_57, %dma_start3A_58, %dma_start3A_59] : memref<2x80x128xf32, #tpu.memory_space<vmem>> -> memref<1x80x128xf32, #tpu.memory_space<vmem>>
    %dma_start3A_61 = tpu.memref_squeeze %dma_start3A_60 : memref<1x80x128xf32, #tpu.memory_space<vmem>> -> memref<80x128xf32, #tpu.memory_space<vmem>>
    %dma_start3A_62 = arith.constant 0 : i32
    %dma_start3A_63 = tpu.memref_slice %arg7[%add3A_56, %dma_start3A_62] : memref<10240x128xf32, #tpu.memory_space<vmem_shared>> -> memref<80x128xf32, #tpu.memory_space<vmem_shared>>
    %dma_start3A_64 = arith.constant 0 : i32
    %dma_start3A_65 = tpu.memref_slice %arg7[%add3A_56, %dma_start3A_64] : memref<10240x128xf32, #tpu.memory_space<vmem_shared>> -> memref<80x128xf32, #tpu.memory_space<vmem_shared>>
    %dma_start3A_66 = arith.constant 0 : i32
    %dma_start3A_67 = arith.constant 0 : i32
    %dma_start3A_68 = tpu.memref_slice %arg6[%dma_start3A_57, %dma_start3A_66, %dma_start3A_67] : memref<2x80x128xf32, #tpu.memory_space<vmem>> -> memref<1x80x128xf32, #tpu.memory_space<vmem>>
    %dma_start3A_69 = tpu.memref_squeeze %dma_start3A_68 : memref<1x80x128xf32, #tpu.memory_space<vmem>> -> memref<80x128xf32, #tpu.memory_space<vmem>>
    tpu.enqueue_dma source(%dma_start3A_69 : memref<80x128xf32, #tpu.memory_space<vmem>>) target(%dma_start3A_65 : memref<80x128xf32, #tpu.memory_space<vmem_shared>>) target_semaphore(%arg8 : memref<!tpu.dma_semaphore, #tpu.memory_space<semaphore_mem>>)
    %mul3A_70 = arith.constant 640 : i32
    %mul3A_71 = arith.muli %arg1, %mul3A_70 : i32
    %add3A_72 = arith.constant 320 : i32
    %add3A_73 = arith.addi %mul3A_71, %add3A_72 : i32
    %dma_start3A_74 = arith.constant 0 : i32
    %dma_start3A_75 = arith.constant 0 : i32
    %dma_start3A_76 = arith.constant 0 : i32
    %dma_start3A_77 = tpu.memref_slice %arg6[%dma_start3A_74, %dma_start3A_75, %dma_start3A_76] : memref<2x80x128xf32, #tpu.memory_space<vmem>> -> memref<1x80x128xf32, #tpu.memory_space<vmem>>
    %dma_start3A_78 = tpu.memref_squeeze %dma_start3A_77 : memref<1x80x128xf32, #tpu.memory_space<vmem>> -> memref<80x128xf32, #tpu.memory_space<vmem>>
    %dma_start3A_79 = arith.constant 0 : i32
    %dma_start3A_80 = tpu.memref_slice %arg7[%add3A_73, %dma_start3A_79] : memref<10240x128xf32, #tpu.memory_space<vmem_shared>> -> memref<80x128xf32, #tpu.memory_space<vmem_shared>>
    %dma_start3A_81 = arith.constant 0 : i32
    %dma_start3A_82 = tpu.memref_slice %arg7[%add3A_73, %dma_start3A_81] : memref<10240x128xf32, #tpu.memory_space<vmem_shared>> -> memref<80x128xf32, #tpu.memory_space<vmem_shared>>
    %dma_start3A_83 = arith.constant 0 : i32
    %dma_start3A_84 = arith.constant 0 : i32
    %dma_start3A_85 = tpu.memref_slice %arg6[%dma_start3A_74, %dma_start3A_83, %dma_start3A_84] : memref<2x80x128xf32, #tpu.memory_space<vmem>> -> memref<1x80x128xf32, #tpu.memory_space<vmem>>
    %dma_start3A_86 = tpu.memref_squeeze %dma_start3A_85 : memref<1x80x128xf32, #tpu.memory_space<vmem>> -> memref<80x128xf32, #tpu.memory_space<vmem>>
    tpu.enqueue_dma source(%dma_start3A_86 : memref<80x128xf32, #tpu.memory_space<vmem>>) target(%dma_start3A_82 : memref<80x128xf32, #tpu.memory_space<vmem_shared>>) target_semaphore(%arg8 : memref<!tpu.dma_semaphore, #tpu.memory_space<semaphore_mem>>)
    %mul3A_87 = arith.constant 640 : i32
    %mul3A_88 = arith.muli %arg1, %mul3A_87 : i32
    %add3A_89 = arith.constant 400 : i32
    %add3A_90 = arith.addi %mul3A_88, %add3A_89 : i32
    %dma_start3A_91 = arith.constant 0 : i32
    %dma_start3A_92 = arith.constant 0 : i32
    %dma_start3A_93 = arith.constant 0 : i32
    %dma_start3A_94 = tpu.memref_slice %arg6[%dma_start3A_91, %dma_start3A_92, %dma_start3A_93] : memref<2x80x128xf32, #tpu.memory_space<vmem>> -> memref<1x80x128xf32, #tpu.memory_space<vmem>>
    %dma_start3A_95 = tpu.memref_squeeze %dma_start3A_94 : memref<1x80x128xf32, #tpu.memory_space<vmem>> -> memref<80x128xf32, #tpu.memory_space<vmem>>
    %dma_start3A_96 = arith.constant 0 : i32
    %dma_start3A_97 = tpu.memref_slice %arg7[%add3A_90, %dma_start3A_96] : memref<10240x128xf32, #tpu.memory_space<vmem_shared>> -> memref<80x128xf32, #tpu.memory_space<vmem_shared>>
    %dma_start3A_98 = arith.constant 0 : i32
    %dma_start3A_99 = tpu.memref_slice %arg7[%add3A_90, %dma_start3A_98] : memref<10240x128xf32, #tpu.memory_space<vmem_shared>> -> memref<80x128xf32, #tpu.memory_space<vmem_shared>>
    %dma_start3A_100 = arith.constant 0 : i32
    %dma_start3A_101 = arith.constant 0 : i32
    %dma_start3A_102 = tpu.memref_slice %arg6[%dma_start3A_91, %dma_start3A_100, %dma_start3A_101] : memref<2x80x128xf32, #tpu.memory_space<vmem>> -> memref<1x80x128xf32, #tpu.memory_space<vmem>>
    %dma_start3A_103 = tpu.memref_squeeze %dma_start3A_102 : memref<1x80x128xf32, #tpu.memory_space<vmem>> -> memref<80x128xf32, #tpu.memory_space<vmem>>
    tpu.enqueue_dma source(%dma_start3A_103 : memref<80x128xf32, #tpu.memory_space<vmem>>) target(%dma_start3A_99 : memref<80x128xf32, #tpu.memory_space<vmem_shared>>) target_semaphore(%arg8 : memref<!tpu.dma_semaphore, #tpu.memory_space<semaphore_mem>>)
    %mul3A_104 = arith.constant 640 : i32
    %mul3A_105 = arith.muli %arg1, %mul3A_104 : i32
    %add3A_106 = arith.constant 480 : i32
    %add3A_107 = arith.addi %mul3A_105, %add3A_106 : i32
    %dma_start3A_108 = arith.constant 0 : i32
    %dma_start3A_109 = arith.constant 0 : i32
    %dma_start3A_110 = arith.constant 0 : i32
    %dma_start3A_111 = tpu.memref_slice %arg6[%dma_start3A_108, %dma_start3A_109, %dma_start3A_110] : memref<2x80x128xf32, #tpu.memory_space<vmem>> -> memref<1x80x128xf32, #tpu.memory_space<vmem>>
    %dma_start3A_112 = tpu.memref_squeeze %dma_start3A_111 : memref<1x80x128xf32, #tpu.memory_space<vmem>> -> memref<80x128xf32, #tpu.memory_space<vmem>>
    %dma_start3A_113 = arith.constant 0 : i32
    %dma_start3A_114 = tpu.memref_slice %arg7[%add3A_107, %dma_start3A_113] : memref<10240x128xf32, #tpu.memory_space<vmem_shared>> -> memref<80x128xf32, #tpu.memory_space<vmem_shared>>
    %dma_start3A_115 = arith.constant 0 : i32
    %dma_start3A_116 = tpu.memref_slice %arg7[%add3A_107, %dma_start3A_115] : memref<10240x128xf32, #tpu.memory_space<vmem_shared>> -> memref<80x128xf32, #tpu.memory_space<vmem_shared>>
    %dma_start3A_117 = arith.constant 0 : i32
    %dma_start3A_118 = arith.constant 0 : i32
    %dma_start3A_119 = tpu.memref_slice %arg6[%dma_start3A_108, %dma_start3A_117, %dma_start3A_118] : memref<2x80x128xf32, #tpu.memory_space<vmem>> -> memref<1x80x128xf32, #tpu.memory_space<vmem>>
    %dma_start3A_120 = tpu.memref_squeeze %dma_start3A_119 : memref<1x80x128xf32, #tpu.memory_space<vmem>> -> memref<80x128xf32, #tpu.memory_space<vmem>>
    tpu.enqueue_dma source(%dma_start3A_120 : memref<80x128xf32, #tpu.memory_space<vmem>>) target(%dma_start3A_116 : memref<80x128xf32, #tpu.memory_space<vmem_shared>>) target_semaphore(%arg8 : memref<!tpu.dma_semaphore, #tpu.memory_space<semaphore_mem>>)
    %mul3A_121 = arith.constant 640 : i32
    %mul3A_122 = arith.muli %arg1, %mul3A_121 : i32
    %add3A_123 = arith.constant 560 : i32
    %add3A_124 = arith.addi %mul3A_122, %add3A_123 : i32
    %dma_start3A_125 = arith.constant 0 : i32
    %dma_start3A_126 = arith.constant 0 : i32
    %dma_start3A_127 = arith.constant 0 : i32
    %dma_start3A_128 = tpu.memref_slice %arg6[%dma_start3A_125, %dma_start3A_126, %dma_start3A_127] : memref<2x80x128xf32, #tpu.memory_space<vmem>> -> memref<1x80x128xf32, #tpu.memory_space<vmem>>
    %dma_start3A_129 = tpu.memref_squeeze %dma_start3A_128 : memref<1x80x128xf32, #tpu.memory_space<vmem>> -> memref<80x128xf32, #tpu.memory_space<vmem>>
    %dma_start3A_130 = arith.constant 0 : i32
    %dma_start3A_131 = tpu.memref_slice %arg7[%add3A_124, %dma_start3A_130] : memref<10240x128xf32, #tpu.memory_space<vmem_shared>> -> memref<80x128xf32, #tpu.memory_space<vmem_shared>>
    %dma_start3A_132 = arith.constant 0 : i32
    %dma_start3A_133 = tpu.memref_slice %arg7[%add3A_124, %dma_start3A_132] : memref<10240x128xf32, #tpu.memory_space<vmem_shared>> -> memref<80x128xf32, #tpu.memory_space<vmem_shared>>
    %dma_start3A_134 = arith.constant 0 : i32
    %dma_start3A_135 = arith.constant 0 : i32
    %dma_start3A_136 = tpu.memref_slice %arg6[%dma_start3A_125, %dma_start3A_134, %dma_start3A_135] : memref<2x80x128xf32, #tpu.memory_space<vmem>> -> memref<1x80x128xf32, #tpu.memory_space<vmem>>
    %dma_start3A_137 = tpu.memref_squeeze %dma_start3A_136 : memref<1x80x128xf32, #tpu.memory_space<vmem>> -> memref<80x128xf32, #tpu.memory_space<vmem>>
    tpu.enqueue_dma source(%dma_start3A_137 : memref<80x128xf32, #tpu.memory_space<vmem>>) target(%dma_start3A_133 : memref<80x128xf32, #tpu.memory_space<vmem_shared>>) target_semaphore(%arg8 : memref<!tpu.dma_semaphore, #tpu.memory_space<semaphore_mem>>)
    %mul3A_138 = arith.constant 640 : i32
    %mul3A_139 = arith.muli %arg1, %mul3A_138 : i32
    %add3A_140 = arith.constant 0 : i32
    %add3A_141 = arith.addi %mul3A_139, %add3A_140 : i32
    %dma_wait3A = arith.constant 0 : i32
    %dma_wait3A_142 = arith.constant 0 : i32
    %dma_wait3A_143 = arith.constant 0 : i32
    %dma_wait3A_144 = tpu.memref_slice %arg6[%dma_wait3A, %dma_wait3A_142, %dma_wait3A_143] : memref<2x80x128xf32, #tpu.memory_space<vmem>> -> memref<1x80x128xf32, #tpu.memory_space<vmem>>
    %dma_wait3A_145 = tpu.memref_squeeze %dma_wait3A_144 : memref<1x80x128xf32, #tpu.memory_space<vmem>> -> memref<80x128xf32, #tpu.memory_space<vmem>>
    %dma_wait3A_146 = arith.constant 0 : i32
    %dma_wait3A_147 = tpu.memref_slice %arg7[%add3A_141, %dma_wait3A_146] : memref<10240x128xf32, #tpu.memory_space<vmem_shared>> -> memref<80x128xf32, #tpu.memory_space<vmem_shared>>
    %dma_wait3A_148 = arith.constant 0 : i32
    %dma_wait3A_149 = tpu.memref_slice %arg7[%add3A_141, %dma_wait3A_148] : memref<10240x128xf32, #tpu.memory_space<vmem_shared>> -> memref<80x128xf32, #tpu.memory_space<vmem_shared>>
    %dma_wait3A_150 = arith.constant 0 : i32
    %dma_wait3A_151 = arith.constant 0 : i32
    %dma_wait3A_152 = tpu.memref_slice %arg6[%dma_wait3A, %dma_wait3A_150, %dma_wait3A_151] : memref<2x80x128xf32, #tpu.memory_space<vmem>> -> memref<1x80x128xf32, #tpu.memory_space<vmem>>
    %dma_wait3A_153 = tpu.memref_squeeze %dma_wait3A_152 : memref<1x80x128xf32, #tpu.memory_space<vmem>> -> memref<80x128xf32, #tpu.memory_space<vmem>>
    tpu.wait_dma2 semaphore(%arg8 : memref<!tpu.dma_semaphore, #tpu.memory_space<semaphore_mem>>) src(%dma_wait3A_153 : memref<80x128xf32, #tpu.memory_space<vmem>>) dst(%dma_wait3A_149 : memref<80x128xf32, #tpu.memory_space<vmem_shared>>)
    %mul3A_154 = arith.constant 640 : i32
    %mul3A_155 = arith.muli %arg1, %mul3A_154 : i32
    %add3A_156 = arith.constant 80 : i32
    %add3A_157 = arith.addi %mul3A_155, %add3A_156 : i32
    %dma_wait3A_158 = arith.constant 0 : i32
    %dma_wait3A_159 = arith.constant 0 : i32
    %dma_wait3A_160 = arith.constant 0 : i32
    %dma_wait3A_161 = tpu.memref_slice %arg6[%dma_wait3A_158, %dma_wait3A_159, %dma_wait3A_160] : memref<2x80x128xf32, #tpu.memory_space<vmem>> -> memref<1x80x128xf32, #tpu.memory_space<vmem>>
    %dma_wait3A_162 = tpu.memref_squeeze %dma_wait3A_161 : memref<1x80x128xf32, #tpu.memory_space<vmem>> -> memref<80x128xf32, #tpu.memory_space<vmem>>
    %dma_wait3A_163 = arith.constant 0 : i32
    %dma_wait3A_164 = tpu.memref_slice %arg7[%add3A_157, %dma_wait3A_163] : memref<10240x128xf32, #tpu.memory_space<vmem_shared>> -> memref<80x128xf32, #tpu.memory_space<vmem_shared>>
    %dma_wait3A_165 = arith.constant 0 : i32
    %dma_wait3A_166 = tpu.memref_slice %arg7[%add3A_157, %dma_wait3A_165] : memref<10240x128xf32, #tpu.memory_space<vmem_shared>> -> memref<80x128xf32, #tpu.memory_space<vmem_shared>>
    %dma_wait3A_167 = arith.constant 0 : i32
    %dma_wait3A_168 = arith.constant 0 : i32
    %dma_wait3A_169 = tpu.memref_slice %arg6[%dma_wait3A_158, %dma_wait3A_167, %dma_wait3A_168] : memref<2x80x128xf32, #tpu.memory_space<vmem>> -> memref<1x80x128xf32, #tpu.memory_space<vmem>>
    %dma_wait3A_170 = tpu.memref_squeeze %dma_wait3A_169 : memref<1x80x128xf32, #tpu.memory_space<vmem>> -> memref<80x128xf32, #tpu.memory_space<vmem>>
    tpu.wait_dma2 semaphore(%arg8 : memref<!tpu.dma_semaphore, #tpu.memory_space<semaphore_mem>>) src(%dma_wait3A_170 : memref<80x128xf32, #tpu.memory_space<vmem>>) dst(%dma_wait3A_166 : memref<80x128xf32, #tpu.memory_space<vmem_shared>>)
    %mul3A_171 = arith.constant 640 : i32
    %mul3A_172 = arith.muli %arg1, %mul3A_171 : i32
    %add3A_173 = arith.constant 160 : i32
    %add3A_174 = arith.addi %mul3A_172, %add3A_173 : i32
    %dma_wait3A_175 = arith.constant 0 : i32
    %dma_wait3A_176 = arith.constant 0 : i32
    %dma_wait3A_177 = arith.constant 0 : i32
    %dma_wait3A_178 = tpu.memref_slice %arg6[%dma_wait3A_175, %dma_wait3A_176, %dma_wait3A_177] : memref<2x80x128xf32, #tpu.memory_space<vmem>> -> memref<1x80x128xf32, #tpu.memory_space<vmem>>
    %dma_wait3A_179 = tpu.memref_squeeze %dma_wait3A_178 : memref<1x80x128xf32, #tpu.memory_space<vmem>> -> memref<80x128xf32, #tpu.memory_space<vmem>>
    %dma_wait3A_180 = arith.constant 0 : i32
    %dma_wait3A_181 = tpu.memref_slice %arg7[%add3A_174, %dma_wait3A_180] : memref<10240x128xf32, #tpu.memory_space<vmem_shared>> -> memref<80x128xf32, #tpu.memory_space<vmem_shared>>
    %dma_wait3A_182 = arith.constant 0 : i32
    %dma_wait3A_183 = tpu.memref_slice %arg7[%add3A_174, %dma_wait3A_182] : memref<10240x128xf32, #tpu.memory_space<vmem_shared>> -> memref<80x128xf32, #tpu.memory_space<vmem_shared>>
    %dma_wait3A_184 = arith.constant 0 : i32
    %dma_wait3A_185 = arith.constant 0 : i32
    %dma_wait3A_186 = tpu.memref_slice %arg6[%dma_wait3A_175, %dma_wait3A_184, %dma_wait3A_185] : memref<2x80x128xf32, #tpu.memory_space<vmem>> -> memref<1x80x128xf32, #tpu.memory_space<vmem>>
    %dma_wait3A_187 = tpu.memref_squeeze %dma_wait3A_186 : memref<1x80x128xf32, #tpu.memory_space<vmem>> -> memref<80x128xf32, #tpu.memory_space<vmem>>
    tpu.wait_dma2 semaphore(%arg8 : memref<!tpu.dma_semaphore, #tpu.memory_space<semaphore_mem>>) src(%dma_wait3A_187 : memref<80x128xf32, #tpu.memory_space<vmem>>) dst(%dma_wait3A_183 : memref<80x128xf32, #tpu.memory_space<vmem_shared>>)
    %mul3A_188 = arith.constant 640 : i32
    %mul3A_189 = arith.muli %arg1, %mul3A_188 : i32
    %add3A_190 = arith.constant 240 : i32
    %add3A_191 = arith.addi %mul3A_189, %add3A_190 : i32
    %dma_wait3A_192 = arith.constant 0 : i32
    %dma_wait3A_193 = arith.constant 0 : i32
    %dma_wait3A_194 = arith.constant 0 : i32
    %dma_wait3A_195 = tpu.memref_slice %arg6[%dma_wait3A_192, %dma_wait3A_193, %dma_wait3A_194] : memref<2x80x128xf32, #tpu.memory_space<vmem>> -> memref<1x80x128xf32, #tpu.memory_space<vmem>>
    %dma_wait3A_196 = tpu.memref_squeeze %dma_wait3A_195 : memref<1x80x128xf32, #tpu.memory_space<vmem>> -> memref<80x128xf32, #tpu.memory_space<vmem>>
    %dma_wait3A_197 = arith.constant 0 : i32
    %dma_wait3A_198 = tpu.memref_slice %arg7[%add3A_191, %dma_wait3A_197] : memref<10240x128xf32, #tpu.memory_space<vmem_shared>> -> memref<80x128xf32, #tpu.memory_space<vmem_shared>>
    %dma_wait3A_199 = arith.constant 0 : i32
    %dma_wait3A_200 = tpu.memref_slice %arg7[%add3A_191, %dma_wait3A_199] : memref<10240x128xf32, #tpu.memory_space<vmem_shared>> -> memref<80x128xf32, #tpu.memory_space<vmem_shared>>
    %dma_wait3A_201 = arith.constant 0 : i32
    %dma_wait3A_202 = arith.constant 0 : i32
    %dma_wait3A_203 = tpu.memref_slice %arg6[%dma_wait3A_192, %dma_wait3A_201, %dma_wait3A_202] : memref<2x80x128xf32, #tpu.memory_space<vmem>> -> memref<1x80x128xf32, #tpu.memory_space<vmem>>
    %dma_wait3A_204 = tpu.memref_squeeze %dma_wait3A_203 : memref<1x80x128xf32, #tpu.memory_space<vmem>> -> memref<80x128xf32, #tpu.memory_space<vmem>>
    tpu.wait_dma2 semaphore(%arg8 : memref<!tpu.dma_semaphore, #tpu.memory_space<semaphore_mem>>) src(%dma_wait3A_204 : memref<80x128xf32, #tpu.memory_space<vmem>>) dst(%dma_wait3A_200 : memref<80x128xf32, #tpu.memory_space<vmem_shared>>)
    %mul3A_205 = arith.constant 640 : i32
    %mul3A_206 = arith.muli %arg1, %mul3A_205 : i32
    %add3A_207 = arith.constant 320 : i32
    %add3A_208 = arith.addi %mul3A_206, %add3A_207 : i32
    %dma_wait3A_209 = arith.constant 0 : i32
    %dma_wait3A_210 = arith.constant 0 : i32
    %dma_wait3A_211 = arith.constant 0 : i32
    %dma_wait3A_212 = tpu.memref_slice %arg6[%dma_wait3A_209, %dma_wait3A_210, %dma_wait3A_211] : memref<2x80x128xf32, #tpu.memory_space<vmem>> -> memref<1x80x128xf32, #tpu.memory_space<vmem>>
    %dma_wait3A_213 = tpu.memref_squeeze %dma_wait3A_212 : memref<1x80x128xf32, #tpu.memory_space<vmem>> -> memref<80x128xf32, #tpu.memory_space<vmem>>
    %dma_wait3A_214 = arith.constant 0 : i32
    %dma_wait3A_215 = tpu.memref_slice %arg7[%add3A_208, %dma_wait3A_214] : memref<10240x128xf32, #tpu.memory_space<vmem_shared>> -> memref<80x128xf32, #tpu.memory_space<vmem_shared>>
    %dma_wait3A_216 = arith.constant 0 : i32
    %dma_wait3A_217 = tpu.memref_slice %arg7[%add3A_208, %dma_wait3A_216] : memref<10240x128xf32, #tpu.memory_space<vmem_shared>> -> memref<80x128xf32, #tpu.memory_space<vmem_shared>>
    %dma_wait3A_218 = arith.constant 0 : i32
    %dma_wait3A_219 = arith.constant 0 : i32
    %dma_wait3A_220 = tpu.memref_slice %arg6[%dma_wait3A_209, %dma_wait3A_218, %dma_wait3A_219] : memref<2x80x128xf32, #tpu.memory_space<vmem>> -> memref<1x80x128xf32, #tpu.memory_space<vmem>>
    %dma_wait3A_221 = tpu.memref_squeeze %dma_wait3A_220 : memref<1x80x128xf32, #tpu.memory_space<vmem>> -> memref<80x128xf32, #tpu.memory_space<vmem>>
    tpu.wait_dma2 semaphore(%arg8 : memref<!tpu.dma_semaphore, #tpu.memory_space<semaphore_mem>>) src(%dma_wait3A_221 : memref<80x128xf32, #tpu.memory_space<vmem>>) dst(%dma_wait3A_217 : memref<80x128xf32, #tpu.memory_space<vmem_shared>>)
    %mul3A_222 = arith.constant 640 : i32
    %mul3A_223 = arith.muli %arg1, %mul3A_222 : i32
    %add3A_224 = arith.constant 400 : i32
    %add3A_225 = arith.addi %mul3A_223, %add3A_224 : i32
    %dma_wait3A_226 = arith.constant 0 : i32
    %dma_wait3A_227 = arith.constant 0 : i32
    %dma_wait3A_228 = arith.constant 0 : i32
    %dma_wait3A_229 = tpu.memref_slice %arg6[%dma_wait3A_226, %dma_wait3A_227, %dma_wait3A_228] : memref<2x80x128xf32, #tpu.memory_space<vmem>> -> memref<1x80x128xf32, #tpu.memory_space<vmem>>
    %dma_wait3A_230 = tpu.memref_squeeze %dma_wait3A_229 : memref<1x80x128xf32, #tpu.memory_space<vmem>> -> memref<80x128xf32, #tpu.memory_space<vmem>>
    %dma_wait3A_231 = arith.constant 0 : i32
    %dma_wait3A_232 = tpu.memref_slice %arg7[%add3A_225, %dma_wait3A_231] : memref<10240x128xf32, #tpu.memory_space<vmem_shared>> -> memref<80x128xf32, #tpu.memory_space<vmem_shared>>
    %dma_wait3A_233 = arith.constant 0 : i32
    %dma_wait3A_234 = tpu.memref_slice %arg7[%add3A_225, %dma_wait3A_233] : memref<10240x128xf32, #tpu.memory_space<vmem_shared>> -> memref<80x128xf32, #tpu.memory_space<vmem_shared>>
    %dma_wait3A_235 = arith.constant 0 : i32
    %dma_wait3A_236 = arith.constant 0 : i32
    %dma_wait3A_237 = tpu.memref_slice %arg6[%dma_wait3A_226, %dma_wait3A_235, %dma_wait3A_236] : memref<2x80x128xf32, #tpu.memory_space<vmem>> -> memref<1x80x128xf32, #tpu.memory_space<vmem>>
    %dma_wait3A_238 = tpu.memref_squeeze %dma_wait3A_237 : memref<1x80x128xf32, #tpu.memory_space<vmem>> -> memref<80x128xf32, #tpu.memory_space<vmem>>
    tpu.wait_dma2 semaphore(%arg8 : memref<!tpu.dma_semaphore, #tpu.memory_space<semaphore_mem>>) src(%dma_wait3A_238 : memref<80x128xf32, #tpu.memory_space<vmem>>) dst(%dma_wait3A_234 : memref<80x128xf32, #tpu.memory_space<vmem_shared>>)
    %mul3A_239 = arith.constant 640 : i32
    %mul3A_240 = arith.muli %arg1, %mul3A_239 : i32
    %add3A_241 = arith.constant 480 : i32
    %add3A_242 = arith.addi %mul3A_240, %add3A_241 : i32
    %dma_wait3A_243 = arith.constant 0 : i32
    %dma_wait3A_244 = arith.constant 0 : i32
    %dma_wait3A_245 = arith.constant 0 : i32
    %dma_wait3A_246 = tpu.memref_slice %arg6[%dma_wait3A_243, %dma_wait3A_244, %dma_wait3A_245] : memref<2x80x128xf32, #tpu.memory_space<vmem>> -> memref<1x80x128xf32, #tpu.memory_space<vmem>>
    %dma_wait3A_247 = tpu.memref_squeeze %dma_wait3A_246 : memref<1x80x128xf32, #tpu.memory_space<vmem>> -> memref<80x128xf32, #tpu.memory_space<vmem>>
    %dma_wait3A_248 = arith.constant 0 : i32
    %dma_wait3A_249 = tpu.memref_slice %arg7[%add3A_242, %dma_wait3A_248] : memref<10240x128xf32, #tpu.memory_space<vmem_shared>> -> memref<80x128xf32, #tpu.memory_space<vmem_shared>>
    %dma_wait3A_250 = arith.constant 0 : i32
    %dma_wait3A_251 = tpu.memref_slice %arg7[%add3A_242, %dma_wait3A_250] : memref<10240x128xf32, #tpu.memory_space<vmem_shared>> -> memref<80x128xf32, #tpu.memory_space<vmem_shared>>
    %dma_wait3A_252 = arith.constant 0 : i32
    %dma_wait3A_253 = arith.constant 0 : i32
    %dma_wait3A_254 = tpu.memref_slice %arg6[%dma_wait3A_243, %dma_wait3A_252, %dma_wait3A_253] : memref<2x80x128xf32, #tpu.memory_space<vmem>> -> memref<1x80x128xf32, #tpu.memory_space<vmem>>
    %dma_wait3A_255 = tpu.memref_squeeze %dma_wait3A_254 : memref<1x80x128xf32, #tpu.memory_space<vmem>> -> memref<80x128xf32, #tpu.memory_space<vmem>>
    tpu.wait_dma2 semaphore(%arg8 : memref<!tpu.dma_semaphore, #tpu.memory_space<semaphore_mem>>) src(%dma_wait3A_255 : memref<80x128xf32, #tpu.memory_space<vmem>>) dst(%dma_wait3A_251 : memref<80x128xf32, #tpu.memory_space<vmem_shared>>)
    %mul3A_256 = arith.constant 640 : i32
    %mul3A_257 = arith.muli %arg1, %mul3A_256 : i32
    %add3A_258 = arith.constant 560 : i32
    %add3A_259 = arith.addi %mul3A_257, %add3A_258 : i32
    %dma_wait3A_260 = arith.constant 0 : i32
    %dma_wait3A_261 = arith.constant 0 : i32
    %dma_wait3A_262 = arith.constant 0 : i32
    %dma_wait3A_263 = tpu.memref_slice %arg6[%dma_wait3A_260, %dma_wait3A_261, %dma_wait3A_262] : memref<2x80x128xf32, #tpu.memory_space<vmem>> -> memref<1x80x128xf32, #tpu.memory_space<vmem>>
    %dma_wait3A_264 = tpu.memref_squeeze %dma_wait3A_263 : memref<1x80x128xf32, #tpu.memory_space<vmem>> -> memref<80x128xf32, #tpu.memory_space<vmem>>
    %dma_wait3A_265 = arith.constant 0 : i32
    %dma_wait3A_266 = tpu.memref_slice %arg7[%add3A_259, %dma_wait3A_265] : memref<10240x128xf32, #tpu.memory_space<vmem_shared>> -> memref<80x128xf32, #tpu.memory_space<vmem_shared>>
    %dma_wait3A_267 = arith.constant 0 : i32
    %dma_wait3A_268 = tpu.memref_slice %arg7[%add3A_259, %dma_wait3A_267] : memref<10240x128xf32, #tpu.memory_space<vmem_shared>> -> memref<80x128xf32, #tpu.memory_space<vmem_shared>>
    %dma_wait3A_269 = arith.constant 0 : i32
    %dma_wait3A_270 = arith.constant 0 : i32
    %dma_wait3A_271 = tpu.memref_slice %arg6[%dma_wait3A_260, %dma_wait3A_269, %dma_wait3A_270] : memref<2x80x128xf32, #tpu.memory_space<vmem>> -> memref<1x80x128xf32, #tpu.memory_space<vmem>>
    %dma_wait3A_272 = tpu.memref_squeeze %dma_wait3A_271 : memref<1x80x128xf32, #tpu.memory_space<vmem>> -> memref<80x128xf32, #tpu.memory_space<vmem>>
    tpu.wait_dma2 semaphore(%arg8 : memref<!tpu.dma_semaphore, #tpu.memory_space<semaphore_mem>>) src(%dma_wait3A_272 : memref<80x128xf32, #tpu.memory_space<vmem>>) dst(%dma_wait3A_268 : memref<80x128xf32, #tpu.memory_space<vmem_shared>>)
    %barrier3A = arith.constant 0 : index
    tpu.barrier barrier_id(%barrier3A)
    %iota3A = tpu.iota {dimensions = array<i32: 0>} : vector<16xi32>
    %broadcast_in_dim3A_273 = arith.constant 0 : i32
    %broadcast_in_dim3A_274 = vector.broadcast %broadcast_in_dim3A_273 : i32 to vector<16xi32>
    %broadcast_in_dim3A_275 = arith.constant 1 : i32
    %broadcast_in_dim3A_276 = vector.broadcast %broadcast_in_dim3A_275 : i32 to vector<16xi32>
    %broadcast_in_dim3A_277 = arith.constant 0 : i32
    %broadcast_in_dim3A_278 = vector.broadcast %broadcast_in_dim3A_277 : i32 to vector<16xi32>
    %mul3A_279 = arith.constant 16 : i32
    %mul3A_280 = arith.muli %arg0, %mul3A_279 : i32
    %add3A_281 = arith.addi %mul3A_280, %arg1 : i32
    %mul3A_282 = arith.constant 10000 : i32
    %mul3A_283 = arith.muli %add3A_281, %mul3A_282 : i32
    %jit3A = arith.constant 128 : i32
    %div3A = arith.divsi %mul3A_283, %jit3A : i32
    %sign3A = arith.constant 0 : i32
    %sign3A_284 = arith.cmpi sgt, %mul3A_283, %sign3A : i32
    %sign3A_285 = arith.extui %sign3A_284 : i1 to i32
    %sign3A_286 = arith.constant 0 : i32
    %sign3A_287 = arith.cmpi slt, %mul3A_283, %sign3A_286 : i32
    %sign3A_288 = arith.extui %sign3A_287 : i1 to i32
    %sign3A_289 = arith.subi %sign3A_285, %sign3A_288 : i32
    %sign3A_290 = arith.constant 0 : i32
    %sign3A_291 = arith.cmpi sgt, %jit3A, %sign3A_290 : i32
    %sign3A_292 = arith.extui %sign3A_291 : i1 to i32
    %sign3A_293 = arith.constant 0 : i32
    %sign3A_294 = arith.cmpi slt, %jit3A, %sign3A_293 : i32
    %sign3A_295 = arith.extui %sign3A_294 : i1 to i32
    %sign3A_296 = arith.subi %sign3A_292, %sign3A_295 : i32
    %ne3A = arith.cmpi ne, %sign3A_289, %sign3A_296 : i32
    %rem3A = arith.remsi %mul3A_283, %jit3A : i32
    %ne3A_297 = arith.constant 0 : i32
    %ne3A_298 = arith.cmpi ne, %rem3A, %ne3A_297 : i32
    %and3A = arith.andi %ne3A, %ne3A_298 : i1
    %sub3A = arith.constant 1 : i32
    %sub3A_299 = arith.subi %div3A, %sub3A : i32
    %select_n3A = arith.select %and3A, %sub3A_299, %div3A : i32
    %mul3A_300 = arith.constant 128 : i32
    %mul3A_301 = arith.muli %select_n3A, %mul3A_300 : i32
    %sub3A_302 = arith.subi %mul3A_283, %mul3A_301 : i32
    "tpu.region"() ({
      %run_scoped3A = tpu.sem_alloc : memref<!tpu.dma_semaphore, #tpu.memory_space<semaphore_mem>>
      %dma_start3A_673 = arith.constant 0 : i32
      %dma_start3A_674 = tpu.memref_slice %arg3[%dma_start3A_673, %mul3A_301] : memref<2x320000xi32, #tpu.memory_space<hbm>> -> memref<2x10112xi32, #tpu.memory_space<hbm>>
      %dma_start3A_675 = arith.constant 0 : i32
      %dma_start3A_676 = tpu.memref_slice %arg3[%dma_start3A_675, %mul3A_301] : memref<2x320000xi32, #tpu.memory_space<hbm>> -> memref<2x10112xi32, #tpu.memory_space<hbm>>
      tpu.enqueue_dma source(%dma_start3A_676 : memref<2x10112xi32, #tpu.memory_space<hbm>>) target(%arg5 : memref<2x10112xi32, #tpu.memory_space<vmem>>) target_semaphore(%run_scoped3A : memref<!tpu.dma_semaphore, #tpu.memory_space<semaphore_mem>>)
      %dma_wait3A_677 = arith.constant 0 : i32
      %dma_wait3A_678 = tpu.memref_slice %arg3[%dma_wait3A_677, %mul3A_301] : memref<2x320000xi32, #tpu.memory_space<hbm>> -> memref<2x10112xi32, #tpu.memory_space<hbm>>
      %dma_wait3A_679 = arith.constant 0 : i32
      %dma_wait3A_680 = tpu.memref_slice %arg3[%dma_wait3A_679, %mul3A_301] : memref<2x320000xi32, #tpu.memory_space<hbm>> -> memref<2x10112xi32, #tpu.memory_space<hbm>>
      tpu.wait_dma2 semaphore(%run_scoped3A : memref<!tpu.dma_semaphore, #tpu.memory_space<semaphore_mem>>) src(%dma_wait3A_680 : memref<2x10112xi32, #tpu.memory_space<hbm>>) dst(%arg5 : memref<2x10112xi32, #tpu.memory_space<vmem>>)
      tpu.yield
    }) : () -> ()
    %add3A_303 = arith.constant 0 : i32
    %add3A_304 = arith.addi %sub3A_302, %add3A_303 : i32
    %add3A_305 = arith.constant 0 : i32
    %add3A_306 = arith.addi %add3A_304, %add3A_305 : i32
    %add3A_307 = vector.broadcast %add3A_306 : i32 to vector<16xi32>
    %add3A_308 = arith.addi %add3A_307, %iota3A : vector<16xi32>
    %gather3A = tpu.vector_load_idx %arg5[%broadcast_in_dim3A_274, %add3A_308] : memref<2x10112xi32, #tpu.memory_space<vmem>>[vector<16xi32>, vector<16xi32>], vector<16xi32>,
    %dma_start3A_309 = arith.constant 0 : i32
    %dma_start3A_310 = arith.constant 0 : i32
    %dma_start3A_311 = arith.constant 0 : i32
    %dma_start3A_312 = tpu.memref_slice %arg6[%dma_start3A_309, %dma_start3A_310, %dma_start3A_311] : memref<2x80x128xf32, #tpu.memory_space<vmem>> -> memref<1x80x128xf32, #tpu.memory_space<vmem>>
    %dma_start3A_313 = tpu.memref_squeeze %dma_start3A_312 : memref<1x80x128xf32, #tpu.memory_space<vmem>> -> memref<80x128xf32, #tpu.memory_space<vmem>>
    %dma_start3A_314 = arith.constant 0 : i32
    %dma_start3A_315 = arith.constant 0 : i32
    %dma_start3A_316 = tpu.memref_slice %dma_start3A_313[%dma_start3A_314, %dma_start3A_315] : memref<80x128xf32, #tpu.memory_space<vmem>> -> memref<16x128xf32, #tpu.memory_space<vmem>>
    %dma_start3A_317 = arith.constant 0 : i32
    %dma_start3A_318 = arith.constant 0 : i32
    %dma_start3A_319 = tpu.memref_slice %arg2[%dma_start3A_317, %dma_start3A_318] : memref<10240x128xf32, #tpu.memory_space<hbm>> -> memref<10240x128xf32, #tpu.memory_space<hbm>>
    tpu.enqueue_indirect_dma source(%dma_start3A_319 : memref<10240x128xf32, #tpu.memory_space<hbm>>) target(%dma_start3A_316 : memref<16x128xf32, #tpu.memory_space<vmem>>) offsets(%gather3A : vector<16xi32>) semaphore(%arg8 : memref<!tpu.dma_semaphore, #tpu.memory_space<semaphore_mem>>)
    %add3A_320 = arith.constant 0 : i32
    %add3A_321 = arith.addi %sub3A_302, %add3A_320 : i32
    %add3A_322 = arith.constant 16 : i32
    %add3A_323 = arith.addi %add3A_321, %add3A_322 : i32
    %add3A_324 = vector.broadcast %add3A_323 : i32 to vector<16xi32>
    %add3A_325 = arith.addi %add3A_324, %iota3A : vector<16xi32>
    %gather3A_326 = tpu.vector_load_idx %arg5[%broadcast_in_dim3A_274, %add3A_325] : memref<2x10112xi32, #tpu.memory_space<vmem>>[vector<16xi32>, vector<16xi32>], vector<16xi32>,
    %dma_start3A_327 = arith.constant 0 : i32
    %dma_start3A_328 = arith.constant 0 : i32
    %dma_start3A_329 = arith.constant 0 : i32
    %dma_start3A_330 = tpu.memref_slice %arg6[%dma_start3A_327, %dma_start3A_328, %dma_start3A_329] : memref<2x80x128xf32, #tpu.memory_space<vmem>> -> memref<1x80x128xf32, #tpu.memory_space<vmem>>
    %dma_start3A_331 = tpu.memref_squeeze %dma_start3A_330 : memref<1x80x128xf32, #tpu.memory_space<vmem>> -> memref<80x128xf32, #tpu.memory_space<vmem>>
    %dma_start3A_332 = arith.constant 16 : i32
    %dma_start3A_333 = arith.constant 0 : i32
    %dma_start3A_334 = tpu.memref_slice %dma_start3A_331[%dma_start3A_332, %dma_start3A_333] : memref<80x128xf32, #tpu.memory_space<vmem>> -> memref<16x128xf32, #tpu.memory_space<vmem>>
    %dma_start3A_335 = arith.constant 0 : i32
    %dma_start3A_336 = arith.constant 0 : i32
    %dma_start3A_337 = tpu.memref_slice %arg2[%dma_start3A_335, %dma_start3A_336] : memref<10240x128xf32, #tpu.memory_space<hbm>> -> memref<10240x128xf32, #tpu.memory_space<hbm>>
    tpu.enqueue_indirect_dma source(%dma_start3A_337 : memref<10240x128xf32, #tpu.memory_space<hbm>>) target(%dma_start3A_334 : memref<16x128xf32, #tpu.memory_space<vmem>>) offsets(%gather3A_326 : vector<16xi32>) semaphore(%arg8 : memref<!tpu.dma_semaphore, #tpu.memory_space<semaphore_mem>>)
    %add3A_338 = arith.constant 0 : i32
    %add3A_339 = arith.addi %sub3A_302, %add3A_338 : i32
    %add3A_340 = arith.constant 32 : i32
    %add3A_341 = arith.addi %add3A_339, %add3A_340 : i32
    %add3A_342 = vector.broadcast %add3A_341 : i32 to vector<16xi32>
    %add3A_343 = arith.addi %add3A_342, %iota3A : vector<16xi32>
    %gather3A_344 = tpu.vector_load_idx %arg5[%broadcast_in_dim3A_274, %add3A_343] : memref<2x10112xi32, #tpu.memory_space<vmem>>[vector<16xi32>, vector<16xi32>], vector<16xi32>,
    %dma_start3A_345 = arith.constant 0 : i32
    %dma_start3A_346 = arith.constant 0 : i32
    %dma_start3A_347 = arith.constant 0 : i32
    %dma_start3A_348 = tpu.memref_slice %arg6[%dma_start3A_345, %dma_start3A_346, %dma_start3A_347] : memref<2x80x128xf32, #tpu.memory_space<vmem>> -> memref<1x80x128xf32, #tpu.memory_space<vmem>>
    %dma_start3A_349 = tpu.memref_squeeze %dma_start3A_348 : memref<1x80x128xf32, #tpu.memory_space<vmem>> -> memref<80x128xf32, #tpu.memory_space<vmem>>
    %dma_start3A_350 = arith.constant 32 : i32
    %dma_start3A_351 = arith.constant 0 : i32
    %dma_start3A_352 = tpu.memref_slice %dma_start3A_349[%dma_start3A_350, %dma_start3A_351] : memref<80x128xf32, #tpu.memory_space<vmem>> -> memref<16x128xf32, #tpu.memory_space<vmem>>
    %dma_start3A_353 = arith.constant 0 : i32
    %dma_start3A_354 = arith.constant 0 : i32
    %dma_start3A_355 = tpu.memref_slice %arg2[%dma_start3A_353, %dma_start3A_354] : memref<10240x128xf32, #tpu.memory_space<hbm>> -> memref<10240x128xf32, #tpu.memory_space<hbm>>
    tpu.enqueue_indirect_dma source(%dma_start3A_355 : memref<10240x128xf32, #tpu.memory_space<hbm>>) target(%dma_start3A_352 : memref<16x128xf32, #tpu.memory_space<vmem>>) offsets(%gather3A_344 : vector<16xi32>) semaphore(%arg8 : memref<!tpu.dma_semaphore, #tpu.memory_space<semaphore_mem>>)
    %add3A_356 = arith.constant 0 : i32
    %add3A_357 = arith.addi %sub3A_302, %add3A_356 : i32
    %add3A_358 = arith.constant 48 : i32
    %add3A_359 = arith.addi %add3A_357, %add3A_358 : i32
    %add3A_360 = vector.broadcast %add3A_359 : i32 to vector<16xi32>
    %add3A_361 = arith.addi %add3A_360, %iota3A : vector<16xi32>
    %gather3A_362 = tpu.vector_load_idx %arg5[%broadcast_in_dim3A_274, %add3A_361] : memref<2x10112xi32, #tpu.memory_space<vmem>>[vector<16xi32>, vector<16xi32>], vector<16xi32>,
    %dma_start3A_363 = arith.constant 0 : i32
    %dma_start3A_364 = arith.constant 0 : i32
    %dma_start3A_365 = arith.constant 0 : i32
    %dma_start3A_366 = tpu.memref_slice %arg6[%dma_start3A_363, %dma_start3A_364, %dma_start3A_365] : memref<2x80x128xf32, #tpu.memory_space<vmem>> -> memref<1x80x128xf32, #tpu.memory_space<vmem>>
    %dma_start3A_367 = tpu.memref_squeeze %dma_start3A_366 : memref<1x80x128xf32, #tpu.memory_space<vmem>> -> memref<80x128xf32, #tpu.memory_space<vmem>>
    %dma_start3A_368 = arith.constant 48 : i32
    %dma_start3A_369 = arith.constant 0 : i32
    %dma_start3A_370 = tpu.memref_slice %dma_start3A_367[%dma_start3A_368, %dma_start3A_369] : memref<80x128xf32, #tpu.memory_space<vmem>> -> memref<16x128xf32, #tpu.memory_space<vmem>>
    %dma_start3A_371 = arith.constant 0 : i32
    %dma_start3A_372 = arith.constant 0 : i32
    %dma_start3A_373 = tpu.memref_slice %arg2[%dma_start3A_371, %dma_start3A_372] : memref<10240x128xf32, #tpu.memory_space<hbm>> -> memref<10240x128xf32, #tpu.memory_space<hbm>>
    tpu.enqueue_indirect_dma source(%dma_start3A_373 : memref<10240x128xf32, #tpu.memory_space<hbm>>) target(%dma_start3A_370 : memref<16x128xf32, #tpu.memory_space<vmem>>) offsets(%gather3A_362 : vector<16xi32>) semaphore(%arg8 : memref<!tpu.dma_semaphore, #tpu.memory_space<semaphore_mem>>)
    %add3A_374 = arith.constant 0 : i32
    %add3A_375 = arith.addi %sub3A_302, %add3A_374 : i32
    %add3A_376 = arith.constant 64 : i32
    %add3A_377 = arith.addi %add3A_375, %add3A_376 : i32
    %add3A_378 = vector.broadcast %add3A_377 : i32 to vector<16xi32>
    %add3A_379 = arith.addi %add3A_378, %iota3A : vector<16xi32>
    %gather3A_380 = tpu.vector_load_idx %arg5[%broadcast_in_dim3A_274, %add3A_379] : memref<2x10112xi32, #tpu.memory_space<vmem>>[vector<16xi32>, vector<16xi32>], vector<16xi32>,
    %dma_start3A_381 = arith.constant 0 : i32
    %dma_start3A_382 = arith.constant 0 : i32
    %dma_start3A_383 = arith.constant 0 : i32
    %dma_start3A_384 = tpu.memref_slice %arg6[%dma_start3A_381, %dma_start3A_382, %dma_start3A_383] : memref<2x80x128xf32, #tpu.memory_space<vmem>> -> memref<1x80x128xf32, #tpu.memory_space<vmem>>
    %dma_start3A_385 = tpu.memref_squeeze %dma_start3A_384 : memref<1x80x128xf32, #tpu.memory_space<vmem>> -> memref<80x128xf32, #tpu.memory_space<vmem>>
    %dma_start3A_386 = arith.constant 64 : i32
    %dma_start3A_387 = arith.constant 0 : i32
    %dma_start3A_388 = tpu.memref_slice %dma_start3A_385[%dma_start3A_386, %dma_start3A_387] : memref<80x128xf32, #tpu.memory_space<vmem>> -> memref<16x128xf32, #tpu.memory_space<vmem>>
    %dma_start3A_389 = arith.constant 0 : i32
    %dma_start3A_390 = arith.constant 0 : i32
    %dma_start3A_391 = tpu.memref_slice %arg2[%dma_start3A_389, %dma_start3A_390] : memref<10240x128xf32, #tpu.memory_space<hbm>> -> memref<10240x128xf32, #tpu.memory_space<hbm>>
    tpu.enqueue_indirect_dma source(%dma_start3A_391 : memref<10240x128xf32, #tpu.memory_space<hbm>>) target(%dma_start3A_388 : memref<16x128xf32, #tpu.memory_space<vmem>>) offsets(%gather3A_380 : vector<16xi32>) semaphore(%arg8 : memref<!tpu.dma_semaphore, #tpu.memory_space<semaphore_mem>>)
    %scan3A_392 = arith.constant 0 : i32
    %scan3A_393 = arith.constant 62 : i32
    %scan3A_394 = arith.addi %scan3A_392, %scan3A_393 : i32
    %scan3A_395 = arith.constant 1 : i32
    scf.for %scan3A_673 = %scan3A_392 to %scan3A_394 step %scan3A_395  : i32 {
      %mul3A_674 = arith.constant 2 : i32
      %mul3A_675 = arith.muli %mul3A_674, %scan3A_673 : i32
      %dma_wait3A_676 = arith.constant 0 : i32
      %dma_wait3A_677 = arith.constant 0 : i32
      %dma_wait3A_678 = arith.constant 0 : i32
      %dma_wait3A_679 = tpu.memref_slice %arg6[%dma_wait3A_676, %dma_wait3A_677, %dma_wait3A_678] : memref<2x80x128xf32, #tpu.memory_space<vmem>> -> memref<1x80x128xf32, #tpu.memory_space<vmem>>
      %dma_wait3A_680 = tpu.memref_squeeze %dma_wait3A_679 : memref<1x80x128xf32, #tpu.memory_space<vmem>> -> memref<80x128xf32, #tpu.memory_space<vmem>>
      %dma_wait3A_681 = arith.constant 0 : i32
      %dma_wait3A_682 = arith.constant 0 : i32
      %dma_wait3A_683 = tpu.memref_slice %dma_wait3A_680[%dma_wait3A_681, %dma_wait3A_682] : memref<80x128xf32, #tpu.memory_space<vmem>> -> memref<16x128xf32, #tpu.memory_space<vmem>>
      %dma_wait3A_684 = arith.constant 0 : i32
      %dma_wait3A_685 = arith.constant 0 : i32
      %dma_wait3A_686 = tpu.memref_slice %arg2[%dma_wait3A_684, %dma_wait3A_685] : memref<10240x128xf32, #tpu.memory_space<hbm>> -> memref<10240x128xf32, #tpu.memory_space<hbm>>
      tpu.wait_indirect_dma semaphore(%arg8 : memref<!tpu.dma_semaphore, #tpu.memory_space<semaphore_mem>>) src(%dma_wait3A_686 : memref<10240x128xf32, #tpu.memory_space<hbm>>) dst(%dma_wait3A_683 : memref<16x128xf32, #tpu.memory_space<vmem>>)
      %dma_wait3A_687 = arith.constant 0 : i32
      %dma_wait3A_688 = arith.constant 0 : i32
      %dma_wait3A_689 = arith.constant 0 : i32
      %dma_wait3A_690 = tpu.memref_slice %arg6[%dma_wait3A_687, %dma_wait3A_688, %dma_wait3A_689] : memref<2x80x128xf32, #tpu.memory_space<vmem>> -> memref<1x80x128xf32, #tpu.memory_space<vmem>>
      %dma_wait3A_691 = tpu.memref_squeeze %dma_wait3A_690 : memref<1x80x128xf32, #tpu.memory_space<vmem>> -> memref<80x128xf32, #tpu.memory_space<vmem>>
      %dma_wait3A_692 = arith.constant 16 : i32
      %dma_wait3A_693 = arith.constant 0 : i32
      %dma_wait3A_694 = tpu.memref_slice %dma_wait3A_691[%dma_wait3A_692, %dma_wait3A_693] : memref<80x128xf32, #tpu.memory_space<vmem>> -> memref<16x128xf32, #tpu.memory_space<vmem>>
      %dma_wait3A_695 = arith.constant 0 : i32
      %dma_wait3A_696 = arith.constant 0 : i32
      %dma_wait3A_697 = tpu.memref_slice %arg2[%dma_wait3A_695, %dma_wait3A_696] : memref<10240x128xf32, #tpu.memory_space<hbm>> -> memref<10240x128xf32, #tpu.memory_space<hbm>>
      tpu.wait_indirect_dma semaphore(%arg8 : memref<!tpu.dma_semaphore, #tpu.memory_space<semaphore_mem>>) src(%dma_wait3A_697 : memref<10240x128xf32, #tpu.memory_space<hbm>>) dst(%dma_wait3A_694 : memref<16x128xf32, #tpu.memory_space<vmem>>)
      %dma_wait3A_698 = arith.constant 0 : i32
      %dma_wait3A_699 = arith.constant 0 : i32
      %dma_wait3A_700 = arith.constant 0 : i32
      %dma_wait3A_701 = tpu.memref_slice %arg6[%dma_wait3A_698, %dma_wait3A_699, %dma_wait3A_700] : memref<2x80x128xf32, #tpu.memory_space<vmem>> -> memref<1x80x128xf32, #tpu.memory_space<vmem>>
      %dma_wait3A_702 = tpu.memref_squeeze %dma_wait3A_701 : memref<1x80x128xf32, #tpu.memory_space<vmem>> -> memref<80x128xf32, #tpu.memory_space<vmem>>
      %dma_wait3A_703 = arith.constant 32 : i32
      %dma_wait3A_704 = arith.constant 0 : i32
      %dma_wait3A_705 = tpu.memref_slice %dma_wait3A_702[%dma_wait3A_703, %dma_wait3A_704] : memref<80x128xf32, #tpu.memory_space<vmem>> -> memref<16x128xf32, #tpu.memory_space<vmem>>
      %dma_wait3A_706 = arith.constant 0 : i32
      %dma_wait3A_707 = arith.constant 0 : i32
      %dma_wait3A_708 = tpu.memref_slice %arg2[%dma_wait3A_706, %dma_wait3A_707] : memref<10240x128xf32, #tpu.memory_space<hbm>> -> memref<10240x128xf32, #tpu.memory_space<hbm>>
      tpu.wait_indirect_dma semaphore(%arg8 : memref<!tpu.dma_semaphore, #tpu.memory_space<semaphore_mem>>) src(%dma_wait3A_708 : memref<10240x128xf32, #tpu.memory_space<hbm>>) dst(%dma_wait3A_705 : memref<16x128xf32, #tpu.memory_space<vmem>>)
      %dma_wait3A_709 = arith.constant 0 : i32
      %dma_wait3A_710 = arith.constant 0 : i32
      %dma_wait3A_711 = arith.constant 0 : i32
      %dma_wait3A_712 = tpu.memref_slice %arg6[%dma_wait3A_709, %dma_wait3A_710, %dma_wait3A_711] : memref<2x80x128xf32, #tpu.memory_space<vmem>> -> memref<1x80x128xf32, #tpu.memory_space<vmem>>
      %dma_wait3A_713 = tpu.memref_squeeze %dma_wait3A_712 : memref<1x80x128xf32, #tpu.memory_space<vmem>> -> memref<80x128xf32, #tpu.memory_space<vmem>>
      %dma_wait3A_714 = arith.constant 48 : i32
      %dma_wait3A_715 = arith.constant 0 : i32
      %dma_wait3A_716 = tpu.memref_slice %dma_wait3A_713[%dma_wait3A_714, %dma_wait3A_715] : memref<80x128xf32, #tpu.memory_space<vmem>> -> memref<16x128xf32, #tpu.memory_space<vmem>>
      %dma_wait3A_717 = arith.constant 0 : i32
      %dma_wait3A_718 = arith.constant 0 : i32
      %dma_wait3A_719 = tpu.memref_slice %arg2[%dma_wait3A_717, %dma_wait3A_718] : memref<10240x128xf32, #tpu.memory_space<hbm>> -> memref<10240x128xf32, #tpu.memory_space<hbm>>
      tpu.wait_indirect_dma semaphore(%arg8 : memref<!tpu.dma_semaphore, #tpu.memory_space<semaphore_mem>>) src(%dma_wait3A_719 : memref<10240x128xf32, #tpu.memory_space<hbm>>) dst(%dma_wait3A_716 : memref<16x128xf32, #tpu.memory_space<vmem>>)
      %dma_wait3A_720 = arith.constant 0 : i32
      %dma_wait3A_721 = arith.constant 0 : i32
      %dma_wait3A_722 = arith.constant 0 : i32
      %dma_wait3A_723 = tpu.memref_slice %arg6[%dma_wait3A_720, %dma_wait3A_721, %dma_wait3A_722] : memref<2x80x128xf32, #tpu.memory_space<vmem>> -> memref<1x80x128xf32, #tpu.memory_space<vmem>>
      %dma_wait3A_724 = tpu.memref_squeeze %dma_wait3A_723 : memref<1x80x128xf32, #tpu.memory_space<vmem>> -> memref<80x128xf32, #tpu.memory_space<vmem>>
      %dma_wait3A_725 = arith.constant 64 : i32
      %dma_wait3A_726 = arith.constant 0 : i32
      %dma_wait3A_727 = tpu.memref_slice %dma_wait3A_724[%dma_wait3A_725, %dma_wait3A_726] : memref<80x128xf32, #tpu.memory_space<vmem>> -> memref<16x128xf32, #tpu.memory_space<vmem>>
      %dma_wait3A_728 = arith.constant 0 : i32
      %dma_wait3A_729 = arith.constant 0 : i32
      %dma_wait3A_730 = tpu.memref_slice %arg2[%dma_wait3A_728, %dma_wait3A_729] : memref<10240x128xf32, #tpu.memory_space<hbm>> -> memref<10240x128xf32, #tpu.memory_space<hbm>>
      tpu.wait_indirect_dma semaphore(%arg8 : memref<!tpu.dma_semaphore, #tpu.memory_space<semaphore_mem>>) src(%dma_wait3A_730 : memref<10240x128xf32, #tpu.memory_space<hbm>>) dst(%dma_wait3A_727 : memref<16x128xf32, #tpu.memory_space<vmem>>)
      %gt3A = arith.constant 0 : i32
      %gt3A_731 = arith.cmpi sgt, %scan3A_673, %gt3A : i32
      %convert_element_type3A = arith.extui %gt3A_731 : i1 to i32
      %cond3A = arith.constant 0 : i32
      %cond3A_732 = arith.cmpi ne, %convert_element_type3A, %cond3A : i32
      scf.if %cond3A_732 {
        %dma_wait3A_1229 = arith.constant 1 : i32
        %dma_wait3A_1230 = arith.constant 0 : i32
        %dma_wait3A_1231 = arith.constant 0 : i32
        %dma_wait3A_1232 = tpu.memref_slice %arg6[%dma_wait3A_1229, %dma_wait3A_1230, %dma_wait3A_1231] : memref<2x80x128xf32, #tpu.memory_space<vmem>> -> memref<1x80x128xf32, #tpu.memory_space<vmem>>
        %dma_wait3A_1233 = tpu.memref_squeeze %dma_wait3A_1232 : memref<1x80x128xf32, #tpu.memory_space<vmem>> -> memref<80x128xf32, #tpu.memory_space<vmem>>
        %dma_wait3A_1234 = arith.constant 0 : i32
        %dma_wait3A_1235 = arith.constant 0 : i32
        %dma_wait3A_1236 = tpu.memref_slice %dma_wait3A_1233[%dma_wait3A_1234, %dma_wait3A_1235] : memref<80x128xf32, #tpu.memory_space<vmem>> -> memref<16x128xf32, #tpu.memory_space<vmem>>
        %dma_wait3A_1237 = arith.constant 0 : i32
        %dma_wait3A_1238 = arith.constant 0 : i32
        %dma_wait3A_1239 = tpu.memref_slice %arg7[%dma_wait3A_1237, %dma_wait3A_1238] : memref<10240x128xf32, #tpu.memory_space<vmem_shared>> -> memref<10240x128xf32, #tpu.memory_space<vmem_shared>>
        tpu.wait_indirect_dma semaphore(%arg11 : memref<!tpu.dma_semaphore, #tpu.memory_space<semaphore_mem>>) src(%dma_wait3A_1236 : memref<16x128xf32, #tpu.memory_space<vmem>>) dst(%dma_wait3A_1239 : memref<10240x128xf32, #tpu.memory_space<vmem_shared>>)
        %dma_wait3A_1240 = arith.constant 1 : i32
        %dma_wait3A_1241 = arith.constant 0 : i32
        %dma_wait3A_1242 = arith.constant 0 : i32
        %dma_wait3A_1243 = tpu.memref_slice %arg6[%dma_wait3A_1240, %dma_wait3A_1241, %dma_wait3A_1242] : memref<2x80x128xf32, #tpu.memory_space<vmem>> -> memref<1x80x128xf32, #tpu.memory_space<vmem>>
        %dma_wait3A_1244 = tpu.memref_squeeze %dma_wait3A_1243 : memref<1x80x128xf32, #tpu.memory_space<vmem>> -> memref<80x128xf32, #tpu.memory_space<vmem>>
        %dma_wait3A_1245 = arith.constant 16 : i32
        %dma_wait3A_1246 = arith.constant 0 : i32
        %dma_wait3A_1247 = tpu.memref_slice %dma_wait3A_1244[%dma_wait3A_1245, %dma_wait3A_1246] : memref<80x128xf32, #tpu.memory_space<vmem>> -> memref<16x128xf32, #tpu.memory_space<vmem>>
        %dma_wait3A_1248 = arith.constant 0 : i32
        %dma_wait3A_1249 = arith.constant 0 : i32
        %dma_wait3A_1250 = tpu.memref_slice %arg7[%dma_wait3A_1248, %dma_wait3A_1249] : memref<10240x128xf32, #tpu.memory_space<vmem_shared>> -> memref<10240x128xf32, #tpu.memory_space<vmem_shared>>
        tpu.wait_indirect_dma semaphore(%arg11 : memref<!tpu.dma_semaphore, #tpu.memory_space<semaphore_mem>>) src(%dma_wait3A_1247 : memref<16x128xf32, #tpu.memory_space<vmem>>) dst(%dma_wait3A_1250 : memref<10240x128xf32, #tpu.memory_space<vmem_shared>>)
        %dma_wait3A_1251 = arith.constant 1 : i32
        %dma_wait3A_1252 = arith.constant 0 : i32
        %dma_wait3A_1253 = arith.constant 0 : i32
        %dma_wait3A_1254 = tpu.memref_slice %arg6[%dma_wait3A_1251, %dma_wait3A_1252, %dma_wait3A_1253] : memref<2x80x128xf32, #tpu.memory_space<vmem>> -> memref<1x80x128xf32, #tpu.memory_space<vmem>>
        %dma_wait3A_1255 = tpu.memref_squeeze %dma_wait3A_1254 : memref<1x80x128xf32, #tpu.memory_space<vmem>> -> memref<80x128xf32, #tpu.memory_space<vmem>>
        %dma_wait3A_1256 = arith.constant 32 : i32
        %dma_wait3A_1257 = arith.constant 0 : i32
        %dma_wait3A_1258 = tpu.memref_slice %dma_wait3A_1255[%dma_wait3A_1256, %dma_wait3A_1257] : memref<80x128xf32, #tpu.memory_space<vmem>> -> memref<16x128xf32, #tpu.memory_space<vmem>>
        %dma_wait3A_1259 = arith.constant 0 : i32
        %dma_wait3A_1260 = arith.constant 0 : i32
        %dma_wait3A_1261 = tpu.memref_slice %arg7[%dma_wait3A_1259, %dma_wait3A_1260] : memref<10240x128xf32, #tpu.memory_space<vmem_shared>> -> memref<10240x128xf32, #tpu.memory_space<vmem_shared>>
        tpu.wait_indirect_dma semaphore(%arg11 : memref<!tpu.dma_semaphore, #tpu.memory_space<semaphore_mem>>) src(%dma_wait3A_1258 : memref<16x128xf32, #tpu.memory_space<vmem>>) dst(%dma_wait3A_1261 : memref<10240x128xf32, #tpu.memory_space<vmem_shared>>)
        %dma_wait3A_1262 = arith.constant 1 : i32
        %dma_wait3A_1263 = arith.constant 0 : i32
        %dma_wait3A_1264 = arith.constant 0 : i32
        %dma_wait3A_1265 = tpu.memref_slice %arg6[%dma_wait3A_1262, %dma_wait3A_1263, %dma_wait3A_1264] : memref<2x80x128xf32, #tpu.memory_space<vmem>> -> memref<1x80x128xf32, #tpu.memory_space<vmem>>
        %dma_wait3A_1266 = tpu.memref_squeeze %dma_wait3A_1265 : memref<1x80x128xf32, #tpu.memory_space<vmem>> -> memref<80x128xf32, #tpu.memory_space<vmem>>
        %dma_wait3A_1267 = arith.constant 48 : i32
        %dma_wait3A_1268 = arith.constant 0 : i32
        %dma_wait3A_1269 = tpu.memref_slice %dma_wait3A_1266[%dma_wait3A_1267, %dma_wait3A_1268] : memref<80x128xf32, #tpu.memory_space<vmem>> -> memref<16x128xf32, #tpu.memory_space<vmem>>
        %dma_wait3A_1270 = arith.constant 0 : i32
        %dma_wait3A_1271 = arith.constant 0 : i32
        %dma_wait3A_1272 = tpu.memref_slice %arg7[%dma_wait3A_1270, %dma_wait3A_1271] : memref<10240x128xf32, #tpu.memory_space<vmem_shared>> -> memref<10240x128xf32, #tpu.memory_space<vmem_shared>>
        tpu.wait_indirect_dma semaphore(%arg11 : memref<!tpu.dma_semaphore, #tpu.memory_space<semaphore_mem>>) src(%dma_wait3A_1269 : memref<16x128xf32, #tpu.memory_space<vmem>>) dst(%dma_wait3A_1272 : memref<10240x128xf32, #tpu.memory_space<vmem_shared>>)
        %dma_wait3A_1273 = arith.constant 1 : i32
        %dma_wait3A_1274 = arith.constant 0 : i32
        %dma_wait3A_1275 = arith.constant 0 : i32
        %dma_wait3A_1276 = tpu.memref_slice %arg6[%dma_wait3A_1273, %dma_wait3A_1274, %dma_wait3A_1275] : memref<2x80x128xf32, #tpu.memory_space<vmem>> -> memref<1x80x128xf32, #tpu.memory_space<vmem>>
        %dma_wait3A_1277 = tpu.memref_squeeze %dma_wait3A_1276 : memref<1x80x128xf32, #tpu.memory_space<vmem>> -> memref<80x128xf32, #tpu.memory_space<vmem>>
        %dma_wait3A_1278 = arith.constant 64 : i32
        %dma_wait3A_1279 = arith.constant 0 : i32
        %dma_wait3A_1280 = tpu.memref_slice %dma_wait3A_1277[%dma_wait3A_1278, %dma_wait3A_1279] : memref<80x128xf32, #tpu.memory_space<vmem>> -> memref<16x128xf32, #tpu.memory_space<vmem>>
        %dma_wait3A_1281 = arith.constant 0 : i32
        %dma_wait3A_1282 = arith.constant 0 : i32
        %dma_wait3A_1283 = tpu.memref_slice %arg7[%dma_wait3A_1281, %dma_wait3A_1282] : memref<10240x128xf32, #tpu.memory_space<vmem_shared>> -> memref<10240x128xf32, #tpu.memory_space<vmem_shared>>
        tpu.wait_indirect_dma semaphore(%arg11 : memref<!tpu.dma_semaphore, #tpu.memory_space<semaphore_mem>>) src(%dma_wait3A_1280 : memref<16x128xf32, #tpu.memory_space<vmem>>) dst(%dma_wait3A_1283 : memref<10240x128xf32, #tpu.memory_space<vmem_shared>>)
      } else {
      }
      %add3A_733 = arith.constant 1 : i32
      %add3A_734 = arith.addi %mul3A_675, %add3A_733 : i32
      %mul3A_735 = arith.constant 80 : i32
      %mul3A_736 = arith.muli %add3A_734, %mul3A_735 : i32
      %add3A_737 = arith.addi %sub3A_302, %mul3A_736 : i32
      %add3A_738 = arith.constant 0 : i32
      %add3A_739 = arith.addi %add3A_737, %add3A_738 : i32
      %add3A_740 = vector.broadcast %add3A_739 : i32 to vector<16xi32>
      %add3A_741 = arith.addi %add3A_740, %iota3A : vector<16xi32>
      %gather3A_742 = tpu.vector_load_idx %arg5[%broadcast_in_dim3A_274, %add3A_741] : memref<2x10112xi32, #tpu.memory_space<vmem>>[vector<16xi32>, vector<16xi32>], vector<16xi32>,
      %dma_start3A_743 = arith.constant 1 : i32
      %dma_start3A_744 = arith.constant 0 : i32
      %dma_start3A_745 = arith.constant 0 : i32
      %dma_start3A_746 = tpu.memref_slice %arg6[%dma_start3A_743, %dma_start3A_744, %dma_start3A_745] : memref<2x80x128xf32, #tpu.memory_space<vmem>> -> memref<1x80x128xf32, #tpu.memory_space<vmem>>
      %dma_start3A_747 = tpu.memref_squeeze %dma_start3A_746 : memref<1x80x128xf32, #tpu.memory_space<vmem>> -> memref<80x128xf32, #tpu.memory_space<vmem>>
      %dma_start3A_748 = arith.constant 0 : i32
      %dma_start3A_749 = arith.constant 0 : i32
      %dma_start3A_750 = tpu.memref_slice %dma_start3A_747[%dma_start3A_748, %dma_start3A_749] : memref<80x128xf32, #tpu.memory_space<vmem>> -> memref<16x128xf32, #tpu.memory_space<vmem>>
      %dma_start3A_751 = arith.constant 0 : i32
      %dma_start3A_752 = arith.constant 0 : i32
      %dma_start3A_753 = tpu.memref_slice %arg2[%dma_start3A_751, %dma_start3A_752] : memref<10240x128xf32, #tpu.memory_space<hbm>> -> memref<10240x128xf32, #tpu.memory_space<hbm>>
      tpu.enqueue_indirect_dma source(%dma_start3A_753 : memref<10240x128xf32, #tpu.memory_space<hbm>>) target(%dma_start3A_750 : memref<16x128xf32, #tpu.memory_space<vmem>>) offsets(%gather3A_742 : vector<16xi32>) semaphore(%arg9 : memref<!tpu.dma_semaphore, #tpu.memory_space<semaphore_mem>>)
      %mul3A_754 = arith.constant 80 : i32
      %mul3A_755 = arith.muli %add3A_734, %mul3A_754 : i32
      %add3A_756 = arith.addi %sub3A_302, %mul3A_755 : i32
      %add3A_757 = arith.constant 16 : i32
      %add3A_758 = arith.addi %add3A_756, %add3A_757 : i32
      %add3A_759 = vector.broadcast %add3A_758 : i32 to vector<16xi32>
      %add3A_760 = arith.addi %add3A_759, %iota3A : vector<16xi32>
      %gather3A_761 = tpu.vector_load_idx %arg5[%broadcast_in_dim3A_274, %add3A_760] : memref<2x10112xi32, #tpu.memory_space<vmem>>[vector<16xi32>, vector<16xi32>], vector<16xi32>,
      %dma_start3A_762 = arith.constant 1 : i32
      %dma_start3A_763 = arith.constant 0 : i32
      %dma_start3A_764 = arith.constant 0 : i32
      %dma_start3A_765 = tpu.memref_slice %arg6[%dma_start3A_762, %dma_start3A_763, %dma_start3A_764] : memref<2x80x128xf32, #tpu.memory_space<vmem>> -> memref<1x80x128xf32, #tpu.memory_space<vmem>>
      %dma_start3A_766 = tpu.memref_squeeze %dma_start3A_765 : memref<1x80x128xf32, #tpu.memory_space<vmem>> -> memref<80x128xf32, #tpu.memory_space<vmem>>
      %dma_start3A_767 = arith.constant 16 : i32
      %dma_start3A_768 = arith.constant 0 : i32
      %dma_start3A_769 = tpu.memref_slice %dma_start3A_766[%dma_start3A_767, %dma_start3A_768] : memref<80x128xf32, #tpu.memory_space<vmem>> -> memref<16x128xf32, #tpu.memory_space<vmem>>
      %dma_start3A_770 = arith.constant 0 : i32
      %dma_start3A_771 = arith.constant 0 : i32
      %dma_start3A_772 = tpu.memref_slice %arg2[%dma_start3A_770, %dma_start3A_771] : memref<10240x128xf32, #tpu.memory_space<hbm>> -> memref<10240x128xf32, #tpu.memory_space<hbm>>
      tpu.enqueue_indirect_dma source(%dma_start3A_772 : memref<10240x128xf32, #tpu.memory_space<hbm>>) target(%dma_start3A_769 : memref<16x128xf32, #tpu.memory_space<vmem>>) offsets(%gather3A_761 : vector<16xi32>) semaphore(%arg9 : memref<!tpu.dma_semaphore, #tpu.memory_space<semaphore_mem>>)
      %mul3A_773 = arith.constant 80 : i32
      %mul3A_774 = arith.muli %add3A_734, %mul3A_773 : i32
      %add3A_775 = arith.addi %sub3A_302, %mul3A_774 : i32
      %add3A_776 = arith.constant 32 : i32
      %add3A_777 = arith.addi %add3A_775, %add3A_776 : i32
      %add3A_778 = vector.broadcast %add3A_777 : i32 to vector<16xi32>
      %add3A_779 = arith.addi %add3A_778, %iota3A : vector<16xi32>
      %gather3A_780 = tpu.vector_load_idx %arg5[%broadcast_in_dim3A_274, %add3A_779] : memref<2x10112xi32, #tpu.memory_space<vmem>>[vector<16xi32>, vector<16xi32>], vector<16xi32>,
      %dma_start3A_781 = arith.constant 1 : i32
      %dma_start3A_782 = arith.constant 0 : i32
      %dma_start3A_783 = arith.constant 0 : i32
      %dma_start3A_784 = tpu.memref_slice %arg6[%dma_start3A_781, %dma_start3A_782, %dma_start3A_783] : memref<2x80x128xf32, #tpu.memory_space<vmem>> -> memref<1x80x128xf32, #tpu.memory_space<vmem>>
      %dma_start3A_785 = tpu.memref_squeeze %dma_start3A_784 : memref<1x80x128xf32, #tpu.memory_space<vmem>> -> memref<80x128xf32, #tpu.memory_space<vmem>>
      %dma_start3A_786 = arith.constant 32 : i32
      %dma_start3A_787 = arith.constant 0 : i32
      %dma_start3A_788 = tpu.memref_slice %dma_start3A_785[%dma_start3A_786, %dma_start3A_787] : memref<80x128xf32, #tpu.memory_space<vmem>> -> memref<16x128xf32, #tpu.memory_space<vmem>>
      %dma_start3A_789 = arith.constant 0 : i32
      %dma_start3A_790 = arith.constant 0 : i32
      %dma_start3A_791 = tpu.memref_slice %arg2[%dma_start3A_789, %dma_start3A_790] : memref<10240x128xf32, #tpu.memory_space<hbm>> -> memref<10240x128xf32, #tpu.memory_space<hbm>>
      tpu.enqueue_indirect_dma source(%dma_start3A_791 : memref<10240x128xf32, #tpu.memory_space<hbm>>) target(%dma_start3A_788 : memref<16x128xf32, #tpu.memory_space<vmem>>) offsets(%gather3A_780 : vector<16xi32>) semaphore(%arg9 : memref<!tpu.dma_semaphore, #tpu.memory_space<semaphore_mem>>)
      %mul3A_792 = arith.constant 80 : i32
      %mul3A_793 = arith.muli %add3A_734, %mul3A_792 : i32
      %add3A_794 = arith.addi %sub3A_302, %mul3A_793 : i32
      %add3A_795 = arith.constant 48 : i32
      %add3A_796 = arith.addi %add3A_794, %add3A_795 : i32
      %add3A_797 = vector.broadcast %add3A_796 : i32 to vector<16xi32>
      %add3A_798 = arith.addi %add3A_797, %iota3A : vector<16xi32>
      %gather3A_799 = tpu.vector_load_idx %arg5[%broadcast_in_dim3A_274, %add3A_798] : memref<2x10112xi32, #tpu.memory_space<vmem>>[vector<16xi32>, vector<16xi32>], vector<16xi32>,
      %dma_start3A_800 = arith.constant 1 : i32
      %dma_start3A_801 = arith.constant 0 : i32
      %dma_start3A_802 = arith.constant 0 : i32
      %dma_start3A_803 = tpu.memref_slice %arg6[%dma_start3A_800, %dma_start3A_801, %dma_start3A_802] : memref<2x80x128xf32, #tpu.memory_space<vmem>> -> memref<1x80x128xf32, #tpu.memory_space<vmem>>
      %dma_start3A_804 = tpu.memref_squeeze %dma_start3A_803 : memref<1x80x128xf32, #tpu.memory_space<vmem>> -> memref<80x128xf32, #tpu.memory_space<vmem>>
      %dma_start3A_805 = arith.constant 48 : i32
      %dma_start3A_806 = arith.constant 0 : i32
      %dma_start3A_807 = tpu.memref_slice %dma_start3A_804[%dma_start3A_805, %dma_start3A_806] : memref<80x128xf32, #tpu.memory_space<vmem>> -> memref<16x128xf32, #tpu.memory_space<vmem>>
      %dma_start3A_808 = arith.constant 0 : i32
      %dma_start3A_809 = arith.constant 0 : i32
      %dma_start3A_810 = tpu.memref_slice %arg2[%dma_start3A_808, %dma_start3A_809] : memref<10240x128xf32, #tpu.memory_space<hbm>> -> memref<10240x128xf32, #tpu.memory_space<hbm>>
      tpu.enqueue_indirect_dma source(%dma_start3A_810 : memref<10240x128xf32, #tpu.memory_space<hbm>>) target(%dma_start3A_807 : memref<16x128xf32, #tpu.memory_space<vmem>>) offsets(%gather3A_799 : vector<16xi32>) semaphore(%arg9 : memref<!tpu.dma_semaphore, #tpu.memory_space<semaphore_mem>>)
      %mul3A_811 = arith.constant 80 : i32
      %mul3A_812 = arith.muli %add3A_734, %mul3A_811 : i32
      %add3A_813 = arith.addi %sub3A_302, %mul3A_812 : i32
      %add3A_814 = arith.constant 64 : i32
      %add3A_815 = arith.addi %add3A_813, %add3A_814 : i32
      %add3A_816 = vector.broadcast %add3A_815 : i32 to vector<16xi32>
      %add3A_817 = arith.addi %add3A_816, %iota3A : vector<16xi32>
      %gather3A_818 = tpu.vector_load_idx %arg5[%broadcast_in_dim3A_274, %add3A_817] : memref<2x10112xi32, #tpu.memory_space<vmem>>[vector<16xi32>, vector<16xi32>], vector<16xi32>,
      %dma_start3A_819 = arith.constant 1 : i32
      %dma_start3A_820 = arith.constant 0 : i32
      %dma_start3A_821 = arith.constant 0 : i32
      %dma_start3A_822 = tpu.memref_slice %arg6[%dma_start3A_819, %dma_start3A_820, %dma_start3A_821] : memref<2x80x128xf32, #tpu.memory_space<vmem>> -> memref<1x80x128xf32, #tpu.memory_space<vmem>>
      %dma_start3A_823 = tpu.memref_squeeze %dma_start3A_822 : memref<1x80x128xf32, #tpu.memory_space<vmem>> -> memref<80x128xf32, #tpu.memory_space<vmem>>
      %dma_start3A_824 = arith.constant 64 : i32
      %dma_start3A_825 = arith.constant 0 : i32
      %dma_start3A_826 = tpu.memref_slice %dma_start3A_823[%dma_start3A_824, %dma_start3A_825] : memref<80x128xf32, #tpu.memory_space<vmem>> -> memref<16x128xf32, #tpu.memory_space<vmem>>
      %dma_start3A_827 = arith.constant 0 : i32
      %dma_start3A_828 = arith.constant 0 : i32
      %dma_start3A_829 = tpu.memref_slice %arg2[%dma_start3A_827, %dma_start3A_828] : memref<10240x128xf32, #tpu.memory_space<hbm>> -> memref<10240x128xf32, #tpu.memory_space<hbm>>
      tpu.enqueue_indirect_dma source(%dma_start3A_829 : memref<10240x128xf32, #tpu.memory_space<hbm>>) target(%dma_start3A_826 : memref<16x128xf32, #tpu.memory_space<vmem>>) offsets(%gather3A_818 : vector<16xi32>) semaphore(%arg9 : memref<!tpu.dma_semaphore, #tpu.memory_space<semaphore_mem>>)
      %mul3A_830 = arith.constant 80 : i32
      %mul3A_831 = arith.muli %mul3A_675, %mul3A_830 : i32
      %add3A_832 = arith.addi %sub3A_302, %mul3A_831 : i32
      %add3A_833 = arith.constant 0 : i32
      %add3A_834 = arith.addi %add3A_832, %add3A_833 : i32
      %add3A_835 = vector.broadcast %add3A_834 : i32 to vector<16xi32>
      %add3A_836 = arith.addi %add3A_835, %iota3A : vector<16xi32>
      %gather3A_837 = tpu.vector_load_idx %arg5[%broadcast_in_dim3A_276, %add3A_836] : memref<2x10112xi32, #tpu.memory_space<vmem>>[vector<16xi32>, vector<16xi32>], vector<16xi32>,
      %dma_start3A_838 = arith.constant 0 : i32
      %dma_start3A_839 = arith.constant 0 : i32
      %dma_start3A_840 = arith.constant 0 : i32
      %dma_start3A_841 = tpu.memref_slice %arg6[%dma_start3A_838, %dma_start3A_839, %dma_start3A_840] : memref<2x80x128xf32, #tpu.memory_space<vmem>> -> memref<1x80x128xf32, #tpu.memory_space<vmem>>
      %dma_start3A_842 = tpu.memref_squeeze %dma_start3A_841 : memref<1x80x128xf32, #tpu.memory_space<vmem>> -> memref<80x128xf32, #tpu.memory_space<vmem>>
      %dma_start3A_843 = arith.constant 0 : i32
      %dma_start3A_844 = arith.constant 0 : i32
      %dma_start3A_845 = tpu.memref_slice %dma_start3A_842[%dma_start3A_843, %dma_start3A_844] : memref<80x128xf32, #tpu.memory_space<vmem>> -> memref<16x128xf32, #tpu.memory_space<vmem>>
      %dma_start3A_846 = arith.constant 0 : i32
      %dma_start3A_847 = arith.constant 0 : i32
      %dma_start3A_848 = tpu.memref_slice %arg7[%dma_start3A_846, %dma_start3A_847] : memref<10240x128xf32, #tpu.memory_space<vmem_shared>> -> memref<10240x128xf32, #tpu.memory_space<vmem_shared>>
      tpu.enqueue_indirect_dma source(%dma_start3A_845 : memref<16x128xf32, #tpu.memory_space<vmem>>) target(%dma_start3A_848 : memref<10240x128xf32, #tpu.memory_space<vmem_shared>>) offsets(%gather3A_837 : vector<16xi32>) semaphore(%arg10 : memref<!tpu.dma_semaphore, #tpu.memory_space<semaphore_mem>>) {add = true}
      %mul3A_849 = arith.constant 80 : i32
      %mul3A_850 = arith.muli %mul3A_675, %mul3A_849 : i32
      %add3A_851 = arith.addi %sub3A_302, %mul3A_850 : i32
      %add3A_852 = arith.constant 16 : i32
      %add3A_853 = arith.addi %add3A_851, %add3A_852 : i32
      %add3A_854 = vector.broadcast %add3A_853 : i32 to vector<16xi32>
      %add3A_855 = arith.addi %add3A_854, %iota3A : vector<16xi32>
      %gather3A_856 = tpu.vector_load_idx %arg5[%broadcast_in_dim3A_276, %add3A_855] : memref<2x10112xi32, #tpu.memory_space<vmem>>[vector<16xi32>, vector<16xi32>], vector<16xi32>,
      %dma_start3A_857 = arith.constant 0 : i32
      %dma_start3A_858 = arith.constant 0 : i32
      %dma_start3A_859 = arith.constant 0 : i32
      %dma_start3A_860 = tpu.memref_slice %arg6[%dma_start3A_857, %dma_start3A_858, %dma_start3A_859] : memref<2x80x128xf32, #tpu.memory_space<vmem>> -> memref<1x80x128xf32, #tpu.memory_space<vmem>>
      %dma_start3A_861 = tpu.memref_squeeze %dma_start3A_860 : memref<1x80x128xf32, #tpu.memory_space<vmem>> -> memref<80x128xf32, #tpu.memory_space<vmem>>
      %dma_start3A_862 = arith.constant 16 : i32
      %dma_start3A_863 = arith.constant 0 : i32
      %dma_start3A_864 = tpu.memref_slice %dma_start3A_861[%dma_start3A_862, %dma_start3A_863] : memref<80x128xf32, #tpu.memory_space<vmem>> -> memref<16x128xf32, #tpu.memory_space<vmem>>
      %dma_start3A_865 = arith.constant 0 : i32
      %dma_start3A_866 = arith.constant 0 : i32
      %dma_start3A_867 = tpu.memref_slice %arg7[%dma_start3A_865, %dma_start3A_866] : memref<10240x128xf32, #tpu.memory_space<vmem_shared>> -> memref<10240x128xf32, #tpu.memory_space<vmem_shared>>
      tpu.enqueue_indirect_dma source(%dma_start3A_864 : memref<16x128xf32, #tpu.memory_space<vmem>>) target(%dma_start3A_867 : memref<10240x128xf32, #tpu.memory_space<vmem_shared>>) offsets(%gather3A_856 : vector<16xi32>) semaphore(%arg10 : memref<!tpu.dma_semaphore, #tpu.memory_space<semaphore_mem>>) {add = true}
      %mul3A_868 = arith.constant 80 : i32
      %mul3A_869 = arith.muli %mul3A_675, %mul3A_868 : i32
      %add3A_870 = arith.addi %sub3A_302, %mul3A_869 : i32
      %add3A_871 = arith.constant 32 : i32
      %add3A_872 = arith.addi %add3A_870, %add3A_871 : i32
      %add3A_873 = vector.broadcast %add3A_872 : i32 to vector<16xi32>
      %add3A_874 = arith.addi %add3A_873, %iota3A : vector<16xi32>
      %gather3A_875 = tpu.vector_load_idx %arg5[%broadcast_in_dim3A_276, %add3A_874] : memref<2x10112xi32, #tpu.memory_space<vmem>>[vector<16xi32>, vector<16xi32>], vector<16xi32>,
      %dma_start3A_876 = arith.constant 0 : i32
      %dma_start3A_877 = arith.constant 0 : i32
      %dma_start3A_878 = arith.constant 0 : i32
      %dma_start3A_879 = tpu.memref_slice %arg6[%dma_start3A_876, %dma_start3A_877, %dma_start3A_878] : memref<2x80x128xf32, #tpu.memory_space<vmem>> -> memref<1x80x128xf32, #tpu.memory_space<vmem>>
      %dma_start3A_880 = tpu.memref_squeeze %dma_start3A_879 : memref<1x80x128xf32, #tpu.memory_space<vmem>> -> memref<80x128xf32, #tpu.memory_space<vmem>>
      %dma_start3A_881 = arith.constant 32 : i32
      %dma_start3A_882 = arith.constant 0 : i32
      %dma_start3A_883 = tpu.memref_slice %dma_start3A_880[%dma_start3A_881, %dma_start3A_882] : memref<80x128xf32, #tpu.memory_space<vmem>> -> memref<16x128xf32, #tpu.memory_space<vmem>>
      %dma_start3A_884 = arith.constant 0 : i32
      %dma_start3A_885 = arith.constant 0 : i32
      %dma_start3A_886 = tpu.memref_slice %arg7[%dma_start3A_884, %dma_start3A_885] : memref<10240x128xf32, #tpu.memory_space<vmem_shared>> -> memref<10240x128xf32, #tpu.memory_space<vmem_shared>>
      tpu.enqueue_indirect_dma source(%dma_start3A_883 : memref<16x128xf32, #tpu.memory_space<vmem>>) target(%dma_start3A_886 : memref<10240x128xf32, #tpu.memory_space<vmem_shared>>) offsets(%gather3A_875 : vector<16xi32>) semaphore(%arg10 : memref<!tpu.dma_semaphore, #tpu.memory_space<semaphore_mem>>) {add = true}
      %mul3A_887 = arith.constant 80 : i32
      %mul3A_888 = arith.muli %mul3A_675, %mul3A_887 : i32
      %add3A_889 = arith.addi %sub3A_302, %mul3A_888 : i32
      %add3A_890 = arith.constant 48 : i32
      %add3A_891 = arith.addi %add3A_889, %add3A_890 : i32
      %add3A_892 = vector.broadcast %add3A_891 : i32 to vector<16xi32>
      %add3A_893 = arith.addi %add3A_892, %iota3A : vector<16xi32>
      %gather3A_894 = tpu.vector_load_idx %arg5[%broadcast_in_dim3A_276, %add3A_893] : memref<2x10112xi32, #tpu.memory_space<vmem>>[vector<16xi32>, vector<16xi32>], vector<16xi32>,
      %dma_start3A_895 = arith.constant 0 : i32
      %dma_start3A_896 = arith.constant 0 : i32
      %dma_start3A_897 = arith.constant 0 : i32
      %dma_start3A_898 = tpu.memref_slice %arg6[%dma_start3A_895, %dma_start3A_896, %dma_start3A_897] : memref<2x80x128xf32, #tpu.memory_space<vmem>> -> memref<1x80x128xf32, #tpu.memory_space<vmem>>
      %dma_start3A_899 = tpu.memref_squeeze %dma_start3A_898 : memref<1x80x128xf32, #tpu.memory_space<vmem>> -> memref<80x128xf32, #tpu.memory_space<vmem>>
      %dma_start3A_900 = arith.constant 48 : i32
      %dma_start3A_901 = arith.constant 0 : i32
      %dma_start3A_902 = tpu.memref_slice %dma_start3A_899[%dma_start3A_900, %dma_start3A_901] : memref<80x128xf32, #tpu.memory_space<vmem>> -> memref<16x128xf32, #tpu.memory_space<vmem>>
      %dma_start3A_903 = arith.constant 0 : i32
      %dma_start3A_904 = arith.constant 0 : i32
      %dma_start3A_905 = tpu.memref_slice %arg7[%dma_start3A_903, %dma_start3A_904] : memref<10240x128xf32, #tpu.memory_space<vmem_shared>> -> memref<10240x128xf32, #tpu.memory_space<vmem_shared>>
      tpu.enqueue_indirect_dma source(%dma_start3A_902 : memref<16x128xf32, #tpu.memory_space<vmem>>) target(%dma_start3A_905 : memref<10240x128xf32, #tpu.memory_space<vmem_shared>>) offsets(%gather3A_894 : vector<16xi32>) semaphore(%arg10 : memref<!tpu.dma_semaphore, #tpu.memory_space<semaphore_mem>>) {add = true}
      %mul3A_906 = arith.constant 80 : i32
      %mul3A_907 = arith.muli %mul3A_675, %mul3A_906 : i32
      %add3A_908 = arith.addi %sub3A_302, %mul3A_907 : i32
      %add3A_909 = arith.constant 64 : i32
      %add3A_910 = arith.addi %add3A_908, %add3A_909 : i32
      %add3A_911 = vector.broadcast %add3A_910 : i32 to vector<16xi32>
      %add3A_912 = arith.addi %add3A_911, %iota3A : vector<16xi32>
      %gather3A_913 = tpu.vector_load_idx %arg5[%broadcast_in_dim3A_276, %add3A_912] : memref<2x10112xi32, #tpu.memory_space<vmem>>[vector<16xi32>, vector<16xi32>], vector<16xi32>,
      %dma_start3A_914 = arith.constant 0 : i32
      %dma_start3A_915 = arith.constant 0 : i32
      %dma_start3A_916 = arith.constant 0 : i32
      %dma_start3A_917 = tpu.memref_slice %arg6[%dma_start3A_914, %dma_start3A_915, %dma_start3A_916] : memref<2x80x128xf32, #tpu.memory_space<vmem>> -> memref<1x80x128xf32, #tpu.memory_space<vmem>>
      %dma_start3A_918 = tpu.memref_squeeze %dma_start3A_917 : memref<1x80x128xf32, #tpu.memory_space<vmem>> -> memref<80x128xf32, #tpu.memory_space<vmem>>
      %dma_start3A_919 = arith.constant 64 : i32
      %dma_start3A_920 = arith.constant 0 : i32
      %dma_start3A_921 = tpu.memref_slice %dma_start3A_918[%dma_start3A_919, %dma_start3A_920] : memref<80x128xf32, #tpu.memory_space<vmem>> -> memref<16x128xf32, #tpu.memory_space<vmem>>
      %dma_start3A_922 = arith.constant 0 : i32
      %dma_start3A_923 = arith.constant 0 : i32
      %dma_start3A_924 = tpu.memref_slice %arg7[%dma_start3A_922, %dma_start3A_923] : memref<10240x128xf32, #tpu.memory_space<vmem_shared>> -> memref<10240x128xf32, #tpu.memory_space<vmem_shared>>
      tpu.enqueue_indirect_dma source(%dma_start3A_921 : memref<16x128xf32, #tpu.memory_space<vmem>>) target(%dma_start3A_924 : memref<10240x128xf32, #tpu.memory_space<vmem_shared>>) offsets(%gather3A_913 : vector<16xi32>) semaphore(%arg10 : memref<!tpu.dma_semaphore, #tpu.memory_space<semaphore_mem>>) {add = true}
      %dma_wait3A_925 = arith.constant 1 : i32
      %dma_wait3A_926 = arith.constant 0 : i32
      %dma_wait3A_927 = arith.constant 0 : i32
      %dma_wait3A_928 = tpu.memref_slice %arg6[%dma_wait3A_925, %dma_wait3A_926, %dma_wait3A_927] : memref<2x80x128xf32, #tpu.memory_space<vmem>> -> memref<1x80x128xf32, #tpu.memory_space<vmem>>
      %dma_wait3A_929 = tpu.memref_squeeze %dma_wait3A_928 : memref<1x80x128xf32, #tpu.memory_space<vmem>> -> memref<80x128xf32, #tpu.memory_space<vmem>>
      %dma_wait3A_930 = arith.constant 0 : i32
      %dma_wait3A_931 = arith.constant 0 : i32
      %dma_wait3A_932 = tpu.memref_slice %dma_wait3A_929[%dma_wait3A_930, %dma_wait3A_931] : memref<80x128xf32, #tpu.memory_space<vmem>> -> memref<16x128xf32, #tpu.memory_space<vmem>>
      %dma_wait3A_933 = arith.constant 0 : i32
      %dma_wait3A_934 = arith.constant 0 : i32
      %dma_wait3A_935 = tpu.memref_slice %arg2[%dma_wait3A_933, %dma_wait3A_934] : memref<10240x128xf32, #tpu.memory_space<hbm>> -> memref<10240x128xf32, #tpu.memory_space<hbm>>
      tpu.wait_indirect_dma semaphore(%arg9 : memref<!tpu.dma_semaphore, #tpu.memory_space<semaphore_mem>>) src(%dma_wait3A_935 : memref<10240x128xf32, #tpu.memory_space<hbm>>) dst(%dma_wait3A_932 : memref<16x128xf32, #tpu.memory_space<vmem>>)
      %dma_wait3A_936 = arith.constant 1 : i32
      %dma_wait3A_937 = arith.constant 0 : i32
      %dma_wait3A_938 = arith.constant 0 : i32
      %dma_wait3A_939 = tpu.memref_slice %arg6[%dma_wait3A_936, %dma_wait3A_937, %dma_wait3A_938] : memref<2x80x128xf32, #tpu.memory_space<vmem>> -> memref<1x80x128xf32, #tpu.memory_space<vmem>>
      %dma_wait3A_940 = tpu.memref_squeeze %dma_wait3A_939 : memref<1x80x128xf32, #tpu.memory_space<vmem>> -> memref<80x128xf32, #tpu.memory_space<vmem>>
      %dma_wait3A_941 = arith.constant 16 : i32
      %dma_wait3A_942 = arith.constant 0 : i32
      %dma_wait3A_943 = tpu.memref_slice %dma_wait3A_940[%dma_wait3A_941, %dma_wait3A_942] : memref<80x128xf32, #tpu.memory_space<vmem>> -> memref<16x128xf32, #tpu.memory_space<vmem>>
      %dma_wait3A_944 = arith.constant 0 : i32
      %dma_wait3A_945 = arith.constant 0 : i32
      %dma_wait3A_946 = tpu.memref_slice %arg2[%dma_wait3A_944, %dma_wait3A_945] : memref<10240x128xf32, #tpu.memory_space<hbm>> -> memref<10240x128xf32, #tpu.memory_space<hbm>>
      tpu.wait_indirect_dma semaphore(%arg9 : memref<!tpu.dma_semaphore, #tpu.memory_space<semaphore_mem>>) src(%dma_wait3A_946 : memref<10240x128xf32, #tpu.memory_space<hbm>>) dst(%dma_wait3A_943 : memref<16x128xf32, #tpu.memory_space<vmem>>)
      %dma_wait3A_947 = arith.constant 1 : i32
      %dma_wait3A_948 = arith.constant 0 : i32
      %dma_wait3A_949 = arith.constant 0 : i32
      %dma_wait3A_950 = tpu.memref_slice %arg6[%dma_wait3A_947, %dma_wait3A_948, %dma_wait3A_949] : memref<2x80x128xf32, #tpu.memory_space<vmem>> -> memref<1x80x128xf32, #tpu.memory_space<vmem>>
      %dma_wait3A_951 = tpu.memref_squeeze %dma_wait3A_950 : memref<1x80x128xf32, #tpu.memory_space<vmem>> -> memref<80x128xf32, #tpu.memory_space<vmem>>
      %dma_wait3A_952 = arith.constant 32 : i32
      %dma_wait3A_953 = arith.constant 0 : i32
      %dma_wait3A_954 = tpu.memref_slice %dma_wait3A_951[%dma_wait3A_952, %dma_wait3A_953] : memref<80x128xf32, #tpu.memory_space<vmem>> -> memref<16x128xf32, #tpu.memory_space<vmem>>
      %dma_wait3A_955 = arith.constant 0 : i32
      %dma_wait3A_956 = arith.constant 0 : i32
      %dma_wait3A_957 = tpu.memref_slice %arg2[%dma_wait3A_955, %dma_wait3A_956] : memref<10240x128xf32, #tpu.memory_space<hbm>> -> memref<10240x128xf32, #tpu.memory_space<hbm>>
      tpu.wait_indirect_dma semaphore(%arg9 : memref<!tpu.dma_semaphore, #tpu.memory_space<semaphore_mem>>) src(%dma_wait3A_957 : memref<10240x128xf32, #tpu.memory_space<hbm>>) dst(%dma_wait3A_954 : memref<16x128xf32, #tpu.memory_space<vmem>>)
      %dma_wait3A_958 = arith.constant 1 : i32
      %dma_wait3A_959 = arith.constant 0 : i32
      %dma_wait3A_960 = arith.constant 0 : i32
      %dma_wait3A_961 = tpu.memref_slice %arg6[%dma_wait3A_958, %dma_wait3A_959, %dma_wait3A_960] : memref<2x80x128xf32, #tpu.memory_space<vmem>> -> memref<1x80x128xf32, #tpu.memory_space<vmem>>
      %dma_wait3A_962 = tpu.memref_squeeze %dma_wait3A_961 : memref<1x80x128xf32, #tpu.memory_space<vmem>> -> memref<80x128xf32, #tpu.memory_space<vmem>>
      %dma_wait3A_963 = arith.constant 48 : i32
      %dma_wait3A_964 = arith.constant 0 : i32
      %dma_wait3A_965 = tpu.memref_slice %dma_wait3A_962[%dma_wait3A_963, %dma_wait3A_964] : memref<80x128xf32, #tpu.memory_space<vmem>> -> memref<16x128xf32, #tpu.memory_space<vmem>>
      %dma_wait3A_966 = arith.constant 0 : i32
      %dma_wait3A_967 = arith.constant 0 : i32
      %dma_wait3A_968 = tpu.memref_slice %arg2[%dma_wait3A_966, %dma_wait3A_967] : memref<10240x128xf32, #tpu.memory_space<hbm>> -> memref<10240x128xf32, #tpu.memory_space<hbm>>
      tpu.wait_indirect_dma semaphore(%arg9 : memref<!tpu.dma_semaphore, #tpu.memory_space<semaphore_mem>>) src(%dma_wait3A_968 : memref<10240x128xf32, #tpu.memory_space<hbm>>) dst(%dma_wait3A_965 : memref<16x128xf32, #tpu.memory_space<vmem>>)
      %dma_wait3A_969 = arith.constant 1 : i32
      %dma_wait3A_970 = arith.constant 0 : i32
      %dma_wait3A_971 = arith.constant 0 : i32
      %dma_wait3A_972 = tpu.memref_slice %arg6[%dma_wait3A_969, %dma_wait3A_970, %dma_wait3A_971] : memref<2x80x128xf32, #tpu.memory_space<vmem>> -> memref<1x80x128xf32, #tpu.memory_space<vmem>>
      %dma_wait3A_973 = tpu.memref_squeeze %dma_wait3A_972 : memref<1x80x128xf32, #tpu.memory_space<vmem>> -> memref<80x128xf32, #tpu.memory_space<vmem>>
      %dma_wait3A_974 = arith.constant 64 : i32
      %dma_wait3A_975 = arith.constant 0 : i32
      %dma_wait3A_976 = tpu.memref_slice %dma_wait3A_973[%dma_wait3A_974, %dma_wait3A_975] : memref<80x128xf32, #tpu.memory_space<vmem>> -> memref<16x128xf32, #tpu.memory_space<vmem>>
      %dma_wait3A_977 = arith.constant 0 : i32
      %dma_wait3A_978 = arith.constant 0 : i32
      %dma_wait3A_979 = tpu.memref_slice %arg2[%dma_wait3A_977, %dma_wait3A_978] : memref<10240x128xf32, #tpu.memory_space<hbm>> -> memref<10240x128xf32, #tpu.memory_space<hbm>>
      tpu.wait_indirect_dma semaphore(%arg9 : memref<!tpu.dma_semaphore, #tpu.memory_space<semaphore_mem>>) src(%dma_wait3A_979 : memref<10240x128xf32, #tpu.memory_space<hbm>>) dst(%dma_wait3A_976 : memref<16x128xf32, #tpu.memory_space<vmem>>)
      %dma_wait3A_980 = arith.constant 0 : i32
      %dma_wait3A_981 = arith.constant 0 : i32
      %dma_wait3A_982 = arith.constant 0 : i32
      %dma_wait3A_983 = tpu.memref_slice %arg6[%dma_wait3A_980, %dma_wait3A_981, %dma_wait3A_982] : memref<2x80x128xf32, #tpu.memory_space<vmem>> -> memref<1x80x128xf32, #tpu.memory_space<vmem>>
      %dma_wait3A_984 = tpu.memref_squeeze %dma_wait3A_983 : memref<1x80x128xf32, #tpu.memory_space<vmem>> -> memref<80x128xf32, #tpu.memory_space<vmem>>
      %dma_wait3A_985 = arith.constant 0 : i32
      %dma_wait3A_986 = arith.constant 0 : i32
      %dma_wait3A_987 = tpu.memref_slice %dma_wait3A_984[%dma_wait3A_985, %dma_wait3A_986] : memref<80x128xf32, #tpu.memory_space<vmem>> -> memref<16x128xf32, #tpu.memory_space<vmem>>
      %dma_wait3A_988 = arith.constant 0 : i32
      %dma_wait3A_989 = arith.constant 0 : i32
      %dma_wait3A_990 = tpu.memref_slice %arg7[%dma_wait3A_988, %dma_wait3A_989] : memref<10240x128xf32, #tpu.memory_space<vmem_shared>> -> memref<10240x128xf32, #tpu.memory_space<vmem_shared>>
      tpu.wait_indirect_dma semaphore(%arg10 : memref<!tpu.dma_semaphore, #tpu.memory_space<semaphore_mem>>) src(%dma_wait3A_987 : memref<16x128xf32, #tpu.memory_space<vmem>>) dst(%dma_wait3A_990 : memref<10240x128xf32, #tpu.memory_space<vmem_shared>>)
      %dma_wait3A_991 = arith.constant 0 : i32
      %dma_wait3A_992 = arith.constant 0 : i32
      %dma_wait3A_993 = arith.constant 0 : i32
      %dma_wait3A_994 = tpu.memref_slice %arg6[%dma_wait3A_991, %dma_wait3A_992, %dma_wait3A_993] : memref<2x80x128xf32, #tpu.memory_space<vmem>> -> memref<1x80x128xf32, #tpu.memory_space<vmem>>
      %dma_wait3A_995 = tpu.memref_squeeze %dma_wait3A_994 : memref<1x80x128xf32, #tpu.memory_space<vmem>> -> memref<80x128xf32, #tpu.memory_space<vmem>>
      %dma_wait3A_996 = arith.constant 16 : i32
      %dma_wait3A_997 = arith.constant 0 : i32
      %dma_wait3A_998 = tpu.memref_slice %dma_wait3A_995[%dma_wait3A_996, %dma_wait3A_997] : memref<80x128xf32, #tpu.memory_space<vmem>> -> memref<16x128xf32, #tpu.memory_space<vmem>>
      %dma_wait3A_999 = arith.constant 0 : i32
      %dma_wait3A_1000 = arith.constant 0 : i32
      %dma_wait3A_1001 = tpu.memref_slice %arg7[%dma_wait3A_999, %dma_wait3A_1000] : memref<10240x128xf32, #tpu.memory_space<vmem_shared>> -> memref<10240x128xf32, #tpu.memory_space<vmem_shared>>
      tpu.wait_indirect_dma semaphore(%arg10 : memref<!tpu.dma_semaphore, #tpu.memory_space<semaphore_mem>>) src(%dma_wait3A_998 : memref<16x128xf32, #tpu.memory_space<vmem>>) dst(%dma_wait3A_1001 : memref<10240x128xf32, #tpu.memory_space<vmem_shared>>)
      %dma_wait3A_1002 = arith.constant 0 : i32
      %dma_wait3A_1003 = arith.constant 0 : i32
      %dma_wait3A_1004 = arith.constant 0 : i32
      %dma_wait3A_1005 = tpu.memref_slice %arg6[%dma_wait3A_1002, %dma_wait3A_1003, %dma_wait3A_1004] : memref<2x80x128xf32, #tpu.memory_space<vmem>> -> memref<1x80x128xf32, #tpu.memory_space<vmem>>
      %dma_wait3A_1006 = tpu.memref_squeeze %dma_wait3A_1005 : memref<1x80x128xf32, #tpu.memory_space<vmem>> -> memref<80x128xf32, #tpu.memory_space<vmem>>
      %dma_wait3A_1007 = arith.constant 32 : i32
      %dma_wait3A_1008 = arith.constant 0 : i32
      %dma_wait3A_1009 = tpu.memref_slice %dma_wait3A_1006[%dma_wait3A_1007, %dma_wait3A_1008] : memref<80x128xf32, #tpu.memory_space<vmem>> -> memref<16x128xf32, #tpu.memory_space<vmem>>
      %dma_wait3A_1010 = arith.constant 0 : i32
      %dma_wait3A_1011 = arith.constant 0 : i32
      %dma_wait3A_1012 = tpu.memref_slice %arg7[%dma_wait3A_1010, %dma_wait3A_1011] : memref<10240x128xf32, #tpu.memory_space<vmem_shared>> -> memref<10240x128xf32, #tpu.memory_space<vmem_shared>>
      tpu.wait_indirect_dma semaphore(%arg10 : memref<!tpu.dma_semaphore, #tpu.memory_space<semaphore_mem>>) src(%dma_wait3A_1009 : memref<16x128xf32, #tpu.memory_space<vmem>>) dst(%dma_wait3A_1012 : memref<10240x128xf32, #tpu.memory_space<vmem_shared>>)
      %dma_wait3A_1013 = arith.constant 0 : i32
      %dma_wait3A_1014 = arith.constant 0 : i32
      %dma_wait3A_1015 = arith.constant 0 : i32
      %dma_wait3A_1016 = tpu.memref_slice %arg6[%dma_wait3A_1013, %dma_wait3A_1014, %dma_wait3A_1015] : memref<2x80x128xf32, #tpu.memory_space<vmem>> -> memref<1x80x128xf32, #tpu.memory_space<vmem>>
      %dma_wait3A_1017 = tpu.memref_squeeze %dma_wait3A_1016 : memref<1x80x128xf32, #tpu.memory_space<vmem>> -> memref<80x128xf32, #tpu.memory_space<vmem>>
      %dma_wait3A_1018 = arith.constant 48 : i32
      %dma_wait3A_1019 = arith.constant 0 : i32
      %dma_wait3A_1020 = tpu.memref_slice %dma_wait3A_1017[%dma_wait3A_1018, %dma_wait3A_1019] : memref<80x128xf32, #tpu.memory_space<vmem>> -> memref<16x128xf32, #tpu.memory_space<vmem>>
      %dma_wait3A_1021 = arith.constant 0 : i32
      %dma_wait3A_1022 = arith.constant 0 : i32
      %dma_wait3A_1023 = tpu.memref_slice %arg7[%dma_wait3A_1021, %dma_wait3A_1022] : memref<10240x128xf32, #tpu.memory_space<vmem_shared>> -> memref<10240x128xf32, #tpu.memory_space<vmem_shared>>
      tpu.wait_indirect_dma semaphore(%arg10 : memref<!tpu.dma_semaphore, #tpu.memory_space<semaphore_mem>>) src(%dma_wait3A_1020 : memref<16x128xf32, #tpu.memory_space<vmem>>) dst(%dma_wait3A_1023 : memref<10240x128xf32, #tpu.memory_space<vmem_shared>>)
      %dma_wait3A_1024 = arith.constant 0 : i32
      %dma_wait3A_1025 = arith.constant 0 : i32
      %dma_wait3A_1026 = arith.constant 0 : i32
      %dma_wait3A_1027 = tpu.memref_slice %arg6[%dma_wait3A_1024, %dma_wait3A_1025, %dma_wait3A_1026] : memref<2x80x128xf32, #tpu.memory_space<vmem>> -> memref<1x80x128xf32, #tpu.memory_space<vmem>>
      %dma_wait3A_1028 = tpu.memref_squeeze %dma_wait3A_1027 : memref<1x80x128xf32, #tpu.memory_space<vmem>> -> memref<80x128xf32, #tpu.memory_space<vmem>>
      %dma_wait3A_1029 = arith.constant 64 : i32
      %dma_wait3A_1030 = arith.constant 0 : i32
      %dma_wait3A_1031 = tpu.memref_slice %dma_wait3A_1028[%dma_wait3A_1029, %dma_wait3A_1030] : memref<80x128xf32, #tpu.memory_space<vmem>> -> memref<16x128xf32, #tpu.memory_space<vmem>>
      %dma_wait3A_1032 = arith.constant 0 : i32
      %dma_wait3A_1033 = arith.constant 0 : i32
      %dma_wait3A_1034 = tpu.memref_slice %arg7[%dma_wait3A_1032, %dma_wait3A_1033] : memref<10240x128xf32, #tpu.memory_space<vmem_shared>> -> memref<10240x128xf32, #tpu.memory_space<vmem_shared>>
      tpu.wait_indirect_dma semaphore(%arg10 : memref<!tpu.dma_semaphore, #tpu.memory_space<semaphore_mem>>) src(%dma_wait3A_1031 : memref<16x128xf32, #tpu.memory_space<vmem>>) dst(%dma_wait3A_1034 : memref<10240x128xf32, #tpu.memory_space<vmem_shared>>)
      %add3A_1035 = arith.constant 2 : i32
      %add3A_1036 = arith.addi %mul3A_675, %add3A_1035 : i32
      %mul3A_1037 = arith.constant 80 : i32
      %mul3A_1038 = arith.muli %add3A_1036, %mul3A_1037 : i32
      %add3A_1039 = arith.addi %sub3A_302, %mul3A_1038 : i32
      %add3A_1040 = arith.constant 0 : i32
      %add3A_1041 = arith.addi %add3A_1039, %add3A_1040 : i32
      %add3A_1042 = vector.broadcast %add3A_1041 : i32 to vector<16xi32>
      %add3A_1043 = arith.addi %add3A_1042, %iota3A : vector<16xi32>
      %gather3A_1044 = tpu.vector_load_idx %arg5[%broadcast_in_dim3A_274, %add3A_1043] : memref<2x10112xi32, #tpu.memory_space<vmem>>[vector<16xi32>, vector<16xi32>], vector<16xi32>,
      %dma_start3A_1045 = arith.constant 0 : i32
      %dma_start3A_1046 = arith.constant 0 : i32
      %dma_start3A_1047 = arith.constant 0 : i32
      %dma_start3A_1048 = tpu.memref_slice %arg6[%dma_start3A_1045, %dma_start3A_1046, %dma_start3A_1047] : memref<2x80x128xf32, #tpu.memory_space<vmem>> -> memref<1x80x128xf32, #tpu.memory_space<vmem>>
      %dma_start3A_1049 = tpu.memref_squeeze %dma_start3A_1048 : memref<1x80x128xf32, #tpu.memory_space<vmem>> -> memref<80x128xf32, #tpu.memory_space<vmem>>
      %dma_start3A_1050 = arith.constant 0 : i32
      %dma_start3A_1051 = arith.constant 0 : i32
      %dma_start3A_1052 = tpu.memref_slice %dma_start3A_1049[%dma_start3A_1050, %dma_start3A_1051] : memref<80x128xf32, #tpu.memory_space<vmem>> -> memref<16x128xf32, #tpu.memory_space<vmem>>
      %dma_start3A_1053 = arith.constant 0 : i32
      %dma_start3A_1054 = arith.constant 0 : i32
      %dma_start3A_1055 = tpu.memref_slice %arg2[%dma_start3A_1053, %dma_start3A_1054] : memref<10240x128xf32, #tpu.memory_space<hbm>> -> memref<10240x128xf32, #tpu.memory_space<hbm>>
      tpu.enqueue_indirect_dma source(%dma_start3A_1055 : memref<10240x128xf32, #tpu.memory_space<hbm>>) target(%dma_start3A_1052 : memref<16x128xf32, #tpu.memory_space<vmem>>) offsets(%gather3A_1044 : vector<16xi32>) semaphore(%arg8 : memref<!tpu.dma_semaphore, #tpu.memory_space<semaphore_mem>>)
      %mul3A_1056 = arith.constant 80 : i32
      %mul3A_1057 = arith.muli %add3A_1036, %mul3A_1056 : i32
      %add3A_1058 = arith.addi %sub3A_302, %mul3A_1057 : i32
      %add3A_1059 = arith.constant 16 : i32
      %add3A_1060 = arith.addi %add3A_1058, %add3A_1059 : i32
      %add3A_1061 = vector.broadcast %add3A_1060 : i32 to vector<16xi32>
      %add3A_1062 = arith.addi %add3A_1061, %iota3A : vector<16xi32>
      %gather3A_1063 = tpu.vector_load_idx %arg5[%broadcast_in_dim3A_274, %add3A_1062] : memref<2x10112xi32, #tpu.memory_space<vmem>>[vector<16xi32>, vector<16xi32>], vector<16xi32>,
      %dma_start3A_1064 = arith.constant 0 : i32
      %dma_start3A_1065 = arith.constant 0 : i32
      %dma_start3A_1066 = arith.constant 0 : i32
      %dma_start3A_1067 = tpu.memref_slice %arg6[%dma_start3A_1064, %dma_start3A_1065, %dma_start3A_1066] : memref<2x80x128xf32, #tpu.memory_space<vmem>> -> memref<1x80x128xf32, #tpu.memory_space<vmem>>
      %dma_start3A_1068 = tpu.memref_squeeze %dma_start3A_1067 : memref<1x80x128xf32, #tpu.memory_space<vmem>> -> memref<80x128xf32, #tpu.memory_space<vmem>>
      %dma_start3A_1069 = arith.constant 16 : i32
      %dma_start3A_1070 = arith.constant 0 : i32
      %dma_start3A_1071 = tpu.memref_slice %dma_start3A_1068[%dma_start3A_1069, %dma_start3A_1070] : memref<80x128xf32, #tpu.memory_space<vmem>> -> memref<16x128xf32, #tpu.memory_space<vmem>>
      %dma_start3A_1072 = arith.constant 0 : i32
      %dma_start3A_1073 = arith.constant 0 : i32
      %dma_start3A_1074 = tpu.memref_slice %arg2[%dma_start3A_1072, %dma_start3A_1073] : memref<10240x128xf32, #tpu.memory_space<hbm>> -> memref<10240x128xf32, #tpu.memory_space<hbm>>
      tpu.enqueue_indirect_dma source(%dma_start3A_1074 : memref<10240x128xf32, #tpu.memory_space<hbm>>) target(%dma_start3A_1071 : memref<16x128xf32, #tpu.memory_space<vmem>>) offsets(%gather3A_1063 : vector<16xi32>) semaphore(%arg8 : memref<!tpu.dma_semaphore, #tpu.memory_space<semaphore_mem>>)
      %mul3A_1075 = arith.constant 80 : i32
      %mul3A_1076 = arith.muli %add3A_1036, %mul3A_1075 : i32
      %add3A_1077 = arith.addi %sub3A_302, %mul3A_1076 : i32
      %add3A_1078 = arith.constant 32 : i32
      %add3A_1079 = arith.addi %add3A_1077, %add3A_1078 : i32
      %add3A_1080 = vector.broadcast %add3A_1079 : i32 to vector<16xi32>
      %add3A_1081 = arith.addi %add3A_1080, %iota3A : vector<16xi32>
      %gather3A_1082 = tpu.vector_load_idx %arg5[%broadcast_in_dim3A_274, %add3A_1081] : memref<2x10112xi32, #tpu.memory_space<vmem>>[vector<16xi32>, vector<16xi32>], vector<16xi32>,
      %dma_start3A_1083 = arith.constant 0 : i32
      %dma_start3A_1084 = arith.constant 0 : i32
      %dma_start3A_1085 = arith.constant 0 : i32
      %dma_start3A_1086 = tpu.memref_slice %arg6[%dma_start3A_1083, %dma_start3A_1084, %dma_start3A_1085] : memref<2x80x128xf32, #tpu.memory_space<vmem>> -> memref<1x80x128xf32, #tpu.memory_space<vmem>>
      %dma_start3A_1087 = tpu.memref_squeeze %dma_start3A_1086 : memref<1x80x128xf32, #tpu.memory_space<vmem>> -> memref<80x128xf32, #tpu.memory_space<vmem>>
      %dma_start3A_1088 = arith.constant 32 : i32
      %dma_start3A_1089 = arith.constant 0 : i32
      %dma_start3A_1090 = tpu.memref_slice %dma_start3A_1087[%dma_start3A_1088, %dma_start3A_1089] : memref<80x128xf32, #tpu.memory_space<vmem>> -> memref<16x128xf32, #tpu.memory_space<vmem>>
      %dma_start3A_1091 = arith.constant 0 : i32
      %dma_start3A_1092 = arith.constant 0 : i32
      %dma_start3A_1093 = tpu.memref_slice %arg2[%dma_start3A_1091, %dma_start3A_1092] : memref<10240x128xf32, #tpu.memory_space<hbm>> -> memref<10240x128xf32, #tpu.memory_space<hbm>>
      tpu.enqueue_indirect_dma source(%dma_start3A_1093 : memref<10240x128xf32, #tpu.memory_space<hbm>>) target(%dma_start3A_1090 : memref<16x128xf32, #tpu.memory_space<vmem>>) offsets(%gather3A_1082 : vector<16xi32>) semaphore(%arg8 : memref<!tpu.dma_semaphore, #tpu.memory_space<semaphore_mem>>)
      %mul3A_1094 = arith.constant 80 : i32
      %mul3A_1095 = arith.muli %add3A_1036, %mul3A_1094 : i32
      %add3A_1096 = arith.addi %sub3A_302, %mul3A_1095 : i32
      %add3A_1097 = arith.constant 48 : i32
      %add3A_1098 = arith.addi %add3A_1096, %add3A_1097 : i32
      %add3A_1099 = vector.broadcast %add3A_1098 : i32 to vector<16xi32>
      %add3A_1100 = arith.addi %add3A_1099, %iota3A : vector<16xi32>
      %gather3A_1101 = tpu.vector_load_idx %arg5[%broadcast_in_dim3A_274, %add3A_1100] : memref<2x10112xi32, #tpu.memory_space<vmem>>[vector<16xi32>, vector<16xi32>], vector<16xi32>,
      %dma_start3A_1102 = arith.constant 0 : i32
      %dma_start3A_1103 = arith.constant 0 : i32
      %dma_start3A_1104 = arith.constant 0 : i32
      %dma_start3A_1105 = tpu.memref_slice %arg6[%dma_start3A_1102, %dma_start3A_1103, %dma_start3A_1104] : memref<2x80x128xf32, #tpu.memory_space<vmem>> -> memref<1x80x128xf32, #tpu.memory_space<vmem>>
      %dma_start3A_1106 = tpu.memref_squeeze %dma_start3A_1105 : memref<1x80x128xf32, #tpu.memory_space<vmem>> -> memref<80x128xf32, #tpu.memory_space<vmem>>
      %dma_start3A_1107 = arith.constant 48 : i32
      %dma_start3A_1108 = arith.constant 0 : i32
      %dma_start3A_1109 = tpu.memref_slice %dma_start3A_1106[%dma_start3A_1107, %dma_start3A_1108] : memref<80x128xf32, #tpu.memory_space<vmem>> -> memref<16x128xf32, #tpu.memory_space<vmem>>
      %dma_start3A_1110 = arith.constant 0 : i32
      %dma_start3A_1111 = arith.constant 0 : i32
      %dma_start3A_1112 = tpu.memref_slice %arg2[%dma_start3A_1110, %dma_start3A_1111] : memref<10240x128xf32, #tpu.memory_space<hbm>> -> memref<10240x128xf32, #tpu.memory_space<hbm>>
      tpu.enqueue_indirect_dma source(%dma_start3A_1112 : memref<10240x128xf32, #tpu.memory_space<hbm>>) target(%dma_start3A_1109 : memref<16x128xf32, #tpu.memory_space<vmem>>) offsets(%gather3A_1101 : vector<16xi32>) semaphore(%arg8 : memref<!tpu.dma_semaphore, #tpu.memory_space<semaphore_mem>>)
      %mul3A_1113 = arith.constant 80 : i32
      %mul3A_1114 = arith.muli %add3A_1036, %mul3A_1113 : i32
      %add3A_1115 = arith.addi %sub3A_302, %mul3A_1114 : i32
      %add3A_1116 = arith.constant 64 : i32
      %add3A_1117 = arith.addi %add3A_1115, %add3A_1116 : i32
      %add3A_1118 = vector.broadcast %add3A_1117 : i32 to vector<16xi32>
      %add3A_1119 = arith.addi %add3A_1118, %iota3A : vector<16xi32>
      %gather3A_1120 = tpu.vector_load_idx %arg5[%broadcast_in_dim3A_274, %add3A_1119] : memref<2x10112xi32, #tpu.memory_space<vmem>>[vector<16xi32>, vector<16xi32>], vector<16xi32>,
      %dma_start3A_1121 = arith.constant 0 : i32
      %dma_start3A_1122 = arith.constant 0 : i32
      %dma_start3A_1123 = arith.constant 0 : i32
      %dma_start3A_1124 = tpu.memref_slice %arg6[%dma_start3A_1121, %dma_start3A_1122, %dma_start3A_1123] : memref<2x80x128xf32, #tpu.memory_space<vmem>> -> memref<1x80x128xf32, #tpu.memory_space<vmem>>
      %dma_start3A_1125 = tpu.memref_squeeze %dma_start3A_1124 : memref<1x80x128xf32, #tpu.memory_space<vmem>> -> memref<80x128xf32, #tpu.memory_space<vmem>>
      %dma_start3A_1126 = arith.constant 64 : i32
      %dma_start3A_1127 = arith.constant 0 : i32
      %dma_start3A_1128 = tpu.memref_slice %dma_start3A_1125[%dma_start3A_1126, %dma_start3A_1127] : memref<80x128xf32, #tpu.memory_space<vmem>> -> memref<16x128xf32, #tpu.memory_space<vmem>>
      %dma_start3A_1129 = arith.constant 0 : i32
      %dma_start3A_1130 = arith.constant 0 : i32
      %dma_start3A_1131 = tpu.memref_slice %arg2[%dma_start3A_1129, %dma_start3A_1130] : memref<10240x128xf32, #tpu.memory_space<hbm>> -> memref<10240x128xf32, #tpu.memory_space<hbm>>
      tpu.enqueue_indirect_dma source(%dma_start3A_1131 : memref<10240x128xf32, #tpu.memory_space<hbm>>) target(%dma_start3A_1128 : memref<16x128xf32, #tpu.memory_space<vmem>>) offsets(%gather3A_1120 : vector<16xi32>) semaphore(%arg8 : memref<!tpu.dma_semaphore, #tpu.memory_space<semaphore_mem>>)
      %add3A_1132 = arith.constant 1 : i32
      %add3A_1133 = arith.addi %mul3A_675, %add3A_1132 : i32
      %mul3A_1134 = arith.constant 80 : i32
      %mul3A_1135 = arith.muli %add3A_1133, %mul3A_1134 : i32
      %add3A_1136 = arith.addi %sub3A_302, %mul3A_1135 : i32
      %add3A_1137 = arith.constant 0 : i32
      %add3A_1138 = arith.addi %add3A_1136, %add3A_1137 : i32
      %add3A_1139 = vector.broadcast %add3A_1138 : i32 to vector<16xi32>
      %add3A_1140 = arith.addi %add3A_1139, %iota3A : vector<16xi32>
      %gather3A_1141 = tpu.vector_load_idx %arg5[%broadcast_in_dim3A_276, %add3A_1140] : memref<2x10112xi32, #tpu.memory_space<vmem>>[vector<16xi32>, vector<16xi32>], vector<16xi32>,
      %dma_start3A_1142 = arith.constant 1 : i32
      %dma_start3A_1143 = arith.constant 0 : i32
      %dma_start3A_1144 = arith.constant 0 : i32
      %dma_start3A_1145 = tpu.memref_slice %arg6[%dma_start3A_1142, %dma_start3A_1143, %dma_start3A_1144] : memref<2x80x128xf32, #tpu.memory_space<vmem>> -> memref<1x80x128xf32, #tpu.memory_space<vmem>>
      %dma_start3A_1146 = tpu.memref_squeeze %dma_start3A_1145 : memref<1x80x128xf32, #tpu.memory_space<vmem>> -> memref<80x128xf32, #tpu.memory_space<vmem>>
      %dma_start3A_1147 = arith.constant 0 : i32
      %dma_start3A_1148 = arith.constant 0 : i32
      %dma_start3A_1149 = tpu.memref_slice %dma_start3A_1146[%dma_start3A_1147, %dma_start3A_1148] : memref<80x128xf32, #tpu.memory_space<vmem>> -> memref<16x128xf32, #tpu.memory_space<vmem>>
      %dma_start3A_1150 = arith.constant 0 : i32
      %dma_start3A_1151 = arith.constant 0 : i32
      %dma_start3A_1152 = tpu.memref_slice %arg7[%dma_start3A_1150, %dma_start3A_1151] : memref<10240x128xf32, #tpu.memory_space<vmem_shared>> -> memref<10240x128xf32, #tpu.memory_space<vmem_shared>>
      tpu.enqueue_indirect_dma source(%dma_start3A_1149 : memref<16x128xf32, #tpu.memory_space<vmem>>) target(%dma_start3A_1152 : memref<10240x128xf32, #tpu.memory_space<vmem_shared>>) offsets(%gather3A_1141 : vector<16xi32>) semaphore(%arg11 : memref<!tpu.dma_semaphore, #tpu.memory_space<semaphore_mem>>) {add = true}
      %mul3A_1153 = arith.constant 80 : i32
      %mul3A_1154 = arith.muli %add3A_1133, %mul3A_1153 : i32
      %add3A_1155 = arith.addi %sub3A_302, %mul3A_1154 : i32
      %add3A_1156 = arith.constant 16 : i32
      %add3A_1157 = arith.addi %add3A_1155, %add3A_1156 : i32
      %add3A_1158 = vector.broadcast %add3A_1157 : i32 to vector<16xi32>
      %add3A_1159 = arith.addi %add3A_1158, %iota3A : vector<16xi32>
      %gather3A_1160 = tpu.vector_load_idx %arg5[%broadcast_in_dim3A_276, %add3A_1159] : memref<2x10112xi32, #tpu.memory_space<vmem>>[vector<16xi32>, vector<16xi32>], vector<16xi32>,
      %dma_start3A_1161 = arith.constant 1 : i32
      %dma_start3A_1162 = arith.constant 0 : i32
      %dma_start3A_1163 = arith.constant 0 : i32
      %dma_start3A_1164 = tpu.memref_slice %arg6[%dma_start3A_1161, %dma_start3A_1162, %dma_start3A_1163] : memref<2x80x128xf32, #tpu.memory_space<vmem>> -> memref<1x80x128xf32, #tpu.memory_space<vmem>>
      %dma_start3A_1165 = tpu.memref_squeeze %dma_start3A_1164 : memref<1x80x128xf32, #tpu.memory_space<vmem>> -> memref<80x128xf32, #tpu.memory_space<vmem>>
      %dma_start3A_1166 = arith.constant 16 : i32
      %dma_start3A_1167 = arith.constant 0 : i32
      %dma_start3A_1168 = tpu.memref_slice %dma_start3A_1165[%dma_start3A_1166, %dma_start3A_1167] : memref<80x128xf32, #tpu.memory_space<vmem>> -> memref<16x128xf32, #tpu.memory_space<vmem>>
      %dma_start3A_1169 = arith.constant 0 : i32
      %dma_start3A_1170 = arith.constant 0 : i32
      %dma_start3A_1171 = tpu.memref_slice %arg7[%dma_start3A_1169, %dma_start3A_1170] : memref<10240x128xf32, #tpu.memory_space<vmem_shared>> -> memref<10240x128xf32, #tpu.memory_space<vmem_shared>>
      tpu.enqueue_indirect_dma source(%dma_start3A_1168 : memref<16x128xf32, #tpu.memory_space<vmem>>) target(%dma_start3A_1171 : memref<10240x128xf32, #tpu.memory_space<vmem_shared>>) offsets(%gather3A_1160 : vector<16xi32>) semaphore(%arg11 : memref<!tpu.dma_semaphore, #tpu.memory_space<semaphore_mem>>) {add = true}
      %mul3A_1172 = arith.constant 80 : i32
      %mul3A_1173 = arith.muli %add3A_1133, %mul3A_1172 : i32
      %add3A_1174 = arith.addi %sub3A_302, %mul3A_1173 : i32
      %add3A_1175 = arith.constant 32 : i32
      %add3A_1176 = arith.addi %add3A_1174, %add3A_1175 : i32
      %add3A_1177 = vector.broadcast %add3A_1176 : i32 to vector<16xi32>
      %add3A_1178 = arith.addi %add3A_1177, %iota3A : vector<16xi32>
      %gather3A_1179 = tpu.vector_load_idx %arg5[%broadcast_in_dim3A_276, %add3A_1178] : memref<2x10112xi32, #tpu.memory_space<vmem>>[vector<16xi32>, vector<16xi32>], vector<16xi32>,
      %dma_start3A_1180 = arith.constant 1 : i32
      %dma_start3A_1181 = arith.constant 0 : i32
      %dma_start3A_1182 = arith.constant 0 : i32
      %dma_start3A_1183 = tpu.memref_slice %arg6[%dma_start3A_1180, %dma_start3A_1181, %dma_start3A_1182] : memref<2x80x128xf32, #tpu.memory_space<vmem>> -> memref<1x80x128xf32, #tpu.memory_space<vmem>>
      %dma_start3A_1184 = tpu.memref_squeeze %dma_start3A_1183 : memref<1x80x128xf32, #tpu.memory_space<vmem>> -> memref<80x128xf32, #tpu.memory_space<vmem>>
      %dma_start3A_1185 = arith.constant 32 : i32
      %dma_start3A_1186 = arith.constant 0 : i32
      %dma_start3A_1187 = tpu.memref_slice %dma_start3A_1184[%dma_start3A_1185, %dma_start3A_1186] : memref<80x128xf32, #tpu.memory_space<vmem>> -> memref<16x128xf32, #tpu.memory_space<vmem>>
      %dma_start3A_1188 = arith.constant 0 : i32
      %dma_start3A_1189 = arith.constant 0 : i32
      %dma_start3A_1190 = tpu.memref_slice %arg7[%dma_start3A_1188, %dma_start3A_1189] : memref<10240x128xf32, #tpu.memory_space<vmem_shared>> -> memref<10240x128xf32, #tpu.memory_space<vmem_shared>>
      tpu.enqueue_indirect_dma source(%dma_start3A_1187 : memref<16x128xf32, #tpu.memory_space<vmem>>) target(%dma_start3A_1190 : memref<10240x128xf32, #tpu.memory_space<vmem_shared>>) offsets(%gather3A_1179 : vector<16xi32>) semaphore(%arg11 : memref<!tpu.dma_semaphore, #tpu.memory_space<semaphore_mem>>) {add = true}
      %mul3A_1191 = arith.constant 80 : i32
      %mul3A_1192 = arith.muli %add3A_1133, %mul3A_1191 : i32
      %add3A_1193 = arith.addi %sub3A_302, %mul3A_1192 : i32
      %add3A_1194 = arith.constant 48 : i32
      %add3A_1195 = arith.addi %add3A_1193, %add3A_1194 : i32
      %add3A_1196 = vector.broadcast %add3A_1195 : i32 to vector<16xi32>
      %add3A_1197 = arith.addi %add3A_1196, %iota3A : vector<16xi32>
      %gather3A_1198 = tpu.vector_load_idx %arg5[%broadcast_in_dim3A_276, %add3A_1197] : memref<2x10112xi32, #tpu.memory_space<vmem>>[vector<16xi32>, vector<16xi32>], vector<16xi32>,
      %dma_start3A_1199 = arith.constant 1 : i32
      %dma_start3A_1200 = arith.constant 0 : i32
      %dma_start3A_1201 = arith.constant 0 : i32
      %dma_start3A_1202 = tpu.memref_slice %arg6[%dma_start3A_1199, %dma_start3A_1200, %dma_start3A_1201] : memref<2x80x128xf32, #tpu.memory_space<vmem>> -> memref<1x80x128xf32, #tpu.memory_space<vmem>>
      %dma_start3A_1203 = tpu.memref_squeeze %dma_start3A_1202 : memref<1x80x128xf32, #tpu.memory_space<vmem>> -> memref<80x128xf32, #tpu.memory_space<vmem>>
      %dma_start3A_1204 = arith.constant 48 : i32
      %dma_start3A_1205 = arith.constant 0 : i32
      %dma_start3A_1206 = tpu.memref_slice %dma_start3A_1203[%dma_start3A_1204, %dma_start3A_1205] : memref<80x128xf32, #tpu.memory_space<vmem>> -> memref<16x128xf32, #tpu.memory_space<vmem>>
      %dma_start3A_1207 = arith.constant 0 : i32
      %dma_start3A_1208 = arith.constant 0 : i32
      %dma_start3A_1209 = tpu.memref_slice %arg7[%dma_start3A_1207, %dma_start3A_1208] : memref<10240x128xf32, #tpu.memory_space<vmem_shared>> -> memref<10240x128xf32, #tpu.memory_space<vmem_shared>>
      tpu.enqueue_indirect_dma source(%dma_start3A_1206 : memref<16x128xf32, #tpu.memory_space<vmem>>) target(%dma_start3A_1209 : memref<10240x128xf32, #tpu.memory_space<vmem_shared>>) offsets(%gather3A_1198 : vector<16xi32>) semaphore(%arg11 : memref<!tpu.dma_semaphore, #tpu.memory_space<semaphore_mem>>) {add = true}
      %mul3A_1210 = arith.constant 80 : i32
      %mul3A_1211 = arith.muli %add3A_1133, %mul3A_1210 : i32
      %add3A_1212 = arith.addi %sub3A_302, %mul3A_1211 : i32
      %add3A_1213 = arith.constant 64 : i32
      %add3A_1214 = arith.addi %add3A_1212, %add3A_1213 : i32
      %add3A_1215 = vector.broadcast %add3A_1214 : i32 to vector<16xi32>
      %add3A_1216 = arith.addi %add3A_1215, %iota3A : vector<16xi32>
      %gather3A_1217 = tpu.vector_load_idx %arg5[%broadcast_in_dim3A_276, %add3A_1216] : memref<2x10112xi32, #tpu.memory_space<vmem>>[vector<16xi32>, vector<16xi32>], vector<16xi32>,
      %dma_start3A_1218 = arith.constant 1 : i32
      %dma_start3A_1219 = arith.constant 0 : i32
      %dma_start3A_1220 = arith.constant 0 : i32
      %dma_start3A_1221 = tpu.memref_slice %arg6[%dma_start3A_1218, %dma_start3A_1219, %dma_start3A_1220] : memref<2x80x128xf32, #tpu.memory_space<vmem>> -> memref<1x80x128xf32, #tpu.memory_space<vmem>>
      %dma_start3A_1222 = tpu.memref_squeeze %dma_start3A_1221 : memref<1x80x128xf32, #tpu.memory_space<vmem>> -> memref<80x128xf32, #tpu.memory_space<vmem>>
      %dma_start3A_1223 = arith.constant 64 : i32
      %dma_start3A_1224 = arith.constant 0 : i32
      %dma_start3A_1225 = tpu.memref_slice %dma_start3A_1222[%dma_start3A_1223, %dma_start3A_1224] : memref<80x128xf32, #tpu.memory_space<vmem>> -> memref<16x128xf32, #tpu.memory_space<vmem>>
      %dma_start3A_1226 = arith.constant 0 : i32
      %dma_start3A_1227 = arith.constant 0 : i32
      %dma_start3A_1228 = tpu.memref_slice %arg7[%dma_start3A_1226, %dma_start3A_1227] : memref<10240x128xf32, #tpu.memory_space<vmem_shared>> -> memref<10240x128xf32, #tpu.memory_space<vmem_shared>>
      tpu.enqueue_indirect_dma source(%dma_start3A_1225 : memref<16x128xf32, #tpu.memory_space<vmem>>) target(%dma_start3A_1228 : memref<10240x128xf32, #tpu.memory_space<vmem_shared>>) offsets(%gather3A_1217 : vector<16xi32>) semaphore(%arg11 : memref<!tpu.dma_semaphore, #tpu.memory_space<semaphore_mem>>) {add = true}
    }
    %scan3A_396 = arith.constant 62 : i32
    %dma_wait3A_397 = arith.constant 0 : i32
    %dma_wait3A_398 = arith.constant 0 : i32
    %dma_wait3A_399 = arith.constant 0 : i32
    %dma_wait3A_400 = tpu.memref_slice %arg6[%dma_wait3A_397, %dma_wait3A_398, %dma_wait3A_399] : memref<2x80x128xf32, #tpu.memory_space<vmem>> -> memref<1x80x128xf32, #tpu.memory_space<vmem>>
    %dma_wait3A_401 = tpu.memref_squeeze %dma_wait3A_400 : memref<1x80x128xf32, #tpu.memory_space<vmem>> -> memref<80x128xf32, #tpu.memory_space<vmem>>
    %dma_wait3A_402 = arith.constant 0 : i32
    %dma_wait3A_403 = arith.constant 0 : i32
    %dma_wait3A_404 = tpu.memref_slice %dma_wait3A_401[%dma_wait3A_402, %dma_wait3A_403] : memref<80x128xf32, #tpu.memory_space<vmem>> -> memref<16x128xf32, #tpu.memory_space<vmem>>
    %dma_wait3A_405 = arith.constant 0 : i32
    %dma_wait3A_406 = arith.constant 0 : i32
    %dma_wait3A_407 = tpu.memref_slice %arg2[%dma_wait3A_405, %dma_wait3A_406] : memref<10240x128xf32, #tpu.memory_space<hbm>> -> memref<10240x128xf32, #tpu.memory_space<hbm>>
    tpu.wait_indirect_dma semaphore(%arg8 : memref<!tpu.dma_semaphore, #tpu.memory_space<semaphore_mem>>) src(%dma_wait3A_407 : memref<10240x128xf32, #tpu.memory_space<hbm>>) dst(%dma_wait3A_404 : memref<16x128xf32, #tpu.memory_space<vmem>>)
    %dma_wait3A_408 = arith.constant 0 : i32
    %dma_wait3A_409 = arith.constant 0 : i32
    %dma_wait3A_410 = arith.constant 0 : i32
    %dma_wait3A_411 = tpu.memref_slice %arg6[%dma_wait3A_408, %dma_wait3A_409, %dma_wait3A_410] : memref<2x80x128xf32, #tpu.memory_space<vmem>> -> memref<1x80x128xf32, #tpu.memory_space<vmem>>
    %dma_wait3A_412 = tpu.memref_squeeze %dma_wait3A_411 : memref<1x80x128xf32, #tpu.memory_space<vmem>> -> memref<80x128xf32, #tpu.memory_space<vmem>>
    %dma_wait3A_413 = arith.constant 16 : i32
    %dma_wait3A_414 = arith.constant 0 : i32
    %dma_wait3A_415 = tpu.memref_slice %dma_wait3A_412[%dma_wait3A_413, %dma_wait3A_414] : memref<80x128xf32, #tpu.memory_space<vmem>> -> memref<16x128xf32, #tpu.memory_space<vmem>>
    %dma_wait3A_416 = arith.constant 0 : i32
    %dma_wait3A_417 = arith.constant 0 : i32
    %dma_wait3A_418 = tpu.memref_slice %arg2[%dma_wait3A_416, %dma_wait3A_417] : memref<10240x128xf32, #tpu.memory_space<hbm>> -> memref<10240x128xf32, #tpu.memory_space<hbm>>
    tpu.wait_indirect_dma semaphore(%arg8 : memref<!tpu.dma_semaphore, #tpu.memory_space<semaphore_mem>>) src(%dma_wait3A_418 : memref<10240x128xf32, #tpu.memory_space<hbm>>) dst(%dma_wait3A_415 : memref<16x128xf32, #tpu.memory_space<vmem>>)
    %dma_wait3A_419 = arith.constant 0 : i32
    %dma_wait3A_420 = arith.constant 0 : i32
    %dma_wait3A_421 = arith.constant 0 : i32
    %dma_wait3A_422 = tpu.memref_slice %arg6[%dma_wait3A_419, %dma_wait3A_420, %dma_wait3A_421] : memref<2x80x128xf32, #tpu.memory_space<vmem>> -> memref<1x80x128xf32, #tpu.memory_space<vmem>>
    %dma_wait3A_423 = tpu.memref_squeeze %dma_wait3A_422 : memref<1x80x128xf32, #tpu.memory_space<vmem>> -> memref<80x128xf32, #tpu.memory_space<vmem>>
    %dma_wait3A_424 = arith.constant 32 : i32
    %dma_wait3A_425 = arith.constant 0 : i32
    %dma_wait3A_426 = tpu.memref_slice %dma_wait3A_423[%dma_wait3A_424, %dma_wait3A_425] : memref<80x128xf32, #tpu.memory_space<vmem>> -> memref<16x128xf32, #tpu.memory_space<vmem>>
    %dma_wait3A_427 = arith.constant 0 : i32
    %dma_wait3A_428 = arith.constant 0 : i32
    %dma_wait3A_429 = tpu.memref_slice %arg2[%dma_wait3A_427, %dma_wait3A_428] : memref<10240x128xf32, #tpu.memory_space<hbm>> -> memref<10240x128xf32, #tpu.memory_space<hbm>>
    tpu.wait_indirect_dma semaphore(%arg8 : memref<!tpu.dma_semaphore, #tpu.memory_space<semaphore_mem>>) src(%dma_wait3A_429 : memref<10240x128xf32, #tpu.memory_space<hbm>>) dst(%dma_wait3A_426 : memref<16x128xf32, #tpu.memory_space<vmem>>)
    %dma_wait3A_430 = arith.constant 0 : i32
    %dma_wait3A_431 = arith.constant 0 : i32
    %dma_wait3A_432 = arith.constant 0 : i32
    %dma_wait3A_433 = tpu.memref_slice %arg6[%dma_wait3A_430, %dma_wait3A_431, %dma_wait3A_432] : memref<2x80x128xf32, #tpu.memory_space<vmem>> -> memref<1x80x128xf32, #tpu.memory_space<vmem>>
    %dma_wait3A_434 = tpu.memref_squeeze %dma_wait3A_433 : memref<1x80x128xf32, #tpu.memory_space<vmem>> -> memref<80x128xf32, #tpu.memory_space<vmem>>
    %dma_wait3A_435 = arith.constant 48 : i32
    %dma_wait3A_436 = arith.constant 0 : i32
    %dma_wait3A_437 = tpu.memref_slice %dma_wait3A_434[%dma_wait3A_435, %dma_wait3A_436] : memref<80x128xf32, #tpu.memory_space<vmem>> -> memref<16x128xf32, #tpu.memory_space<vmem>>
    %dma_wait3A_438 = arith.constant 0 : i32
    %dma_wait3A_439 = arith.constant 0 : i32
    %dma_wait3A_440 = tpu.memref_slice %arg2[%dma_wait3A_438, %dma_wait3A_439] : memref<10240x128xf32, #tpu.memory_space<hbm>> -> memref<10240x128xf32, #tpu.memory_space<hbm>>
    tpu.wait_indirect_dma semaphore(%arg8 : memref<!tpu.dma_semaphore, #tpu.memory_space<semaphore_mem>>) src(%dma_wait3A_440 : memref<10240x128xf32, #tpu.memory_space<hbm>>) dst(%dma_wait3A_437 : memref<16x128xf32, #tpu.memory_space<vmem>>)
    %dma_wait3A_441 = arith.constant 0 : i32
    %dma_wait3A_442 = arith.constant 0 : i32
    %dma_wait3A_443 = arith.constant 0 : i32
    %dma_wait3A_444 = tpu.memref_slice %arg6[%dma_wait3A_441, %dma_wait3A_442, %dma_wait3A_443] : memref<2x80x128xf32, #tpu.memory_space<vmem>> -> memref<1x80x128xf32, #tpu.memory_space<vmem>>
    %dma_wait3A_445 = tpu.memref_squeeze %dma_wait3A_444 : memref<1x80x128xf32, #tpu.memory_space<vmem>> -> memref<80x128xf32, #tpu.memory_space<vmem>>
    %dma_wait3A_446 = arith.constant 64 : i32
    %dma_wait3A_447 = arith.constant 0 : i32
    %dma_wait3A_448 = tpu.memref_slice %dma_wait3A_445[%dma_wait3A_446, %dma_wait3A_447] : memref<80x128xf32, #tpu.memory_space<vmem>> -> memref<16x128xf32, #tpu.memory_space<vmem>>
    %dma_wait3A_449 = arith.constant 0 : i32
    %dma_wait3A_450 = arith.constant 0 : i32
    %dma_wait3A_451 = tpu.memref_slice %arg2[%dma_wait3A_449, %dma_wait3A_450] : memref<10240x128xf32, #tpu.memory_space<hbm>> -> memref<10240x128xf32, #tpu.memory_space<hbm>>
    tpu.wait_indirect_dma semaphore(%arg8 : memref<!tpu.dma_semaphore, #tpu.memory_space<semaphore_mem>>) src(%dma_wait3A_451 : memref<10240x128xf32, #tpu.memory_space<hbm>>) dst(%dma_wait3A_448 : memref<16x128xf32, #tpu.memory_space<vmem>>)
    %dma_wait3A_452 = arith.constant 1 : i32
    %dma_wait3A_453 = arith.constant 0 : i32
    %dma_wait3A_454 = arith.constant 0 : i32
    %dma_wait3A_455 = tpu.memref_slice %arg6[%dma_wait3A_452, %dma_wait3A_453, %dma_wait3A_454] : memref<2x80x128xf32, #tpu.memory_space<vmem>> -> memref<1x80x128xf32, #tpu.memory_space<vmem>>
    %dma_wait3A_456 = tpu.memref_squeeze %dma_wait3A_455 : memref<1x80x128xf32, #tpu.memory_space<vmem>> -> memref<80x128xf32, #tpu.memory_space<vmem>>
    %dma_wait3A_457 = arith.constant 0 : i32
    %dma_wait3A_458 = arith.constant 0 : i32
    %dma_wait3A_459 = tpu.memref_slice %dma_wait3A_456[%dma_wait3A_457, %dma_wait3A_458] : memref<80x128xf32, #tpu.memory_space<vmem>> -> memref<16x128xf32, #tpu.memory_space<vmem>>
    %dma_wait3A_460 = arith.constant 0 : i32
    %dma_wait3A_461 = arith.constant 0 : i32
    %dma_wait3A_462 = tpu.memref_slice %arg7[%dma_wait3A_460, %dma_wait3A_461] : memref<10240x128xf32, #tpu.memory_space<vmem_shared>> -> memref<10240x128xf32, #tpu.memory_space<vmem_shared>>
    tpu.wait_indirect_dma semaphore(%arg11 : memref<!tpu.dma_semaphore, #tpu.memory_space<semaphore_mem>>) src(%dma_wait3A_459 : memref<16x128xf32, #tpu.memory_space<vmem>>) dst(%dma_wait3A_462 : memref<10240x128xf32, #tpu.memory_space<vmem_shared>>)
    %dma_wait3A_463 = arith.constant 1 : i32
    %dma_wait3A_464 = arith.constant 0 : i32
    %dma_wait3A_465 = arith.constant 0 : i32
    %dma_wait3A_466 = tpu.memref_slice %arg6[%dma_wait3A_463, %dma_wait3A_464, %dma_wait3A_465] : memref<2x80x128xf32, #tpu.memory_space<vmem>> -> memref<1x80x128xf32, #tpu.memory_space<vmem>>
    %dma_wait3A_467 = tpu.memref_squeeze %dma_wait3A_466 : memref<1x80x128xf32, #tpu.memory_space<vmem>> -> memref<80x128xf32, #tpu.memory_space<vmem>>
    %dma_wait3A_468 = arith.constant 16 : i32
    %dma_wait3A_469 = arith.constant 0 : i32
    %dma_wait3A_470 = tpu.memref_slice %dma_wait3A_467[%dma_wait3A_468, %dma_wait3A_469] : memref<80x128xf32, #tpu.memory_space<vmem>> -> memref<16x128xf32, #tpu.memory_space<vmem>>
    %dma_wait3A_471 = arith.constant 0 : i32
    %dma_wait3A_472 = arith.constant 0 : i32
    %dma_wait3A_473 = tpu.memref_slice %arg7[%dma_wait3A_471, %dma_wait3A_472] : memref<10240x128xf32, #tpu.memory_space<vmem_shared>> -> memref<10240x128xf32, #tpu.memory_space<vmem_shared>>
    tpu.wait_indirect_dma semaphore(%arg11 : memref<!tpu.dma_semaphore, #tpu.memory_space<semaphore_mem>>) src(%dma_wait3A_470 : memref<16x128xf32, #tpu.memory_space<vmem>>) dst(%dma_wait3A_473 : memref<10240x128xf32, #tpu.memory_space<vmem_shared>>)
    %dma_wait3A_474 = arith.constant 1 : i32
    %dma_wait3A_475 = arith.constant 0 : i32
    %dma_wait3A_476 = arith.constant 0 : i32
    %dma_wait3A_477 = tpu.memref_slice %arg6[%dma_wait3A_474, %dma_wait3A_475, %dma_wait3A_476] : memref<2x80x128xf32, #tpu.memory_space<vmem>> -> memref<1x80x128xf32, #tpu.memory_space<vmem>>
    %dma_wait3A_478 = tpu.memref_squeeze %dma_wait3A_477 : memref<1x80x128xf32, #tpu.memory_space<vmem>> -> memref<80x128xf32, #tpu.memory_space<vmem>>
    %dma_wait3A_479 = arith.constant 32 : i32
    %dma_wait3A_480 = arith.constant 0 : i32
    %dma_wait3A_481 = tpu.memref_slice %dma_wait3A_478[%dma_wait3A_479, %dma_wait3A_480] : memref<80x128xf32, #tpu.memory_space<vmem>> -> memref<16x128xf32, #tpu.memory_space<vmem>>
    %dma_wait3A_482 = arith.constant 0 : i32
    %dma_wait3A_483 = arith.constant 0 : i32
    %dma_wait3A_484 = tpu.memref_slice %arg7[%dma_wait3A_482, %dma_wait3A_483] : memref<10240x128xf32, #tpu.memory_space<vmem_shared>> -> memref<10240x128xf32, #tpu.memory_space<vmem_shared>>
    tpu.wait_indirect_dma semaphore(%arg11 : memref<!tpu.dma_semaphore, #tpu.memory_space<semaphore_mem>>) src(%dma_wait3A_481 : memref<16x128xf32, #tpu.memory_space<vmem>>) dst(%dma_wait3A_484 : memref<10240x128xf32, #tpu.memory_space<vmem_shared>>)
    %dma_wait3A_485 = arith.constant 1 : i32
    %dma_wait3A_486 = arith.constant 0 : i32
    %dma_wait3A_487 = arith.constant 0 : i32
    %dma_wait3A_488 = tpu.memref_slice %arg6[%dma_wait3A_485, %dma_wait3A_486, %dma_wait3A_487] : memref<2x80x128xf32, #tpu.memory_space<vmem>> -> memref<1x80x128xf32, #tpu.memory_space<vmem>>
    %dma_wait3A_489 = tpu.memref_squeeze %dma_wait3A_488 : memref<1x80x128xf32, #tpu.memory_space<vmem>> -> memref<80x128xf32, #tpu.memory_space<vmem>>
    %dma_wait3A_490 = arith.constant 48 : i32
    %dma_wait3A_491 = arith.constant 0 : i32
    %dma_wait3A_492 = tpu.memref_slice %dma_wait3A_489[%dma_wait3A_490, %dma_wait3A_491] : memref<80x128xf32, #tpu.memory_space<vmem>> -> memref<16x128xf32, #tpu.memory_space<vmem>>
    %dma_wait3A_493 = arith.constant 0 : i32
    %dma_wait3A_494 = arith.constant 0 : i32
    %dma_wait3A_495 = tpu.memref_slice %arg7[%dma_wait3A_493, %dma_wait3A_494] : memref<10240x128xf32, #tpu.memory_space<vmem_shared>> -> memref<10240x128xf32, #tpu.memory_space<vmem_shared>>
    tpu.wait_indirect_dma semaphore(%arg11 : memref<!tpu.dma_semaphore, #tpu.memory_space<semaphore_mem>>) src(%dma_wait3A_492 : memref<16x128xf32, #tpu.memory_space<vmem>>) dst(%dma_wait3A_495 : memref<10240x128xf32, #tpu.memory_space<vmem_shared>>)
    %dma_wait3A_496 = arith.constant 1 : i32
    %dma_wait3A_497 = arith.constant 0 : i32
    %dma_wait3A_498 = arith.constant 0 : i32
    %dma_wait3A_499 = tpu.memref_slice %arg6[%dma_wait3A_496, %dma_wait3A_497, %dma_wait3A_498] : memref<2x80x128xf32, #tpu.memory_space<vmem>> -> memref<1x80x128xf32, #tpu.memory_space<vmem>>
    %dma_wait3A_500 = tpu.memref_squeeze %dma_wait3A_499 : memref<1x80x128xf32, #tpu.memory_space<vmem>> -> memref<80x128xf32, #tpu.memory_space<vmem>>
    %dma_wait3A_501 = arith.constant 64 : i32
    %dma_wait3A_502 = arith.constant 0 : i32
    %dma_wait3A_503 = tpu.memref_slice %dma_wait3A_500[%dma_wait3A_501, %dma_wait3A_502] : memref<80x128xf32, #tpu.memory_space<vmem>> -> memref<16x128xf32, #tpu.memory_space<vmem>>
    %dma_wait3A_504 = arith.constant 0 : i32
    %dma_wait3A_505 = arith.constant 0 : i32
    %dma_wait3A_506 = tpu.memref_slice %arg7[%dma_wait3A_504, %dma_wait3A_505] : memref<10240x128xf32, #tpu.memory_space<vmem_shared>> -> memref<10240x128xf32, #tpu.memory_space<vmem_shared>>
    tpu.wait_indirect_dma semaphore(%arg11 : memref<!tpu.dma_semaphore, #tpu.memory_space<semaphore_mem>>) src(%dma_wait3A_503 : memref<16x128xf32, #tpu.memory_space<vmem>>) dst(%dma_wait3A_506 : memref<10240x128xf32, #tpu.memory_space<vmem_shared>>)
    %add3A_507 = arith.constant 9920 : i32
    %add3A_508 = arith.addi %sub3A_302, %add3A_507 : i32
    %add3A_509 = arith.constant 0 : i32
    %add3A_510 = arith.addi %add3A_508, %add3A_509 : i32
    %add3A_511 = vector.broadcast %add3A_510 : i32 to vector<16xi32>
    %add3A_512 = arith.addi %add3A_511, %iota3A : vector<16xi32>
    %gather3A_513 = tpu.vector_load_idx %arg5[%broadcast_in_dim3A_276, %add3A_512] : memref<2x10112xi32, #tpu.memory_space<vmem>>[vector<16xi32>, vector<16xi32>], vector<16xi32>,
    %dma_start3A_514 = arith.constant 0 : i32
    %dma_start3A_515 = arith.constant 0 : i32
    %dma_start3A_516 = arith.constant 0 : i32
    %dma_start3A_517 = tpu.memref_slice %arg6[%dma_start3A_514, %dma_start3A_515, %dma_start3A_516] : memref<2x80x128xf32, #tpu.memory_space<vmem>> -> memref<1x80x128xf32, #tpu.memory_space<vmem>>
    %dma_start3A_518 = tpu.memref_squeeze %dma_start3A_517 : memref<1x80x128xf32, #tpu.memory_space<vmem>> -> memref<80x128xf32, #tpu.memory_space<vmem>>
    %dma_start3A_519 = arith.constant 0 : i32
    %dma_start3A_520 = arith.constant 0 : i32
    %dma_start3A_521 = tpu.memref_slice %dma_start3A_518[%dma_start3A_519, %dma_start3A_520] : memref<80x128xf32, #tpu.memory_space<vmem>> -> memref<16x128xf32, #tpu.memory_space<vmem>>
    %dma_start3A_522 = arith.constant 0 : i32
    %dma_start3A_523 = arith.constant 0 : i32
    %dma_start3A_524 = tpu.memref_slice %arg7[%dma_start3A_522, %dma_start3A_523] : memref<10240x128xf32, #tpu.memory_space<vmem_shared>> -> memref<10240x128xf32, #tpu.memory_space<vmem_shared>>
    tpu.enqueue_indirect_dma source(%dma_start3A_521 : memref<16x128xf32, #tpu.memory_space<vmem>>) target(%dma_start3A_524 : memref<10240x128xf32, #tpu.memory_space<vmem_shared>>) offsets(%gather3A_513 : vector<16xi32>) semaphore(%arg10 : memref<!tpu.dma_semaphore, #tpu.memory_space<semaphore_mem>>) {add = true}
    %add3A_525 = arith.constant 9920 : i32
    %add3A_526 = arith.addi %sub3A_302, %add3A_525 : i32
    %add3A_527 = arith.constant 16 : i32
    %add3A_528 = arith.addi %add3A_526, %add3A_527 : i32
    %add3A_529 = vector.broadcast %add3A_528 : i32 to vector<16xi32>
    %add3A_530 = arith.addi %add3A_529, %iota3A : vector<16xi32>
    %gather3A_531 = tpu.vector_load_idx %arg5[%broadcast_in_dim3A_276, %add3A_530] : memref<2x10112xi32, #tpu.memory_space<vmem>>[vector<16xi32>, vector<16xi32>], vector<16xi32>,
    %dma_start3A_532 = arith.constant 0 : i32
    %dma_start3A_533 = arith.constant 0 : i32
    %dma_start3A_534 = arith.constant 0 : i32
    %dma_start3A_535 = tpu.memref_slice %arg6[%dma_start3A_532, %dma_start3A_533, %dma_start3A_534] : memref<2x80x128xf32, #tpu.memory_space<vmem>> -> memref<1x80x128xf32, #tpu.memory_space<vmem>>
    %dma_start3A_536 = tpu.memref_squeeze %dma_start3A_535 : memref<1x80x128xf32, #tpu.memory_space<vmem>> -> memref<80x128xf32, #tpu.memory_space<vmem>>
    %dma_start3A_537 = arith.constant 16 : i32
    %dma_start3A_538 = arith.constant 0 : i32
    %dma_start3A_539 = tpu.memref_slice %dma_start3A_536[%dma_start3A_537, %dma_start3A_538] : memref<80x128xf32, #tpu.memory_space<vmem>> -> memref<16x128xf32, #tpu.memory_space<vmem>>
    %dma_start3A_540 = arith.constant 0 : i32
    %dma_start3A_541 = arith.constant 0 : i32
    %dma_start3A_542 = tpu.memref_slice %arg7[%dma_start3A_540, %dma_start3A_541] : memref<10240x128xf32, #tpu.memory_space<vmem_shared>> -> memref<10240x128xf32, #tpu.memory_space<vmem_shared>>
    tpu.enqueue_indirect_dma source(%dma_start3A_539 : memref<16x128xf32, #tpu.memory_space<vmem>>) target(%dma_start3A_542 : memref<10240x128xf32, #tpu.memory_space<vmem_shared>>) offsets(%gather3A_531 : vector<16xi32>) semaphore(%arg10 : memref<!tpu.dma_semaphore, #tpu.memory_space<semaphore_mem>>) {add = true}
    %add3A_543 = arith.constant 9920 : i32
    %add3A_544 = arith.addi %sub3A_302, %add3A_543 : i32
    %add3A_545 = arith.constant 32 : i32
    %add3A_546 = arith.addi %add3A_544, %add3A_545 : i32
    %add3A_547 = vector.broadcast %add3A_546 : i32 to vector<16xi32>
    %add3A_548 = arith.addi %add3A_547, %iota3A : vector<16xi32>
    %gather3A_549 = tpu.vector_load_idx %arg5[%broadcast_in_dim3A_276, %add3A_548] : memref<2x10112xi32, #tpu.memory_space<vmem>>[vector<16xi32>, vector<16xi32>], vector<16xi32>,
    %dma_start3A_550 = arith.constant 0 : i32
    %dma_start3A_551 = arith.constant 0 : i32
    %dma_start3A_552 = arith.constant 0 : i32
    %dma_start3A_553 = tpu.memref_slice %arg6[%dma_start3A_550, %dma_start3A_551, %dma_start3A_552] : memref<2x80x128xf32, #tpu.memory_space<vmem>> -> memref<1x80x128xf32, #tpu.memory_space<vmem>>
    %dma_start3A_554 = tpu.memref_squeeze %dma_start3A_553 : memref<1x80x128xf32, #tpu.memory_space<vmem>> -> memref<80x128xf32, #tpu.memory_space<vmem>>
    %dma_start3A_555 = arith.constant 32 : i32
    %dma_start3A_556 = arith.constant 0 : i32
    %dma_start3A_557 = tpu.memref_slice %dma_start3A_554[%dma_start3A_555, %dma_start3A_556] : memref<80x128xf32, #tpu.memory_space<vmem>> -> memref<16x128xf32, #tpu.memory_space<vmem>>
    %dma_start3A_558 = arith.constant 0 : i32
    %dma_start3A_559 = arith.constant 0 : i32
    %dma_start3A_560 = tpu.memref_slice %arg7[%dma_start3A_558, %dma_start3A_559] : memref<10240x128xf32, #tpu.memory_space<vmem_shared>> -> memref<10240x128xf32, #tpu.memory_space<vmem_shared>>
    tpu.enqueue_indirect_dma source(%dma_start3A_557 : memref<16x128xf32, #tpu.memory_space<vmem>>) target(%dma_start3A_560 : memref<10240x128xf32, #tpu.memory_space<vmem_shared>>) offsets(%gather3A_549 : vector<16xi32>) semaphore(%arg10 : memref<!tpu.dma_semaphore, #tpu.memory_space<semaphore_mem>>) {add = true}
    %add3A_561 = arith.constant 9920 : i32
    %add3A_562 = arith.addi %sub3A_302, %add3A_561 : i32
    %add3A_563 = arith.constant 48 : i32
    %add3A_564 = arith.addi %add3A_562, %add3A_563 : i32
    %add3A_565 = vector.broadcast %add3A_564 : i32 to vector<16xi32>
    %add3A_566 = arith.addi %add3A_565, %iota3A : vector<16xi32>
    %gather3A_567 = tpu.vector_load_idx %arg5[%broadcast_in_dim3A_276, %add3A_566] : memref<2x10112xi32, #tpu.memory_space<vmem>>[vector<16xi32>, vector<16xi32>], vector<16xi32>,
    %dma_start3A_568 = arith.constant 0 : i32
    %dma_start3A_569 = arith.constant 0 : i32
    %dma_start3A_570 = arith.constant 0 : i32
    %dma_start3A_571 = tpu.memref_slice %arg6[%dma_start3A_568, %dma_start3A_569, %dma_start3A_570] : memref<2x80x128xf32, #tpu.memory_space<vmem>> -> memref<1x80x128xf32, #tpu.memory_space<vmem>>
    %dma_start3A_572 = tpu.memref_squeeze %dma_start3A_571 : memref<1x80x128xf32, #tpu.memory_space<vmem>> -> memref<80x128xf32, #tpu.memory_space<vmem>>
    %dma_start3A_573 = arith.constant 48 : i32
    %dma_start3A_574 = arith.constant 0 : i32
    %dma_start3A_575 = tpu.memref_slice %dma_start3A_572[%dma_start3A_573, %dma_start3A_574] : memref<80x128xf32, #tpu.memory_space<vmem>> -> memref<16x128xf32, #tpu.memory_space<vmem>>
    %dma_start3A_576 = arith.constant 0 : i32
    %dma_start3A_577 = arith.constant 0 : i32
    %dma_start3A_578 = tpu.memref_slice %arg7[%dma_start3A_576, %dma_start3A_577] : memref<10240x128xf32, #tpu.memory_space<vmem_shared>> -> memref<10240x128xf32, #tpu.memory_space<vmem_shared>>
    tpu.enqueue_indirect_dma source(%dma_start3A_575 : memref<16x128xf32, #tpu.memory_space<vmem>>) target(%dma_start3A_578 : memref<10240x128xf32, #tpu.memory_space<vmem_shared>>) offsets(%gather3A_567 : vector<16xi32>) semaphore(%arg10 : memref<!tpu.dma_semaphore, #tpu.memory_space<semaphore_mem>>) {add = true}
    %add3A_579 = arith.constant 9920 : i32
    %add3A_580 = arith.addi %sub3A_302, %add3A_579 : i32
    %add3A_581 = arith.constant 64 : i32
    %add3A_582 = arith.addi %add3A_580, %add3A_581 : i32
    %add3A_583 = vector.broadcast %add3A_582 : i32 to vector<16xi32>
    %add3A_584 = arith.addi %add3A_583, %iota3A : vector<16xi32>
    %gather3A_585 = tpu.vector_load_idx %arg5[%broadcast_in_dim3A_276, %add3A_584] : memref<2x10112xi32, #tpu.memory_space<vmem>>[vector<16xi32>, vector<16xi32>], vector<16xi32>,
    %dma_start3A_586 = arith.constant 0 : i32
    %dma_start3A_587 = arith.constant 0 : i32
    %dma_start3A_588 = arith.constant 0 : i32
    %dma_start3A_589 = tpu.memref_slice %arg6[%dma_start3A_586, %dma_start3A_587, %dma_start3A_588] : memref<2x80x128xf32, #tpu.memory_space<vmem>> -> memref<1x80x128xf32, #tpu.memory_space<vmem>>
    %dma_start3A_590 = tpu.memref_squeeze %dma_start3A_589 : memref<1x80x128xf32, #tpu.memory_space<vmem>> -> memref<80x128xf32, #tpu.memory_space<vmem>>
    %dma_start3A_591 = arith.constant 64 : i32
    %dma_start3A_592 = arith.constant 0 : i32
    %dma_start3A_593 = tpu.memref_slice %dma_start3A_590[%dma_start3A_591, %dma_start3A_592] : memref<80x128xf32, #tpu.memory_space<vmem>> -> memref<16x128xf32, #tpu.memory_space<vmem>>
    %dma_start3A_594 = arith.constant 0 : i32
    %dma_start3A_595 = arith.constant 0 : i32
    %dma_start3A_596 = tpu.memref_slice %arg7[%dma_start3A_594, %dma_start3A_595] : memref<10240x128xf32, #tpu.memory_space<vmem_shared>> -> memref<10240x128xf32, #tpu.memory_space<vmem_shared>>
    tpu.enqueue_indirect_dma source(%dma_start3A_593 : memref<16x128xf32, #tpu.memory_space<vmem>>) target(%dma_start3A_596 : memref<10240x128xf32, #tpu.memory_space<vmem_shared>>) offsets(%gather3A_585 : vector<16xi32>) semaphore(%arg10 : memref<!tpu.dma_semaphore, #tpu.memory_space<semaphore_mem>>) {add = true}
    %dma_wait3A_597 = arith.constant 0 : i32
    %dma_wait3A_598 = arith.constant 0 : i32
    %dma_wait3A_599 = arith.constant 0 : i32
    %dma_wait3A_600 = tpu.memref_slice %arg6[%dma_wait3A_597, %dma_wait3A_598, %dma_wait3A_599] : memref<2x80x128xf32, #tpu.memory_space<vmem>> -> memref<1x80x128xf32, #tpu.memory_space<vmem>>
    %dma_wait3A_601 = tpu.memref_squeeze %dma_wait3A_600 : memref<1x80x128xf32, #tpu.memory_space<vmem>> -> memref<80x128xf32, #tpu.memory_space<vmem>>
    %dma_wait3A_602 = arith.constant 0 : i32
    %dma_wait3A_603 = arith.constant 0 : i32
    %dma_wait3A_604 = tpu.memref_slice %dma_wait3A_601[%dma_wait3A_602, %dma_wait3A_603] : memref<80x128xf32, #tpu.memory_space<vmem>> -> memref<16x128xf32, #tpu.memory_space<vmem>>
    %dma_wait3A_605 = arith.constant 0 : i32
    %dma_wait3A_606 = arith.constant 0 : i32
    %dma_wait3A_607 = tpu.memref_slice %arg7[%dma_wait3A_605, %dma_wait3A_606] : memref<10240x128xf32, #tpu.memory_space<vmem_shared>> -> memref<10240x128xf32, #tpu.memory_space<vmem_shared>>
    tpu.wait_indirect_dma semaphore(%arg10 : memref<!tpu.dma_semaphore, #tpu.memory_space<semaphore_mem>>) src(%dma_wait3A_604 : memref<16x128xf32, #tpu.memory_space<vmem>>) dst(%dma_wait3A_607 : memref<10240x128xf32, #tpu.memory_space<vmem_shared>>)
    %dma_wait3A_608 = arith.constant 0 : i32
    %dma_wait3A_609 = arith.constant 0 : i32
    %dma_wait3A_610 = arith.constant 0 : i32
    %dma_wait3A_611 = tpu.memref_slice %arg6[%dma_wait3A_608, %dma_wait3A_609, %dma_wait3A_610] : memref<2x80x128xf32, #tpu.memory_space<vmem>> -> memref<1x80x128xf32, #tpu.memory_space<vmem>>
    %dma_wait3A_612 = tpu.memref_squeeze %dma_wait3A_611 : memref<1x80x128xf32, #tpu.memory_space<vmem>> -> memref<80x128xf32, #tpu.memory_space<vmem>>
    %dma_wait3A_613 = arith.constant 16 : i32
    %dma_wait3A_614 = arith.constant 0 : i32
    %dma_wait3A_615 = tpu.memref_slice %dma_wait3A_612[%dma_wait3A_613, %dma_wait3A_614] : memref<80x128xf32, #tpu.memory_space<vmem>> -> memref<16x128xf32, #tpu.memory_space<vmem>>
    %dma_wait3A_616 = arith.constant 0 : i32
    %dma_wait3A_617 = arith.constant 0 : i32
    %dma_wait3A_618 = tpu.memref_slice %arg7[%dma_wait3A_616, %dma_wait3A_617] : memref<10240x128xf32, #tpu.memory_space<vmem_shared>> -> memref<10240x128xf32, #tpu.memory_space<vmem_shared>>
    tpu.wait_indirect_dma semaphore(%arg10 : memref<!tpu.dma_semaphore, #tpu.memory_space<semaphore_mem>>) src(%dma_wait3A_615 : memref<16x128xf32, #tpu.memory_space<vmem>>) dst(%dma_wait3A_618 : memref<10240x128xf32, #tpu.memory_space<vmem_shared>>)
    %dma_wait3A_619 = arith.constant 0 : i32
    %dma_wait3A_620 = arith.constant 0 : i32
    %dma_wait3A_621 = arith.constant 0 : i32
    %dma_wait3A_622 = tpu.memref_slice %arg6[%dma_wait3A_619, %dma_wait3A_620, %dma_wait3A_621] : memref<2x80x128xf32, #tpu.memory_space<vmem>> -> memref<1x80x128xf32, #tpu.memory_space<vmem>>
    %dma_wait3A_623 = tpu.memref_squeeze %dma_wait3A_622 : memref<1x80x128xf32, #tpu.memory_space<vmem>> -> memref<80x128xf32, #tpu.memory_space<vmem>>
    %dma_wait3A_624 = arith.constant 32 : i32
    %dma_wait3A_625 = arith.constant 0 : i32
    %dma_wait3A_626 = tpu.memref_slice %dma_wait3A_623[%dma_wait3A_624, %dma_wait3A_625] : memref<80x128xf32, #tpu.memory_space<vmem>> -> memref<16x128xf32, #tpu.memory_space<vmem>>
    %dma_wait3A_627 = arith.constant 0 : i32
    %dma_wait3A_628 = arith.constant 0 : i32
    %dma_wait3A_629 = tpu.memref_slice %arg7[%dma_wait3A_627, %dma_wait3A_628] : memref<10240x128xf32, #tpu.memory_space<vmem_shared>> -> memref<10240x128xf32, #tpu.memory_space<vmem_shared>>
    tpu.wait_indirect_dma semaphore(%arg10 : memref<!tpu.dma_semaphore, #tpu.memory_space<semaphore_mem>>) src(%dma_wait3A_626 : memref<16x128xf32, #tpu.memory_space<vmem>>) dst(%dma_wait3A_629 : memref<10240x128xf32, #tpu.memory_space<vmem_shared>>)
    %dma_wait3A_630 = arith.constant 0 : i32
    %dma_wait3A_631 = arith.constant 0 : i32
    %dma_wait3A_632 = arith.constant 0 : i32
    %dma_wait3A_633 = tpu.memref_slice %arg6[%dma_wait3A_630, %dma_wait3A_631, %dma_wait3A_632] : memref<2x80x128xf32, #tpu.memory_space<vmem>> -> memref<1x80x128xf32, #tpu.memory_space<vmem>>
    %dma_wait3A_634 = tpu.memref_squeeze %dma_wait3A_633 : memref<1x80x128xf32, #tpu.memory_space<vmem>> -> memref<80x128xf32, #tpu.memory_space<vmem>>
    %dma_wait3A_635 = arith.constant 48 : i32
    %dma_wait3A_636 = arith.constant 0 : i32
    %dma_wait3A_637 = tpu.memref_slice %dma_wait3A_634[%dma_wait3A_635, %dma_wait3A_636] : memref<80x128xf32, #tpu.memory_space<vmem>> -> memref<16x128xf32, #tpu.memory_space<vmem>>
    %dma_wait3A_638 = arith.constant 0 : i32
    %dma_wait3A_639 = arith.constant 0 : i32
    %dma_wait3A_640 = tpu.memref_slice %arg7[%dma_wait3A_638, %dma_wait3A_639] : memref<10240x128xf32, #tpu.memory_space<vmem_shared>> -> memref<10240x128xf32, #tpu.memory_space<vmem_shared>>
    tpu.wait_indirect_dma semaphore(%arg10 : memref<!tpu.dma_semaphore, #tpu.memory_space<semaphore_mem>>) src(%dma_wait3A_637 : memref<16x128xf32, #tpu.memory_space<vmem>>) dst(%dma_wait3A_640 : memref<10240x128xf32, #tpu.memory_space<vmem_shared>>)
    %dma_wait3A_641 = arith.constant 0 : i32
    %dma_wait3A_642 = arith.constant 0 : i32
    %dma_wait3A_643 = arith.constant 0 : i32
    %dma_wait3A_644 = tpu.memref_slice %arg6[%dma_wait3A_641, %dma_wait3A_642, %dma_wait3A_643] : memref<2x80x128xf32, #tpu.memory_space<vmem>> -> memref<1x80x128xf32, #tpu.memory_space<vmem>>
    %dma_wait3A_645 = tpu.memref_squeeze %dma_wait3A_644 : memref<1x80x128xf32, #tpu.memory_space<vmem>> -> memref<80x128xf32, #tpu.memory_space<vmem>>
    %dma_wait3A_646 = arith.constant 64 : i32
    %dma_wait3A_647 = arith.constant 0 : i32
    %dma_wait3A_648 = tpu.memref_slice %dma_wait3A_645[%dma_wait3A_646, %dma_wait3A_647] : memref<80x128xf32, #tpu.memory_space<vmem>> -> memref<16x128xf32, #tpu.memory_space<vmem>>
    %dma_wait3A_649 = arith.constant 0 : i32
    %dma_wait3A_650 = arith.constant 0 : i32
    %dma_wait3A_651 = tpu.memref_slice %arg7[%dma_wait3A_649, %dma_wait3A_650] : memref<10240x128xf32, #tpu.memory_space<vmem_shared>> -> memref<10240x128xf32, #tpu.memory_space<vmem_shared>>
    tpu.wait_indirect_dma semaphore(%arg10 : memref<!tpu.dma_semaphore, #tpu.memory_space<semaphore_mem>>) src(%dma_wait3A_648 : memref<16x128xf32, #tpu.memory_space<vmem>>) dst(%dma_wait3A_651 : memref<10240x128xf32, #tpu.memory_space<vmem_shared>>)
    %barrier3A_652 = arith.constant 0 : index
    tpu.barrier barrier_id(%barrier3A_652)
    %mul3A_653 = arith.constant 640 : i32
    %mul3A_654 = arith.muli %arg1, %mul3A_653 : i32
    %add3A_655 = arith.constant 0 : i32
    %add3A_656 = arith.addi %mul3A_654, %add3A_655 : i32
    "tpu.region"() ({
      %run_scoped3A = tpu.sem_alloc : memref<!tpu.dma_semaphore, #tpu.memory_space<semaphore_mem>>
      %dma_start3A_673 = arith.constant 0 : i32
      %dma_start3A_674 = tpu.memref_slice %arg4[%arg0, %add3A_656, %dma_start3A_673] : memref<2x10240x128xf32, #tpu.memory_space<hbm>> -> memref<1x128x128xf32, #tpu.memory_space<hbm>>
      %dma_start3A_675 = tpu.memref_squeeze %dma_start3A_674 : memref<1x128x128xf32, #tpu.memory_space<hbm>> -> memref<128x128xf32, #tpu.memory_space<hbm>>
      %dma_start3A_676 = arith.constant 0 : i32
      %dma_start3A_677 = tpu.memref_slice %arg7[%add3A_656, %dma_start3A_676] : memref<10240x128xf32, #tpu.memory_space<vmem_shared>> -> memref<128x128xf32, #tpu.memory_space<vmem_shared>>
      tpu.enqueue_dma source(%dma_start3A_677 : memref<128x128xf32, #tpu.memory_space<vmem_shared>>) target(%dma_start3A_675 : memref<128x128xf32, #tpu.memory_space<hbm>>) target_semaphore(%run_scoped3A : memref<!tpu.dma_semaphore, #tpu.memory_space<semaphore_mem>>)
      %dma_wait3A_678 = arith.constant 0 : i32
      %dma_wait3A_679 = tpu.memref_slice %arg4[%arg0, %add3A_656, %dma_wait3A_678] : memref<2x10240x128xf32, #tpu.memory_space<hbm>> -> memref<1x128x128xf32, #tpu.memory_space<hbm>>
      %dma_wait3A_680 = tpu.memref_squeeze %dma_wait3A_679 : memref<1x128x128xf32, #tpu.memory_space<hbm>> -> memref<128x128xf32, #tpu.memory_space<hbm>>
      %dma_wait3A_681 = arith.constant 0 : i32
      %dma_wait3A_682 = tpu.memref_slice %arg7[%add3A_656, %dma_wait3A_681] : memref<10240x128xf32, #tpu.memory_space<vmem_shared>> -> memref<128x128xf32, #tpu.memory_space<vmem_shared>>
      tpu.wait_dma2 semaphore(%run_scoped3A : memref<!tpu.dma_semaphore, #tpu.memory_space<semaphore_mem>>) src(%dma_wait3A_682 : memref<128x128xf32, #tpu.memory_space<vmem_shared>>) dst(%dma_wait3A_680 : memref<128x128xf32, #tpu.memory_space<hbm>>)
      tpu.yield
    }) : () -> ()
    %mul3A_657 = arith.constant 640 : i32
    %mul3A_658 = arith.muli %arg1, %mul3A_657 : i32
    %add3A_659 = arith.constant 128 : i32
    %add3A_660 = arith.addi %mul3A_658, %add3A_659 : i32
    "tpu.region"() ({
      %run_scoped3A = tpu.sem_alloc : memref<!tpu.dma_semaphore, #tpu.memory_space<semaphore_mem>>
      %dma_start3A_673 = arith.constant 0 : i32
      %dma_start3A_674 = tpu.memref_slice %arg4[%arg0, %add3A_660, %dma_start3A_673] : memref<2x10240x128xf32, #tpu.memory_space<hbm>> -> memref<1x128x128xf32, #tpu.memory_space<hbm>>
      %dma_start3A_675 = tpu.memref_squeeze %dma_start3A_674 : memref<1x128x128xf32, #tpu.memory_space<hbm>> -> memref<128x128xf32, #tpu.memory_space<hbm>>
      %dma_start3A_676 = arith.constant 0 : i32
      %dma_start3A_677 = tpu.memref_slice %arg7[%add3A_660, %dma_start3A_676] : memref<10240x128xf32, #tpu.memory_space<vmem_shared>> -> memref<128x128xf32, #tpu.memory_space<vmem_shared>>
      tpu.enqueue_dma source(%dma_start3A_677 : memref<128x128xf32, #tpu.memory_space<vmem_shared>>) target(%dma_start3A_675 : memref<128x128xf32, #tpu.memory_space<hbm>>) target_semaphore(%run_scoped3A : memref<!tpu.dma_semaphore, #tpu.memory_space<semaphore_mem>>)
      %dma_wait3A_678 = arith.constant 0 : i32
      %dma_wait3A_679 = tpu.memref_slice %arg4[%arg0, %add3A_660, %dma_wait3A_678] : memref<2x10240x128xf32, #tpu.memory_space<hbm>> -> memref<1x128x128xf32, #tpu.memory_space<hbm>>
      %dma_wait3A_680 = tpu.memref_squeeze %dma_wait3A_679 : memref<1x128x128xf32, #tpu.memory_space<hbm>> -> memref<128x128xf32, #tpu.memory_space<hbm>>
      %dma_wait3A_681 = arith.constant 0 : i32
      %dma_wait3A_682 = tpu.memref_slice %arg7[%add3A_660, %dma_wait3A_681] : memref<10240x128xf32, #tpu.memory_space<vmem_shared>> -> memref<128x128xf32, #tpu.memory_space<vmem_shared>>
      tpu.wait_dma2 semaphore(%run_scoped3A : memref<!tpu.dma_semaphore, #tpu.memory_space<semaphore_mem>>) src(%dma_wait3A_682 : memref<128x128xf32, #tpu.memory_space<vmem_shared>>) dst(%dma_wait3A_680 : memref<128x128xf32, #tpu.memory_space<hbm>>)
      tpu.yield
    }) : () -> ()
    %mul3A_661 = arith.constant 640 : i32
    %mul3A_662 = arith.muli %arg1, %mul3A_661 : i32
    %add3A_663 = arith.constant 256 : i32
    %add3A_664 = arith.addi %mul3A_662, %add3A_663 : i32
    "tpu.region"() ({
      %run_scoped3A = tpu.sem_alloc : memref<!tpu.dma_semaphore, #tpu.memory_space<semaphore_mem>>
      %dma_start3A_673 = arith.constant 0 : i32
      %dma_start3A_674 = tpu.memref_slice %arg4[%arg0, %add3A_664, %dma_start3A_673] : memref<2x10240x128xf32, #tpu.memory_space<hbm>> -> memref<1x128x128xf32, #tpu.memory_space<hbm>>
      %dma_start3A_675 = tpu.memref_squeeze %dma_start3A_674 : memref<1x128x128xf32, #tpu.memory_space<hbm>> -> memref<128x128xf32, #tpu.memory_space<hbm>>
      %dma_start3A_676 = arith.constant 0 : i32
      %dma_start3A_677 = tpu.memref_slice %arg7[%add3A_664, %dma_start3A_676] : memref<10240x128xf32, #tpu.memory_space<vmem_shared>> -> memref<128x128xf32, #tpu.memory_space<vmem_shared>>
      tpu.enqueue_dma source(%dma_start3A_677 : memref<128x128xf32, #tpu.memory_space<vmem_shared>>) target(%dma_start3A_675 : memref<128x128xf32, #tpu.memory_space<hbm>>) target_semaphore(%run_scoped3A : memref<!tpu.dma_semaphore, #tpu.memory_space<semaphore_mem>>)
      %dma_wait3A_678 = arith.constant 0 : i32
      %dma_wait3A_679 = tpu.memref_slice %arg4[%arg0, %add3A_664, %dma_wait3A_678] : memref<2x10240x128xf32, #tpu.memory_space<hbm>> -> memref<1x128x128xf32, #tpu.memory_space<hbm>>
      %dma_wait3A_680 = tpu.memref_squeeze %dma_wait3A_679 : memref<1x128x128xf32, #tpu.memory_space<hbm>> -> memref<128x128xf32, #tpu.memory_space<hbm>>
      %dma_wait3A_681 = arith.constant 0 : i32
      %dma_wait3A_682 = tpu.memref_slice %arg7[%add3A_664, %dma_wait3A_681] : memref<10240x128xf32, #tpu.memory_space<vmem_shared>> -> memref<128x128xf32, #tpu.memory_space<vmem_shared>>
      tpu.wait_dma2 semaphore(%run_scoped3A : memref<!tpu.dma_semaphore, #tpu.memory_space<semaphore_mem>>) src(%dma_wait3A_682 : memref<128x128xf32, #tpu.memory_space<vmem_shared>>) dst(%dma_wait3A_680 : memref<128x128xf32, #tpu.memory_space<hbm>>)
      tpu.yield
    }) : () -> ()
    %mul3A_665 = arith.constant 640 : i32
    %mul3A_666 = arith.muli %arg1, %mul3A_665 : i32
    %add3A_667 = arith.constant 384 : i32
    %add3A_668 = arith.addi %mul3A_666, %add3A_667 : i32
    "tpu.region"() ({
      %run_scoped3A = tpu.sem_alloc : memref<!tpu.dma_semaphore, #tpu.memory_space<semaphore_mem>>
      %dma_start3A_673 = arith.constant 0 : i32
      %dma_start3A_674 = tpu.memref_slice %arg4[%arg0, %add3A_668, %dma_start3A_673] : memref<2x10240x128xf32, #tpu.memory_space<hbm>> -> memref<1x128x128xf32, #tpu.memory_space<hbm>>
      %dma_start3A_675 = tpu.memref_squeeze %dma_start3A_674 : memref<1x128x128xf32, #tpu.memory_space<hbm>> -> memref<128x128xf32, #tpu.memory_space<hbm>>
      %dma_start3A_676 = arith.constant 0 : i32
      %dma_start3A_677 = tpu.memref_slice %arg7[%add3A_668, %dma_start3A_676] : memref<10240x128xf32, #tpu.memory_space<vmem_shared>> -> memref<128x128xf32, #tpu.memory_space<vmem_shared>>
      tpu.enqueue_dma source(%dma_start3A_677 : memref<128x128xf32, #tpu.memory_space<vmem_shared>>) target(%dma_start3A_675 : memref<128x128xf32, #tpu.memory_space<hbm>>) target_semaphore(%run_scoped3A : memref<!tpu.dma_semaphore, #tpu.memory_space<semaphore_mem>>)
      %dma_wait3A_678 = arith.constant 0 : i32
      %dma_wait3A_679 = tpu.memref_slice %arg4[%arg0, %add3A_668, %dma_wait3A_678] : memref<2x10240x128xf32, #tpu.memory_space<hbm>> -> memref<1x128x128xf32, #tpu.memory_space<hbm>>
      %dma_wait3A_680 = tpu.memref_squeeze %dma_wait3A_679 : memref<1x128x128xf32, #tpu.memory_space<hbm>> -> memref<128x128xf32, #tpu.memory_space<hbm>>
      %dma_wait3A_681 = arith.constant 0 : i32
      %dma_wait3A_682 = tpu.memref_slice %arg7[%add3A_668, %dma_wait3A_681] : memref<10240x128xf32, #tpu.memory_space<vmem_shared>> -> memref<128x128xf32, #tpu.memory_space<vmem_shared>>
      tpu.wait_dma2 semaphore(%run_scoped3A : memref<!tpu.dma_semaphore, #tpu.memory_space<semaphore_mem>>) src(%dma_wait3A_682 : memref<128x128xf32, #tpu.memory_space<vmem_shared>>) dst(%dma_wait3A_680 : memref<128x128xf32, #tpu.memory_space<hbm>>)
      tpu.yield
    }) : () -> ()
    %mul3A_669 = arith.constant 640 : i32
    %mul3A_670 = arith.muli %arg1, %mul3A_669 : i32
    %add3A_671 = arith.constant 512 : i32
    %add3A_672 = arith.addi %mul3A_670, %add3A_671 : i32
    "tpu.region"() ({
      %run_scoped3A = tpu.sem_alloc : memref<!tpu.dma_semaphore, #tpu.memory_space<semaphore_mem>>
      %dma_start3A_673 = arith.constant 0 : i32
      %dma_start3A_674 = tpu.memref_slice %arg4[%arg0, %add3A_672, %dma_start3A_673] : memref<2x10240x128xf32, #tpu.memory_space<hbm>> -> memref<1x128x128xf32, #tpu.memory_space<hbm>>
      %dma_start3A_675 = tpu.memref_squeeze %dma_start3A_674 : memref<1x128x128xf32, #tpu.memory_space<hbm>> -> memref<128x128xf32, #tpu.memory_space<hbm>>
      %dma_start3A_676 = arith.constant 0 : i32
      %dma_start3A_677 = tpu.memref_slice %arg7[%add3A_672, %dma_start3A_676] : memref<10240x128xf32, #tpu.memory_space<vmem_shared>> -> memref<128x128xf32, #tpu.memory_space<vmem_shared>>
      tpu.enqueue_dma source(%dma_start3A_677 : memref<128x128xf32, #tpu.memory_space<vmem_shared>>) target(%dma_start3A_675 : memref<128x128xf32, #tpu.memory_space<hbm>>) target_semaphore(%run_scoped3A : memref<!tpu.dma_semaphore, #tpu.memory_space<semaphore_mem>>)
      %dma_wait3A_678 = arith.constant 0 : i32
      %dma_wait3A_679 = tpu.memref_slice %arg4[%arg0, %add3A_672, %dma_wait3A_678] : memref<2x10240x128xf32, #tpu.memory_space<hbm>> -> memref<1x128x128xf32, #tpu.memory_space<hbm>>
      %dma_wait3A_680 = tpu.memref_squeeze %dma_wait3A_679 : memref<1x128x128xf32, #tpu.memory_space<hbm>> -> memref<128x128xf32, #tpu.memory_space<hbm>>
      %dma_wait3A_681 = arith.constant 0 : i32
      %dma_wait3A_682 = tpu.memref_slice %arg7[%add3A_672, %dma_wait3A_681] : memref<10240x128xf32, #tpu.memory_space<vmem_shared>> -> memref<128x128xf32, #tpu.memory_space<vmem_shared>>
      tpu.wait_dma2 semaphore(%run_scoped3A : memref<!tpu.dma_semaphore, #tpu.memory_space<semaphore_mem>>) src(%dma_wait3A_682 : memref<128x128xf32, #tpu.memory_space<vmem_shared>>) dst(%dma_wait3A_680 : memref<128x128xf32, #tpu.memory_space<hbm>>)
      tpu.yield
    }) : () -> ()
    return
  }
}

#map = affine_map<(d0, d1) -> (0, 0)>
#map1 = affine_map<(d0, d1) -> (0)>
module attributes {stable_mosaic.version = 14 : i64} {
  func.func @_k1(%arg0: i32, %arg1: i32, %arg2: memref<10000x128xf32, #tpu.memory_space<hbm>>, %arg3: memref<2x320000xi32, #tpu.memory_space<hbm>>, %arg4: memref<10240x128xf32, #tpu.memory_space<hbm>>, %arg5: memref<10240xf32, #tpu.memory_space<hbm>>, %arg6: memref<2x20096xi32, #tpu.memory_space<vmem>>, %arg7: memref<10240xf32, #tpu.memory_space<vmem>>, %arg8: memref<10240xf32, #tpu.memory_space<vmem>>, %arg9: memref<16x2x640xf32, #tpu.memory_space<vmem>>, %arg10: memref<640xf32, #tpu.memory_space<vmem>>, %arg11: memref<640xf32, #tpu.memory_space<vmem>>, %arg12: memref<640xf32, #tpu.memory_space<vmem>>, %arg13: memref<640xf32, #tpu.memory_space<vmem>>, %arg14: memref<2x80x128xf32, #tpu.memory_space<vmem>>, %arg15: memref<16x2x10240xf32, #tpu.memory_space<vmem_shared>>, %arg16: memref<!tpu.dma_semaphore, #tpu.memory_space<semaphore_mem>>, %arg17: memref<!tpu.dma_semaphore, #tpu.memory_space<semaphore_mem>>) attributes {dimension_semantics = [#tpu.dimension_semantics<core_parallel>, #tpu.dimension_semantics<subcore_parallel>], iteration_bounds = array<i64: 2, 16>, scalar_prefetch = 0 : i64, scratch_operands = 12 : i64, tpu.core_type = #tpu.core_type<sc_vector_subcore>, window_params = [{transform_indices = #map}, {transform_indices = #map}, {transform_indices = #map}, {transform_indices = #map1}]} {
    %broadcast_in_dim3A = arith.constant 1.000000e+00 : f32
    %broadcast_in_dim3A_0 = vector.broadcast %broadcast_in_dim3A : f32 to vector<16xf32>
    %broadcast_in_dim3A_1 = arith.constant 0.000000e+00 : f32
    %broadcast_in_dim3A_2 = vector.broadcast %broadcast_in_dim3A_1 : f32 to vector<16xf32>
    %mul3A = arith.constant 20000 : i32
    %mul3A_3 = arith.muli %arg1, %mul3A : i32
    %jit3A = arith.constant 128 : i32
    %div3A = arith.divsi %mul3A_3, %jit3A : i32
    %sign3A = arith.constant 0 : i32
    %sign3A_4 = arith.cmpi sgt, %mul3A_3, %sign3A : i32
    %sign3A_5 = arith.extui %sign3A_4 : i1 to i32
    %sign3A_6 = arith.constant 0 : i32
    %sign3A_7 = arith.cmpi slt, %mul3A_3, %sign3A_6 : i32
    %sign3A_8 = arith.extui %sign3A_7 : i1 to i32
    %sign3A_9 = arith.subi %sign3A_5, %sign3A_8 : i32
    %sign3A_10 = arith.constant 0 : i32
    %sign3A_11 = arith.cmpi sgt, %jit3A, %sign3A_10 : i32
    %sign3A_12 = arith.extui %sign3A_11 : i1 to i32
    %sign3A_13 = arith.constant 0 : i32
    %sign3A_14 = arith.cmpi slt, %jit3A, %sign3A_13 : i32
    %sign3A_15 = arith.extui %sign3A_14 : i1 to i32
    %sign3A_16 = arith.subi %sign3A_12, %sign3A_15 : i32
    %ne3A = arith.cmpi ne, %sign3A_9, %sign3A_16 : i32
    %rem3A = arith.remsi %mul3A_3, %jit3A : i32
    %ne3A_17 = arith.constant 0 : i32
    %ne3A_18 = arith.cmpi ne, %rem3A, %ne3A_17 : i32
    %and3A = arith.andi %ne3A, %ne3A_18 : i1
    %sub3A = arith.constant 1 : i32
    %sub3A_19 = arith.subi %div3A, %sub3A : i32
    %select_n3A = arith.select %and3A, %sub3A_19, %div3A : i32
    %mul3A_20 = arith.constant 128 : i32
    %mul3A_21 = arith.muli %select_n3A, %mul3A_20 : i32
    %sub3A_22 = arith.subi %mul3A_3, %mul3A_21 : i32
    %dma_start3A = arith.constant 0 : i32
    %dma_start3A_23 = tpu.memref_slice %arg3[%dma_start3A, %mul3A_21] : memref<2x320000xi32, #tpu.memory_space<hbm>> -> memref<2x20096xi32, #tpu.memory_space<hbm>>
    %dma_start3A_24 = arith.constant 0 : i32
    %dma_start3A_25 = tpu.memref_slice %arg3[%dma_start3A_24, %mul3A_21] : memref<2x320000xi32, #tpu.memory_space<hbm>> -> memref<2x20096xi32, #tpu.memory_space<hbm>>
    tpu.enqueue_dma source(%dma_start3A_25 : memref<2x20096xi32, #tpu.memory_space<hbm>>) target(%arg6 : memref<2x20096xi32, #tpu.memory_space<vmem>>) target_semaphore(%arg16 : memref<!tpu.dma_semaphore, #tpu.memory_space<semaphore_mem>>)
    %scan3A = arith.constant 0 : i32
    %scan3A_26 = arith.constant 640 : i32
    %scan3A_27 = arith.addi %scan3A, %scan3A_26 : i32
    %scan3A_28 = arith.constant 1 : i32
    scf.for %scan3A_251 = %scan3A to %scan3A_27 step %scan3A_28  : i32 {
      %mul3A_252 = arith.constant 16 : i32
      %mul3A_253 = arith.muli %scan3A_251, %mul3A_252 : i32
      %swap3A = arith.index_cast %mul3A_253 : i32 to index
      %swap3A_254 = tpu.vector_load %arg7[%swap3A] {strides = array<i32>} : memref<10240xf32, #tpu.memory_space<vmem>>, vector<16xf32>,
      tpu.vector_store %arg7[%swap3A], %broadcast_in_dim3A_2 {strides = array<i32>} : memref<10240xf32, #tpu.memory_space<vmem>>, vector<16xf32>,
      %mul3A_255 = arith.constant 16 : i32
      %mul3A_256 = arith.muli %scan3A_251, %mul3A_255 : i32
      %swap3A_257 = arith.index_cast %mul3A_256 : i32 to index
      %swap3A_258 = tpu.vector_load %arg8[%swap3A_257] {strides = array<i32>} : memref<10240xf32, #tpu.memory_space<vmem>>, vector<16xf32>,
      tpu.vector_store %arg8[%swap3A_257], %broadcast_in_dim3A_2 {strides = array<i32>} : memref<10240xf32, #tpu.memory_space<vmem>>, vector<16xf32>,
    }
    %scan3A_29 = arith.constant 640 : i32
    %dma_wait3A = arith.constant 0 : i32
    %dma_wait3A_30 = tpu.memref_slice %arg3[%dma_wait3A, %mul3A_21] : memref<2x320000xi32, #tpu.memory_space<hbm>> -> memref<2x20096xi32, #tpu.memory_space<hbm>>
    %dma_wait3A_31 = arith.constant 0 : i32
    %dma_wait3A_32 = tpu.memref_slice %arg3[%dma_wait3A_31, %mul3A_21] : memref<2x320000xi32, #tpu.memory_space<hbm>> -> memref<2x20096xi32, #tpu.memory_space<hbm>>
    tpu.wait_dma2 semaphore(%arg16 : memref<!tpu.dma_semaphore, #tpu.memory_space<semaphore_mem>>) src(%dma_wait3A_32 : memref<2x20096xi32, #tpu.memory_space<hbm>>) dst(%arg6 : memref<2x20096xi32, #tpu.memory_space<vmem>>)
    %iota3A = tpu.iota {dimensions = array<i32: 0>} : vector<16xi32>
    %broadcast_in_dim3A_33 = arith.constant 0 : i32
    %broadcast_in_dim3A_34 = vector.broadcast %broadcast_in_dim3A_33 : i32 to vector<16xi32>
    %broadcast_in_dim3A_35 = arith.constant 1 : i32
    %broadcast_in_dim3A_36 = vector.broadcast %broadcast_in_dim3A_35 : i32 to vector<16xi32>
    %scan3A_37 = arith.constant 0 : i32
    %scan3A_38 = arith.constant 1250 : i32
    %scan3A_39 = arith.addi %scan3A_37, %scan3A_38 : i32
    %scan3A_40 = arith.constant 1 : i32
    scf.for %scan3A_251 = %scan3A_37 to %scan3A_39 step %scan3A_40  : i32 {
      %mul3A_252 = arith.constant 16 : i32
      %mul3A_253 = arith.muli %scan3A_251, %mul3A_252 : i32
      %add3A_254 = arith.addi %sub3A_22, %mul3A_253 : i32
      %add3A_255 = vector.broadcast %add3A_254 : i32 to vector<16xi32>
      %add3A_256 = arith.addi %add3A_255, %iota3A : vector<16xi32>
      %gather3A = tpu.vector_load_idx %arg6[%broadcast_in_dim3A_34, %add3A_256] : memref<2x20096xi32, #tpu.memory_space<vmem>>[vector<16xi32>, vector<16xi32>], vector<16xi32>,
      %gather3A_257 = tpu.vector_load_idx %arg6[%broadcast_in_dim3A_36, %add3A_256] : memref<2x20096xi32, #tpu.memory_space<vmem>>[vector<16xi32>, vector<16xi32>], vector<16xi32>,
      tpu.vector_store_idx %arg7[%gather3A], %broadcast_in_dim3A_0 {add = true} : memref<10240xf32, #tpu.memory_space<vmem>>[vector<16xi32>], vector<16xf32>,
      tpu.vector_store_idx %arg8[%gather3A_257], %broadcast_in_dim3A_0 {add = true} : memref<10240xf32, #tpu.memory_space<vmem>>[vector<16xi32>], vector<16xf32>,
    }
    %scan3A_41 = arith.constant 1250 : i32
    %run_scoped3A = arith.constant 0 : i32
    "tpu.region"() ({
      %run_scoped3A_251 = tpu.sem_alloc : memref<!tpu.dma_semaphore, #tpu.memory_space<semaphore_mem>>
      %dma_start3A_252 = arith.constant 0 : i32
      %dma_start3A_253 = tpu.memref_slice %arg15[%arg1, %run_scoped3A, %dma_start3A_252] : memref<16x2x10240xf32, #tpu.memory_space<vmem_shared>> -> memref<1x1x10240xf32, #tpu.memory_space<vmem_shared>>
      %dma_start3A_254 = tpu.memref_squeeze %dma_start3A_253 : memref<1x1x10240xf32, #tpu.memory_space<vmem_shared>> -> memref<10240xf32, #tpu.memory_space<vmem_shared>>
      %dma_start3A_255 = arith.constant 0 : i32
      %dma_start3A_256 = tpu.memref_slice %arg15[%arg1, %run_scoped3A, %dma_start3A_255] : memref<16x2x10240xf32, #tpu.memory_space<vmem_shared>> -> memref<1x1x10240xf32, #tpu.memory_space<vmem_shared>>
      %dma_start3A_257 = tpu.memref_squeeze %dma_start3A_256 : memref<1x1x10240xf32, #tpu.memory_space<vmem_shared>> -> memref<10240xf32, #tpu.memory_space<vmem_shared>>
      tpu.enqueue_dma source(%arg7 : memref<10240xf32, #tpu.memory_space<vmem>>) target(%dma_start3A_257 : memref<10240xf32, #tpu.memory_space<vmem_shared>>) target_semaphore(%run_scoped3A_251 : memref<!tpu.dma_semaphore, #tpu.memory_space<semaphore_mem>>)
      %dma_wait3A_258 = arith.constant 0 : i32
      %dma_wait3A_259 = tpu.memref_slice %arg15[%arg1, %run_scoped3A, %dma_wait3A_258] : memref<16x2x10240xf32, #tpu.memory_space<vmem_shared>> -> memref<1x1x10240xf32, #tpu.memory_space<vmem_shared>>
      %dma_wait3A_260 = tpu.memref_squeeze %dma_wait3A_259 : memref<1x1x10240xf32, #tpu.memory_space<vmem_shared>> -> memref<10240xf32, #tpu.memory_space<vmem_shared>>
      %dma_wait3A_261 = arith.constant 0 : i32
      %dma_wait3A_262 = tpu.memref_slice %arg15[%arg1, %run_scoped3A, %dma_wait3A_261] : memref<16x2x10240xf32, #tpu.memory_space<vmem_shared>> -> memref<1x1x10240xf32, #tpu.memory_space<vmem_shared>>
      %dma_wait3A_263 = tpu.memref_squeeze %dma_wait3A_262 : memref<1x1x10240xf32, #tpu.memory_space<vmem_shared>> -> memref<10240xf32, #tpu.memory_space<vmem_shared>>
      tpu.wait_dma2 semaphore(%run_scoped3A_251 : memref<!tpu.dma_semaphore, #tpu.memory_space<semaphore_mem>>) src(%arg7 : memref<10240xf32, #tpu.memory_space<vmem>>) dst(%dma_wait3A_263 : memref<10240xf32, #tpu.memory_space<vmem_shared>>)
      tpu.yield
    }) : () -> ()
    %run_scoped3A_42 = arith.constant 1 : i32
    "tpu.region"() ({
      %run_scoped3A_251 = tpu.sem_alloc : memref<!tpu.dma_semaphore, #tpu.memory_space<semaphore_mem>>
      %dma_start3A_252 = arith.constant 0 : i32
      %dma_start3A_253 = tpu.memref_slice %arg15[%arg1, %run_scoped3A_42, %dma_start3A_252] : memref<16x2x10240xf32, #tpu.memory_space<vmem_shared>> -> memref<1x1x10240xf32, #tpu.memory_space<vmem_shared>>
      %dma_start3A_254 = tpu.memref_squeeze %dma_start3A_253 : memref<1x1x10240xf32, #tpu.memory_space<vmem_shared>> -> memref<10240xf32, #tpu.memory_space<vmem_shared>>
      %dma_start3A_255 = arith.constant 0 : i32
      %dma_start3A_256 = tpu.memref_slice %arg15[%arg1, %run_scoped3A_42, %dma_start3A_255] : memref<16x2x10240xf32, #tpu.memory_space<vmem_shared>> -> memref<1x1x10240xf32, #tpu.memory_space<vmem_shared>>
      %dma_start3A_257 = tpu.memref_squeeze %dma_start3A_256 : memref<1x1x10240xf32, #tpu.memory_space<vmem_shared>> -> memref<10240xf32, #tpu.memory_space<vmem_shared>>
      tpu.enqueue_dma source(%arg8 : memref<10240xf32, #tpu.memory_space<vmem>>) target(%dma_start3A_257 : memref<10240xf32, #tpu.memory_space<vmem_shared>>) target_semaphore(%run_scoped3A_251 : memref<!tpu.dma_semaphore, #tpu.memory_space<semaphore_mem>>)
      %dma_wait3A_258 = arith.constant 0 : i32
      %dma_wait3A_259 = tpu.memref_slice %arg15[%arg1, %run_scoped3A_42, %dma_wait3A_258] : memref<16x2x10240xf32, #tpu.memory_space<vmem_shared>> -> memref<1x1x10240xf32, #tpu.memory_space<vmem_shared>>
      %dma_wait3A_260 = tpu.memref_squeeze %dma_wait3A_259 : memref<1x1x10240xf32, #tpu.memory_space<vmem_shared>> -> memref<10240xf32, #tpu.memory_space<vmem_shared>>
      %dma_wait3A_261 = arith.constant 0 : i32
      %dma_wait3A_262 = tpu.memref_slice %arg15[%arg1, %run_scoped3A_42, %dma_wait3A_261] : memref<16x2x10240xf32, #tpu.memory_space<vmem_shared>> -> memref<1x1x10240xf32, #tpu.memory_space<vmem_shared>>
      %dma_wait3A_263 = tpu.memref_squeeze %dma_wait3A_262 : memref<1x1x10240xf32, #tpu.memory_space<vmem_shared>> -> memref<10240xf32, #tpu.memory_space<vmem_shared>>
      tpu.wait_dma2 semaphore(%run_scoped3A_251 : memref<!tpu.dma_semaphore, #tpu.memory_space<semaphore_mem>>) src(%arg8 : memref<10240xf32, #tpu.memory_space<vmem>>) dst(%dma_wait3A_263 : memref<10240xf32, #tpu.memory_space<vmem_shared>>)
      tpu.yield
    }) : () -> ()
    %barrier3A = arith.constant 0 : index
    tpu.barrier barrier_id(%barrier3A)
    %mul3A_43 = arith.constant 640 : i32
    %mul3A_44 = arith.muli %arg1, %mul3A_43 : i32
    "tpu.region"() ({
      %run_scoped3A_251 = tpu.sem_alloc : memref<!tpu.dma_semaphore, #tpu.memory_space<semaphore_mem>>
      %dma_start3A_252 = arith.constant 0 : i32
      %dma_start3A_253 = arith.constant 0 : i32
      %dma_start3A_254 = tpu.memref_slice %arg15[%dma_start3A_252, %dma_start3A_253, %mul3A_44] : memref<16x2x10240xf32, #tpu.memory_space<vmem_shared>> -> memref<16x2x640xf32, #tpu.memory_space<vmem_shared>>
      %dma_start3A_255 = arith.constant 0 : i32
      %dma_start3A_256 = arith.constant 0 : i32
      %dma_start3A_257 = tpu.memref_slice %arg15[%dma_start3A_255, %dma_start3A_256, %mul3A_44] : memref<16x2x10240xf32, #tpu.memory_space<vmem_shared>> -> memref<16x2x640xf32, #tpu.memory_space<vmem_shared>>
      tpu.enqueue_dma source(%dma_start3A_257 : memref<16x2x640xf32, #tpu.memory_space<vmem_shared>>) target(%arg9 : memref<16x2x640xf32, #tpu.memory_space<vmem>>) target_semaphore(%run_scoped3A_251 : memref<!tpu.dma_semaphore, #tpu.memory_space<semaphore_mem>>)
      %dma_wait3A_258 = arith.constant 0 : i32
      %dma_wait3A_259 = arith.constant 0 : i32
      %dma_wait3A_260 = tpu.memref_slice %arg15[%dma_wait3A_258, %dma_wait3A_259, %mul3A_44] : memref<16x2x10240xf32, #tpu.memory_space<vmem_shared>> -> memref<16x2x640xf32, #tpu.memory_space<vmem_shared>>
      %dma_wait3A_261 = arith.constant 0 : i32
      %dma_wait3A_262 = arith.constant 0 : i32
      %dma_wait3A_263 = tpu.memref_slice %arg15[%dma_wait3A_261, %dma_wait3A_262, %mul3A_44] : memref<16x2x10240xf32, #tpu.memory_space<vmem_shared>> -> memref<16x2x640xf32, #tpu.memory_space<vmem_shared>>
      tpu.wait_dma2 semaphore(%run_scoped3A_251 : memref<!tpu.dma_semaphore, #tpu.memory_space<semaphore_mem>>) src(%dma_wait3A_263 : memref<16x2x640xf32, #tpu.memory_space<vmem_shared>>) dst(%arg9 : memref<16x2x640xf32, #tpu.memory_space<vmem>>)
      tpu.yield
    }) : () -> ()
    %scan3A_45 = arith.constant 0 : i32
    %scan3A_46 = arith.constant 40 : i32
    %scan3A_47 = arith.addi %scan3A_45, %scan3A_46 : i32
    %scan3A_48 = arith.constant 1 : i32
    scf.for %scan3A_251 = %scan3A_45 to %scan3A_47 step %scan3A_48  : i32 {
      %mul3A_252 = arith.constant 16 : i32
      %mul3A_253 = arith.muli %scan3A_251, %mul3A_252 : i32
      %get3A = arith.constant 0 : i32
      %get3A_254 = arith.constant 0 : i32
      %get3A_255 = arith.index_cast %get3A : i32 to index
      %get3A_256 = arith.index_cast %get3A_254 : i32 to index
      %get3A_257 = arith.index_cast %mul3A_253 : i32 to index
      %get3A_258 = tpu.vector_load %arg9[%get3A_255, %get3A_256, %get3A_257] {strides = array<i32>} : memref<16x2x640xf32, #tpu.memory_space<vmem>>, vector<16xf32>,
      %mul3A_259 = arith.constant 16 : i32
      %mul3A_260 = arith.muli %scan3A_251, %mul3A_259 : i32
      %swap3A = arith.index_cast %mul3A_260 : i32 to index
      %swap3A_261 = tpu.vector_load %arg10[%swap3A] {strides = array<i32>} : memref<640xf32, #tpu.memory_space<vmem>>, vector<16xf32>,
      tpu.vector_store %arg10[%swap3A], %get3A_258 {strides = array<i32>} : memref<640xf32, #tpu.memory_space<vmem>>, vector<16xf32>,
      %mul3A_262 = arith.constant 16 : i32
      %mul3A_263 = arith.muli %scan3A_251, %mul3A_262 : i32
      %get3A_264 = arith.constant 0 : i32
      %get3A_265 = arith.constant 1 : i32
      %get3A_266 = arith.index_cast %get3A_264 : i32 to index
      %get3A_267 = arith.index_cast %get3A_265 : i32 to index
      %get3A_268 = arith.index_cast %mul3A_263 : i32 to index
      %get3A_269 = tpu.vector_load %arg9[%get3A_266, %get3A_267, %get3A_268] {strides = array<i32>} : memref<16x2x640xf32, #tpu.memory_space<vmem>>, vector<16xf32>,
      %mul3A_270 = arith.constant 16 : i32
      %mul3A_271 = arith.muli %scan3A_251, %mul3A_270 : i32
      %swap3A_272 = arith.index_cast %mul3A_271 : i32 to index
      %swap3A_273 = tpu.vector_load %arg11[%swap3A_272] {strides = array<i32>} : memref<640xf32, #tpu.memory_space<vmem>>, vector<16xf32>,
      tpu.vector_store %arg11[%swap3A_272], %get3A_269 {strides = array<i32>} : memref<640xf32, #tpu.memory_space<vmem>>, vector<16xf32>,
    }
    %scan3A_49 = arith.constant 40 : i32
    %scan3A_50 = arith.constant 0 : i32
    %scan3A_51 = arith.constant 40 : i32
    %scan3A_52 = arith.addi %scan3A_50, %scan3A_51 : i32
    %scan3A_53 = arith.constant 1 : i32
    scf.for %scan3A_251 = %scan3A_50 to %scan3A_52 step %scan3A_53  : i32 {
      %mul3A_252 = arith.constant 16 : i32
      %mul3A_253 = arith.muli %scan3A_251, %mul3A_252 : i32
      %get3A = arith.index_cast %mul3A_253 : i32 to index
      %get3A_254 = tpu.vector_load %arg10[%get3A] {strides = array<i32>} : memref<640xf32, #tpu.memory_space<vmem>>, vector<16xf32>,
      %mul3A_255 = arith.constant 16 : i32
      %mul3A_256 = arith.muli %scan3A_251, %mul3A_255 : i32
      %get3A_257 = arith.constant 1 : i32
      %get3A_258 = arith.constant 0 : i32
      %get3A_259 = arith.index_cast %get3A_257 : i32 to index
      %get3A_260 = arith.index_cast %get3A_258 : i32 to index
      %get3A_261 = arith.index_cast %mul3A_256 : i32 to index
      %get3A_262 = tpu.vector_load %arg9[%get3A_259, %get3A_260, %get3A_261] {strides = array<i32>} : memref<16x2x640xf32, #tpu.memory_space<vmem>>, vector<16xf32>,
      %add3A_263 = arith.addf %get3A_254, %get3A_262 : vector<16xf32>
      %mul3A_264 = arith.constant 16 : i32
      %mul3A_265 = arith.muli %scan3A_251, %mul3A_264 : i32
      %swap3A = arith.index_cast %mul3A_265 : i32 to index
      %swap3A_266 = tpu.vector_load %arg10[%swap3A] {strides = array<i32>} : memref<640xf32, #tpu.memory_space<vmem>>, vector<16xf32>,
      tpu.vector_store %arg10[%swap3A], %add3A_263 {strides = array<i32>} : memref<640xf32, #tpu.memory_space<vmem>>, vector<16xf32>,
      %mul3A_267 = arith.constant 16 : i32
      %mul3A_268 = arith.muli %scan3A_251, %mul3A_267 : i32
      %get3A_269 = arith.index_cast %mul3A_268 : i32 to index
      %get3A_270 = tpu.vector_load %arg11[%get3A_269] {strides = array<i32>} : memref<640xf32, #tpu.memory_space<vmem>>, vector<16xf32>,
      %mul3A_271 = arith.constant 16 : i32
      %mul3A_272 = arith.muli %scan3A_251, %mul3A_271 : i32
      %get3A_273 = arith.constant 1 : i32
      %get3A_274 = arith.constant 1 : i32
      %get3A_275 = arith.index_cast %get3A_273 : i32 to index
      %get3A_276 = arith.index_cast %get3A_274 : i32 to index
      %get3A_277 = arith.index_cast %mul3A_272 : i32 to index
      %get3A_278 = tpu.vector_load %arg9[%get3A_275, %get3A_276, %get3A_277] {strides = array<i32>} : memref<16x2x640xf32, #tpu.memory_space<vmem>>, vector<16xf32>,
      %add3A_279 = arith.addf %get3A_270, %get3A_278 : vector<16xf32>
      %mul3A_280 = arith.constant 16 : i32
      %mul3A_281 = arith.muli %scan3A_251, %mul3A_280 : i32
      %swap3A_282 = arith.index_cast %mul3A_281 : i32 to index
      %swap3A_283 = tpu.vector_load %arg11[%swap3A_282] {strides = array<i32>} : memref<640xf32, #tpu.memory_space<vmem>>, vector<16xf32>,
      tpu.vector_store %arg11[%swap3A_282], %add3A_279 {strides = array<i32>} : memref<640xf32, #tpu.memory_space<vmem>>, vector<16xf32>,
    }
    %scan3A_54 = arith.constant 40 : i32
    %scan3A_55 = arith.constant 0 : i32
    %scan3A_56 = arith.constant 40 : i32
    %scan3A_57 = arith.addi %scan3A_55, %scan3A_56 : i32
    %scan3A_58 = arith.constant 1 : i32
    scf.for %scan3A_251 = %scan3A_55 to %scan3A_57 step %scan3A_58  : i32 {
      %mul3A_252 = arith.constant 16 : i32
      %mul3A_253 = arith.muli %scan3A_251, %mul3A_252 : i32
      %get3A = arith.index_cast %mul3A_253 : i32 to index
      %get3A_254 = tpu.vector_load %arg10[%get3A] {strides = array<i32>} : memref<640xf32, #tpu.memory_space<vmem>>, vector<16xf32>,
      %mul3A_255 = arith.constant 16 : i32
      %mul3A_256 = arith.muli %scan3A_251, %mul3A_255 : i32
      %get3A_257 = arith.constant 2 : i32
      %get3A_258 = arith.constant 0 : i32
      %get3A_259 = arith.index_cast %get3A_257 : i32 to index
      %get3A_260 = arith.index_cast %get3A_258 : i32 to index
      %get3A_261 = arith.index_cast %mul3A_256 : i32 to index
      %get3A_262 = tpu.vector_load %arg9[%get3A_259, %get3A_260, %get3A_261] {strides = array<i32>} : memref<16x2x640xf32, #tpu.memory_space<vmem>>, vector<16xf32>,
      %add3A_263 = arith.addf %get3A_254, %get3A_262 : vector<16xf32>
      %mul3A_264 = arith.constant 16 : i32
      %mul3A_265 = arith.muli %scan3A_251, %mul3A_264 : i32
      %swap3A = arith.index_cast %mul3A_265 : i32 to index
      %swap3A_266 = tpu.vector_load %arg10[%swap3A] {strides = array<i32>} : memref<640xf32, #tpu.memory_space<vmem>>, vector<16xf32>,
      tpu.vector_store %arg10[%swap3A], %add3A_263 {strides = array<i32>} : memref<640xf32, #tpu.memory_space<vmem>>, vector<16xf32>,
      %mul3A_267 = arith.constant 16 : i32
      %mul3A_268 = arith.muli %scan3A_251, %mul3A_267 : i32
      %get3A_269 = arith.index_cast %mul3A_268 : i32 to index
      %get3A_270 = tpu.vector_load %arg11[%get3A_269] {strides = array<i32>} : memref<640xf32, #tpu.memory_space<vmem>>, vector<16xf32>,
      %mul3A_271 = arith.constant 16 : i32
      %mul3A_272 = arith.muli %scan3A_251, %mul3A_271 : i32
      %get3A_273 = arith.constant 2 : i32
      %get3A_274 = arith.constant 1 : i32
      %get3A_275 = arith.index_cast %get3A_273 : i32 to index
      %get3A_276 = arith.index_cast %get3A_274 : i32 to index
      %get3A_277 = arith.index_cast %mul3A_272 : i32 to index
      %get3A_278 = tpu.vector_load %arg9[%get3A_275, %get3A_276, %get3A_277] {strides = array<i32>} : memref<16x2x640xf32, #tpu.memory_space<vmem>>, vector<16xf32>,
      %add3A_279 = arith.addf %get3A_270, %get3A_278 : vector<16xf32>
      %mul3A_280 = arith.constant 16 : i32
      %mul3A_281 = arith.muli %scan3A_251, %mul3A_280 : i32
      %swap3A_282 = arith.index_cast %mul3A_281 : i32 to index
      %swap3A_283 = tpu.vector_load %arg11[%swap3A_282] {strides = array<i32>} : memref<640xf32, #tpu.memory_space<vmem>>, vector<16xf32>,
      tpu.vector_store %arg11[%swap3A_282], %add3A_279 {strides = array<i32>} : memref<640xf32, #tpu.memory_space<vmem>>, vector<16xf32>,
    }
    %scan3A_59 = arith.constant 40 : i32
    %scan3A_60 = arith.constant 0 : i32
    %scan3A_61 = arith.constant 40 : i32
    %scan3A_62 = arith.addi %scan3A_60, %scan3A_61 : i32
    %scan3A_63 = arith.constant 1 : i32
    scf.for %scan3A_251 = %scan3A_60 to %scan3A_62 step %scan3A_63  : i32 {
      %mul3A_252 = arith.constant 16 : i32
      %mul3A_253 = arith.muli %scan3A_251, %mul3A_252 : i32
      %get3A = arith.index_cast %mul3A_253 : i32 to index
      %get3A_254 = tpu.vector_load %arg10[%get3A] {strides = array<i32>} : memref<640xf32, #tpu.memory_space<vmem>>, vector<16xf32>,
      %mul3A_255 = arith.constant 16 : i32
      %mul3A_256 = arith.muli %scan3A_251, %mul3A_255 : i32
      %get3A_257 = arith.constant 3 : i32
      %get3A_258 = arith.constant 0 : i32
      %get3A_259 = arith.index_cast %get3A_257 : i32 to index
      %get3A_260 = arith.index_cast %get3A_258 : i32 to index
      %get3A_261 = arith.index_cast %mul3A_256 : i32 to index
      %get3A_262 = tpu.vector_load %arg9[%get3A_259, %get3A_260, %get3A_261] {strides = array<i32>} : memref<16x2x640xf32, #tpu.memory_space<vmem>>, vector<16xf32>,
      %add3A_263 = arith.addf %get3A_254, %get3A_262 : vector<16xf32>
      %mul3A_264 = arith.constant 16 : i32
      %mul3A_265 = arith.muli %scan3A_251, %mul3A_264 : i32
      %swap3A = arith.index_cast %mul3A_265 : i32 to index
      %swap3A_266 = tpu.vector_load %arg10[%swap3A] {strides = array<i32>} : memref<640xf32, #tpu.memory_space<vmem>>, vector<16xf32>,
      tpu.vector_store %arg10[%swap3A], %add3A_263 {strides = array<i32>} : memref<640xf32, #tpu.memory_space<vmem>>, vector<16xf32>,
      %mul3A_267 = arith.constant 16 : i32
      %mul3A_268 = arith.muli %scan3A_251, %mul3A_267 : i32
      %get3A_269 = arith.index_cast %mul3A_268 : i32 to index
      %get3A_270 = tpu.vector_load %arg11[%get3A_269] {strides = array<i32>} : memref<640xf32, #tpu.memory_space<vmem>>, vector<16xf32>,
      %mul3A_271 = arith.constant 16 : i32
      %mul3A_272 = arith.muli %scan3A_251, %mul3A_271 : i32
      %get3A_273 = arith.constant 3 : i32
      %get3A_274 = arith.constant 1 : i32
      %get3A_275 = arith.index_cast %get3A_273 : i32 to index
      %get3A_276 = arith.index_cast %get3A_274 : i32 to index
      %get3A_277 = arith.index_cast %mul3A_272 : i32 to index
      %get3A_278 = tpu.vector_load %arg9[%get3A_275, %get3A_276, %get3A_277] {strides = array<i32>} : memref<16x2x640xf32, #tpu.memory_space<vmem>>, vector<16xf32>,
      %add3A_279 = arith.addf %get3A_270, %get3A_278 : vector<16xf32>
      %mul3A_280 = arith.constant 16 : i32
      %mul3A_281 = arith.muli %scan3A_251, %mul3A_280 : i32
      %swap3A_282 = arith.index_cast %mul3A_281 : i32 to index
      %swap3A_283 = tpu.vector_load %arg11[%swap3A_282] {strides = array<i32>} : memref<640xf32, #tpu.memory_space<vmem>>, vector<16xf32>,
      tpu.vector_store %arg11[%swap3A_282], %add3A_279 {strides = array<i32>} : memref<640xf32, #tpu.memory_space<vmem>>, vector<16xf32>,
    }
    %scan3A_64 = arith.constant 40 : i32
    %scan3A_65 = arith.constant 0 : i32
    %scan3A_66 = arith.constant 40 : i32
    %scan3A_67 = arith.addi %scan3A_65, %scan3A_66 : i32
    %scan3A_68 = arith.constant 1 : i32
    scf.for %scan3A_251 = %scan3A_65 to %scan3A_67 step %scan3A_68  : i32 {
      %mul3A_252 = arith.constant 16 : i32
      %mul3A_253 = arith.muli %scan3A_251, %mul3A_252 : i32
      %get3A = arith.index_cast %mul3A_253 : i32 to index
      %get3A_254 = tpu.vector_load %arg10[%get3A] {strides = array<i32>} : memref<640xf32, #tpu.memory_space<vmem>>, vector<16xf32>,
      %mul3A_255 = arith.constant 16 : i32
      %mul3A_256 = arith.muli %scan3A_251, %mul3A_255 : i32
      %get3A_257 = arith.constant 4 : i32
      %get3A_258 = arith.constant 0 : i32
      %get3A_259 = arith.index_cast %get3A_257 : i32 to index
      %get3A_260 = arith.index_cast %get3A_258 : i32 to index
      %get3A_261 = arith.index_cast %mul3A_256 : i32 to index
      %get3A_262 = tpu.vector_load %arg9[%get3A_259, %get3A_260, %get3A_261] {strides = array<i32>} : memref<16x2x640xf32, #tpu.memory_space<vmem>>, vector<16xf32>,
      %add3A_263 = arith.addf %get3A_254, %get3A_262 : vector<16xf32>
      %mul3A_264 = arith.constant 16 : i32
      %mul3A_265 = arith.muli %scan3A_251, %mul3A_264 : i32
      %swap3A = arith.index_cast %mul3A_265 : i32 to index
      %swap3A_266 = tpu.vector_load %arg10[%swap3A] {strides = array<i32>} : memref<640xf32, #tpu.memory_space<vmem>>, vector<16xf32>,
      tpu.vector_store %arg10[%swap3A], %add3A_263 {strides = array<i32>} : memref<640xf32, #tpu.memory_space<vmem>>, vector<16xf32>,
      %mul3A_267 = arith.constant 16 : i32
      %mul3A_268 = arith.muli %scan3A_251, %mul3A_267 : i32
      %get3A_269 = arith.index_cast %mul3A_268 : i32 to index
      %get3A_270 = tpu.vector_load %arg11[%get3A_269] {strides = array<i32>} : memref<640xf32, #tpu.memory_space<vmem>>, vector<16xf32>,
      %mul3A_271 = arith.constant 16 : i32
      %mul3A_272 = arith.muli %scan3A_251, %mul3A_271 : i32
      %get3A_273 = arith.constant 4 : i32
      %get3A_274 = arith.constant 1 : i32
      %get3A_275 = arith.index_cast %get3A_273 : i32 to index
      %get3A_276 = arith.index_cast %get3A_274 : i32 to index
      %get3A_277 = arith.index_cast %mul3A_272 : i32 to index
      %get3A_278 = tpu.vector_load %arg9[%get3A_275, %get3A_276, %get3A_277] {strides = array<i32>} : memref<16x2x640xf32, #tpu.memory_space<vmem>>, vector<16xf32>,
      %add3A_279 = arith.addf %get3A_270, %get3A_278 : vector<16xf32>
      %mul3A_280 = arith.constant 16 : i32
      %mul3A_281 = arith.muli %scan3A_251, %mul3A_280 : i32
      %swap3A_282 = arith.index_cast %mul3A_281 : i32 to index
      %swap3A_283 = tpu.vector_load %arg11[%swap3A_282] {strides = array<i32>} : memref<640xf32, #tpu.memory_space<vmem>>, vector<16xf32>,
      tpu.vector_store %arg11[%swap3A_282], %add3A_279 {strides = array<i32>} : memref<640xf32, #tpu.memory_space<vmem>>, vector<16xf32>,
    }
    %scan3A_69 = arith.constant 40 : i32
    %scan3A_70 = arith.constant 0 : i32
    %scan3A_71 = arith.constant 40 : i32
    %scan3A_72 = arith.addi %scan3A_70, %scan3A_71 : i32
    %scan3A_73 = arith.constant 1 : i32
    scf.for %scan3A_251 = %scan3A_70 to %scan3A_72 step %scan3A_73  : i32 {
      %mul3A_252 = arith.constant 16 : i32
      %mul3A_253 = arith.muli %scan3A_251, %mul3A_252 : i32
      %get3A = arith.index_cast %mul3A_253 : i32 to index
      %get3A_254 = tpu.vector_load %arg10[%get3A] {strides = array<i32>} : memref<640xf32, #tpu.memory_space<vmem>>, vector<16xf32>,
      %mul3A_255 = arith.constant 16 : i32
      %mul3A_256 = arith.muli %scan3A_251, %mul3A_255 : i32
      %get3A_257 = arith.constant 5 : i32
      %get3A_258 = arith.constant 0 : i32
      %get3A_259 = arith.index_cast %get3A_257 : i32 to index
      %get3A_260 = arith.index_cast %get3A_258 : i32 to index
      %get3A_261 = arith.index_cast %mul3A_256 : i32 to index
      %get3A_262 = tpu.vector_load %arg9[%get3A_259, %get3A_260, %get3A_261] {strides = array<i32>} : memref<16x2x640xf32, #tpu.memory_space<vmem>>, vector<16xf32>,
      %add3A_263 = arith.addf %get3A_254, %get3A_262 : vector<16xf32>
      %mul3A_264 = arith.constant 16 : i32
      %mul3A_265 = arith.muli %scan3A_251, %mul3A_264 : i32
      %swap3A = arith.index_cast %mul3A_265 : i32 to index
      %swap3A_266 = tpu.vector_load %arg10[%swap3A] {strides = array<i32>} : memref<640xf32, #tpu.memory_space<vmem>>, vector<16xf32>,
      tpu.vector_store %arg10[%swap3A], %add3A_263 {strides = array<i32>} : memref<640xf32, #tpu.memory_space<vmem>>, vector<16xf32>,
      %mul3A_267 = arith.constant 16 : i32
      %mul3A_268 = arith.muli %scan3A_251, %mul3A_267 : i32
      %get3A_269 = arith.index_cast %mul3A_268 : i32 to index
      %get3A_270 = tpu.vector_load %arg11[%get3A_269] {strides = array<i32>} : memref<640xf32, #tpu.memory_space<vmem>>, vector<16xf32>,
      %mul3A_271 = arith.constant 16 : i32
      %mul3A_272 = arith.muli %scan3A_251, %mul3A_271 : i32
      %get3A_273 = arith.constant 5 : i32
      %get3A_274 = arith.constant 1 : i32
      %get3A_275 = arith.index_cast %get3A_273 : i32 to index
      %get3A_276 = arith.index_cast %get3A_274 : i32 to index
      %get3A_277 = arith.index_cast %mul3A_272 : i32 to index
      %get3A_278 = tpu.vector_load %arg9[%get3A_275, %get3A_276, %get3A_277] {strides = array<i32>} : memref<16x2x640xf32, #tpu.memory_space<vmem>>, vector<16xf32>,
      %add3A_279 = arith.addf %get3A_270, %get3A_278 : vector<16xf32>
      %mul3A_280 = arith.constant 16 : i32
      %mul3A_281 = arith.muli %scan3A_251, %mul3A_280 : i32
      %swap3A_282 = arith.index_cast %mul3A_281 : i32 to index
      %swap3A_283 = tpu.vector_load %arg11[%swap3A_282] {strides = array<i32>} : memref<640xf32, #tpu.memory_space<vmem>>, vector<16xf32>,
      tpu.vector_store %arg11[%swap3A_282], %add3A_279 {strides = array<i32>} : memref<640xf32, #tpu.memory_space<vmem>>, vector<16xf32>,
    }
    %scan3A_74 = arith.constant 40 : i32
    %scan3A_75 = arith.constant 0 : i32
    %scan3A_76 = arith.constant 40 : i32
    %scan3A_77 = arith.addi %scan3A_75, %scan3A_76 : i32
    %scan3A_78 = arith.constant 1 : i32
    scf.for %scan3A_251 = %scan3A_75 to %scan3A_77 step %scan3A_78  : i32 {
      %mul3A_252 = arith.constant 16 : i32
      %mul3A_253 = arith.muli %scan3A_251, %mul3A_252 : i32
      %get3A = arith.index_cast %mul3A_253 : i32 to index
      %get3A_254 = tpu.vector_load %arg10[%get3A] {strides = array<i32>} : memref<640xf32, #tpu.memory_space<vmem>>, vector<16xf32>,
      %mul3A_255 = arith.constant 16 : i32
      %mul3A_256 = arith.muli %scan3A_251, %mul3A_255 : i32
      %get3A_257 = arith.constant 6 : i32
      %get3A_258 = arith.constant 0 : i32
      %get3A_259 = arith.index_cast %get3A_257 : i32 to index
      %get3A_260 = arith.index_cast %get3A_258 : i32 to index
      %get3A_261 = arith.index_cast %mul3A_256 : i32 to index
      %get3A_262 = tpu.vector_load %arg9[%get3A_259, %get3A_260, %get3A_261] {strides = array<i32>} : memref<16x2x640xf32, #tpu.memory_space<vmem>>, vector<16xf32>,
      %add3A_263 = arith.addf %get3A_254, %get3A_262 : vector<16xf32>
      %mul3A_264 = arith.constant 16 : i32
      %mul3A_265 = arith.muli %scan3A_251, %mul3A_264 : i32
      %swap3A = arith.index_cast %mul3A_265 : i32 to index
      %swap3A_266 = tpu.vector_load %arg10[%swap3A] {strides = array<i32>} : memref<640xf32, #tpu.memory_space<vmem>>, vector<16xf32>,
      tpu.vector_store %arg10[%swap3A], %add3A_263 {strides = array<i32>} : memref<640xf32, #tpu.memory_space<vmem>>, vector<16xf32>,
      %mul3A_267 = arith.constant 16 : i32
      %mul3A_268 = arith.muli %scan3A_251, %mul3A_267 : i32
      %get3A_269 = arith.index_cast %mul3A_268 : i32 to index
      %get3A_270 = tpu.vector_load %arg11[%get3A_269] {strides = array<i32>} : memref<640xf32, #tpu.memory_space<vmem>>, vector<16xf32>,
      %mul3A_271 = arith.constant 16 : i32
      %mul3A_272 = arith.muli %scan3A_251, %mul3A_271 : i32
      %get3A_273 = arith.constant 6 : i32
      %get3A_274 = arith.constant 1 : i32
      %get3A_275 = arith.index_cast %get3A_273 : i32 to index
      %get3A_276 = arith.index_cast %get3A_274 : i32 to index
      %get3A_277 = arith.index_cast %mul3A_272 : i32 to index
      %get3A_278 = tpu.vector_load %arg9[%get3A_275, %get3A_276, %get3A_277] {strides = array<i32>} : memref<16x2x640xf32, #tpu.memory_space<vmem>>, vector<16xf32>,
      %add3A_279 = arith.addf %get3A_270, %get3A_278 : vector<16xf32>
      %mul3A_280 = arith.constant 16 : i32
      %mul3A_281 = arith.muli %scan3A_251, %mul3A_280 : i32
      %swap3A_282 = arith.index_cast %mul3A_281 : i32 to index
      %swap3A_283 = tpu.vector_load %arg11[%swap3A_282] {strides = array<i32>} : memref<640xf32, #tpu.memory_space<vmem>>, vector<16xf32>,
      tpu.vector_store %arg11[%swap3A_282], %add3A_279 {strides = array<i32>} : memref<640xf32, #tpu.memory_space<vmem>>, vector<16xf32>,
    }
    %scan3A_79 = arith.constant 40 : i32
    %scan3A_80 = arith.constant 0 : i32
    %scan3A_81 = arith.constant 40 : i32
    %scan3A_82 = arith.addi %scan3A_80, %scan3A_81 : i32
    %scan3A_83 = arith.constant 1 : i32
    scf.for %scan3A_251 = %scan3A_80 to %scan3A_82 step %scan3A_83  : i32 {
      %mul3A_252 = arith.constant 16 : i32
      %mul3A_253 = arith.muli %scan3A_251, %mul3A_252 : i32
      %get3A = arith.index_cast %mul3A_253 : i32 to index
      %get3A_254 = tpu.vector_load %arg10[%get3A] {strides = array<i32>} : memref<640xf32, #tpu.memory_space<vmem>>, vector<16xf32>,
      %mul3A_255 = arith.constant 16 : i32
      %mul3A_256 = arith.muli %scan3A_251, %mul3A_255 : i32
      %get3A_257 = arith.constant 7 : i32
      %get3A_258 = arith.constant 0 : i32
      %get3A_259 = arith.index_cast %get3A_257 : i32 to index
      %get3A_260 = arith.index_cast %get3A_258 : i32 to index
      %get3A_261 = arith.index_cast %mul3A_256 : i32 to index
      %get3A_262 = tpu.vector_load %arg9[%get3A_259, %get3A_260, %get3A_261] {strides = array<i32>} : memref<16x2x640xf32, #tpu.memory_space<vmem>>, vector<16xf32>,
      %add3A_263 = arith.addf %get3A_254, %get3A_262 : vector<16xf32>
      %mul3A_264 = arith.constant 16 : i32
      %mul3A_265 = arith.muli %scan3A_251, %mul3A_264 : i32
      %swap3A = arith.index_cast %mul3A_265 : i32 to index
      %swap3A_266 = tpu.vector_load %arg10[%swap3A] {strides = array<i32>} : memref<640xf32, #tpu.memory_space<vmem>>, vector<16xf32>,
      tpu.vector_store %arg10[%swap3A], %add3A_263 {strides = array<i32>} : memref<640xf32, #tpu.memory_space<vmem>>, vector<16xf32>,
      %mul3A_267 = arith.constant 16 : i32
      %mul3A_268 = arith.muli %scan3A_251, %mul3A_267 : i32
      %get3A_269 = arith.index_cast %mul3A_268 : i32 to index
      %get3A_270 = tpu.vector_load %arg11[%get3A_269] {strides = array<i32>} : memref<640xf32, #tpu.memory_space<vmem>>, vector<16xf32>,
      %mul3A_271 = arith.constant 16 : i32
      %mul3A_272 = arith.muli %scan3A_251, %mul3A_271 : i32
      %get3A_273 = arith.constant 7 : i32
      %get3A_274 = arith.constant 1 : i32
      %get3A_275 = arith.index_cast %get3A_273 : i32 to index
      %get3A_276 = arith.index_cast %get3A_274 : i32 to index
      %get3A_277 = arith.index_cast %mul3A_272 : i32 to index
      %get3A_278 = tpu.vector_load %arg9[%get3A_275, %get3A_276, %get3A_277] {strides = array<i32>} : memref<16x2x640xf32, #tpu.memory_space<vmem>>, vector<16xf32>,
      %add3A_279 = arith.addf %get3A_270, %get3A_278 : vector<16xf32>
      %mul3A_280 = arith.constant 16 : i32
      %mul3A_281 = arith.muli %scan3A_251, %mul3A_280 : i32
      %swap3A_282 = arith.index_cast %mul3A_281 : i32 to index
      %swap3A_283 = tpu.vector_load %arg11[%swap3A_282] {strides = array<i32>} : memref<640xf32, #tpu.memory_space<vmem>>, vector<16xf32>,
      tpu.vector_store %arg11[%swap3A_282], %add3A_279 {strides = array<i32>} : memref<640xf32, #tpu.memory_space<vmem>>, vector<16xf32>,
    }
    %scan3A_84 = arith.constant 40 : i32
    %scan3A_85 = arith.constant 0 : i32
    %scan3A_86 = arith.constant 40 : i32
    %scan3A_87 = arith.addi %scan3A_85, %scan3A_86 : i32
    %scan3A_88 = arith.constant 1 : i32
    scf.for %scan3A_251 = %scan3A_85 to %scan3A_87 step %scan3A_88  : i32 {
      %mul3A_252 = arith.constant 16 : i32
      %mul3A_253 = arith.muli %scan3A_251, %mul3A_252 : i32
      %get3A = arith.index_cast %mul3A_253 : i32 to index
      %get3A_254 = tpu.vector_load %arg10[%get3A] {strides = array<i32>} : memref<640xf32, #tpu.memory_space<vmem>>, vector<16xf32>,
      %mul3A_255 = arith.constant 16 : i32
      %mul3A_256 = arith.muli %scan3A_251, %mul3A_255 : i32
      %get3A_257 = arith.constant 8 : i32
      %get3A_258 = arith.constant 0 : i32
      %get3A_259 = arith.index_cast %get3A_257 : i32 to index
      %get3A_260 = arith.index_cast %get3A_258 : i32 to index
      %get3A_261 = arith.index_cast %mul3A_256 : i32 to index
      %get3A_262 = tpu.vector_load %arg9[%get3A_259, %get3A_260, %get3A_261] {strides = array<i32>} : memref<16x2x640xf32, #tpu.memory_space<vmem>>, vector<16xf32>,
      %add3A_263 = arith.addf %get3A_254, %get3A_262 : vector<16xf32>
      %mul3A_264 = arith.constant 16 : i32
      %mul3A_265 = arith.muli %scan3A_251, %mul3A_264 : i32
      %swap3A = arith.index_cast %mul3A_265 : i32 to index
      %swap3A_266 = tpu.vector_load %arg10[%swap3A] {strides = array<i32>} : memref<640xf32, #tpu.memory_space<vmem>>, vector<16xf32>,
      tpu.vector_store %arg10[%swap3A], %add3A_263 {strides = array<i32>} : memref<640xf32, #tpu.memory_space<vmem>>, vector<16xf32>,
      %mul3A_267 = arith.constant 16 : i32
      %mul3A_268 = arith.muli %scan3A_251, %mul3A_267 : i32
      %get3A_269 = arith.index_cast %mul3A_268 : i32 to index
      %get3A_270 = tpu.vector_load %arg11[%get3A_269] {strides = array<i32>} : memref<640xf32, #tpu.memory_space<vmem>>, vector<16xf32>,
      %mul3A_271 = arith.constant 16 : i32
      %mul3A_272 = arith.muli %scan3A_251, %mul3A_271 : i32
      %get3A_273 = arith.constant 8 : i32
      %get3A_274 = arith.constant 1 : i32
      %get3A_275 = arith.index_cast %get3A_273 : i32 to index
      %get3A_276 = arith.index_cast %get3A_274 : i32 to index
      %get3A_277 = arith.index_cast %mul3A_272 : i32 to index
      %get3A_278 = tpu.vector_load %arg9[%get3A_275, %get3A_276, %get3A_277] {strides = array<i32>} : memref<16x2x640xf32, #tpu.memory_space<vmem>>, vector<16xf32>,
      %add3A_279 = arith.addf %get3A_270, %get3A_278 : vector<16xf32>
      %mul3A_280 = arith.constant 16 : i32
      %mul3A_281 = arith.muli %scan3A_251, %mul3A_280 : i32
      %swap3A_282 = arith.index_cast %mul3A_281 : i32 to index
      %swap3A_283 = tpu.vector_load %arg11[%swap3A_282] {strides = array<i32>} : memref<640xf32, #tpu.memory_space<vmem>>, vector<16xf32>,
      tpu.vector_store %arg11[%swap3A_282], %add3A_279 {strides = array<i32>} : memref<640xf32, #tpu.memory_space<vmem>>, vector<16xf32>,
    }
    %scan3A_89 = arith.constant 40 : i32
    %scan3A_90 = arith.constant 0 : i32
    %scan3A_91 = arith.constant 40 : i32
    %scan3A_92 = arith.addi %scan3A_90, %scan3A_91 : i32
    %scan3A_93 = arith.constant 1 : i32
    scf.for %scan3A_251 = %scan3A_90 to %scan3A_92 step %scan3A_93  : i32 {
      %mul3A_252 = arith.constant 16 : i32
      %mul3A_253 = arith.muli %scan3A_251, %mul3A_252 : i32
      %get3A = arith.index_cast %mul3A_253 : i32 to index
      %get3A_254 = tpu.vector_load %arg10[%get3A] {strides = array<i32>} : memref<640xf32, #tpu.memory_space<vmem>>, vector<16xf32>,
      %mul3A_255 = arith.constant 16 : i32
      %mul3A_256 = arith.muli %scan3A_251, %mul3A_255 : i32
      %get3A_257 = arith.constant 9 : i32
      %get3A_258 = arith.constant 0 : i32
      %get3A_259 = arith.index_cast %get3A_257 : i32 to index
      %get3A_260 = arith.index_cast %get3A_258 : i32 to index
      %get3A_261 = arith.index_cast %mul3A_256 : i32 to index
      %get3A_262 = tpu.vector_load %arg9[%get3A_259, %get3A_260, %get3A_261] {strides = array<i32>} : memref<16x2x640xf32, #tpu.memory_space<vmem>>, vector<16xf32>,
      %add3A_263 = arith.addf %get3A_254, %get3A_262 : vector<16xf32>
      %mul3A_264 = arith.constant 16 : i32
      %mul3A_265 = arith.muli %scan3A_251, %mul3A_264 : i32
      %swap3A = arith.index_cast %mul3A_265 : i32 to index
      %swap3A_266 = tpu.vector_load %arg10[%swap3A] {strides = array<i32>} : memref<640xf32, #tpu.memory_space<vmem>>, vector<16xf32>,
      tpu.vector_store %arg10[%swap3A], %add3A_263 {strides = array<i32>} : memref<640xf32, #tpu.memory_space<vmem>>, vector<16xf32>,
      %mul3A_267 = arith.constant 16 : i32
      %mul3A_268 = arith.muli %scan3A_251, %mul3A_267 : i32
      %get3A_269 = arith.index_cast %mul3A_268 : i32 to index
      %get3A_270 = tpu.vector_load %arg11[%get3A_269] {strides = array<i32>} : memref<640xf32, #tpu.memory_space<vmem>>, vector<16xf32>,
      %mul3A_271 = arith.constant 16 : i32
      %mul3A_272 = arith.muli %scan3A_251, %mul3A_271 : i32
      %get3A_273 = arith.constant 9 : i32
      %get3A_274 = arith.constant 1 : i32
      %get3A_275 = arith.index_cast %get3A_273 : i32 to index
      %get3A_276 = arith.index_cast %get3A_274 : i32 to index
      %get3A_277 = arith.index_cast %mul3A_272 : i32 to index
      %get3A_278 = tpu.vector_load %arg9[%get3A_275, %get3A_276, %get3A_277] {strides = array<i32>} : memref<16x2x640xf32, #tpu.memory_space<vmem>>, vector<16xf32>,
      %add3A_279 = arith.addf %get3A_270, %get3A_278 : vector<16xf32>
      %mul3A_280 = arith.constant 16 : i32
      %mul3A_281 = arith.muli %scan3A_251, %mul3A_280 : i32
      %swap3A_282 = arith.index_cast %mul3A_281 : i32 to index
      %swap3A_283 = tpu.vector_load %arg11[%swap3A_282] {strides = array<i32>} : memref<640xf32, #tpu.memory_space<vmem>>, vector<16xf32>,
      tpu.vector_store %arg11[%swap3A_282], %add3A_279 {strides = array<i32>} : memref<640xf32, #tpu.memory_space<vmem>>, vector<16xf32>,
    }
    %scan3A_94 = arith.constant 40 : i32
    %scan3A_95 = arith.constant 0 : i32
    %scan3A_96 = arith.constant 40 : i32
    %scan3A_97 = arith.addi %scan3A_95, %scan3A_96 : i32
    %scan3A_98 = arith.constant 1 : i32
    scf.for %scan3A_251 = %scan3A_95 to %scan3A_97 step %scan3A_98  : i32 {
      %mul3A_252 = arith.constant 16 : i32
      %mul3A_253 = arith.muli %scan3A_251, %mul3A_252 : i32
      %get3A = arith.index_cast %mul3A_253 : i32 to index
      %get3A_254 = tpu.vector_load %arg10[%get3A] {strides = array<i32>} : memref<640xf32, #tpu.memory_space<vmem>>, vector<16xf32>,
      %mul3A_255 = arith.constant 16 : i32
      %mul3A_256 = arith.muli %scan3A_251, %mul3A_255 : i32
      %get3A_257 = arith.constant 10 : i32
      %get3A_258 = arith.constant 0 : i32
      %get3A_259 = arith.index_cast %get3A_257 : i32 to index
      %get3A_260 = arith.index_cast %get3A_258 : i32 to index
      %get3A_261 = arith.index_cast %mul3A_256 : i32 to index
      %get3A_262 = tpu.vector_load %arg9[%get3A_259, %get3A_260, %get3A_261] {strides = array<i32>} : memref<16x2x640xf32, #tpu.memory_space<vmem>>, vector<16xf32>,
      %add3A_263 = arith.addf %get3A_254, %get3A_262 : vector<16xf32>
      %mul3A_264 = arith.constant 16 : i32
      %mul3A_265 = arith.muli %scan3A_251, %mul3A_264 : i32
      %swap3A = arith.index_cast %mul3A_265 : i32 to index
      %swap3A_266 = tpu.vector_load %arg10[%swap3A] {strides = array<i32>} : memref<640xf32, #tpu.memory_space<vmem>>, vector<16xf32>,
      tpu.vector_store %arg10[%swap3A], %add3A_263 {strides = array<i32>} : memref<640xf32, #tpu.memory_space<vmem>>, vector<16xf32>,
      %mul3A_267 = arith.constant 16 : i32
      %mul3A_268 = arith.muli %scan3A_251, %mul3A_267 : i32
      %get3A_269 = arith.index_cast %mul3A_268 : i32 to index
      %get3A_270 = tpu.vector_load %arg11[%get3A_269] {strides = array<i32>} : memref<640xf32, #tpu.memory_space<vmem>>, vector<16xf32>,
      %mul3A_271 = arith.constant 16 : i32
      %mul3A_272 = arith.muli %scan3A_251, %mul3A_271 : i32
      %get3A_273 = arith.constant 10 : i32
      %get3A_274 = arith.constant 1 : i32
      %get3A_275 = arith.index_cast %get3A_273 : i32 to index
      %get3A_276 = arith.index_cast %get3A_274 : i32 to index
      %get3A_277 = arith.index_cast %mul3A_272 : i32 to index
      %get3A_278 = tpu.vector_load %arg9[%get3A_275, %get3A_276, %get3A_277] {strides = array<i32>} : memref<16x2x640xf32, #tpu.memory_space<vmem>>, vector<16xf32>,
      %add3A_279 = arith.addf %get3A_270, %get3A_278 : vector<16xf32>
      %mul3A_280 = arith.constant 16 : i32
      %mul3A_281 = arith.muli %scan3A_251, %mul3A_280 : i32
      %swap3A_282 = arith.index_cast %mul3A_281 : i32 to index
      %swap3A_283 = tpu.vector_load %arg11[%swap3A_282] {strides = array<i32>} : memref<640xf32, #tpu.memory_space<vmem>>, vector<16xf32>,
      tpu.vector_store %arg11[%swap3A_282], %add3A_279 {strides = array<i32>} : memref<640xf32, #tpu.memory_space<vmem>>, vector<16xf32>,
    }
    %scan3A_99 = arith.constant 40 : i32
    %scan3A_100 = arith.constant 0 : i32
    %scan3A_101 = arith.constant 40 : i32
    %scan3A_102 = arith.addi %scan3A_100, %scan3A_101 : i32
    %scan3A_103 = arith.constant 1 : i32
    scf.for %scan3A_251 = %scan3A_100 to %scan3A_102 step %scan3A_103  : i32 {
      %mul3A_252 = arith.constant 16 : i32
      %mul3A_253 = arith.muli %scan3A_251, %mul3A_252 : i32
      %get3A = arith.index_cast %mul3A_253 : i32 to index
      %get3A_254 = tpu.vector_load %arg10[%get3A] {strides = array<i32>} : memref<640xf32, #tpu.memory_space<vmem>>, vector<16xf32>,
      %mul3A_255 = arith.constant 16 : i32
      %mul3A_256 = arith.muli %scan3A_251, %mul3A_255 : i32
      %get3A_257 = arith.constant 11 : i32
      %get3A_258 = arith.constant 0 : i32
      %get3A_259 = arith.index_cast %get3A_257 : i32 to index
      %get3A_260 = arith.index_cast %get3A_258 : i32 to index
      %get3A_261 = arith.index_cast %mul3A_256 : i32 to index
      %get3A_262 = tpu.vector_load %arg9[%get3A_259, %get3A_260, %get3A_261] {strides = array<i32>} : memref<16x2x640xf32, #tpu.memory_space<vmem>>, vector<16xf32>,
      %add3A_263 = arith.addf %get3A_254, %get3A_262 : vector<16xf32>
      %mul3A_264 = arith.constant 16 : i32
      %mul3A_265 = arith.muli %scan3A_251, %mul3A_264 : i32
      %swap3A = arith.index_cast %mul3A_265 : i32 to index
      %swap3A_266 = tpu.vector_load %arg10[%swap3A] {strides = array<i32>} : memref<640xf32, #tpu.memory_space<vmem>>, vector<16xf32>,
      tpu.vector_store %arg10[%swap3A], %add3A_263 {strides = array<i32>} : memref<640xf32, #tpu.memory_space<vmem>>, vector<16xf32>,
      %mul3A_267 = arith.constant 16 : i32
      %mul3A_268 = arith.muli %scan3A_251, %mul3A_267 : i32
      %get3A_269 = arith.index_cast %mul3A_268 : i32 to index
      %get3A_270 = tpu.vector_load %arg11[%get3A_269] {strides = array<i32>} : memref<640xf32, #tpu.memory_space<vmem>>, vector<16xf32>,
      %mul3A_271 = arith.constant 16 : i32
      %mul3A_272 = arith.muli %scan3A_251, %mul3A_271 : i32
      %get3A_273 = arith.constant 11 : i32
      %get3A_274 = arith.constant 1 : i32
      %get3A_275 = arith.index_cast %get3A_273 : i32 to index
      %get3A_276 = arith.index_cast %get3A_274 : i32 to index
      %get3A_277 = arith.index_cast %mul3A_272 : i32 to index
      %get3A_278 = tpu.vector_load %arg9[%get3A_275, %get3A_276, %get3A_277] {strides = array<i32>} : memref<16x2x640xf32, #tpu.memory_space<vmem>>, vector<16xf32>,
      %add3A_279 = arith.addf %get3A_270, %get3A_278 : vector<16xf32>
      %mul3A_280 = arith.constant 16 : i32
      %mul3A_281 = arith.muli %scan3A_251, %mul3A_280 : i32
      %swap3A_282 = arith.index_cast %mul3A_281 : i32 to index
      %swap3A_283 = tpu.vector_load %arg11[%swap3A_282] {strides = array<i32>} : memref<640xf32, #tpu.memory_space<vmem>>, vector<16xf32>,
      tpu.vector_store %arg11[%swap3A_282], %add3A_279 {strides = array<i32>} : memref<640xf32, #tpu.memory_space<vmem>>, vector<16xf32>,
    }
    %scan3A_104 = arith.constant 40 : i32
    %scan3A_105 = arith.constant 0 : i32
    %scan3A_106 = arith.constant 40 : i32
    %scan3A_107 = arith.addi %scan3A_105, %scan3A_106 : i32
    %scan3A_108 = arith.constant 1 : i32
    scf.for %scan3A_251 = %scan3A_105 to %scan3A_107 step %scan3A_108  : i32 {
      %mul3A_252 = arith.constant 16 : i32
      %mul3A_253 = arith.muli %scan3A_251, %mul3A_252 : i32
      %get3A = arith.index_cast %mul3A_253 : i32 to index
      %get3A_254 = tpu.vector_load %arg10[%get3A] {strides = array<i32>} : memref<640xf32, #tpu.memory_space<vmem>>, vector<16xf32>,
      %mul3A_255 = arith.constant 16 : i32
      %mul3A_256 = arith.muli %scan3A_251, %mul3A_255 : i32
      %get3A_257 = arith.constant 12 : i32
      %get3A_258 = arith.constant 0 : i32
      %get3A_259 = arith.index_cast %get3A_257 : i32 to index
      %get3A_260 = arith.index_cast %get3A_258 : i32 to index
      %get3A_261 = arith.index_cast %mul3A_256 : i32 to index
      %get3A_262 = tpu.vector_load %arg9[%get3A_259, %get3A_260, %get3A_261] {strides = array<i32>} : memref<16x2x640xf32, #tpu.memory_space<vmem>>, vector<16xf32>,
      %add3A_263 = arith.addf %get3A_254, %get3A_262 : vector<16xf32>
      %mul3A_264 = arith.constant 16 : i32
      %mul3A_265 = arith.muli %scan3A_251, %mul3A_264 : i32
      %swap3A = arith.index_cast %mul3A_265 : i32 to index
      %swap3A_266 = tpu.vector_load %arg10[%swap3A] {strides = array<i32>} : memref<640xf32, #tpu.memory_space<vmem>>, vector<16xf32>,
      tpu.vector_store %arg10[%swap3A], %add3A_263 {strides = array<i32>} : memref<640xf32, #tpu.memory_space<vmem>>, vector<16xf32>,
      %mul3A_267 = arith.constant 16 : i32
      %mul3A_268 = arith.muli %scan3A_251, %mul3A_267 : i32
      %get3A_269 = arith.index_cast %mul3A_268 : i32 to index
      %get3A_270 = tpu.vector_load %arg11[%get3A_269] {strides = array<i32>} : memref<640xf32, #tpu.memory_space<vmem>>, vector<16xf32>,
      %mul3A_271 = arith.constant 16 : i32
      %mul3A_272 = arith.muli %scan3A_251, %mul3A_271 : i32
      %get3A_273 = arith.constant 12 : i32
      %get3A_274 = arith.constant 1 : i32
      %get3A_275 = arith.index_cast %get3A_273 : i32 to index
      %get3A_276 = arith.index_cast %get3A_274 : i32 to index
      %get3A_277 = arith.index_cast %mul3A_272 : i32 to index
      %get3A_278 = tpu.vector_load %arg9[%get3A_275, %get3A_276, %get3A_277] {strides = array<i32>} : memref<16x2x640xf32, #tpu.memory_space<vmem>>, vector<16xf32>,
      %add3A_279 = arith.addf %get3A_270, %get3A_278 : vector<16xf32>
      %mul3A_280 = arith.constant 16 : i32
      %mul3A_281 = arith.muli %scan3A_251, %mul3A_280 : i32
      %swap3A_282 = arith.index_cast %mul3A_281 : i32 to index
      %swap3A_283 = tpu.vector_load %arg11[%swap3A_282] {strides = array<i32>} : memref<640xf32, #tpu.memory_space<vmem>>, vector<16xf32>,
      tpu.vector_store %arg11[%swap3A_282], %add3A_279 {strides = array<i32>} : memref<640xf32, #tpu.memory_space<vmem>>, vector<16xf32>,
    }
    %scan3A_109 = arith.constant 40 : i32
    %scan3A_110 = arith.constant 0 : i32
    %scan3A_111 = arith.constant 40 : i32
    %scan3A_112 = arith.addi %scan3A_110, %scan3A_111 : i32
    %scan3A_113 = arith.constant 1 : i32
    scf.for %scan3A_251 = %scan3A_110 to %scan3A_112 step %scan3A_113  : i32 {
      %mul3A_252 = arith.constant 16 : i32
      %mul3A_253 = arith.muli %scan3A_251, %mul3A_252 : i32
      %get3A = arith.index_cast %mul3A_253 : i32 to index
      %get3A_254 = tpu.vector_load %arg10[%get3A] {strides = array<i32>} : memref<640xf32, #tpu.memory_space<vmem>>, vector<16xf32>,
      %mul3A_255 = arith.constant 16 : i32
      %mul3A_256 = arith.muli %scan3A_251, %mul3A_255 : i32
      %get3A_257 = arith.constant 13 : i32
      %get3A_258 = arith.constant 0 : i32
      %get3A_259 = arith.index_cast %get3A_257 : i32 to index
      %get3A_260 = arith.index_cast %get3A_258 : i32 to index
      %get3A_261 = arith.index_cast %mul3A_256 : i32 to index
      %get3A_262 = tpu.vector_load %arg9[%get3A_259, %get3A_260, %get3A_261] {strides = array<i32>} : memref<16x2x640xf32, #tpu.memory_space<vmem>>, vector<16xf32>,
      %add3A_263 = arith.addf %get3A_254, %get3A_262 : vector<16xf32>
      %mul3A_264 = arith.constant 16 : i32
      %mul3A_265 = arith.muli %scan3A_251, %mul3A_264 : i32
      %swap3A = arith.index_cast %mul3A_265 : i32 to index
      %swap3A_266 = tpu.vector_load %arg10[%swap3A] {strides = array<i32>} : memref<640xf32, #tpu.memory_space<vmem>>, vector<16xf32>,
      tpu.vector_store %arg10[%swap3A], %add3A_263 {strides = array<i32>} : memref<640xf32, #tpu.memory_space<vmem>>, vector<16xf32>,
      %mul3A_267 = arith.constant 16 : i32
      %mul3A_268 = arith.muli %scan3A_251, %mul3A_267 : i32
      %get3A_269 = arith.index_cast %mul3A_268 : i32 to index
      %get3A_270 = tpu.vector_load %arg11[%get3A_269] {strides = array<i32>} : memref<640xf32, #tpu.memory_space<vmem>>, vector<16xf32>,
      %mul3A_271 = arith.constant 16 : i32
      %mul3A_272 = arith.muli %scan3A_251, %mul3A_271 : i32
      %get3A_273 = arith.constant 13 : i32
      %get3A_274 = arith.constant 1 : i32
      %get3A_275 = arith.index_cast %get3A_273 : i32 to index
      %get3A_276 = arith.index_cast %get3A_274 : i32 to index
      %get3A_277 = arith.index_cast %mul3A_272 : i32 to index
      %get3A_278 = tpu.vector_load %arg9[%get3A_275, %get3A_276, %get3A_277] {strides = array<i32>} : memref<16x2x640xf32, #tpu.memory_space<vmem>>, vector<16xf32>,
      %add3A_279 = arith.addf %get3A_270, %get3A_278 : vector<16xf32>
      %mul3A_280 = arith.constant 16 : i32
      %mul3A_281 = arith.muli %scan3A_251, %mul3A_280 : i32
      %swap3A_282 = arith.index_cast %mul3A_281 : i32 to index
      %swap3A_283 = tpu.vector_load %arg11[%swap3A_282] {strides = array<i32>} : memref<640xf32, #tpu.memory_space<vmem>>, vector<16xf32>,
      tpu.vector_store %arg11[%swap3A_282], %add3A_279 {strides = array<i32>} : memref<640xf32, #tpu.memory_space<vmem>>, vector<16xf32>,
    }
    %scan3A_114 = arith.constant 40 : i32
    %scan3A_115 = arith.constant 0 : i32
    %scan3A_116 = arith.constant 40 : i32
    %scan3A_117 = arith.addi %scan3A_115, %scan3A_116 : i32
    %scan3A_118 = arith.constant 1 : i32
    scf.for %scan3A_251 = %scan3A_115 to %scan3A_117 step %scan3A_118  : i32 {
      %mul3A_252 = arith.constant 16 : i32
      %mul3A_253 = arith.muli %scan3A_251, %mul3A_252 : i32
      %get3A = arith.index_cast %mul3A_253 : i32 to index
      %get3A_254 = tpu.vector_load %arg10[%get3A] {strides = array<i32>} : memref<640xf32, #tpu.memory_space<vmem>>, vector<16xf32>,
      %mul3A_255 = arith.constant 16 : i32
      %mul3A_256 = arith.muli %scan3A_251, %mul3A_255 : i32
      %get3A_257 = arith.constant 14 : i32
      %get3A_258 = arith.constant 0 : i32
      %get3A_259 = arith.index_cast %get3A_257 : i32 to index
      %get3A_260 = arith.index_cast %get3A_258 : i32 to index
      %get3A_261 = arith.index_cast %mul3A_256 : i32 to index
      %get3A_262 = tpu.vector_load %arg9[%get3A_259, %get3A_260, %get3A_261] {strides = array<i32>} : memref<16x2x640xf32, #tpu.memory_space<vmem>>, vector<16xf32>,
      %add3A_263 = arith.addf %get3A_254, %get3A_262 : vector<16xf32>
      %mul3A_264 = arith.constant 16 : i32
      %mul3A_265 = arith.muli %scan3A_251, %mul3A_264 : i32
      %swap3A = arith.index_cast %mul3A_265 : i32 to index
      %swap3A_266 = tpu.vector_load %arg10[%swap3A] {strides = array<i32>} : memref<640xf32, #tpu.memory_space<vmem>>, vector<16xf32>,
      tpu.vector_store %arg10[%swap3A], %add3A_263 {strides = array<i32>} : memref<640xf32, #tpu.memory_space<vmem>>, vector<16xf32>,
      %mul3A_267 = arith.constant 16 : i32
      %mul3A_268 = arith.muli %scan3A_251, %mul3A_267 : i32
      %get3A_269 = arith.index_cast %mul3A_268 : i32 to index
      %get3A_270 = tpu.vector_load %arg11[%get3A_269] {strides = array<i32>} : memref<640xf32, #tpu.memory_space<vmem>>, vector<16xf32>,
      %mul3A_271 = arith.constant 16 : i32
      %mul3A_272 = arith.muli %scan3A_251, %mul3A_271 : i32
      %get3A_273 = arith.constant 14 : i32
      %get3A_274 = arith.constant 1 : i32
      %get3A_275 = arith.index_cast %get3A_273 : i32 to index
      %get3A_276 = arith.index_cast %get3A_274 : i32 to index
      %get3A_277 = arith.index_cast %mul3A_272 : i32 to index
      %get3A_278 = tpu.vector_load %arg9[%get3A_275, %get3A_276, %get3A_277] {strides = array<i32>} : memref<16x2x640xf32, #tpu.memory_space<vmem>>, vector<16xf32>,
      %add3A_279 = arith.addf %get3A_270, %get3A_278 : vector<16xf32>
      %mul3A_280 = arith.constant 16 : i32
      %mul3A_281 = arith.muli %scan3A_251, %mul3A_280 : i32
      %swap3A_282 = arith.index_cast %mul3A_281 : i32 to index
      %swap3A_283 = tpu.vector_load %arg11[%swap3A_282] {strides = array<i32>} : memref<640xf32, #tpu.memory_space<vmem>>, vector<16xf32>,
      tpu.vector_store %arg11[%swap3A_282], %add3A_279 {strides = array<i32>} : memref<640xf32, #tpu.memory_space<vmem>>, vector<16xf32>,
    }
    %scan3A_119 = arith.constant 40 : i32
    %scan3A_120 = arith.constant 0 : i32
    %scan3A_121 = arith.constant 40 : i32
    %scan3A_122 = arith.addi %scan3A_120, %scan3A_121 : i32
    %scan3A_123 = arith.constant 1 : i32
    scf.for %scan3A_251 = %scan3A_120 to %scan3A_122 step %scan3A_123  : i32 {
      %mul3A_252 = arith.constant 16 : i32
      %mul3A_253 = arith.muli %scan3A_251, %mul3A_252 : i32
      %get3A = arith.index_cast %mul3A_253 : i32 to index
      %get3A_254 = tpu.vector_load %arg10[%get3A] {strides = array<i32>} : memref<640xf32, #tpu.memory_space<vmem>>, vector<16xf32>,
      %mul3A_255 = arith.constant 16 : i32
      %mul3A_256 = arith.muli %scan3A_251, %mul3A_255 : i32
      %get3A_257 = arith.constant 15 : i32
      %get3A_258 = arith.constant 0 : i32
      %get3A_259 = arith.index_cast %get3A_257 : i32 to index
      %get3A_260 = arith.index_cast %get3A_258 : i32 to index
      %get3A_261 = arith.index_cast %mul3A_256 : i32 to index
      %get3A_262 = tpu.vector_load %arg9[%get3A_259, %get3A_260, %get3A_261] {strides = array<i32>} : memref<16x2x640xf32, #tpu.memory_space<vmem>>, vector<16xf32>,
      %add3A_263 = arith.addf %get3A_254, %get3A_262 : vector<16xf32>
      %mul3A_264 = arith.constant 16 : i32
      %mul3A_265 = arith.muli %scan3A_251, %mul3A_264 : i32
      %swap3A = arith.index_cast %mul3A_265 : i32 to index
      %swap3A_266 = tpu.vector_load %arg10[%swap3A] {strides = array<i32>} : memref<640xf32, #tpu.memory_space<vmem>>, vector<16xf32>,
      tpu.vector_store %arg10[%swap3A], %add3A_263 {strides = array<i32>} : memref<640xf32, #tpu.memory_space<vmem>>, vector<16xf32>,
      %mul3A_267 = arith.constant 16 : i32
      %mul3A_268 = arith.muli %scan3A_251, %mul3A_267 : i32
      %get3A_269 = arith.index_cast %mul3A_268 : i32 to index
      %get3A_270 = tpu.vector_load %arg11[%get3A_269] {strides = array<i32>} : memref<640xf32, #tpu.memory_space<vmem>>, vector<16xf32>,
      %mul3A_271 = arith.constant 16 : i32
      %mul3A_272 = arith.muli %scan3A_251, %mul3A_271 : i32
      %get3A_273 = arith.constant 15 : i32
      %get3A_274 = arith.constant 1 : i32
      %get3A_275 = arith.index_cast %get3A_273 : i32 to index
      %get3A_276 = arith.index_cast %get3A_274 : i32 to index
      %get3A_277 = arith.index_cast %mul3A_272 : i32 to index
      %get3A_278 = tpu.vector_load %arg9[%get3A_275, %get3A_276, %get3A_277] {strides = array<i32>} : memref<16x2x640xf32, #tpu.memory_space<vmem>>, vector<16xf32>,
      %add3A_279 = arith.addf %get3A_270, %get3A_278 : vector<16xf32>
      %mul3A_280 = arith.constant 16 : i32
      %mul3A_281 = arith.muli %scan3A_251, %mul3A_280 : i32
      %swap3A_282 = arith.index_cast %mul3A_281 : i32 to index
      %swap3A_283 = tpu.vector_load %arg11[%swap3A_282] {strides = array<i32>} : memref<640xf32, #tpu.memory_space<vmem>>, vector<16xf32>,
      tpu.vector_store %arg11[%swap3A_282], %add3A_279 {strides = array<i32>} : memref<640xf32, #tpu.memory_space<vmem>>, vector<16xf32>,
    }
    %scan3A_124 = arith.constant 40 : i32
    %scan3A_125 = arith.constant 0 : i32
    %scan3A_126 = arith.constant 40 : i32
    %scan3A_127 = arith.addi %scan3A_125, %scan3A_126 : i32
    %scan3A_128 = arith.constant 1 : i32
    scf.for %scan3A_251 = %scan3A_125 to %scan3A_127 step %scan3A_128  : i32 {
      %mul3A_252 = arith.constant 16 : i32
      %mul3A_253 = arith.muli %scan3A_251, %mul3A_252 : i32
      %get3A = arith.index_cast %mul3A_253 : i32 to index
      %get3A_254 = tpu.vector_load %arg10[%get3A] {strides = array<i32>} : memref<640xf32, #tpu.memory_space<vmem>>, vector<16xf32>,
      %max3A = arith.constant 1.000000e+00 : f32
      %max3A_255 = vector.broadcast %max3A : f32 to vector<16xf32>
      %max3A_256 = arith.maximumf %get3A_254, %max3A_255 : vector<16xf32>
      %mul3A_257 = arith.constant 16 : i32
      %mul3A_258 = arith.muli %scan3A_251, %mul3A_257 : i32
      %get3A_259 = arith.index_cast %mul3A_258 : i32 to index
      %get3A_260 = tpu.vector_load %arg11[%get3A_259] {strides = array<i32>} : memref<640xf32, #tpu.memory_space<vmem>>, vector<16xf32>,
      %max3A_261 = arith.constant 1.000000e+00 : f32
      %max3A_262 = vector.broadcast %max3A_261 : f32 to vector<16xf32>
      %max3A_263 = arith.maximumf %get3A_260, %max3A_262 : vector<16xf32>
      %bitcast3A = vector.bitcast %max3A_256 : vector<16xf32> to vector<16xi32>
      %shift_right_arithmetic3A = arith.constant 1 : i32
      %shift_right_arithmetic3A_264 = vector.broadcast %shift_right_arithmetic3A : i32 to vector<16xi32>
      %shift_right_arithmetic3A_265 = arith.shrsi %bitcast3A, %shift_right_arithmetic3A_264 : vector<16xi32>
      %sub3A_266 = arith.constant 1597463007 : i32
      %sub3A_267 = vector.broadcast %sub3A_266 : i32 to vector<16xi32>
      %sub3A_268 = arith.subi %sub3A_267, %shift_right_arithmetic3A_265 : vector<16xi32>
      %bitcast3A_269 = vector.bitcast %sub3A_268 : vector<16xi32> to vector<16xf32>
      %mul3A_270 = arith.constant 5.000000e-01 : f32
      %mul3A_271 = vector.broadcast %mul3A_270 : f32 to vector<16xf32>
      %mul3A_272 = arith.mulf %mul3A_271, %max3A_256 : vector<16xf32>
      %mul3A_273 = arith.mulf %mul3A_272, %bitcast3A_269 : vector<16xf32>
      %mul3A_274 = arith.mulf %mul3A_273, %bitcast3A_269 : vector<16xf32>
      %sub3A_275 = arith.constant 1.500000e+00 : f32
      %sub3A_276 = vector.broadcast %sub3A_275 : f32 to vector<16xf32>
      %sub3A_277 = arith.subf %sub3A_276, %mul3A_274 : vector<16xf32>
      %mul3A_278 = arith.mulf %bitcast3A_269, %sub3A_277 : vector<16xf32>
      %mul3A_279 = arith.constant 5.000000e-01 : f32
      %mul3A_280 = vector.broadcast %mul3A_279 : f32 to vector<16xf32>
      %mul3A_281 = arith.mulf %mul3A_280, %max3A_256 : vector<16xf32>
      %mul3A_282 = arith.mulf %mul3A_281, %mul3A_278 : vector<16xf32>
      %mul3A_283 = arith.mulf %mul3A_282, %mul3A_278 : vector<16xf32>
      %sub3A_284 = arith.constant 1.500000e+00 : f32
      %sub3A_285 = vector.broadcast %sub3A_284 : f32 to vector<16xf32>
      %sub3A_286 = arith.subf %sub3A_285, %mul3A_283 : vector<16xf32>
      %mul3A_287 = arith.mulf %mul3A_278, %sub3A_286 : vector<16xf32>
      %mul3A_288 = arith.constant 5.000000e-01 : f32
      %mul3A_289 = vector.broadcast %mul3A_288 : f32 to vector<16xf32>
      %mul3A_290 = arith.mulf %mul3A_289, %max3A_256 : vector<16xf32>
      %mul3A_291 = arith.mulf %mul3A_290, %mul3A_287 : vector<16xf32>
      %mul3A_292 = arith.mulf %mul3A_291, %mul3A_287 : vector<16xf32>
      %sub3A_293 = arith.constant 1.500000e+00 : f32
      %sub3A_294 = vector.broadcast %sub3A_293 : f32 to vector<16xf32>
      %sub3A_295 = arith.subf %sub3A_294, %mul3A_292 : vector<16xf32>
      %mul3A_296 = arith.mulf %mul3A_287, %sub3A_295 : vector<16xf32>
      %mul3A_297 = arith.constant 16 : i32
      %mul3A_298 = arith.muli %scan3A_251, %mul3A_297 : i32
      %swap3A = arith.index_cast %mul3A_298 : i32 to index
      %swap3A_299 = tpu.vector_load %arg12[%swap3A] {strides = array<i32>} : memref<640xf32, #tpu.memory_space<vmem>>, vector<16xf32>,
      tpu.vector_store %arg12[%swap3A], %mul3A_296 {strides = array<i32>} : memref<640xf32, #tpu.memory_space<vmem>>, vector<16xf32>,
      %bitcast3A_300 = vector.bitcast %max3A_263 : vector<16xf32> to vector<16xi32>
      %shift_right_arithmetic3A_301 = arith.constant 1 : i32
      %shift_right_arithmetic3A_302 = vector.broadcast %shift_right_arithmetic3A_301 : i32 to vector<16xi32>
      %shift_right_arithmetic3A_303 = arith.shrsi %bitcast3A_300, %shift_right_arithmetic3A_302 : vector<16xi32>
      %sub3A_304 = arith.constant 1597463007 : i32
      %sub3A_305 = vector.broadcast %sub3A_304 : i32 to vector<16xi32>
      %sub3A_306 = arith.subi %sub3A_305, %shift_right_arithmetic3A_303 : vector<16xi32>
      %bitcast3A_307 = vector.bitcast %sub3A_306 : vector<16xi32> to vector<16xf32>
      %mul3A_308 = arith.constant 5.000000e-01 : f32
      %mul3A_309 = vector.broadcast %mul3A_308 : f32 to vector<16xf32>
      %mul3A_310 = arith.mulf %mul3A_309, %max3A_263 : vector<16xf32>
      %mul3A_311 = arith.mulf %mul3A_310, %bitcast3A_307 : vector<16xf32>
      %mul3A_312 = arith.mulf %mul3A_311, %bitcast3A_307 : vector<16xf32>
      %sub3A_313 = arith.constant 1.500000e+00 : f32
      %sub3A_314 = vector.broadcast %sub3A_313 : f32 to vector<16xf32>
      %sub3A_315 = arith.subf %sub3A_314, %mul3A_312 : vector<16xf32>
      %mul3A_316 = arith.mulf %bitcast3A_307, %sub3A_315 : vector<16xf32>
      %mul3A_317 = arith.constant 5.000000e-01 : f32
      %mul3A_318 = vector.broadcast %mul3A_317 : f32 to vector<16xf32>
      %mul3A_319 = arith.mulf %mul3A_318, %max3A_263 : vector<16xf32>
      %mul3A_320 = arith.mulf %mul3A_319, %mul3A_316 : vector<16xf32>
      %mul3A_321 = arith.mulf %mul3A_320, %mul3A_316 : vector<16xf32>
      %sub3A_322 = arith.constant 1.500000e+00 : f32
      %sub3A_323 = vector.broadcast %sub3A_322 : f32 to vector<16xf32>
      %sub3A_324 = arith.subf %sub3A_323, %mul3A_321 : vector<16xf32>
      %mul3A_325 = arith.mulf %mul3A_316, %sub3A_324 : vector<16xf32>
      %mul3A_326 = arith.constant 5.000000e-01 : f32
      %mul3A_327 = vector.broadcast %mul3A_326 : f32 to vector<16xf32>
      %mul3A_328 = arith.mulf %mul3A_327, %max3A_263 : vector<16xf32>
      %mul3A_329 = arith.mulf %mul3A_328, %mul3A_325 : vector<16xf32>
      %mul3A_330 = arith.mulf %mul3A_329, %mul3A_325 : vector<16xf32>
      %sub3A_331 = arith.constant 1.500000e+00 : f32
      %sub3A_332 = vector.broadcast %sub3A_331 : f32 to vector<16xf32>
      %sub3A_333 = arith.subf %sub3A_332, %mul3A_330 : vector<16xf32>
      %mul3A_334 = arith.mulf %mul3A_325, %sub3A_333 : vector<16xf32>
      %mul3A_335 = arith.constant 16 : i32
      %mul3A_336 = arith.muli %scan3A_251, %mul3A_335 : i32
      %swap3A_337 = arith.index_cast %mul3A_336 : i32 to index
      %swap3A_338 = tpu.vector_load %arg13[%swap3A_337] {strides = array<i32>} : memref<640xf32, #tpu.memory_space<vmem>>, vector<16xf32>,
      tpu.vector_store %arg13[%swap3A_337], %mul3A_334 {strides = array<i32>} : memref<640xf32, #tpu.memory_space<vmem>>, vector<16xf32>,
    }
    %scan3A_129 = arith.constant 40 : i32
    %eq3A = arith.constant 0 : i32
    %eq3A_130 = arith.cmpi eq, %arg0, %eq3A : i32
    %convert_element_type3A = arith.extui %eq3A_130 : i1 to i32
    %cond3A = arith.constant 0 : i32
    %cond3A_131 = arith.cmpi ne, %convert_element_type3A, %cond3A : i32
    scf.if %cond3A_131 {
      "tpu.region"() ({
        %run_scoped3A_251 = tpu.sem_alloc : memref<!tpu.dma_semaphore, #tpu.memory_space<semaphore_mem>>
        %dma_start3A_252 = tpu.memref_slice %arg5[%mul3A_44] : memref<10240xf32, #tpu.memory_space<hbm>> -> memref<640xf32, #tpu.memory_space<hbm>>
        %dma_start3A_253 = tpu.memref_slice %arg5[%mul3A_44] : memref<10240xf32, #tpu.memory_space<hbm>> -> memref<640xf32, #tpu.memory_space<hbm>>
        tpu.enqueue_dma source(%arg13 : memref<640xf32, #tpu.memory_space<vmem>>) target(%dma_start3A_253 : memref<640xf32, #tpu.memory_space<hbm>>) target_semaphore(%run_scoped3A_251 : memref<!tpu.dma_semaphore, #tpu.memory_space<semaphore_mem>>)
        %dma_wait3A_254 = tpu.memref_slice %arg5[%mul3A_44] : memref<10240xf32, #tpu.memory_space<hbm>> -> memref<640xf32, #tpu.memory_space<hbm>>
        %dma_wait3A_255 = tpu.memref_slice %arg5[%mul3A_44] : memref<10240xf32, #tpu.memory_space<hbm>> -> memref<640xf32, #tpu.memory_space<hbm>>
        tpu.wait_dma2 semaphore(%run_scoped3A_251 : memref<!tpu.dma_semaphore, #tpu.memory_space<semaphore_mem>>) src(%arg13 : memref<640xf32, #tpu.memory_space<vmem>>) dst(%dma_wait3A_255 : memref<640xf32, #tpu.memory_space<hbm>>)
        tpu.yield
      }) : () -> ()
    } else {
    }
    %mul3A_132 = arith.constant 320 : i32
    %mul3A_133 = arith.muli %arg0, %mul3A_132 : i32
    %add3A = arith.addi %mul3A_44, %mul3A_133 : i32
    %add3A_134 = arith.constant 0 : i32
    %add3A_135 = arith.addi %add3A, %add3A_134 : i32
    %lt3A = arith.constant 10000 : i32
    %lt3A_136 = arith.cmpi slt, %add3A_135, %lt3A : i32
    %convert_element_type3A_137 = arith.extui %lt3A_136 : i1 to i32
    %cond3A_138 = arith.constant 0 : i32
    %cond3A_139 = arith.cmpi ne, %convert_element_type3A_137, %cond3A_138 : i32
    scf.if %cond3A_139 {
      %mul3A_251 = arith.constant 320 : i32
      %mul3A_252 = arith.muli %arg0, %mul3A_251 : i32
      %add3A_253 = arith.addi %mul3A_44, %mul3A_252 : i32
      %add3A_254 = arith.constant 0 : i32
      %add3A_255 = arith.addi %add3A_253, %add3A_254 : i32
      %dma_start3A_256 = arith.constant 0 : i32
      %dma_start3A_257 = arith.constant 0 : i32
      %dma_start3A_258 = arith.constant 0 : i32
      %dma_start3A_259 = tpu.memref_slice %arg14[%dma_start3A_256, %dma_start3A_257, %dma_start3A_258] : memref<2x80x128xf32, #tpu.memory_space<vmem>> -> memref<1x80x128xf32, #tpu.memory_space<vmem>>
      %dma_start3A_260 = tpu.memref_squeeze %dma_start3A_259 : memref<1x80x128xf32, #tpu.memory_space<vmem>> -> memref<80x128xf32, #tpu.memory_space<vmem>>
      %dma_start3A_261 = arith.constant 0 : i32
      %dma_start3A_262 = tpu.memref_slice %arg2[%add3A_255, %dma_start3A_261] : memref<10000x128xf32, #tpu.memory_space<hbm>> -> memref<80x128xf32, #tpu.memory_space<hbm>>
      %dma_start3A_263 = arith.constant 0 : i32
      %dma_start3A_264 = arith.constant 0 : i32
      %dma_start3A_265 = tpu.memref_slice %arg14[%dma_start3A_256, %dma_start3A_263, %dma_start3A_264] : memref<2x80x128xf32, #tpu.memory_space<vmem>> -> memref<1x80x128xf32, #tpu.memory_space<vmem>>
      %dma_start3A_266 = tpu.memref_squeeze %dma_start3A_265 : memref<1x80x128xf32, #tpu.memory_space<vmem>> -> memref<80x128xf32, #tpu.memory_space<vmem>>
      %dma_start3A_267 = arith.constant 0 : i32
      %dma_start3A_268 = tpu.memref_slice %arg2[%add3A_255, %dma_start3A_267] : memref<10000x128xf32, #tpu.memory_space<hbm>> -> memref<80x128xf32, #tpu.memory_space<hbm>>
      tpu.enqueue_dma source(%dma_start3A_268 : memref<80x128xf32, #tpu.memory_space<hbm>>) target(%dma_start3A_266 : memref<80x128xf32, #tpu.memory_space<vmem>>) target_semaphore(%arg16 : memref<!tpu.dma_semaphore, #tpu.memory_space<semaphore_mem>>)
    } else {
    }
    %mul3A_140 = arith.constant 320 : i32
    %mul3A_141 = arith.muli %arg0, %mul3A_140 : i32
    %add3A_142 = arith.addi %mul3A_44, %mul3A_141 : i32
    %add3A_143 = arith.constant 0 : i32
    %add3A_144 = arith.addi %add3A_142, %add3A_143 : i32
    %mul3A_145 = arith.constant 320 : i32
    %mul3A_146 = arith.muli %arg0, %mul3A_145 : i32
    %add3A_147 = arith.constant 0 : i32
    %add3A_148 = arith.addi %mul3A_146, %add3A_147 : i32
    %lt3A_149 = arith.constant 10000 : i32
    %lt3A_150 = arith.cmpi slt, %add3A_144, %lt3A_149 : i32
    %convert_element_type3A_151 = arith.extui %lt3A_150 : i1 to i32
    %cond3A_152 = arith.constant 0 : i32
    %cond3A_153 = arith.cmpi ne, %convert_element_type3A_151, %cond3A_152 : i32
    scf.if %cond3A_153 {
      %dma_wait3A_251 = arith.constant 0 : i32
      %dma_wait3A_252 = arith.constant 0 : i32
      %dma_wait3A_253 = arith.constant 0 : i32
      %dma_wait3A_254 = tpu.memref_slice %arg14[%dma_wait3A_251, %dma_wait3A_252, %dma_wait3A_253] : memref<2x80x128xf32, #tpu.memory_space<vmem>> -> memref<1x80x128xf32, #tpu.memory_space<vmem>>
      %dma_wait3A_255 = tpu.memref_squeeze %dma_wait3A_254 : memref<1x80x128xf32, #tpu.memory_space<vmem>> -> memref<80x128xf32, #tpu.memory_space<vmem>>
      %dma_wait3A_256 = arith.constant 0 : i32
      %dma_wait3A_257 = tpu.memref_slice %arg2[%add3A_144, %dma_wait3A_256] : memref<10000x128xf32, #tpu.memory_space<hbm>> -> memref<80x128xf32, #tpu.memory_space<hbm>>
      %dma_wait3A_258 = arith.constant 0 : i32
      %dma_wait3A_259 = arith.constant 0 : i32
      %dma_wait3A_260 = tpu.memref_slice %arg14[%dma_wait3A_251, %dma_wait3A_258, %dma_wait3A_259] : memref<2x80x128xf32, #tpu.memory_space<vmem>> -> memref<1x80x128xf32, #tpu.memory_space<vmem>>
      %dma_wait3A_261 = tpu.memref_squeeze %dma_wait3A_260 : memref<1x80x128xf32, #tpu.memory_space<vmem>> -> memref<80x128xf32, #tpu.memory_space<vmem>>
      %dma_wait3A_262 = arith.constant 0 : i32
      %dma_wait3A_263 = tpu.memref_slice %arg2[%add3A_144, %dma_wait3A_262] : memref<10000x128xf32, #tpu.memory_space<hbm>> -> memref<80x128xf32, #tpu.memory_space<hbm>>
      tpu.wait_dma2 semaphore(%arg16 : memref<!tpu.dma_semaphore, #tpu.memory_space<semaphore_mem>>) src(%dma_wait3A_263 : memref<80x128xf32, #tpu.memory_space<hbm>>) dst(%dma_wait3A_261 : memref<80x128xf32, #tpu.memory_space<vmem>>)
      %mul3A_264 = arith.constant 320 : i32
      %mul3A_265 = arith.muli %arg0, %mul3A_264 : i32
      %add3A_266 = arith.addi %mul3A_44, %mul3A_265 : i32
      %add3A_267 = arith.constant 80 : i32
      %add3A_268 = arith.addi %add3A_266, %add3A_267 : i32
      %lt3A_269 = arith.constant 10000 : i32
      %lt3A_270 = arith.cmpi slt, %add3A_268, %lt3A_269 : i32
      %convert_element_type3A_271 = arith.extui %lt3A_270 : i1 to i32
      %cond3A_272 = arith.constant 0 : i32
      %cond3A_273 = arith.cmpi ne, %convert_element_type3A_271, %cond3A_272 : i32
      scf.if %cond3A_273 {
        %mul3A_292 = arith.constant 320 : i32
        %mul3A_293 = arith.muli %arg0, %mul3A_292 : i32
        %add3A_294 = arith.addi %mul3A_44, %mul3A_293 : i32
        %add3A_295 = arith.constant 80 : i32
        %add3A_296 = arith.addi %add3A_294, %add3A_295 : i32
        %dma_start3A_297 = arith.constant 1 : i32
        %dma_start3A_298 = arith.constant 0 : i32
        %dma_start3A_299 = arith.constant 0 : i32
        %dma_start3A_300 = tpu.memref_slice %arg14[%dma_start3A_297, %dma_start3A_298, %dma_start3A_299] : memref<2x80x128xf32, #tpu.memory_space<vmem>> -> memref<1x80x128xf32, #tpu.memory_space<vmem>>
        %dma_start3A_301 = tpu.memref_squeeze %dma_start3A_300 : memref<1x80x128xf32, #tpu.memory_space<vmem>> -> memref<80x128xf32, #tpu.memory_space<vmem>>
        %dma_start3A_302 = arith.constant 0 : i32
        %dma_start3A_303 = tpu.memref_slice %arg2[%add3A_296, %dma_start3A_302] : memref<10000x128xf32, #tpu.memory_space<hbm>> -> memref<80x128xf32, #tpu.memory_space<hbm>>
        %dma_start3A_304 = arith.constant 0 : i32
        %dma_start3A_305 = arith.constant 0 : i32
        %dma_start3A_306 = tpu.memref_slice %arg14[%dma_start3A_297, %dma_start3A_304, %dma_start3A_305] : memref<2x80x128xf32, #tpu.memory_space<vmem>> -> memref<1x80x128xf32, #tpu.memory_space<vmem>>
        %dma_start3A_307 = tpu.memref_squeeze %dma_start3A_306 : memref<1x80x128xf32, #tpu.memory_space<vmem>> -> memref<80x128xf32, #tpu.memory_space<vmem>>
        %dma_start3A_308 = arith.constant 0 : i32
        %dma_start3A_309 = tpu.memref_slice %arg2[%add3A_296, %dma_start3A_308] : memref<10000x128xf32, #tpu.memory_space<hbm>> -> memref<80x128xf32, #tpu.memory_space<hbm>>
        tpu.enqueue_dma source(%dma_start3A_309 : memref<80x128xf32, #tpu.memory_space<hbm>>) target(%dma_start3A_307 : memref<80x128xf32, #tpu.memory_space<vmem>>) target_semaphore(%arg16 : memref<!tpu.dma_semaphore, #tpu.memory_space<semaphore_mem>>)
      } else {
      }
      %scan3A_274 = arith.constant 0 : i32
      %scan3A_275 = arith.constant 80 : i32
      %scan3A_276 = arith.addi %scan3A_274, %scan3A_275 : i32
      %scan3A_277 = arith.constant 1 : i32
      scf.for %scan3A_292 = %scan3A_274 to %scan3A_276 step %scan3A_277  : i32 {
        %add3A_293 = arith.addi %add3A_148, %scan3A_292 : i32
        %broadcast_in_dim3A_294 = vector.broadcast %add3A_293 : i32 to vector<16xi32>
        %gather3A = tpu.vector_load_idx %arg12[%broadcast_in_dim3A_294] : memref<640xf32, #tpu.memory_space<vmem>>[vector<16xi32>], vector<16xf32>,
        %get3A = arith.constant 0 : i32
        %get3A_295 = arith.index_cast %get3A : i32 to index
        %get3A_296 = arith.index_cast %scan3A_292 : i32 to index
        %get3A_297 = arith.constant 0 : index
        %get3A_298 = tpu.vector_load %arg14[%get3A_295, %get3A_296, %get3A_297] {strides = array<i32>} : memref<2x80x128xf32, #tpu.memory_space<vmem>>, vector<16xf32>,
        %mul3A_299 = arith.mulf %get3A_298, %gather3A : vector<16xf32>
        %swap3A = arith.constant 0 : i32
        %swap3A_300 = arith.index_cast %swap3A : i32 to index
        %swap3A_301 = arith.index_cast %scan3A_292 : i32 to index
        %swap3A_302 = arith.constant 0 : index
        %swap3A_303 = tpu.vector_load %arg14[%swap3A_300, %swap3A_301, %swap3A_302] {strides = array<i32>} : memref<2x80x128xf32, #tpu.memory_space<vmem>>, vector<16xf32>,
        tpu.vector_store %arg14[%swap3A_300, %swap3A_301, %swap3A_302], %mul3A_299 {strides = array<i32>} : memref<2x80x128xf32, #tpu.memory_space<vmem>>, vector<16xf32>,
        %get3A_304 = arith.constant 0 : i32
        %get3A_305 = arith.index_cast %get3A_304 : i32 to index
        %get3A_306 = arith.index_cast %scan3A_292 : i32 to index
        %get3A_307 = arith.constant 16 : index
        %get3A_308 = tpu.vector_load %arg14[%get3A_305, %get3A_306, %get3A_307] {strides = array<i32>} : memref<2x80x128xf32, #tpu.memory_space<vmem>>, vector<16xf32>,
        %mul3A_309 = arith.mulf %get3A_308, %gather3A : vector<16xf32>
        %swap3A_310 = arith.constant 0 : i32
        %swap3A_311 = arith.index_cast %swap3A_310 : i32 to index
        %swap3A_312 = arith.index_cast %scan3A_292 : i32 to index
        %swap3A_313 = arith.constant 16 : index
        %swap3A_314 = tpu.vector_load %arg14[%swap3A_311, %swap3A_312, %swap3A_313] {strides = array<i32>} : memref<2x80x128xf32, #tpu.memory_space<vmem>>, vector<16xf32>,
        tpu.vector_store %arg14[%swap3A_311, %swap3A_312, %swap3A_313], %mul3A_309 {strides = array<i32>} : memref<2x80x128xf32, #tpu.memory_space<vmem>>, vector<16xf32>,
        %get3A_315 = arith.constant 0 : i32
        %get3A_316 = arith.index_cast %get3A_315 : i32 to index
        %get3A_317 = arith.index_cast %scan3A_292 : i32 to index
        %get3A_318 = arith.constant 32 : index
        %get3A_319 = tpu.vector_load %arg14[%get3A_316, %get3A_317, %get3A_318] {strides = array<i32>} : memref<2x80x128xf32, #tpu.memory_space<vmem>>, vector<16xf32>,
        %mul3A_320 = arith.mulf %get3A_319, %gather3A : vector<16xf32>
        %swap3A_321 = arith.constant 0 : i32
        %swap3A_322 = arith.index_cast %swap3A_321 : i32 to index
        %swap3A_323 = arith.index_cast %scan3A_292 : i32 to index
        %swap3A_324 = arith.constant 32 : index
        %swap3A_325 = tpu.vector_load %arg14[%swap3A_322, %swap3A_323, %swap3A_324] {strides = array<i32>} : memref<2x80x128xf32, #tpu.memory_space<vmem>>, vector<16xf32>,
        tpu.vector_store %arg14[%swap3A_322, %swap3A_323, %swap3A_324], %mul3A_320 {strides = array<i32>} : memref<2x80x128xf32, #tpu.memory_space<vmem>>, vector<16xf32>,
        %get3A_326 = arith.constant 0 : i32
        %get3A_327 = arith.index_cast %get3A_326 : i32 to index
        %get3A_328 = arith.index_cast %scan3A_292 : i32 to index
        %get3A_329 = arith.constant 48 : index
        %get3A_330 = tpu.vector_load %arg14[%get3A_327, %get3A_328, %get3A_329] {strides = array<i32>} : memref<2x80x128xf32, #tpu.memory_space<vmem>>, vector<16xf32>,
        %mul3A_331 = arith.mulf %get3A_330, %gather3A : vector<16xf32>
        %swap3A_332 = arith.constant 0 : i32
        %swap3A_333 = arith.index_cast %swap3A_332 : i32 to index
        %swap3A_334 = arith.index_cast %scan3A_292 : i32 to index
        %swap3A_335 = arith.constant 48 : index
        %swap3A_336 = tpu.vector_load %arg14[%swap3A_333, %swap3A_334, %swap3A_335] {strides = array<i32>} : memref<2x80x128xf32, #tpu.memory_space<vmem>>, vector<16xf32>,
        tpu.vector_store %arg14[%swap3A_333, %swap3A_334, %swap3A_335], %mul3A_331 {strides = array<i32>} : memref<2x80x128xf32, #tpu.memory_space<vmem>>, vector<16xf32>,
        %get3A_337 = arith.constant 0 : i32
        %get3A_338 = arith.index_cast %get3A_337 : i32 to index
        %get3A_339 = arith.index_cast %scan3A_292 : i32 to index
        %get3A_340 = arith.constant 64 : index
        %get3A_341 = tpu.vector_load %arg14[%get3A_338, %get3A_339, %get3A_340] {strides = array<i32>} : memref<2x80x128xf32, #tpu.memory_space<vmem>>, vector<16xf32>,
        %mul3A_342 = arith.mulf %get3A_341, %gather3A : vector<16xf32>
        %swap3A_343 = arith.constant 0 : i32
        %swap3A_344 = arith.index_cast %swap3A_343 : i32 to index
        %swap3A_345 = arith.index_cast %scan3A_292 : i32 to index
        %swap3A_346 = arith.constant 64 : index
        %swap3A_347 = tpu.vector_load %arg14[%swap3A_344, %swap3A_345, %swap3A_346] {strides = array<i32>} : memref<2x80x128xf32, #tpu.memory_space<vmem>>, vector<16xf32>,
        tpu.vector_store %arg14[%swap3A_344, %swap3A_345, %swap3A_346], %mul3A_342 {strides = array<i32>} : memref<2x80x128xf32, #tpu.memory_space<vmem>>, vector<16xf32>,
        %get3A_348 = arith.constant 0 : i32
        %get3A_349 = arith.index_cast %get3A_348 : i32 to index
        %get3A_350 = arith.index_cast %scan3A_292 : i32 to index
        %get3A_351 = arith.constant 80 : index
        %get3A_352 = tpu.vector_load %arg14[%get3A_349, %get3A_350, %get3A_351] {strides = array<i32>} : memref<2x80x128xf32, #tpu.memory_space<vmem>>, vector<16xf32>,
        %mul3A_353 = arith.mulf %get3A_352, %gather3A : vector<16xf32>
        %swap3A_354 = arith.constant 0 : i32
        %swap3A_355 = arith.index_cast %swap3A_354 : i32 to index
        %swap3A_356 = arith.index_cast %scan3A_292 : i32 to index
        %swap3A_357 = arith.constant 80 : index
        %swap3A_358 = tpu.vector_load %arg14[%swap3A_355, %swap3A_356, %swap3A_357] {strides = array<i32>} : memref<2x80x128xf32, #tpu.memory_space<vmem>>, vector<16xf32>,
        tpu.vector_store %arg14[%swap3A_355, %swap3A_356, %swap3A_357], %mul3A_353 {strides = array<i32>} : memref<2x80x128xf32, #tpu.memory_space<vmem>>, vector<16xf32>,
        %get3A_359 = arith.constant 0 : i32
        %get3A_360 = arith.index_cast %get3A_359 : i32 to index
        %get3A_361 = arith.index_cast %scan3A_292 : i32 to index
        %get3A_362 = arith.constant 96 : index
        %get3A_363 = tpu.vector_load %arg14[%get3A_360, %get3A_361, %get3A_362] {strides = array<i32>} : memref<2x80x128xf32, #tpu.memory_space<vmem>>, vector<16xf32>,
        %mul3A_364 = arith.mulf %get3A_363, %gather3A : vector<16xf32>
        %swap3A_365 = arith.constant 0 : i32
        %swap3A_366 = arith.index_cast %swap3A_365 : i32 to index
        %swap3A_367 = arith.index_cast %scan3A_292 : i32 to index
        %swap3A_368 = arith.constant 96 : index
        %swap3A_369 = tpu.vector_load %arg14[%swap3A_366, %swap3A_367, %swap3A_368] {strides = array<i32>} : memref<2x80x128xf32, #tpu.memory_space<vmem>>, vector<16xf32>,
        tpu.vector_store %arg14[%swap3A_366, %swap3A_367, %swap3A_368], %mul3A_364 {strides = array<i32>} : memref<2x80x128xf32, #tpu.memory_space<vmem>>, vector<16xf32>,
        %get3A_370 = arith.constant 0 : i32
        %get3A_371 = arith.index_cast %get3A_370 : i32 to index
        %get3A_372 = arith.index_cast %scan3A_292 : i32 to index
        %get3A_373 = arith.constant 112 : index
        %get3A_374 = tpu.vector_load %arg14[%get3A_371, %get3A_372, %get3A_373] {strides = array<i32>} : memref<2x80x128xf32, #tpu.memory_space<vmem>>, vector<16xf32>,
        %mul3A_375 = arith.mulf %get3A_374, %gather3A : vector<16xf32>
        %swap3A_376 = arith.constant 0 : i32
        %swap3A_377 = arith.index_cast %swap3A_376 : i32 to index
        %swap3A_378 = arith.index_cast %scan3A_292 : i32 to index
        %swap3A_379 = arith.constant 112 : index
        %swap3A_380 = tpu.vector_load %arg14[%swap3A_377, %swap3A_378, %swap3A_379] {strides = array<i32>} : memref<2x80x128xf32, #tpu.memory_space<vmem>>, vector<16xf32>,
        tpu.vector_store %arg14[%swap3A_377, %swap3A_378, %swap3A_379], %mul3A_375 {strides = array<i32>} : memref<2x80x128xf32, #tpu.memory_space<vmem>>, vector<16xf32>,
      }
      %scan3A_278 = arith.constant 80 : i32
      %dma_start3A_279 = arith.constant 0 : i32
      %dma_start3A_280 = arith.constant 0 : i32
      %dma_start3A_281 = arith.constant 0 : i32
      %dma_start3A_282 = tpu.memref_slice %arg14[%dma_start3A_279, %dma_start3A_280, %dma_start3A_281] : memref<2x80x128xf32, #tpu.memory_space<vmem>> -> memref<1x80x128xf32, #tpu.memory_space<vmem>>
      %dma_start3A_283 = tpu.memref_squeeze %dma_start3A_282 : memref<1x80x128xf32, #tpu.memory_space<vmem>> -> memref<80x128xf32, #tpu.memory_space<vmem>>
      %dma_start3A_284 = arith.constant 0 : i32
      %dma_start3A_285 = tpu.memref_slice %arg4[%add3A_144, %dma_start3A_284] : memref<10240x128xf32, #tpu.memory_space<hbm>> -> memref<80x128xf32, #tpu.memory_space<hbm>>
      %dma_start3A_286 = arith.constant 0 : i32
      %dma_start3A_287 = tpu.memref_slice %arg4[%add3A_144, %dma_start3A_286] : memref<10240x128xf32, #tpu.memory_space<hbm>> -> memref<80x128xf32, #tpu.memory_space<hbm>>
      %dma_start3A_288 = arith.constant 0 : i32
      %dma_start3A_289 = arith.constant 0 : i32
      %dma_start3A_290 = tpu.memref_slice %arg14[%dma_start3A_279, %dma_start3A_288, %dma_start3A_289] : memref<2x80x128xf32, #tpu.memory_space<vmem>> -> memref<1x80x128xf32, #tpu.memory_space<vmem>>
      %dma_start3A_291 = tpu.memref_squeeze %dma_start3A_290 : memref<1x80x128xf32, #tpu.memory_space<vmem>> -> memref<80x128xf32, #tpu.memory_space<vmem>>
      tpu.enqueue_dma source(%dma_start3A_291 : memref<80x128xf32, #tpu.memory_space<vmem>>) target(%dma_start3A_287 : memref<80x128xf32, #tpu.memory_space<hbm>>) target_semaphore(%arg17 : memref<!tpu.dma_semaphore, #tpu.memory_space<semaphore_mem>>)
    } else {
    }
    %mul3A_154 = arith.constant 320 : i32
    %mul3A_155 = arith.muli %arg0, %mul3A_154 : i32
    %add3A_156 = arith.addi %mul3A_44, %mul3A_155 : i32
    %add3A_157 = arith.constant 80 : i32
    %add3A_158 = arith.addi %add3A_156, %add3A_157 : i32
    %mul3A_159 = arith.constant 320 : i32
    %mul3A_160 = arith.muli %arg0, %mul3A_159 : i32
    %add3A_161 = arith.constant 80 : i32
    %add3A_162 = arith.addi %mul3A_160, %add3A_161 : i32
    %lt3A_163 = arith.constant 10000 : i32
    %lt3A_164 = arith.cmpi slt, %add3A_158, %lt3A_163 : i32
    %convert_element_type3A_165 = arith.extui %lt3A_164 : i1 to i32
    %cond3A_166 = arith.constant 0 : i32
    %cond3A_167 = arith.cmpi ne, %convert_element_type3A_165, %cond3A_166 : i32
    scf.if %cond3A_167 {
      %dma_wait3A_251 = arith.constant 1 : i32
      %dma_wait3A_252 = arith.constant 0 : i32
      %dma_wait3A_253 = arith.constant 0 : i32
      %dma_wait3A_254 = tpu.memref_slice %arg14[%dma_wait3A_251, %dma_wait3A_252, %dma_wait3A_253] : memref<2x80x128xf32, #tpu.memory_space<vmem>> -> memref<1x80x128xf32, #tpu.memory_space<vmem>>
      %dma_wait3A_255 = tpu.memref_squeeze %dma_wait3A_254 : memref<1x80x128xf32, #tpu.memory_space<vmem>> -> memref<80x128xf32, #tpu.memory_space<vmem>>
      %dma_wait3A_256 = arith.constant 0 : i32
      %dma_wait3A_257 = tpu.memref_slice %arg2[%add3A_158, %dma_wait3A_256] : memref<10000x128xf32, #tpu.memory_space<hbm>> -> memref<80x128xf32, #tpu.memory_space<hbm>>
      %dma_wait3A_258 = arith.constant 0 : i32
      %dma_wait3A_259 = arith.constant 0 : i32
      %dma_wait3A_260 = tpu.memref_slice %arg14[%dma_wait3A_251, %dma_wait3A_258, %dma_wait3A_259] : memref<2x80x128xf32, #tpu.memory_space<vmem>> -> memref<1x80x128xf32, #tpu.memory_space<vmem>>
      %dma_wait3A_261 = tpu.memref_squeeze %dma_wait3A_260 : memref<1x80x128xf32, #tpu.memory_space<vmem>> -> memref<80x128xf32, #tpu.memory_space<vmem>>
      %dma_wait3A_262 = arith.constant 0 : i32
      %dma_wait3A_263 = tpu.memref_slice %arg2[%add3A_158, %dma_wait3A_262] : memref<10000x128xf32, #tpu.memory_space<hbm>> -> memref<80x128xf32, #tpu.memory_space<hbm>>
      tpu.wait_dma2 semaphore(%arg16 : memref<!tpu.dma_semaphore, #tpu.memory_space<semaphore_mem>>) src(%dma_wait3A_263 : memref<80x128xf32, #tpu.memory_space<hbm>>) dst(%dma_wait3A_261 : memref<80x128xf32, #tpu.memory_space<vmem>>)
      %mul3A_264 = arith.constant 320 : i32
      %mul3A_265 = arith.muli %arg0, %mul3A_264 : i32
      %add3A_266 = arith.addi %mul3A_44, %mul3A_265 : i32
      %add3A_267 = arith.constant 160 : i32
      %add3A_268 = arith.addi %add3A_266, %add3A_267 : i32
      %lt3A_269 = arith.constant 10000 : i32
      %lt3A_270 = arith.cmpi slt, %add3A_268, %lt3A_269 : i32
      %convert_element_type3A_271 = arith.extui %lt3A_270 : i1 to i32
      %cond3A_272 = arith.constant 0 : i32
      %cond3A_273 = arith.cmpi ne, %convert_element_type3A_271, %cond3A_272 : i32
      scf.if %cond3A_273 {
        %mul3A_292 = arith.constant 320 : i32
        %mul3A_293 = arith.muli %arg0, %mul3A_292 : i32
        %add3A_294 = arith.addi %mul3A_44, %mul3A_293 : i32
        %add3A_295 = arith.constant 160 : i32
        %add3A_296 = arith.addi %add3A_294, %add3A_295 : i32
        %dma_start3A_297 = arith.constant 0 : i32
        %dma_start3A_298 = arith.constant 0 : i32
        %dma_start3A_299 = arith.constant 0 : i32
        %dma_start3A_300 = tpu.memref_slice %arg14[%dma_start3A_297, %dma_start3A_298, %dma_start3A_299] : memref<2x80x128xf32, #tpu.memory_space<vmem>> -> memref<1x80x128xf32, #tpu.memory_space<vmem>>
        %dma_start3A_301 = tpu.memref_squeeze %dma_start3A_300 : memref<1x80x128xf32, #tpu.memory_space<vmem>> -> memref<80x128xf32, #tpu.memory_space<vmem>>
        %dma_start3A_302 = arith.constant 0 : i32
        %dma_start3A_303 = tpu.memref_slice %arg2[%add3A_296, %dma_start3A_302] : memref<10000x128xf32, #tpu.memory_space<hbm>> -> memref<80x128xf32, #tpu.memory_space<hbm>>
        %dma_start3A_304 = arith.constant 0 : i32
        %dma_start3A_305 = arith.constant 0 : i32
        %dma_start3A_306 = tpu.memref_slice %arg14[%dma_start3A_297, %dma_start3A_304, %dma_start3A_305] : memref<2x80x128xf32, #tpu.memory_space<vmem>> -> memref<1x80x128xf32, #tpu.memory_space<vmem>>
        %dma_start3A_307 = tpu.memref_squeeze %dma_start3A_306 : memref<1x80x128xf32, #tpu.memory_space<vmem>> -> memref<80x128xf32, #tpu.memory_space<vmem>>
        %dma_start3A_308 = arith.constant 0 : i32
        %dma_start3A_309 = tpu.memref_slice %arg2[%add3A_296, %dma_start3A_308] : memref<10000x128xf32, #tpu.memory_space<hbm>> -> memref<80x128xf32, #tpu.memory_space<hbm>>
        tpu.enqueue_dma source(%dma_start3A_309 : memref<80x128xf32, #tpu.memory_space<hbm>>) target(%dma_start3A_307 : memref<80x128xf32, #tpu.memory_space<vmem>>) target_semaphore(%arg16 : memref<!tpu.dma_semaphore, #tpu.memory_space<semaphore_mem>>)
      } else {
      }
      %scan3A_274 = arith.constant 0 : i32
      %scan3A_275 = arith.constant 80 : i32
      %scan3A_276 = arith.addi %scan3A_274, %scan3A_275 : i32
      %scan3A_277 = arith.constant 1 : i32
      scf.for %scan3A_292 = %scan3A_274 to %scan3A_276 step %scan3A_277  : i32 {
        %add3A_293 = arith.addi %add3A_162, %scan3A_292 : i32
        %broadcast_in_dim3A_294 = vector.broadcast %add3A_293 : i32 to vector<16xi32>
        %gather3A = tpu.vector_load_idx %arg12[%broadcast_in_dim3A_294] : memref<640xf32, #tpu.memory_space<vmem>>[vector<16xi32>], vector<16xf32>,
        %get3A = arith.constant 1 : i32
        %get3A_295 = arith.index_cast %get3A : i32 to index
        %get3A_296 = arith.index_cast %scan3A_292 : i32 to index
        %get3A_297 = arith.constant 0 : index
        %get3A_298 = tpu.vector_load %arg14[%get3A_295, %get3A_296, %get3A_297] {strides = array<i32>} : memref<2x80x128xf32, #tpu.memory_space<vmem>>, vector<16xf32>,
        %mul3A_299 = arith.mulf %get3A_298, %gather3A : vector<16xf32>
        %swap3A = arith.constant 1 : i32
        %swap3A_300 = arith.index_cast %swap3A : i32 to index
        %swap3A_301 = arith.index_cast %scan3A_292 : i32 to index
        %swap3A_302 = arith.constant 0 : index
        %swap3A_303 = tpu.vector_load %arg14[%swap3A_300, %swap3A_301, %swap3A_302] {strides = array<i32>} : memref<2x80x128xf32, #tpu.memory_space<vmem>>, vector<16xf32>,
        tpu.vector_store %arg14[%swap3A_300, %swap3A_301, %swap3A_302], %mul3A_299 {strides = array<i32>} : memref<2x80x128xf32, #tpu.memory_space<vmem>>, vector<16xf32>,
        %get3A_304 = arith.constant 1 : i32
        %get3A_305 = arith.index_cast %get3A_304 : i32 to index
        %get3A_306 = arith.index_cast %scan3A_292 : i32 to index
        %get3A_307 = arith.constant 16 : index
        %get3A_308 = tpu.vector_load %arg14[%get3A_305, %get3A_306, %get3A_307] {strides = array<i32>} : memref<2x80x128xf32, #tpu.memory_space<vmem>>, vector<16xf32>,
        %mul3A_309 = arith.mulf %get3A_308, %gather3A : vector<16xf32>
        %swap3A_310 = arith.constant 1 : i32
        %swap3A_311 = arith.index_cast %swap3A_310 : i32 to index
        %swap3A_312 = arith.index_cast %scan3A_292 : i32 to index
        %swap3A_313 = arith.constant 16 : index
        %swap3A_314 = tpu.vector_load %arg14[%swap3A_311, %swap3A_312, %swap3A_313] {strides = array<i32>} : memref<2x80x128xf32, #tpu.memory_space<vmem>>, vector<16xf32>,
        tpu.vector_store %arg14[%swap3A_311, %swap3A_312, %swap3A_313], %mul3A_309 {strides = array<i32>} : memref<2x80x128xf32, #tpu.memory_space<vmem>>, vector<16xf32>,
        %get3A_315 = arith.constant 1 : i32
        %get3A_316 = arith.index_cast %get3A_315 : i32 to index
        %get3A_317 = arith.index_cast %scan3A_292 : i32 to index
        %get3A_318 = arith.constant 32 : index
        %get3A_319 = tpu.vector_load %arg14[%get3A_316, %get3A_317, %get3A_318] {strides = array<i32>} : memref<2x80x128xf32, #tpu.memory_space<vmem>>, vector<16xf32>,
        %mul3A_320 = arith.mulf %get3A_319, %gather3A : vector<16xf32>
        %swap3A_321 = arith.constant 1 : i32
        %swap3A_322 = arith.index_cast %swap3A_321 : i32 to index
        %swap3A_323 = arith.index_cast %scan3A_292 : i32 to index
        %swap3A_324 = arith.constant 32 : index
        %swap3A_325 = tpu.vector_load %arg14[%swap3A_322, %swap3A_323, %swap3A_324] {strides = array<i32>} : memref<2x80x128xf32, #tpu.memory_space<vmem>>, vector<16xf32>,
        tpu.vector_store %arg14[%swap3A_322, %swap3A_323, %swap3A_324], %mul3A_320 {strides = array<i32>} : memref<2x80x128xf32, #tpu.memory_space<vmem>>, vector<16xf32>,
        %get3A_326 = arith.constant 1 : i32
        %get3A_327 = arith.index_cast %get3A_326 : i32 to index
        %get3A_328 = arith.index_cast %scan3A_292 : i32 to index
        %get3A_329 = arith.constant 48 : index
        %get3A_330 = tpu.vector_load %arg14[%get3A_327, %get3A_328, %get3A_329] {strides = array<i32>} : memref<2x80x128xf32, #tpu.memory_space<vmem>>, vector<16xf32>,
        %mul3A_331 = arith.mulf %get3A_330, %gather3A : vector<16xf32>
        %swap3A_332 = arith.constant 1 : i32
        %swap3A_333 = arith.index_cast %swap3A_332 : i32 to index
        %swap3A_334 = arith.index_cast %scan3A_292 : i32 to index
        %swap3A_335 = arith.constant 48 : index
        %swap3A_336 = tpu.vector_load %arg14[%swap3A_333, %swap3A_334, %swap3A_335] {strides = array<i32>} : memref<2x80x128xf32, #tpu.memory_space<vmem>>, vector<16xf32>,
        tpu.vector_store %arg14[%swap3A_333, %swap3A_334, %swap3A_335], %mul3A_331 {strides = array<i32>} : memref<2x80x128xf32, #tpu.memory_space<vmem>>, vector<16xf32>,
        %get3A_337 = arith.constant 1 : i32
        %get3A_338 = arith.index_cast %get3A_337 : i32 to index
        %get3A_339 = arith.index_cast %scan3A_292 : i32 to index
        %get3A_340 = arith.constant 64 : index
        %get3A_341 = tpu.vector_load %arg14[%get3A_338, %get3A_339, %get3A_340] {strides = array<i32>} : memref<2x80x128xf32, #tpu.memory_space<vmem>>, vector<16xf32>,
        %mul3A_342 = arith.mulf %get3A_341, %gather3A : vector<16xf32>
        %swap3A_343 = arith.constant 1 : i32
        %swap3A_344 = arith.index_cast %swap3A_343 : i32 to index
        %swap3A_345 = arith.index_cast %scan3A_292 : i32 to index
        %swap3A_346 = arith.constant 64 : index
        %swap3A_347 = tpu.vector_load %arg14[%swap3A_344, %swap3A_345, %swap3A_346] {strides = array<i32>} : memref<2x80x128xf32, #tpu.memory_space<vmem>>, vector<16xf32>,
        tpu.vector_store %arg14[%swap3A_344, %swap3A_345, %swap3A_346], %mul3A_342 {strides = array<i32>} : memref<2x80x128xf32, #tpu.memory_space<vmem>>, vector<16xf32>,
        %get3A_348 = arith.constant 1 : i32
        %get3A_349 = arith.index_cast %get3A_348 : i32 to index
        %get3A_350 = arith.index_cast %scan3A_292 : i32 to index
        %get3A_351 = arith.constant 80 : index
        %get3A_352 = tpu.vector_load %arg14[%get3A_349, %get3A_350, %get3A_351] {strides = array<i32>} : memref<2x80x128xf32, #tpu.memory_space<vmem>>, vector<16xf32>,
        %mul3A_353 = arith.mulf %get3A_352, %gather3A : vector<16xf32>
        %swap3A_354 = arith.constant 1 : i32
        %swap3A_355 = arith.index_cast %swap3A_354 : i32 to index
        %swap3A_356 = arith.index_cast %scan3A_292 : i32 to index
        %swap3A_357 = arith.constant 80 : index
        %swap3A_358 = tpu.vector_load %arg14[%swap3A_355, %swap3A_356, %swap3A_357] {strides = array<i32>} : memref<2x80x128xf32, #tpu.memory_space<vmem>>, vector<16xf32>,
        tpu.vector_store %arg14[%swap3A_355, %swap3A_356, %swap3A_357], %mul3A_353 {strides = array<i32>} : memref<2x80x128xf32, #tpu.memory_space<vmem>>, vector<16xf32>,
        %get3A_359 = arith.constant 1 : i32
        %get3A_360 = arith.index_cast %get3A_359 : i32 to index
        %get3A_361 = arith.index_cast %scan3A_292 : i32 to index
        %get3A_362 = arith.constant 96 : index
        %get3A_363 = tpu.vector_load %arg14[%get3A_360, %get3A_361, %get3A_362] {strides = array<i32>} : memref<2x80x128xf32, #tpu.memory_space<vmem>>, vector<16xf32>,
        %mul3A_364 = arith.mulf %get3A_363, %gather3A : vector<16xf32>
        %swap3A_365 = arith.constant 1 : i32
        %swap3A_366 = arith.index_cast %swap3A_365 : i32 to index
        %swap3A_367 = arith.index_cast %scan3A_292 : i32 to index
        %swap3A_368 = arith.constant 96 : index
        %swap3A_369 = tpu.vector_load %arg14[%swap3A_366, %swap3A_367, %swap3A_368] {strides = array<i32>} : memref<2x80x128xf32, #tpu.memory_space<vmem>>, vector<16xf32>,
        tpu.vector_store %arg14[%swap3A_366, %swap3A_367, %swap3A_368], %mul3A_364 {strides = array<i32>} : memref<2x80x128xf32, #tpu.memory_space<vmem>>, vector<16xf32>,
        %get3A_370 = arith.constant 1 : i32
        %get3A_371 = arith.index_cast %get3A_370 : i32 to index
        %get3A_372 = arith.index_cast %scan3A_292 : i32 to index
        %get3A_373 = arith.constant 112 : index
        %get3A_374 = tpu.vector_load %arg14[%get3A_371, %get3A_372, %get3A_373] {strides = array<i32>} : memref<2x80x128xf32, #tpu.memory_space<vmem>>, vector<16xf32>,
        %mul3A_375 = arith.mulf %get3A_374, %gather3A : vector<16xf32>
        %swap3A_376 = arith.constant 1 : i32
        %swap3A_377 = arith.index_cast %swap3A_376 : i32 to index
        %swap3A_378 = arith.index_cast %scan3A_292 : i32 to index
        %swap3A_379 = arith.constant 112 : index
        %swap3A_380 = tpu.vector_load %arg14[%swap3A_377, %swap3A_378, %swap3A_379] {strides = array<i32>} : memref<2x80x128xf32, #tpu.memory_space<vmem>>, vector<16xf32>,
        tpu.vector_store %arg14[%swap3A_377, %swap3A_378, %swap3A_379], %mul3A_375 {strides = array<i32>} : memref<2x80x128xf32, #tpu.memory_space<vmem>>, vector<16xf32>,
      }
      %scan3A_278 = arith.constant 80 : i32
      %dma_start3A_279 = arith.constant 1 : i32
      %dma_start3A_280 = arith.constant 0 : i32
      %dma_start3A_281 = arith.constant 0 : i32
      %dma_start3A_282 = tpu.memref_slice %arg14[%dma_start3A_279, %dma_start3A_280, %dma_start3A_281] : memref<2x80x128xf32, #tpu.memory_space<vmem>> -> memref<1x80x128xf32, #tpu.memory_space<vmem>>
      %dma_start3A_283 = tpu.memref_squeeze %dma_start3A_282 : memref<1x80x128xf32, #tpu.memory_space<vmem>> -> memref<80x128xf32, #tpu.memory_space<vmem>>
      %dma_start3A_284 = arith.constant 0 : i32
      %dma_start3A_285 = tpu.memref_slice %arg4[%add3A_158, %dma_start3A_284] : memref<10240x128xf32, #tpu.memory_space<hbm>> -> memref<80x128xf32, #tpu.memory_space<hbm>>
      %dma_start3A_286 = arith.constant 0 : i32
      %dma_start3A_287 = tpu.memref_slice %arg4[%add3A_158, %dma_start3A_286] : memref<10240x128xf32, #tpu.memory_space<hbm>> -> memref<80x128xf32, #tpu.memory_space<hbm>>
      %dma_start3A_288 = arith.constant 0 : i32
      %dma_start3A_289 = arith.constant 0 : i32
      %dma_start3A_290 = tpu.memref_slice %arg14[%dma_start3A_279, %dma_start3A_288, %dma_start3A_289] : memref<2x80x128xf32, #tpu.memory_space<vmem>> -> memref<1x80x128xf32, #tpu.memory_space<vmem>>
      %dma_start3A_291 = tpu.memref_squeeze %dma_start3A_290 : memref<1x80x128xf32, #tpu.memory_space<vmem>> -> memref<80x128xf32, #tpu.memory_space<vmem>>
      tpu.enqueue_dma source(%dma_start3A_291 : memref<80x128xf32, #tpu.memory_space<vmem>>) target(%dma_start3A_287 : memref<80x128xf32, #tpu.memory_space<hbm>>) target_semaphore(%arg17 : memref<!tpu.dma_semaphore, #tpu.memory_space<semaphore_mem>>)
    } else {
    }
    %mul3A_168 = arith.constant 320 : i32
    %mul3A_169 = arith.muli %arg0, %mul3A_168 : i32
    %add3A_170 = arith.addi %mul3A_44, %mul3A_169 : i32
    %add3A_171 = arith.constant 160 : i32
    %add3A_172 = arith.addi %add3A_170, %add3A_171 : i32
    %mul3A_173 = arith.constant 320 : i32
    %mul3A_174 = arith.muli %arg0, %mul3A_173 : i32
    %add3A_175 = arith.constant 160 : i32
    %add3A_176 = arith.addi %mul3A_174, %add3A_175 : i32
    %lt3A_177 = arith.constant 10000 : i32
    %lt3A_178 = arith.cmpi slt, %add3A_172, %lt3A_177 : i32
    %convert_element_type3A_179 = arith.extui %lt3A_178 : i1 to i32
    %cond3A_180 = arith.constant 0 : i32
    %cond3A_181 = arith.cmpi ne, %convert_element_type3A_179, %cond3A_180 : i32
    scf.if %cond3A_181 {
      %dma_wait3A_251 = arith.constant 0 : i32
      %dma_wait3A_252 = arith.constant 0 : i32
      %dma_wait3A_253 = arith.constant 0 : i32
      %dma_wait3A_254 = tpu.memref_slice %arg14[%dma_wait3A_251, %dma_wait3A_252, %dma_wait3A_253] : memref<2x80x128xf32, #tpu.memory_space<vmem>> -> memref<1x80x128xf32, #tpu.memory_space<vmem>>
      %dma_wait3A_255 = tpu.memref_squeeze %dma_wait3A_254 : memref<1x80x128xf32, #tpu.memory_space<vmem>> -> memref<80x128xf32, #tpu.memory_space<vmem>>
      %dma_wait3A_256 = arith.constant 0 : i32
      %dma_wait3A_257 = tpu.memref_slice %arg2[%add3A_172, %dma_wait3A_256] : memref<10000x128xf32, #tpu.memory_space<hbm>> -> memref<80x128xf32, #tpu.memory_space<hbm>>
      %dma_wait3A_258 = arith.constant 0 : i32
      %dma_wait3A_259 = arith.constant 0 : i32
      %dma_wait3A_260 = tpu.memref_slice %arg14[%dma_wait3A_251, %dma_wait3A_258, %dma_wait3A_259] : memref<2x80x128xf32, #tpu.memory_space<vmem>> -> memref<1x80x128xf32, #tpu.memory_space<vmem>>
      %dma_wait3A_261 = tpu.memref_squeeze %dma_wait3A_260 : memref<1x80x128xf32, #tpu.memory_space<vmem>> -> memref<80x128xf32, #tpu.memory_space<vmem>>
      %dma_wait3A_262 = arith.constant 0 : i32
      %dma_wait3A_263 = tpu.memref_slice %arg2[%add3A_172, %dma_wait3A_262] : memref<10000x128xf32, #tpu.memory_space<hbm>> -> memref<80x128xf32, #tpu.memory_space<hbm>>
      tpu.wait_dma2 semaphore(%arg16 : memref<!tpu.dma_semaphore, #tpu.memory_space<semaphore_mem>>) src(%dma_wait3A_263 : memref<80x128xf32, #tpu.memory_space<hbm>>) dst(%dma_wait3A_261 : memref<80x128xf32, #tpu.memory_space<vmem>>)
      %mul3A_264 = arith.constant 320 : i32
      %mul3A_265 = arith.muli %arg0, %mul3A_264 : i32
      %add3A_266 = arith.addi %mul3A_44, %mul3A_265 : i32
      %add3A_267 = arith.constant 240 : i32
      %add3A_268 = arith.addi %add3A_266, %add3A_267 : i32
      %lt3A_269 = arith.constant 10000 : i32
      %lt3A_270 = arith.cmpi slt, %add3A_268, %lt3A_269 : i32
      %convert_element_type3A_271 = arith.extui %lt3A_270 : i1 to i32
      %cond3A_272 = arith.constant 0 : i32
      %cond3A_273 = arith.cmpi ne, %convert_element_type3A_271, %cond3A_272 : i32
      scf.if %cond3A_273 {
        %mul3A_310 = arith.constant 320 : i32
        %mul3A_311 = arith.muli %arg0, %mul3A_310 : i32
        %add3A_312 = arith.addi %mul3A_44, %mul3A_311 : i32
        %add3A_313 = arith.constant 240 : i32
        %add3A_314 = arith.addi %add3A_312, %add3A_313 : i32
        %dma_start3A_315 = arith.constant 1 : i32
        %dma_start3A_316 = arith.constant 0 : i32
        %dma_start3A_317 = arith.constant 0 : i32
        %dma_start3A_318 = tpu.memref_slice %arg14[%dma_start3A_315, %dma_start3A_316, %dma_start3A_317] : memref<2x80x128xf32, #tpu.memory_space<vmem>> -> memref<1x80x128xf32, #tpu.memory_space<vmem>>
        %dma_start3A_319 = tpu.memref_squeeze %dma_start3A_318 : memref<1x80x128xf32, #tpu.memory_space<vmem>> -> memref<80x128xf32, #tpu.memory_space<vmem>>
        %dma_start3A_320 = arith.constant 0 : i32
        %dma_start3A_321 = tpu.memref_slice %arg2[%add3A_314, %dma_start3A_320] : memref<10000x128xf32, #tpu.memory_space<hbm>> -> memref<80x128xf32, #tpu.memory_space<hbm>>
        %dma_start3A_322 = arith.constant 0 : i32
        %dma_start3A_323 = arith.constant 0 : i32
        %dma_start3A_324 = tpu.memref_slice %arg14[%dma_start3A_315, %dma_start3A_322, %dma_start3A_323] : memref<2x80x128xf32, #tpu.memory_space<vmem>> -> memref<1x80x128xf32, #tpu.memory_space<vmem>>
        %dma_start3A_325 = tpu.memref_squeeze %dma_start3A_324 : memref<1x80x128xf32, #tpu.memory_space<vmem>> -> memref<80x128xf32, #tpu.memory_space<vmem>>
        %dma_start3A_326 = arith.constant 0 : i32
        %dma_start3A_327 = tpu.memref_slice %arg2[%add3A_314, %dma_start3A_326] : memref<10000x128xf32, #tpu.memory_space<hbm>> -> memref<80x128xf32, #tpu.memory_space<hbm>>
        tpu.enqueue_dma source(%dma_start3A_327 : memref<80x128xf32, #tpu.memory_space<hbm>>) target(%dma_start3A_325 : memref<80x128xf32, #tpu.memory_space<vmem>>) target_semaphore(%arg16 : memref<!tpu.dma_semaphore, #tpu.memory_space<semaphore_mem>>)
      } else {
      }
      %mul3A_274 = arith.constant 320 : i32
      %mul3A_275 = arith.muli %arg0, %mul3A_274 : i32
      %add3A_276 = arith.addi %mul3A_44, %mul3A_275 : i32
      %add3A_277 = arith.constant 0 : i32
      %add3A_278 = arith.addi %add3A_276, %add3A_277 : i32
      %dma_wait3A_279 = arith.constant 0 : i32
      %dma_wait3A_280 = arith.constant 0 : i32
      %dma_wait3A_281 = arith.constant 0 : i32
      %dma_wait3A_282 = tpu.memref_slice %arg14[%dma_wait3A_279, %dma_wait3A_280, %dma_wait3A_281] : memref<2x80x128xf32, #tpu.memory_space<vmem>> -> memref<1x80x128xf32, #tpu.memory_space<vmem>>
      %dma_wait3A_283 = tpu.memref_squeeze %dma_wait3A_282 : memref<1x80x128xf32, #tpu.memory_space<vmem>> -> memref<80x128xf32, #tpu.memory_space<vmem>>
      %dma_wait3A_284 = arith.constant 0 : i32
      %dma_wait3A_285 = tpu.memref_slice %arg4[%add3A_278, %dma_wait3A_284] : memref<10240x128xf32, #tpu.memory_space<hbm>> -> memref<80x128xf32, #tpu.memory_space<hbm>>
      %dma_wait3A_286 = arith.constant 0 : i32
      %dma_wait3A_287 = tpu.memref_slice %arg4[%add3A_278, %dma_wait3A_286] : memref<10240x128xf32, #tpu.memory_space<hbm>> -> memref<80x128xf32, #tpu.memory_space<hbm>>
      %dma_wait3A_288 = arith.constant 0 : i32
      %dma_wait3A_289 = arith.constant 0 : i32
      %dma_wait3A_290 = tpu.memref_slice %arg14[%dma_wait3A_279, %dma_wait3A_288, %dma_wait3A_289] : memref<2x80x128xf32, #tpu.memory_space<vmem>> -> memref<1x80x128xf32, #tpu.memory_space<vmem>>
      %dma_wait3A_291 = tpu.memref_squeeze %dma_wait3A_290 : memref<1x80x128xf32, #tpu.memory_space<vmem>> -> memref<80x128xf32, #tpu.memory_space<vmem>>
      tpu.wait_dma2 semaphore(%arg17 : memref<!tpu.dma_semaphore, #tpu.memory_space<semaphore_mem>>) src(%dma_wait3A_291 : memref<80x128xf32, #tpu.memory_space<vmem>>) dst(%dma_wait3A_287 : memref<80x128xf32, #tpu.memory_space<hbm>>)
      %scan3A_292 = arith.constant 0 : i32
      %scan3A_293 = arith.constant 80 : i32
      %scan3A_294 = arith.addi %scan3A_292, %scan3A_293 : i32
      %scan3A_295 = arith.constant 1 : i32
      scf.for %scan3A_310 = %scan3A_292 to %scan3A_294 step %scan3A_295  : i32 {
        %add3A_311 = arith.addi %add3A_176, %scan3A_310 : i32
        %broadcast_in_dim3A_312 = vector.broadcast %add3A_311 : i32 to vector<16xi32>
        %gather3A = tpu.vector_load_idx %arg12[%broadcast_in_dim3A_312] : memref<640xf32, #tpu.memory_space<vmem>>[vector<16xi32>], vector<16xf32>,
        %get3A = arith.constant 0 : i32
        %get3A_313 = arith.index_cast %get3A : i32 to index
        %get3A_314 = arith.index_cast %scan3A_310 : i32 to index
        %get3A_315 = arith.constant 0 : index
        %get3A_316 = tpu.vector_load %arg14[%get3A_313, %get3A_314, %get3A_315] {strides = array<i32>} : memref<2x80x128xf32, #tpu.memory_space<vmem>>, vector<16xf32>,
        %mul3A_317 = arith.mulf %get3A_316, %gather3A : vector<16xf32>
        %swap3A = arith.constant 0 : i32
        %swap3A_318 = arith.index_cast %swap3A : i32 to index
        %swap3A_319 = arith.index_cast %scan3A_310 : i32 to index
        %swap3A_320 = arith.constant 0 : index
        %swap3A_321 = tpu.vector_load %arg14[%swap3A_318, %swap3A_319, %swap3A_320] {strides = array<i32>} : memref<2x80x128xf32, #tpu.memory_space<vmem>>, vector<16xf32>,
        tpu.vector_store %arg14[%swap3A_318, %swap3A_319, %swap3A_320], %mul3A_317 {strides = array<i32>} : memref<2x80x128xf32, #tpu.memory_space<vmem>>, vector<16xf32>,
        %get3A_322 = arith.constant 0 : i32
        %get3A_323 = arith.index_cast %get3A_322 : i32 to index
        %get3A_324 = arith.index_cast %scan3A_310 : i32 to index
        %get3A_325 = arith.constant 16 : index
        %get3A_326 = tpu.vector_load %arg14[%get3A_323, %get3A_324, %get3A_325] {strides = array<i32>} : memref<2x80x128xf32, #tpu.memory_space<vmem>>, vector<16xf32>,
        %mul3A_327 = arith.mulf %get3A_326, %gather3A : vector<16xf32>
        %swap3A_328 = arith.constant 0 : i32
        %swap3A_329 = arith.index_cast %swap3A_328 : i32 to index
        %swap3A_330 = arith.index_cast %scan3A_310 : i32 to index
        %swap3A_331 = arith.constant 16 : index
        %swap3A_332 = tpu.vector_load %arg14[%swap3A_329, %swap3A_330, %swap3A_331] {strides = array<i32>} : memref<2x80x128xf32, #tpu.memory_space<vmem>>, vector<16xf32>,
        tpu.vector_store %arg14[%swap3A_329, %swap3A_330, %swap3A_331], %mul3A_327 {strides = array<i32>} : memref<2x80x128xf32, #tpu.memory_space<vmem>>, vector<16xf32>,
        %get3A_333 = arith.constant 0 : i32
        %get3A_334 = arith.index_cast %get3A_333 : i32 to index
        %get3A_335 = arith.index_cast %scan3A_310 : i32 to index
        %get3A_336 = arith.constant 32 : index
        %get3A_337 = tpu.vector_load %arg14[%get3A_334, %get3A_335, %get3A_336] {strides = array<i32>} : memref<2x80x128xf32, #tpu.memory_space<vmem>>, vector<16xf32>,
        %mul3A_338 = arith.mulf %get3A_337, %gather3A : vector<16xf32>
        %swap3A_339 = arith.constant 0 : i32
        %swap3A_340 = arith.index_cast %swap3A_339 : i32 to index
        %swap3A_341 = arith.index_cast %scan3A_310 : i32 to index
        %swap3A_342 = arith.constant 32 : index
        %swap3A_343 = tpu.vector_load %arg14[%swap3A_340, %swap3A_341, %swap3A_342] {strides = array<i32>} : memref<2x80x128xf32, #tpu.memory_space<vmem>>, vector<16xf32>,
        tpu.vector_store %arg14[%swap3A_340, %swap3A_341, %swap3A_342], %mul3A_338 {strides = array<i32>} : memref<2x80x128xf32, #tpu.memory_space<vmem>>, vector<16xf32>,
        %get3A_344 = arith.constant 0 : i32
        %get3A_345 = arith.index_cast %get3A_344 : i32 to index
        %get3A_346 = arith.index_cast %scan3A_310 : i32 to index
        %get3A_347 = arith.constant 48 : index
        %get3A_348 = tpu.vector_load %arg14[%get3A_345, %get3A_346, %get3A_347] {strides = array<i32>} : memref<2x80x128xf32, #tpu.memory_space<vmem>>, vector<16xf32>,
        %mul3A_349 = arith.mulf %get3A_348, %gather3A : vector<16xf32>
        %swap3A_350 = arith.constant 0 : i32
        %swap3A_351 = arith.index_cast %swap3A_350 : i32 to index
        %swap3A_352 = arith.index_cast %scan3A_310 : i32 to index
        %swap3A_353 = arith.constant 48 : index
        %swap3A_354 = tpu.vector_load %arg14[%swap3A_351, %swap3A_352, %swap3A_353] {strides = array<i32>} : memref<2x80x128xf32, #tpu.memory_space<vmem>>, vector<16xf32>,
        tpu.vector_store %arg14[%swap3A_351, %swap3A_352, %swap3A_353], %mul3A_349 {strides = array<i32>} : memref<2x80x128xf32, #tpu.memory_space<vmem>>, vector<16xf32>,
        %get3A_355 = arith.constant 0 : i32
        %get3A_356 = arith.index_cast %get3A_355 : i32 to index
        %get3A_357 = arith.index_cast %scan3A_310 : i32 to index
        %get3A_358 = arith.constant 64 : index
        %get3A_359 = tpu.vector_load %arg14[%get3A_356, %get3A_357, %get3A_358] {strides = array<i32>} : memref<2x80x128xf32, #tpu.memory_space<vmem>>, vector<16xf32>,
        %mul3A_360 = arith.mulf %get3A_359, %gather3A : vector<16xf32>
        %swap3A_361 = arith.constant 0 : i32
        %swap3A_362 = arith.index_cast %swap3A_361 : i32 to index
        %swap3A_363 = arith.index_cast %scan3A_310 : i32 to index
        %swap3A_364 = arith.constant 64 : index
        %swap3A_365 = tpu.vector_load %arg14[%swap3A_362, %swap3A_363, %swap3A_364] {strides = array<i32>} : memref<2x80x128xf32, #tpu.memory_space<vmem>>, vector<16xf32>,
        tpu.vector_store %arg14[%swap3A_362, %swap3A_363, %swap3A_364], %mul3A_360 {strides = array<i32>} : memref<2x80x128xf32, #tpu.memory_space<vmem>>, vector<16xf32>,
        %get3A_366 = arith.constant 0 : i32
        %get3A_367 = arith.index_cast %get3A_366 : i32 to index
        %get3A_368 = arith.index_cast %scan3A_310 : i32 to index
        %get3A_369 = arith.constant 80 : index
        %get3A_370 = tpu.vector_load %arg14[%get3A_367, %get3A_368, %get3A_369] {strides = array<i32>} : memref<2x80x128xf32, #tpu.memory_space<vmem>>, vector<16xf32>,
        %mul3A_371 = arith.mulf %get3A_370, %gather3A : vector<16xf32>
        %swap3A_372 = arith.constant 0 : i32
        %swap3A_373 = arith.index_cast %swap3A_372 : i32 to index
        %swap3A_374 = arith.index_cast %scan3A_310 : i32 to index
        %swap3A_375 = arith.constant 80 : index
        %swap3A_376 = tpu.vector_load %arg14[%swap3A_373, %swap3A_374, %swap3A_375] {strides = array<i32>} : memref<2x80x128xf32, #tpu.memory_space<vmem>>, vector<16xf32>,
        tpu.vector_store %arg14[%swap3A_373, %swap3A_374, %swap3A_375], %mul3A_371 {strides = array<i32>} : memref<2x80x128xf32, #tpu.memory_space<vmem>>, vector<16xf32>,
        %get3A_377 = arith.constant 0 : i32
        %get3A_378 = arith.index_cast %get3A_377 : i32 to index
        %get3A_379 = arith.index_cast %scan3A_310 : i32 to index
        %get3A_380 = arith.constant 96 : index
        %get3A_381 = tpu.vector_load %arg14[%get3A_378, %get3A_379, %get3A_380] {strides = array<i32>} : memref<2x80x128xf32, #tpu.memory_space<vmem>>, vector<16xf32>,
        %mul3A_382 = arith.mulf %get3A_381, %gather3A : vector<16xf32>
        %swap3A_383 = arith.constant 0 : i32
        %swap3A_384 = arith.index_cast %swap3A_383 : i32 to index
        %swap3A_385 = arith.index_cast %scan3A_310 : i32 to index
        %swap3A_386 = arith.constant 96 : index
        %swap3A_387 = tpu.vector_load %arg14[%swap3A_384, %swap3A_385, %swap3A_386] {strides = array<i32>} : memref<2x80x128xf32, #tpu.memory_space<vmem>>, vector<16xf32>,
        tpu.vector_store %arg14[%swap3A_384, %swap3A_385, %swap3A_386], %mul3A_382 {strides = array<i32>} : memref<2x80x128xf32, #tpu.memory_space<vmem>>, vector<16xf32>,
        %get3A_388 = arith.constant 0 : i32
        %get3A_389 = arith.index_cast %get3A_388 : i32 to index
        %get3A_390 = arith.index_cast %scan3A_310 : i32 to index
        %get3A_391 = arith.constant 112 : index
        %get3A_392 = tpu.vector_load %arg14[%get3A_389, %get3A_390, %get3A_391] {strides = array<i32>} : memref<2x80x128xf32, #tpu.memory_space<vmem>>, vector<16xf32>,
        %mul3A_393 = arith.mulf %get3A_392, %gather3A : vector<16xf32>
        %swap3A_394 = arith.constant 0 : i32
        %swap3A_395 = arith.index_cast %swap3A_394 : i32 to index
        %swap3A_396 = arith.index_cast %scan3A_310 : i32 to index
        %swap3A_397 = arith.constant 112 : index
        %swap3A_398 = tpu.vector_load %arg14[%swap3A_395, %swap3A_396, %swap3A_397] {strides = array<i32>} : memref<2x80x128xf32, #tpu.memory_space<vmem>>, vector<16xf32>,
        tpu.vector_store %arg14[%swap3A_395, %swap3A_396, %swap3A_397], %mul3A_393 {strides = array<i32>} : memref<2x80x128xf32, #tpu.memory_space<vmem>>, vector<16xf32>,
      }
      %scan3A_296 = arith.constant 80 : i32
      %dma_start3A_297 = arith.constant 0 : i32
      %dma_start3A_298 = arith.constant 0 : i32
      %dma_start3A_299 = arith.constant 0 : i32
      %dma_start3A_300 = tpu.memref_slice %arg14[%dma_start3A_297, %dma_start3A_298, %dma_start3A_299] : memref<2x80x128xf32, #tpu.memory_space<vmem>> -> memref<1x80x128xf32, #tpu.memory_space<vmem>>
      %dma_start3A_301 = tpu.memref_squeeze %dma_start3A_300 : memref<1x80x128xf32, #tpu.memory_space<vmem>> -> memref<80x128xf32, #tpu.memory_space<vmem>>
      %dma_start3A_302 = arith.constant 0 : i32
      %dma_start3A_303 = tpu.memref_slice %arg4[%add3A_172, %dma_start3A_302] : memref<10240x128xf32, #tpu.memory_space<hbm>> -> memref<80x128xf32, #tpu.memory_space<hbm>>
      %dma_start3A_304 = arith.constant 0 : i32
      %dma_start3A_305 = tpu.memref_slice %arg4[%add3A_172, %dma_start3A_304] : memref<10240x128xf32, #tpu.memory_space<hbm>> -> memref<80x128xf32, #tpu.memory_space<hbm>>
      %dma_start3A_306 = arith.constant 0 : i32
      %dma_start3A_307 = arith.constant 0 : i32
      %dma_start3A_308 = tpu.memref_slice %arg14[%dma_start3A_297, %dma_start3A_306, %dma_start3A_307] : memref<2x80x128xf32, #tpu.memory_space<vmem>> -> memref<1x80x128xf32, #tpu.memory_space<vmem>>
      %dma_start3A_309 = tpu.memref_squeeze %dma_start3A_308 : memref<1x80x128xf32, #tpu.memory_space<vmem>> -> memref<80x128xf32, #tpu.memory_space<vmem>>
      tpu.enqueue_dma source(%dma_start3A_309 : memref<80x128xf32, #tpu.memory_space<vmem>>) target(%dma_start3A_305 : memref<80x128xf32, #tpu.memory_space<hbm>>) target_semaphore(%arg17 : memref<!tpu.dma_semaphore, #tpu.memory_space<semaphore_mem>>)
    } else {
    }
    %mul3A_182 = arith.constant 320 : i32
    %mul3A_183 = arith.muli %arg0, %mul3A_182 : i32
    %add3A_184 = arith.addi %mul3A_44, %mul3A_183 : i32
    %add3A_185 = arith.constant 240 : i32
    %add3A_186 = arith.addi %add3A_184, %add3A_185 : i32
    %mul3A_187 = arith.constant 320 : i32
    %mul3A_188 = arith.muli %arg0, %mul3A_187 : i32
    %add3A_189 = arith.constant 240 : i32
    %add3A_190 = arith.addi %mul3A_188, %add3A_189 : i32
    %lt3A_191 = arith.constant 10000 : i32
    %lt3A_192 = arith.cmpi slt, %add3A_186, %lt3A_191 : i32
    %convert_element_type3A_193 = arith.extui %lt3A_192 : i1 to i32
    %cond3A_194 = arith.constant 0 : i32
    %cond3A_195 = arith.cmpi ne, %convert_element_type3A_193, %cond3A_194 : i32
    scf.if %cond3A_195 {
      %dma_wait3A_251 = arith.constant 1 : i32
      %dma_wait3A_252 = arith.constant 0 : i32
      %dma_wait3A_253 = arith.constant 0 : i32
      %dma_wait3A_254 = tpu.memref_slice %arg14[%dma_wait3A_251, %dma_wait3A_252, %dma_wait3A_253] : memref<2x80x128xf32, #tpu.memory_space<vmem>> -> memref<1x80x128xf32, #tpu.memory_space<vmem>>
      %dma_wait3A_255 = tpu.memref_squeeze %dma_wait3A_254 : memref<1x80x128xf32, #tpu.memory_space<vmem>> -> memref<80x128xf32, #tpu.memory_space<vmem>>
      %dma_wait3A_256 = arith.constant 0 : i32
      %dma_wait3A_257 = tpu.memref_slice %arg2[%add3A_186, %dma_wait3A_256] : memref<10000x128xf32, #tpu.memory_space<hbm>> -> memref<80x128xf32, #tpu.memory_space<hbm>>
      %dma_wait3A_258 = arith.constant 0 : i32
      %dma_wait3A_259 = arith.constant 0 : i32
      %dma_wait3A_260 = tpu.memref_slice %arg14[%dma_wait3A_251, %dma_wait3A_258, %dma_wait3A_259] : memref<2x80x128xf32, #tpu.memory_space<vmem>> -> memref<1x80x128xf32, #tpu.memory_space<vmem>>
      %dma_wait3A_261 = tpu.memref_squeeze %dma_wait3A_260 : memref<1x80x128xf32, #tpu.memory_space<vmem>> -> memref<80x128xf32, #tpu.memory_space<vmem>>
      %dma_wait3A_262 = arith.constant 0 : i32
      %dma_wait3A_263 = tpu.memref_slice %arg2[%add3A_186, %dma_wait3A_262] : memref<10000x128xf32, #tpu.memory_space<hbm>> -> memref<80x128xf32, #tpu.memory_space<hbm>>
      tpu.wait_dma2 semaphore(%arg16 : memref<!tpu.dma_semaphore, #tpu.memory_space<semaphore_mem>>) src(%dma_wait3A_263 : memref<80x128xf32, #tpu.memory_space<hbm>>) dst(%dma_wait3A_261 : memref<80x128xf32, #tpu.memory_space<vmem>>)
      %mul3A_264 = arith.constant 320 : i32
      %mul3A_265 = arith.muli %arg0, %mul3A_264 : i32
      %add3A_266 = arith.addi %mul3A_44, %mul3A_265 : i32
      %add3A_267 = arith.constant 80 : i32
      %add3A_268 = arith.addi %add3A_266, %add3A_267 : i32
      %dma_wait3A_269 = arith.constant 1 : i32
      %dma_wait3A_270 = arith.constant 0 : i32
      %dma_wait3A_271 = arith.constant 0 : i32
      %dma_wait3A_272 = tpu.memref_slice %arg14[%dma_wait3A_269, %dma_wait3A_270, %dma_wait3A_271] : memref<2x80x128xf32, #tpu.memory_space<vmem>> -> memref<1x80x128xf32, #tpu.memory_space<vmem>>
      %dma_wait3A_273 = tpu.memref_squeeze %dma_wait3A_272 : memref<1x80x128xf32, #tpu.memory_space<vmem>> -> memref<80x128xf32, #tpu.memory_space<vmem>>
      %dma_wait3A_274 = arith.constant 0 : i32
      %dma_wait3A_275 = tpu.memref_slice %arg4[%add3A_268, %dma_wait3A_274] : memref<10240x128xf32, #tpu.memory_space<hbm>> -> memref<80x128xf32, #tpu.memory_space<hbm>>
      %dma_wait3A_276 = arith.constant 0 : i32
      %dma_wait3A_277 = tpu.memref_slice %arg4[%add3A_268, %dma_wait3A_276] : memref<10240x128xf32, #tpu.memory_space<hbm>> -> memref<80x128xf32, #tpu.memory_space<hbm>>
      %dma_wait3A_278 = arith.constant 0 : i32
      %dma_wait3A_279 = arith.constant 0 : i32
      %dma_wait3A_280 = tpu.memref_slice %arg14[%dma_wait3A_269, %dma_wait3A_278, %dma_wait3A_279] : memref<2x80x128xf32, #tpu.memory_space<vmem>> -> memref<1x80x128xf32, #tpu.memory_space<vmem>>
      %dma_wait3A_281 = tpu.memref_squeeze %dma_wait3A_280 : memref<1x80x128xf32, #tpu.memory_space<vmem>> -> memref<80x128xf32, #tpu.memory_space<vmem>>
      tpu.wait_dma2 semaphore(%arg17 : memref<!tpu.dma_semaphore, #tpu.memory_space<semaphore_mem>>) src(%dma_wait3A_281 : memref<80x128xf32, #tpu.memory_space<vmem>>) dst(%dma_wait3A_277 : memref<80x128xf32, #tpu.memory_space<hbm>>)
      %scan3A_282 = arith.constant 0 : i32
      %scan3A_283 = arith.constant 80 : i32
      %scan3A_284 = arith.addi %scan3A_282, %scan3A_283 : i32
      %scan3A_285 = arith.constant 1 : i32
      scf.for %scan3A_300 = %scan3A_282 to %scan3A_284 step %scan3A_285  : i32 {
        %add3A_301 = arith.addi %add3A_190, %scan3A_300 : i32
        %broadcast_in_dim3A_302 = vector.broadcast %add3A_301 : i32 to vector<16xi32>
        %gather3A = tpu.vector_load_idx %arg12[%broadcast_in_dim3A_302] : memref<640xf32, #tpu.memory_space<vmem>>[vector<16xi32>], vector<16xf32>,
        %get3A = arith.constant 1 : i32
        %get3A_303 = arith.index_cast %get3A : i32 to index
        %get3A_304 = arith.index_cast %scan3A_300 : i32 to index
        %get3A_305 = arith.constant 0 : index
        %get3A_306 = tpu.vector_load %arg14[%get3A_303, %get3A_304, %get3A_305] {strides = array<i32>} : memref<2x80x128xf32, #tpu.memory_space<vmem>>, vector<16xf32>,
        %mul3A_307 = arith.mulf %get3A_306, %gather3A : vector<16xf32>
        %swap3A = arith.constant 1 : i32
        %swap3A_308 = arith.index_cast %swap3A : i32 to index
        %swap3A_309 = arith.index_cast %scan3A_300 : i32 to index
        %swap3A_310 = arith.constant 0 : index
        %swap3A_311 = tpu.vector_load %arg14[%swap3A_308, %swap3A_309, %swap3A_310] {strides = array<i32>} : memref<2x80x128xf32, #tpu.memory_space<vmem>>, vector<16xf32>,
        tpu.vector_store %arg14[%swap3A_308, %swap3A_309, %swap3A_310], %mul3A_307 {strides = array<i32>} : memref<2x80x128xf32, #tpu.memory_space<vmem>>, vector<16xf32>,
        %get3A_312 = arith.constant 1 : i32
        %get3A_313 = arith.index_cast %get3A_312 : i32 to index
        %get3A_314 = arith.index_cast %scan3A_300 : i32 to index
        %get3A_315 = arith.constant 16 : index
        %get3A_316 = tpu.vector_load %arg14[%get3A_313, %get3A_314, %get3A_315] {strides = array<i32>} : memref<2x80x128xf32, #tpu.memory_space<vmem>>, vector<16xf32>,
        %mul3A_317 = arith.mulf %get3A_316, %gather3A : vector<16xf32>
        %swap3A_318 = arith.constant 1 : i32
        %swap3A_319 = arith.index_cast %swap3A_318 : i32 to index
        %swap3A_320 = arith.index_cast %scan3A_300 : i32 to index
        %swap3A_321 = arith.constant 16 : index
        %swap3A_322 = tpu.vector_load %arg14[%swap3A_319, %swap3A_320, %swap3A_321] {strides = array<i32>} : memref<2x80x128xf32, #tpu.memory_space<vmem>>, vector<16xf32>,
        tpu.vector_store %arg14[%swap3A_319, %swap3A_320, %swap3A_321], %mul3A_317 {strides = array<i32>} : memref<2x80x128xf32, #tpu.memory_space<vmem>>, vector<16xf32>,
        %get3A_323 = arith.constant 1 : i32
        %get3A_324 = arith.index_cast %get3A_323 : i32 to index
        %get3A_325 = arith.index_cast %scan3A_300 : i32 to index
        %get3A_326 = arith.constant 32 : index
        %get3A_327 = tpu.vector_load %arg14[%get3A_324, %get3A_325, %get3A_326] {strides = array<i32>} : memref<2x80x128xf32, #tpu.memory_space<vmem>>, vector<16xf32>,
        %mul3A_328 = arith.mulf %get3A_327, %gather3A : vector<16xf32>
        %swap3A_329 = arith.constant 1 : i32
        %swap3A_330 = arith.index_cast %swap3A_329 : i32 to index
        %swap3A_331 = arith.index_cast %scan3A_300 : i32 to index
        %swap3A_332 = arith.constant 32 : index
        %swap3A_333 = tpu.vector_load %arg14[%swap3A_330, %swap3A_331, %swap3A_332] {strides = array<i32>} : memref<2x80x128xf32, #tpu.memory_space<vmem>>, vector<16xf32>,
        tpu.vector_store %arg14[%swap3A_330, %swap3A_331, %swap3A_332], %mul3A_328 {strides = array<i32>} : memref<2x80x128xf32, #tpu.memory_space<vmem>>, vector<16xf32>,
        %get3A_334 = arith.constant 1 : i32
        %get3A_335 = arith.index_cast %get3A_334 : i32 to index
        %get3A_336 = arith.index_cast %scan3A_300 : i32 to index
        %get3A_337 = arith.constant 48 : index
        %get3A_338 = tpu.vector_load %arg14[%get3A_335, %get3A_336, %get3A_337] {strides = array<i32>} : memref<2x80x128xf32, #tpu.memory_space<vmem>>, vector<16xf32>,
        %mul3A_339 = arith.mulf %get3A_338, %gather3A : vector<16xf32>
        %swap3A_340 = arith.constant 1 : i32
        %swap3A_341 = arith.index_cast %swap3A_340 : i32 to index
        %swap3A_342 = arith.index_cast %scan3A_300 : i32 to index
        %swap3A_343 = arith.constant 48 : index
        %swap3A_344 = tpu.vector_load %arg14[%swap3A_341, %swap3A_342, %swap3A_343] {strides = array<i32>} : memref<2x80x128xf32, #tpu.memory_space<vmem>>, vector<16xf32>,
        tpu.vector_store %arg14[%swap3A_341, %swap3A_342, %swap3A_343], %mul3A_339 {strides = array<i32>} : memref<2x80x128xf32, #tpu.memory_space<vmem>>, vector<16xf32>,
        %get3A_345 = arith.constant 1 : i32
        %get3A_346 = arith.index_cast %get3A_345 : i32 to index
        %get3A_347 = arith.index_cast %scan3A_300 : i32 to index
        %get3A_348 = arith.constant 64 : index
        %get3A_349 = tpu.vector_load %arg14[%get3A_346, %get3A_347, %get3A_348] {strides = array<i32>} : memref<2x80x128xf32, #tpu.memory_space<vmem>>, vector<16xf32>,
        %mul3A_350 = arith.mulf %get3A_349, %gather3A : vector<16xf32>
        %swap3A_351 = arith.constant 1 : i32
        %swap3A_352 = arith.index_cast %swap3A_351 : i32 to index
        %swap3A_353 = arith.index_cast %scan3A_300 : i32 to index
        %swap3A_354 = arith.constant 64 : index
        %swap3A_355 = tpu.vector_load %arg14[%swap3A_352, %swap3A_353, %swap3A_354] {strides = array<i32>} : memref<2x80x128xf32, #tpu.memory_space<vmem>>, vector<16xf32>,
        tpu.vector_store %arg14[%swap3A_352, %swap3A_353, %swap3A_354], %mul3A_350 {strides = array<i32>} : memref<2x80x128xf32, #tpu.memory_space<vmem>>, vector<16xf32>,
        %get3A_356 = arith.constant 1 : i32
        %get3A_357 = arith.index_cast %get3A_356 : i32 to index
        %get3A_358 = arith.index_cast %scan3A_300 : i32 to index
        %get3A_359 = arith.constant 80 : index
        %get3A_360 = tpu.vector_load %arg14[%get3A_357, %get3A_358, %get3A_359] {strides = array<i32>} : memref<2x80x128xf32, #tpu.memory_space<vmem>>, vector<16xf32>,
        %mul3A_361 = arith.mulf %get3A_360, %gather3A : vector<16xf32>
        %swap3A_362 = arith.constant 1 : i32
        %swap3A_363 = arith.index_cast %swap3A_362 : i32 to index
        %swap3A_364 = arith.index_cast %scan3A_300 : i32 to index
        %swap3A_365 = arith.constant 80 : index
        %swap3A_366 = tpu.vector_load %arg14[%swap3A_363, %swap3A_364, %swap3A_365] {strides = array<i32>} : memref<2x80x128xf32, #tpu.memory_space<vmem>>, vector<16xf32>,
        tpu.vector_store %arg14[%swap3A_363, %swap3A_364, %swap3A_365], %mul3A_361 {strides = array<i32>} : memref<2x80x128xf32, #tpu.memory_space<vmem>>, vector<16xf32>,
        %get3A_367 = arith.constant 1 : i32
        %get3A_368 = arith.index_cast %get3A_367 : i32 to index
        %get3A_369 = arith.index_cast %scan3A_300 : i32 to index
        %get3A_370 = arith.constant 96 : index
        %get3A_371 = tpu.vector_load %arg14[%get3A_368, %get3A_369, %get3A_370] {strides = array<i32>} : memref<2x80x128xf32, #tpu.memory_space<vmem>>, vector<16xf32>,
        %mul3A_372 = arith.mulf %get3A_371, %gather3A : vector<16xf32>
        %swap3A_373 = arith.constant 1 : i32
        %swap3A_374 = arith.index_cast %swap3A_373 : i32 to index
        %swap3A_375 = arith.index_cast %scan3A_300 : i32 to index
        %swap3A_376 = arith.constant 96 : index
        %swap3A_377 = tpu.vector_load %arg14[%swap3A_374, %swap3A_375, %swap3A_376] {strides = array<i32>} : memref<2x80x128xf32, #tpu.memory_space<vmem>>, vector<16xf32>,
        tpu.vector_store %arg14[%swap3A_374, %swap3A_375, %swap3A_376], %mul3A_372 {strides = array<i32>} : memref<2x80x128xf32, #tpu.memory_space<vmem>>, vector<16xf32>,
        %get3A_378 = arith.constant 1 : i32
        %get3A_379 = arith.index_cast %get3A_378 : i32 to index
        %get3A_380 = arith.index_cast %scan3A_300 : i32 to index
        %get3A_381 = arith.constant 112 : index
        %get3A_382 = tpu.vector_load %arg14[%get3A_379, %get3A_380, %get3A_381] {strides = array<i32>} : memref<2x80x128xf32, #tpu.memory_space<vmem>>, vector<16xf32>,
        %mul3A_383 = arith.mulf %get3A_382, %gather3A : vector<16xf32>
        %swap3A_384 = arith.constant 1 : i32
        %swap3A_385 = arith.index_cast %swap3A_384 : i32 to index
        %swap3A_386 = arith.index_cast %scan3A_300 : i32 to index
        %swap3A_387 = arith.constant 112 : index
        %swap3A_388 = tpu.vector_load %arg14[%swap3A_385, %swap3A_386, %swap3A_387] {strides = array<i32>} : memref<2x80x128xf32, #tpu.memory_space<vmem>>, vector<16xf32>,
        tpu.vector_store %arg14[%swap3A_385, %swap3A_386, %swap3A_387], %mul3A_383 {strides = array<i32>} : memref<2x80x128xf32, #tpu.memory_space<vmem>>, vector<16xf32>,
      }
      %scan3A_286 = arith.constant 80 : i32
      %dma_start3A_287 = arith.constant 1 : i32
      %dma_start3A_288 = arith.constant 0 : i32
      %dma_start3A_289 = arith.constant 0 : i32
      %dma_start3A_290 = tpu.memref_slice %arg14[%dma_start3A_287, %dma_start3A_288, %dma_start3A_289] : memref<2x80x128xf32, #tpu.memory_space<vmem>> -> memref<1x80x128xf32, #tpu.memory_space<vmem>>
      %dma_start3A_291 = tpu.memref_squeeze %dma_start3A_290 : memref<1x80x128xf32, #tpu.memory_space<vmem>> -> memref<80x128xf32, #tpu.memory_space<vmem>>
      %dma_start3A_292 = arith.constant 0 : i32
      %dma_start3A_293 = tpu.memref_slice %arg4[%add3A_186, %dma_start3A_292] : memref<10240x128xf32, #tpu.memory_space<hbm>> -> memref<80x128xf32, #tpu.memory_space<hbm>>
      %dma_start3A_294 = arith.constant 0 : i32
      %dma_start3A_295 = tpu.memref_slice %arg4[%add3A_186, %dma_start3A_294] : memref<10240x128xf32, #tpu.memory_space<hbm>> -> memref<80x128xf32, #tpu.memory_space<hbm>>
      %dma_start3A_296 = arith.constant 0 : i32
      %dma_start3A_297 = arith.constant 0 : i32
      %dma_start3A_298 = tpu.memref_slice %arg14[%dma_start3A_287, %dma_start3A_296, %dma_start3A_297] : memref<2x80x128xf32, #tpu.memory_space<vmem>> -> memref<1x80x128xf32, #tpu.memory_space<vmem>>
      %dma_start3A_299 = tpu.memref_squeeze %dma_start3A_298 : memref<1x80x128xf32, #tpu.memory_space<vmem>> -> memref<80x128xf32, #tpu.memory_space<vmem>>
      tpu.enqueue_dma source(%dma_start3A_299 : memref<80x128xf32, #tpu.memory_space<vmem>>) target(%dma_start3A_295 : memref<80x128xf32, #tpu.memory_space<hbm>>) target_semaphore(%arg17 : memref<!tpu.dma_semaphore, #tpu.memory_space<semaphore_mem>>)
    } else {
    }
    %mul3A_196 = arith.constant 320 : i32
    %mul3A_197 = arith.muli %arg0, %mul3A_196 : i32
    %add3A_198 = arith.addi %mul3A_44, %mul3A_197 : i32
    %add3A_199 = arith.constant 0 : i32
    %add3A_200 = arith.addi %add3A_198, %add3A_199 : i32
    %lt3A_201 = arith.constant 10000 : i32
    %lt3A_202 = arith.cmpi slt, %add3A_200, %lt3A_201 : i32
    %mul3A_203 = arith.constant 320 : i32
    %mul3A_204 = arith.muli %arg0, %mul3A_203 : i32
    %add3A_205 = arith.addi %mul3A_44, %mul3A_204 : i32
    %add3A_206 = arith.constant 160 : i32
    %add3A_207 = arith.addi %add3A_205, %add3A_206 : i32
    %ge3A = arith.constant 10000 : i32
    %ge3A_208 = arith.cmpi sge, %add3A_207, %ge3A : i32
    %and3A_209 = arith.andi %lt3A_202, %ge3A_208 : i1
    %convert_element_type3A_210 = arith.extui %and3A_209 : i1 to i32
    %cond3A_211 = arith.constant 0 : i32
    %cond3A_212 = arith.cmpi ne, %convert_element_type3A_210, %cond3A_211 : i32
    scf.if %cond3A_212 {
      %dma_wait3A_251 = arith.constant 0 : i32
      %dma_wait3A_252 = arith.constant 0 : i32
      %dma_wait3A_253 = arith.constant 0 : i32
      %dma_wait3A_254 = tpu.memref_slice %arg14[%dma_wait3A_251, %dma_wait3A_252, %dma_wait3A_253] : memref<2x80x128xf32, #tpu.memory_space<vmem>> -> memref<1x80x128xf32, #tpu.memory_space<vmem>>
      %dma_wait3A_255 = tpu.memref_squeeze %dma_wait3A_254 : memref<1x80x128xf32, #tpu.memory_space<vmem>> -> memref<80x128xf32, #tpu.memory_space<vmem>>
      %dma_wait3A_256 = arith.constant 0 : i32
      %dma_wait3A_257 = tpu.memref_slice %arg4[%add3A_200, %dma_wait3A_256] : memref<10240x128xf32, #tpu.memory_space<hbm>> -> memref<80x128xf32, #tpu.memory_space<hbm>>
      %dma_wait3A_258 = arith.constant 0 : i32
      %dma_wait3A_259 = tpu.memref_slice %arg4[%add3A_200, %dma_wait3A_258] : memref<10240x128xf32, #tpu.memory_space<hbm>> -> memref<80x128xf32, #tpu.memory_space<hbm>>
      %dma_wait3A_260 = arith.constant 0 : i32
      %dma_wait3A_261 = arith.constant 0 : i32
      %dma_wait3A_262 = tpu.memref_slice %arg14[%dma_wait3A_251, %dma_wait3A_260, %dma_wait3A_261] : memref<2x80x128xf32, #tpu.memory_space<vmem>> -> memref<1x80x128xf32, #tpu.memory_space<vmem>>
      %dma_wait3A_263 = tpu.memref_squeeze %dma_wait3A_262 : memref<1x80x128xf32, #tpu.memory_space<vmem>> -> memref<80x128xf32, #tpu.memory_space<vmem>>
      tpu.wait_dma2 semaphore(%arg17 : memref<!tpu.dma_semaphore, #tpu.memory_space<semaphore_mem>>) src(%dma_wait3A_263 : memref<80x128xf32, #tpu.memory_space<vmem>>) dst(%dma_wait3A_259 : memref<80x128xf32, #tpu.memory_space<hbm>>)
    } else {
    }
    %mul3A_213 = arith.constant 320 : i32
    %mul3A_214 = arith.muli %arg0, %mul3A_213 : i32
    %add3A_215 = arith.addi %mul3A_44, %mul3A_214 : i32
    %add3A_216 = arith.constant 80 : i32
    %add3A_217 = arith.addi %add3A_215, %add3A_216 : i32
    %lt3A_218 = arith.constant 10000 : i32
    %lt3A_219 = arith.cmpi slt, %add3A_217, %lt3A_218 : i32
    %mul3A_220 = arith.constant 320 : i32
    %mul3A_221 = arith.muli %arg0, %mul3A_220 : i32
    %add3A_222 = arith.addi %mul3A_44, %mul3A_221 : i32
    %add3A_223 = arith.constant 240 : i32
    %add3A_224 = arith.addi %add3A_222, %add3A_223 : i32
    %ge3A_225 = arith.constant 10000 : i32
    %ge3A_226 = arith.cmpi sge, %add3A_224, %ge3A_225 : i32
    %and3A_227 = arith.andi %lt3A_219, %ge3A_226 : i1
    %convert_element_type3A_228 = arith.extui %and3A_227 : i1 to i32
    %cond3A_229 = arith.constant 0 : i32
    %cond3A_230 = arith.cmpi ne, %convert_element_type3A_228, %cond3A_229 : i32
    scf.if %cond3A_230 {
      %dma_wait3A_251 = arith.constant 1 : i32
      %dma_wait3A_252 = arith.constant 0 : i32
      %dma_wait3A_253 = arith.constant 0 : i32
      %dma_wait3A_254 = tpu.memref_slice %arg14[%dma_wait3A_251, %dma_wait3A_252, %dma_wait3A_253] : memref<2x80x128xf32, #tpu.memory_space<vmem>> -> memref<1x80x128xf32, #tpu.memory_space<vmem>>
      %dma_wait3A_255 = tpu.memref_squeeze %dma_wait3A_254 : memref<1x80x128xf32, #tpu.memory_space<vmem>> -> memref<80x128xf32, #tpu.memory_space<vmem>>
      %dma_wait3A_256 = arith.constant 0 : i32
      %dma_wait3A_257 = tpu.memref_slice %arg4[%add3A_217, %dma_wait3A_256] : memref<10240x128xf32, #tpu.memory_space<hbm>> -> memref<80x128xf32, #tpu.memory_space<hbm>>
      %dma_wait3A_258 = arith.constant 0 : i32
      %dma_wait3A_259 = tpu.memref_slice %arg4[%add3A_217, %dma_wait3A_258] : memref<10240x128xf32, #tpu.memory_space<hbm>> -> memref<80x128xf32, #tpu.memory_space<hbm>>
      %dma_wait3A_260 = arith.constant 0 : i32
      %dma_wait3A_261 = arith.constant 0 : i32
      %dma_wait3A_262 = tpu.memref_slice %arg14[%dma_wait3A_251, %dma_wait3A_260, %dma_wait3A_261] : memref<2x80x128xf32, #tpu.memory_space<vmem>> -> memref<1x80x128xf32, #tpu.memory_space<vmem>>
      %dma_wait3A_263 = tpu.memref_squeeze %dma_wait3A_262 : memref<1x80x128xf32, #tpu.memory_space<vmem>> -> memref<80x128xf32, #tpu.memory_space<vmem>>
      tpu.wait_dma2 semaphore(%arg17 : memref<!tpu.dma_semaphore, #tpu.memory_space<semaphore_mem>>) src(%dma_wait3A_263 : memref<80x128xf32, #tpu.memory_space<vmem>>) dst(%dma_wait3A_259 : memref<80x128xf32, #tpu.memory_space<hbm>>)
    } else {
    }
    %mul3A_231 = arith.constant 320 : i32
    %mul3A_232 = arith.muli %arg0, %mul3A_231 : i32
    %add3A_233 = arith.addi %mul3A_44, %mul3A_232 : i32
    %add3A_234 = arith.constant 160 : i32
    %add3A_235 = arith.addi %add3A_233, %add3A_234 : i32
    %lt3A_236 = arith.constant 10000 : i32
    %lt3A_237 = arith.cmpi slt, %add3A_235, %lt3A_236 : i32
    %convert_element_type3A_238 = arith.extui %lt3A_237 : i1 to i32
    %cond3A_239 = arith.constant 0 : i32
    %cond3A_240 = arith.cmpi ne, %convert_element_type3A_238, %cond3A_239 : i32
    scf.if %cond3A_240 {
      %dma_wait3A_251 = arith.constant 0 : i32
      %dma_wait3A_252 = arith.constant 0 : i32
      %dma_wait3A_253 = arith.constant 0 : i32
      %dma_wait3A_254 = tpu.memref_slice %arg14[%dma_wait3A_251, %dma_wait3A_252, %dma_wait3A_253] : memref<2x80x128xf32, #tpu.memory_space<vmem>> -> memref<1x80x128xf32, #tpu.memory_space<vmem>>
      %dma_wait3A_255 = tpu.memref_squeeze %dma_wait3A_254 : memref<1x80x128xf32, #tpu.memory_space<vmem>> -> memref<80x128xf32, #tpu.memory_space<vmem>>
      %dma_wait3A_256 = arith.constant 0 : i32
      %dma_wait3A_257 = tpu.memref_slice %arg4[%add3A_235, %dma_wait3A_256] : memref<10240x128xf32, #tpu.memory_space<hbm>> -> memref<80x128xf32, #tpu.memory_space<hbm>>
      %dma_wait3A_258 = arith.constant 0 : i32
      %dma_wait3A_259 = tpu.memref_slice %arg4[%add3A_235, %dma_wait3A_258] : memref<10240x128xf32, #tpu.memory_space<hbm>> -> memref<80x128xf32, #tpu.memory_space<hbm>>
      %dma_wait3A_260 = arith.constant 0 : i32
      %dma_wait3A_261 = arith.constant 0 : i32
      %dma_wait3A_262 = tpu.memref_slice %arg14[%dma_wait3A_251, %dma_wait3A_260, %dma_wait3A_261] : memref<2x80x128xf32, #tpu.memory_space<vmem>> -> memref<1x80x128xf32, #tpu.memory_space<vmem>>
      %dma_wait3A_263 = tpu.memref_squeeze %dma_wait3A_262 : memref<1x80x128xf32, #tpu.memory_space<vmem>> -> memref<80x128xf32, #tpu.memory_space<vmem>>
      tpu.wait_dma2 semaphore(%arg17 : memref<!tpu.dma_semaphore, #tpu.memory_space<semaphore_mem>>) src(%dma_wait3A_263 : memref<80x128xf32, #tpu.memory_space<vmem>>) dst(%dma_wait3A_259 : memref<80x128xf32, #tpu.memory_space<hbm>>)
    } else {
    }
    %mul3A_241 = arith.constant 320 : i32
    %mul3A_242 = arith.muli %arg0, %mul3A_241 : i32
    %add3A_243 = arith.addi %mul3A_44, %mul3A_242 : i32
    %add3A_244 = arith.constant 240 : i32
    %add3A_245 = arith.addi %add3A_243, %add3A_244 : i32
    %lt3A_246 = arith.constant 10000 : i32
    %lt3A_247 = arith.cmpi slt, %add3A_245, %lt3A_246 : i32
    %convert_element_type3A_248 = arith.extui %lt3A_247 : i1 to i32
    %cond3A_249 = arith.constant 0 : i32
    %cond3A_250 = arith.cmpi ne, %convert_element_type3A_248, %cond3A_249 : i32
    scf.if %cond3A_250 {
      %dma_wait3A_251 = arith.constant 1 : i32
      %dma_wait3A_252 = arith.constant 0 : i32
      %dma_wait3A_253 = arith.constant 0 : i32
      %dma_wait3A_254 = tpu.memref_slice %arg14[%dma_wait3A_251, %dma_wait3A_252, %dma_wait3A_253] : memref<2x80x128xf32, #tpu.memory_space<vmem>> -> memref<1x80x128xf32, #tpu.memory_space<vmem>>
      %dma_wait3A_255 = tpu.memref_squeeze %dma_wait3A_254 : memref<1x80x128xf32, #tpu.memory_space<vmem>> -> memref<80x128xf32, #tpu.memory_space<vmem>>
      %dma_wait3A_256 = arith.constant 0 : i32
      %dma_wait3A_257 = tpu.memref_slice %arg4[%add3A_245, %dma_wait3A_256] : memref<10240x128xf32, #tpu.memory_space<hbm>> -> memref<80x128xf32, #tpu.memory_space<hbm>>
      %dma_wait3A_258 = arith.constant 0 : i32
      %dma_wait3A_259 = tpu.memref_slice %arg4[%add3A_245, %dma_wait3A_258] : memref<10240x128xf32, #tpu.memory_space<hbm>> -> memref<80x128xf32, #tpu.memory_space<hbm>>
      %dma_wait3A_260 = arith.constant 0 : i32
      %dma_wait3A_261 = arith.constant 0 : i32
      %dma_wait3A_262 = tpu.memref_slice %arg14[%dma_wait3A_251, %dma_wait3A_260, %dma_wait3A_261] : memref<2x80x128xf32, #tpu.memory_space<vmem>> -> memref<1x80x128xf32, #tpu.memory_space<vmem>>
      %dma_wait3A_263 = tpu.memref_squeeze %dma_wait3A_262 : memref<1x80x128xf32, #tpu.memory_space<vmem>> -> memref<80x128xf32, #tpu.memory_space<vmem>>
      tpu.wait_dma2 semaphore(%arg17 : memref<!tpu.dma_semaphore, #tpu.memory_space<semaphore_mem>>) src(%dma_wait3A_263 : memref<80x128xf32, #tpu.memory_space<vmem>>) dst(%dma_wait3A_259 : memref<80x128xf32, #tpu.memory_space<hbm>>)
    } else {
    }
    return
  }
}

module attributes {stable_mosaic.version = 14 : i64} {
  func.func @_k3_body(%arg0: memref<2x10240x128xf32, #tpu.memory_space<vmem>>, %arg1: memref<128x128xf32, #tpu.memory_space<vmem>>, %arg2: memref<1x128xf32, #tpu.memory_space<vmem>>, %arg3: memref<10240x1xf32, #tpu.memory_space<vmem>>, %arg4: memref<1x128xf32, #tpu.memory_space<vmem>>, %arg5: memref<1x128xf32, #tpu.memory_space<vmem>>, %arg6: memref<10000x128xf32, #tpu.memory_space<vmem>>) attributes {dimension_semantics = [], scalar_prefetch = 0 : i64, scratch_operands = 0 : i64, tpu.core_type = #tpu.core_type<tc>} {
    %get3A = arith.constant 0 : index
    %get3A_0 = arith.constant 0 : index
    %get3A_1 = arith.constant 0 : index
    %get3A_2 = vector.load %arg0[%get3A, %get3A_0, %get3A_1] : memref<2x10240x128xf32, #tpu.memory_space<vmem>>, vector<1x10000x128xf32>
    %get3A_3 = vector.shape_cast %get3A_2 : vector<1x10000x128xf32> to vector<10000x128xf32>
    %get3A_4 = arith.constant 1 : index
    %get3A_5 = arith.constant 0 : index
    %get3A_6 = arith.constant 0 : index
    %get3A_7 = vector.load %arg0[%get3A_4, %get3A_5, %get3A_6] : memref<2x10240x128xf32, #tpu.memory_space<vmem>>, vector<1x10000x128xf32>
    %get3A_8 = vector.shape_cast %get3A_7 : vector<1x10000x128xf32> to vector<10000x128xf32>
    %add3A = arith.addf %get3A_3, %get3A_8 : vector<10000x128xf32>
    %get3A_9 = arith.constant 0 : index
    %get3A_10 = arith.constant 0 : index
    %get3A_11 = vector.load %arg1[%get3A_9, %get3A_10] : memref<128x128xf32, #tpu.memory_space<vmem>>, vector<128x128xf32>
    %dot_general3A = arith.constant dense<0.000000e+00> : vector<10000x128xf32>
    %dot_general3A_12 = tpu.matmul %add3A, %get3A_11, %dot_general3A {dimension_numbers = #tpu.dot_dimension_numbers<[1], [0], [0], [1], [0, 0, 1, 1], [], []>, transpose_lhs_hint = false} : vector<10000x128xf32>, vector<128x128xf32>, vector<10000x128xf32> -> vector<10000x128xf32>
    %get3A_13 = arith.constant 0 : index
    %get3A_14 = arith.constant 0 : index
    %get3A_15 = vector.load %arg3[%get3A_13, %get3A_14] : memref<10240x1xf32, #tpu.memory_space<vmem>>, vector<10000x1xf32>
    %mul3A = vector.broadcast %get3A_15 : vector<10000x1xf32> to vector<10000x128xf32>
    %mul3A_16 = arith.mulf %dot_general3A_12, %mul3A : vector<10000x128xf32>
    %get3A_17 = arith.constant 0 : index
    %get3A_18 = arith.constant 0 : index
    %get3A_19 = vector.load %arg2[%get3A_17, %get3A_18] : memref<1x128xf32, #tpu.memory_space<vmem>>, vector<1x128xf32>
    %add3A_20 = vector.broadcast %get3A_19 : vector<1x128xf32> to vector<10000x128xf32>
    %add3A_21 = arith.addf %mul3A_16, %add3A_20 : vector<10000x128xf32>
    %reduce_sum3A = arith.constant dense<0.000000e+00> : vector<128xf32>
    %reduce_sum3A_22 = vector.multi_reduction <add>, %add3A_21, %reduce_sum3A [0] : vector<10000x128xf32> to vector<128xf32>
    %broadcast_in_dim3A = vector.shape_cast %reduce_sum3A_22 : vector<128xf32> to vector<1x128xf32>
    %div3A = arith.constant 1.000000e+04 : f32
    %div3A_23 = vector.broadcast %div3A : f32 to vector<1x128xf32>
    %div3A_24 = arith.divf %broadcast_in_dim3A, %div3A_23 : vector<1x128xf32>
    %sub3A = vector.broadcast %div3A_24 : vector<1x128xf32> to vector<10000x128xf32>
    %sub3A_25 = arith.subf %add3A_21, %sub3A : vector<10000x128xf32>
    %square3A = arith.mulf %sub3A_25, %sub3A_25 : vector<10000x128xf32>
    %reduce_sum3A_26 = arith.constant dense<0.000000e+00> : vector<128xf32>
    %reduce_sum3A_27 = vector.multi_reduction <add>, %square3A, %reduce_sum3A_26 [0] : vector<10000x128xf32> to vector<128xf32>
    %broadcast_in_dim3A_28 = vector.shape_cast %reduce_sum3A_27 : vector<128xf32> to vector<1x128xf32>
    %div3A_29 = arith.constant 1.000000e+04 : f32
    %div3A_30 = vector.broadcast %div3A_29 : f32 to vector<1x128xf32>
    %div3A_31 = arith.divf %broadcast_in_dim3A_28, %div3A_30 : vector<1x128xf32>
    %sub3A_32 = vector.broadcast %div3A_24 : vector<1x128xf32> to vector<10000x128xf32>
    %sub3A_33 = arith.subf %add3A_21, %sub3A_32 : vector<10000x128xf32>
    %add3A_34 = arith.constant 9.99999974E-6 : f32
    %add3A_35 = vector.broadcast %add3A_34 : f32 to vector<1x128xf32>
    %add3A_36 = arith.addf %div3A_31, %add3A_35 : vector<1x128xf32>
    %rsqrt3A = math.rsqrt %add3A_36 : vector<1x128xf32>
    %mul3A_37 = vector.broadcast %rsqrt3A : vector<1x128xf32> to vector<10000x128xf32>
    %mul3A_38 = arith.mulf %sub3A_33, %mul3A_37 : vector<10000x128xf32>
    %get3A_39 = arith.constant 0 : index
    %get3A_40 = arith.constant 0 : index
    %get3A_41 = vector.load %arg4[%get3A_39, %get3A_40] : memref<1x128xf32, #tpu.memory_space<vmem>>, vector<1x128xf32>
    %mul3A_42 = vector.broadcast %get3A_41 : vector<1x128xf32> to vector<10000x128xf32>
    %mul3A_43 = arith.mulf %mul3A_38, %mul3A_42 : vector<10000x128xf32>
    %get3A_44 = arith.constant 0 : index
    %get3A_45 = arith.constant 0 : index
    %get3A_46 = vector.load %arg5[%get3A_44, %get3A_45] : memref<1x128xf32, #tpu.memory_space<vmem>>, vector<1x128xf32>
    %add3A_47 = vector.broadcast %get3A_46 : vector<1x128xf32> to vector<10000x128xf32>
    %add3A_48 = arith.addf %mul3A_43, %add3A_47 : vector<10000x128xf32>
    %swap3A = arith.constant 0 : index
    %swap3A_49 = arith.constant 0 : index
    %swap3A_50 = vector.load %arg6[%swap3A, %swap3A_49] : memref<10000x128xf32, #tpu.memory_space<vmem>>, vector<10000x128xf32>
    tpu.vector_store %arg6[%swap3A, %swap3A_49], %add3A_48 {strides = array<i32>} : memref<10000x128xf32, #tpu.memory_space<vmem>>, vector<10000x128xf32>,
    return
  }
}

</mosaic_0001>

<sc_bundles>
// kernel: kernel.5.cloned.1.call-start
scs
__scs_entry_jumppad:
0x0: {  	(pc) =	sbr.rel $0x88, $3  }
0x1: {  	(tag) =	ssettag $0x0;
	lr =	simm.s32 $0x1  }
0x2: {  	[smem:$0x3F9B] =	sst lr;
	_ =	strace $0xD0000000  }
0x3: {  	_ = 	snop  }
0x4: {  	_ = 	snop  }
0x5: {  	_ = 	snop  }
0x6: {  	_ = 	snop  }
0x7: {  	_ = 	snop  }
__scs_overlays_trampoline_lowered:
0x8: {  	[smem:$0x3FAA] =	sst s0  }
0x9: {  	[smem:$0x3FAB] =	sst s1  }
0xa: {  	[smem:$0x3FAC] =	sst s2  }
0xb: {  	[smem:$0x3FAD] =	sst s3  }
0xc: {  	[smem:$0x3FAE] =	sst s4  }
0xd: {  	[smem:$0x3FAF] =	sst s5  }
0xe: {  	[smem:$0x3FB0] =	sst s6  }
0xf: {  	[smem:$0x3FB1] =	sst s7  }
0x10: {  	[smem:$0x3FB2] =	sst s8  }
0x11: {  	[smem:$0x3FB3] =	sst s9;
	s0 =	simm.s32 @!p0 $0x0  }
0x12: {  	s1 =	sld [smem:$0x3F99];
	s0 =	simm.s32 @p0 $0x1  }
0x13: {  	[smem:$0x3FB4] =	sst s0;
	s0 =	simm.s32 @!p1 $0x0  }
0x14: {  	s2 =	sld [smem:$0x3F98];
	s0 =	simm.s32 @p1 $0x1  }
0x15: {  	[smem:$0x3FB5] =	sst s0;
	s0 =	simm.s32 @!p2 $0x0  }
0x16: {  	s3 =	sld [smem:$0x3FDB];
	s0 =	simm.s32 @p2 $0x1  }
0x17: {  	s4 =	simm.s32 $0x1BF5;
	[smem:$0x3FB7] =	sst s0  }
0x18: {  	s0 =	sld [smem:$0x3F9A];
	_ =	swait.ge [sflag:s4], $0x0  }
0x19: {  	s7 =	sld [smem:$0x3F9B]  }
0x1a: {  	s8 =	sadd.s32 $0xFFFFE003, lr  }
0x1b: {  	s9 =	sadd.s32 $0xFFFFFEF7, lr;
	s5 =	simm.s32 $0xFFFFFFFF;
	p2 =	slt.u32 s8, $0xFFFFF086  }
0x1c: {  	p1 =	slt.u32 s9, $0xF7A;
	s5 =	simm.s32 @!p2 $0x0  }
0x1d: {  	s5 =	simm.s32 @p1 $0x1;
	p0 =	seq.s32 s7, s2  }
0x1e: {  	s7 =	smul.u32 @!p0 $0xF7A, s2;
	p2 =	seq.s32 @!p0 s5, $0x0  }
0x1f: {  	s9 =	smul.u32 $0xF7A, s1;
	s8 =	simm.s32 @!p0 $0x1BF5;
	p2 =	por !p2, p0  }
0x20: {  	[sflag:s8] =	ssyncset.s32 @!p0 $0xFFFFF086;
	s6 =	sadd.s32 @!p0 s3, s7;
	s7 =	simm.s32 @!p0 $0x108  }
0x21: {  	s3 =	sadd.s32 s3, s9;
	s6 =	sadd.s32 @!p0 $0x88, s6;
	s7 =	simm.s32 @p2 $0x1082  }
0x22: {  	[simem:s7], [sflag:s8] =	dma.local @!p0 [hbm:s6], $0xF7A  }
0x23: {  	s9 =	sor.u32 $0xD0000000, s2;
	s6 =	simm.s32 $0x108;
	_ =	swait.ge @!p0 [sflag:s8], $0x0  }
0x24: {  	s3 =	sadd.s32 $0x88, s3;
	s6 =	simm.s32 @!p1 $0x1082;
	[sflag:s4] =	ssyncset.s32 $0xFFFFF086  }
0x25: {  	[simem:s6], [sflag:s4] =	dma.local [hbm:s3], $0xF7A  }
0x26: {  	[smem:$0x3F9B] =	sst s1;
	(tag) =	ssettag s2;
	_ =	strace s9  }
0x27: {  	s1 =	sld [smem:$0x3FAB]  }
0x28: {  	s2 =	sld [smem:$0x3FAC]  }
0x29: {  	s4 =	sld [smem:$0x3FAE]  }
0x2a: {  	p0 =	seq.s32 s5, $0x0;
	s5 =	sld [smem:$0x3FAF]  }
0x2b: {  	s6 =	sld [smem:$0x3FB0]  }
0x2c: {  	s7 =	sld [smem:$0x3FB1]  }
0x2d: {  	s3 =	simm.s32 $0x108;
	s8 =	sld [smem:$0x3FB2]  }
0x2e: {  	s3 =	simm.s32 @!p0 $0x1082;
	s9 =	sld [smem:$0x3FB3]  }
0x2f: {  	lr =	sadd.s32 s0, s3;
	s0 =	sld [smem:$0x3FAA]  }
0x30: {  	s3 =	sld [smem:$0x3FAD]  }
0x31: {  	[smem:$0x3FB6] =	sst s10  }
0x32: {  	s10 =	sld [smem:$0x3FB4];
	_ =	sdelay $0x3  }
0x33: {  	p0 =	seq.s32 s10, $0x1;
	s10 =	sld [smem:$0x3FB6];
	_ =	sdelay $0x3  }
0x34: {  	[smem:$0x3FB6] =	sst s10  }
0x35: {  	s10 =	sld [smem:$0x3FB5];
	_ =	sdelay $0x3  }
0x36: {  	p1 =	seq.s32 s10, $0x1;
	s10 =	sld [smem:$0x3FB6];
	_ =	sdelay $0x3  }
0x37: {  	[smem:$0x3FB6] =	sst s10  }
0x38: {  	s10 =	sld [smem:$0x3FB7]  }
0x39: {  	_ = 	snop;
	(pc) =	sbr.ind lr, $3  }
0x3a: {  	_ = 	snop  }
0x3b: {  	_ = 	snop  }
0x3c: {  	p2 =	seq.s32 s10, $0x1;
	s10 =	sld [smem:$0x3FB6]  }
0x3d: {  	_ =	shalt  }
0x3e: {  	_ =	shalt  }
0x3f: {  	_ =	shalt  }
0x40: {  	_ =	shalt  }
0x41: {  	_ =	shalt  }
0x42: {  	_ =	shalt  }
0x43: {  	_ =	shalt  }
0x44: {  	_ =	shalt  }
0x45: {  	_ =	shalt  }
0x46: {  	_ =	shalt  }
0x47: {  	_ =	shalt  }
0x48: {  	_ =	shalt  }
0x49: {  	_ =	shalt  }
0x4a: {  	_ =	shalt  }
0x4b: {  	_ =	shalt  }
0x4c: {  	_ =	shalt  }
0x4d: {  	_ =	shalt  }
0x4e: {  	_ =	shalt  }
0x4f: {  	_ =	shalt  }
0x50: {  	_ =	shalt  }
0x51: {  	_ =	shalt  }
0x52: {  	_ =	shalt  }
0x53: {  	_ =	shalt  }
0x54: {  	_ =	shalt  }
0x55: {  	_ =	shalt  }
0x56: {  	_ =	shalt  }
0x57: {  	_ =	shalt  }
0x58: {  	_ =	shalt  }
0x59: {  	_ =	shalt  }
0x5a: {  	_ =	shalt  }
0x5b: {  	_ =	shalt  }
0x5c: {  	_ =	shalt  }
0x5d: {  	_ =	shalt  }
0x5e: {  	_ =	shalt  }
0x5f: {  	_ =	shalt  }
0x60: {  	_ =	shalt  }
0x61: {  	_ =	shalt  }
0x62: {  	_ =	shalt  }
0x63: {  	_ =	shalt  }
0x64: {  	_ =	shalt  }
0x65: {  	_ =	shalt  }
0x66: {  	_ =	shalt  }
0x67: {  	_ =	shalt  }
0x68: {  	_ =	shalt  }
0x69: {  	_ =	shalt  }
0x6a: {  	_ =	shalt  }
0x6b: {  	_ =	shalt  }
0x6c: {  	_ =	shalt  }
0x6d: {  	_ =	shalt  }
0x6e: {  	_ =	shalt  }
0x6f: {  	_ =	shalt  }
0x70: {  	_ =	shalt  }
0x71: {  	_ =	shalt  }
0x72: {  	_ =	shalt  }
0x73: {  	_ =	shalt  }
0x74: {  	_ =	shalt  }
0x75: {  	_ =	shalt  }
0x76: {  	_ =	shalt  }
0x77: {  	_ =	shalt  }
0x78: {  	_ =	shalt  }
0x79: {  	_ =	shalt  }
0x7a: {  	_ =	shalt  }
0x7b: {  	_ =	shalt  }
0x7c: {  	_ =	shalt  }
0x7d: {  	_ =	shalt  }
0x7e: {  	_ =	shalt  }
0x7f: {  	_ =	shalt  }
0x80: {  	_ =	shalt  }
0x81: {  	_ =	shalt  }
0x82: {  	_ =	shalt  }
0x83: {  	_ =	shalt  }
0x84: {  	_ =	shalt  }
0x85: {  	_ =	shalt  }
0x86: {  	_ =	shalt  }
0x87: {  	_ =	shalt  }
.Lfunc_end0:
.L_simem_size_0:
called_computation_lowered:
.L_overlay_start_0:
0x88: {  	s2 =	sld [smem:$0x3FD9]  }
0x89: {  	s3 =	sld [smem:$0x3FFE];
	_ =	sdelay $0x1  }
0x8a: {  	s1 =	srdreg.scid  }
0x8b: {  	s0 =	sand.u32 $0x1, s1  }
0x8c: {  	s17 =	sshll.u32 s0, $0xA;
	s2 =	sadd.s32 s3, s2  }
0x8d: {  	s2 =	sadd.s32 s2, s17  }
0x8e: {  	[smem:$0x3FC2] =	sst s2  }
0x8f: {  	_ = 	snop  }
0x90: {  	s2 =	sld [smem:$0x3FC9]  }
0x91: {  	s18 =	sld [smem:$0x3FC8]  }
0x92: {  	s4 =	sld [smem:$0x3FD0];
	(tm) =	ssettm $0x1  }
0x93: {  	s5 =	sld [smem:$0x3FFB];
	_ =	sdelay $0x3  }
0x94: {  	_ =	strace s5  }
0x95: {  	s5 =	sld [smem:$0x3FFC];
	_ =	sdelay $0x3  }
0x96: {  	_ =	strace s5  }
0x97: {  	s5 =	sld [smem:$0x3FFD];
	_ =	sdelay $0x3  }
0x98: {  	_ =	strace s5  }
0x99: {  	_ =	strace $0x8FFFFFFF  }
0x9a: {  	s19 =	sld [smem:$0x3FDB];
	_ =	sdelay $0x1  }
0x9b: {  	s6 =	simm.s32 $_scs_section_size  }
0x9c: {  	s7 =	simm.s32 $_size__tile_overlayer_lowered;
	s8 =	simm.s32 $_tile_overlayer_lowered  }
0x9d: {  	s22 =	simm.s32 $0x1BFF;
	s21 =	sshll.u32 s8, $0x1;
	s5 =	sadd.s32 s6, s19  }
0x9e: {  	s9 =	simm.s32 $0x0;
	s20 =	sshll.u32 s7, $0x1;
	s7 =	sadd.s32 s21, s5  }
0x9f: {  	[timem:s9], [sflag:s22] =	dma.local [hbm:s7], s20  }
0xa0: {  	_ =	swait.ge [sflag:s22], s20  }
0xa1: {  	s6 =	ssub.s32 $0x0, s20;
	[sflag:s22] =	ssyncset.done $0x0  }
0xa2: {  	[sflag:s22] =	ssyncadd.s32 s6;
	_ =	sdelay $0x1  }
0xa3: {  	s23 =	simm.s32 $0x1B8B  }
0xa4: {  	_ =	swait.ge [sflag:s23], $0x1  }
0xa5: {  	[sflag:s23] =	ssyncset.done $0x0  }
0xa6: {  	s25 =	simm.s32 $0x1B8E;
	s24 =	sld [smem:$0x3FFE];
	[sflag:s23] =	ssyncadd.s32 $0xFFFFFFFF  }
0xa7: {  	s26 =	simm.s32 $execute0_lowered;
	[smem:$0x3FD2] =	sst s25  }
0xa8: {  	s7 =	sshll.u32 s26, $0x1;
	_ =	strace $0x80000046;
	[dreg:$0x1] =	wrdreg $0xFFFFFFFF  }
0xa9: {  	s28 =	simm.s32 $_size_execute0_lowered;
	s5 =	sadd.s32 s5, s7;
	[dreg:$0x0] =	wrdreg $0x0  }
0xaa: {  	s7 =	sshll.u32 s28, $0x1;
	[dreg:$0x2] =	wrdreg s5  }
0xab: {  	[dreg:$0x3] =	wrdreg s7  }
0xac: {  	[dreg:$0x4] =	wrdreg $0xC0  }
0xad: {  	_ =	task [dreg:s9], $0x5FFFF  }
0xae: {  	[dreg:$0x1] =	wrdreg $0xFFFFFFFF  }
0xaf: {  	[dreg:$0x0] =	wrdreg $0x60  }
0xb0: {  	[dreg:$0x2] =	wrdreg s2  }
0xb1: {  	[dreg:$0x3] =	wrdreg s18  }
0xb2: {  	[dreg:$0x4] =	wrdreg s24  }
0xb3: {  	[dreg:$0x5] =	wrdreg s4  }
0xb4: {  	[dreg:$0x6] =	wrdreg $0x197000  }
0xb5: {  	[dreg:$0x7] =	wrdreg $0x9  }
0xb6: {  	_ =	task.clear_ibuf [dreg:s9], $0x8FFFF;
	_ =	strace $0x90000046  }
0xb7: {  	s29 =	simm.s32 $0x9;
	_ =	strace $0x80000048  }
0xb8: {  	_ =	swait.ge [sflag:s29], $0x1  }
0xb9: {  	[sflag:s29] =	ssyncadd.s32 $0xFFFFFFFF  }
0xba: {  	_ =	strace $0x90000048  }
0xbb: {  	_ =	sfence  }
0xbc: {  	s30 =	sld [smem:$0x0];
	_ =	sdelay $0x2  }
0xbd: {  	s31 =	sshll.u32 s1, $0xD;
	s1 =	sshrl.u32 s1, $0x2  }
0xbe: {  	s3 =	sand.u32 $0x4000, s31;
	s1 =	sadd.s32 s1, s30  }
0xbf: {  	s0 =	sor.u32 s3, s0;
	s1 =	sshll.u32 s1, $0x11  }
0xc0: {  	s0 =	sor.u32 s1, s0  }
0xc1: {  	s0 =	sadd.s32 $0x8F2B, s0  }
0xc2: {  	[sflag:s0] =	ssyncadd.remote.s32 $0x1  }
0xc3: {  	_ =	sfence.sel $0xFFFF  }
0xc4: {  	[dreg:$0x0] =	wrdreg $0xFFFFFFFF;
	(pc) =	sbr.abs _section_cstart, $3  }
0xc5: {  	[dreg:$0x1] =	wrdreg $0xFFFFFFFF  }
0xc6: {  	_ =	task.clear_ibuf [dreg:s9], $0x2FFFF;
	_ =	strace $0x9FFFFFFF  }
0xc7: {  	(tm) =	ssettm $0x7FFFFFFF  }
tec
execute0_lowered:
.L_overlay_start_1:
0x0: {  	(tag) =	ssettag $0x1  }
0x1: {  	s0 =	rddreg [dreg:$0x0]  }
0x2: {  	s1 =	rddreg [dreg:$0x1]  }
0x3: {  	s4 =	rddreg [dreg:$0x2];
	s17 =	stileid.u32  }
0x4: {  	s5 =	rddreg [dreg:$0x3];
	s9 =	smul.u32 $0x280, s17  }
0x5: {  	s7 =	rddreg [dreg:$0x4];
	s10 =	smul.u32 $0x4E20, s17  }
0x6: {  	s3 =	srdreg.scid;
	s14 =	smul.u32 $0x14000, s17  }
0x7: {  	s2 =	simm.s32 $0x0;
	s8 =	sand.u32 $0x1, s3;
	s23 =	smul.u32 $0x1400, s17  }
0x8: {  	s28 =	simm.s32 $0x3;
	[smem:$0x7FF] =	sst s2;
	s3 =	smul.u32 $0x140, s8  }
0x9: {  	_ =	strace $0x80000047;
	s6 =	ssub.s32 $0x2, s8;
	p0 =	sne.s32 s8, $0x0  }
0xa: {  	s12 =	sshrl.u32 s6, $0x1;
	s20 =	sshrl.u32 s10, $0x2;
	s22 =	sshrl.u32 s14, $0x2  }
0xb: {  	s25 =	sshrl.u32 s23, $0x2;
	s23 =	simm.s32 $0x9D00;
	s13 =	sadd.s32 s3, s9  }
0xc: {  	s16 =	ssub.s32 s6, s12;
	s21 =	sand.u32 $0x1FFE0, s20;
	s6 =	sadd.s32 s22, s7  }
0xd: {  	s9 =	sshrl.u32 s9, $0x3;
	s19 =	sadd.s32 $0x50, s3;
	s20 =	sadd.s32 $0xA0, s3  }
0xe: {  	s22 =	simm.s32 $0x1;
	s11 =	sshll.u32 s13, $0x4;
	s1 =	sadd.s32 s1, s21  }
0xf: {  	s24 =	sadd.s32 $0x80, s6;
	s9 =	sadd.s32 s5, s9;
	s18 =	smax.u32 s16, $0x1  }
0x10: {  	s21 =	sadd.s32 $0xF0, s3;
	p1 =	sgt.u32 s13, $0x26BF;
	p2 =	sgt.u32 s13, $0x266F  }
0x11: {  	p3 =	sgt.u32 s13, $0x261F;
	p4 =	sgt.u32 s13, $0x267F;
	s16 =	simm.s32 $0x0  }
0x12: {  	s15 =	sadd.s32 s11, s4;
	s4 =	sand.u32 $0x60, s10;
	[dreg:$0x6] =	wrdreg s1  }
0x13: {  	[dreg:$0x7] =	wrdreg s24;
	s1 =	sadd.s32 s25, s7;
	s10 =	sadd.s32 s0, s11  }
0x14: {  	s24 =	simm.s32 $0xC500;
	[dreg:$0x8] =	wrdreg s1;
	s0 =	sadd.s32 $0xA00, s10  }
.Ltmp0:
0x15: {  	s26 =	sadd.s32 $0x1D00, s15;
	[dreg:$0x9] =	wrdreg s0;
	(pc) =	sbr.rel .LBB2_1-.Ltmp0, $4  }
0x16: {  	s11 =	sadd.s32 $0x500, s10;
	s29 =	sadd.s32 $0xF00, s10;
	[dreg:$0xa] =	wrdreg s26  }
0x17: {  	s12 =	sadd.s32 $0x1800, s15;
	s30 =	sadd.s32 $0x2200, s15;
	[dreg:$0xb] =	wrdreg s29  }
0x18: {  	s31 =	sadd.s32 $0x2700, s15;
	s1 =	simm.s32 $0x14200;
	[dreg:$0xc] =	wrdreg s30  }
0x19: {  	v0 =	vimm.f32 $0.0e+00;
	v1 =	vlaneseq.u32;
	v2 =	vimm.f32 $1.000000000e+00;
	s15 =	simm.s32 $0x2;
	[dreg:$0xd] =	wrdreg s31;
	s0 =	simm.s32 $0x14700  }
.LBB2_51:
0x1a: {  	_ =	swait.ge [sflag:s15], $0x2800  }
0x1b: {  	[sflag:s15] =	ssyncset.done $0x0  }
0x1c: {  	[sflag:s15] =	ssyncadd.s32 $0xFFFFD800  }
.LBB2_52:
0x1d: {  	s16 =	sadd.s32 $0x1, s16  }
0x1e: {  	p5 =	sne.s32 s16, s18  }
.Ltmp1:
0x1f: {  	_ = 	snop;
	(pc) =	sbr.rel @!p5 .LBB2_53-.Ltmp1, $4  }
0x20: {  	_ = 	snop  }
0x21: {  	_ =	swait.ge [sflag:s15], $0x2800  }
0x22: {  	[sflag:s15] =	ssyncset.done $0x0  }
0x23: {  	[sflag:s15] =	ssyncadd.s32 $0xFFFFD800  }
.LBB2_1:
0x24: {  	s5 =	rddreg [dreg:$0x6]  }
0x25: {  	[tilespmem:s2], [sflag:$0x1] =	stream.linear.gather [hbm4b:s5+s2], $0x9D00, $0x38;
	[tilespmem:$0x1E700] =	vst v63  }
0x26: {  	s7 =	simm.s32 $0x40;
	s5 =	simm.s32 $0x0  }
.LBB2_2:
0x27: {  	p5 =	sne.s32 s7, $0x9FC0;
	[tilespmem:s5+$0x9D00] =	vst v0;
	s8 =	smov.u32 s7;
	s7 =	sadd.s32 $0x40, s7  }
.Ltmp2:
0x28: {  	[tilespmem:s5+$0xC500] =	vst v0;
	(pc) =	sbr.rel @p5 .LBB2_2-.Ltmp2, $2  }
0x29: {  	_ =	sdelay $0x2  }
0x2a: {  	s5 =	sshra.s32 s8, $0x2  }
0x2b: {  	s7 =	sadd.s32 $0x0, s4  }
0x2c: {  	v3 =	vmov s7  }
0x2d: {  	v4 =	vor.u32 s7, v1;
	v3 =	vshll.u32 v3, $0x1  }
0x2e: {  	v4 =	vand.u32 $0x7F, v4;
	v3 =	vand.u32 $0x1FF00, v3  }
0x2f: {  	[tilespmem:s5+$0x9D00] =	vst v0;
	v3 =	vor.u32 v4, v3  }
0x30: {  	[tilespmem:s5+$0xC500] =	vst v0;
	v4 =	vor.u32 $0x80, v3  }
0x31: {  	_ =	swait.ge [sflag:s22], $0x9D00  }
0x32: {  	[sflag:s22] =	ssyncset.done $0x0  }
0x33: {  	[sflag:s22] =	ssyncadd.s32 $0xFFFF6300  }
0x34: {  	v3 =	vld.idx.msk [tilespmem:v3+s2+$0x0], $0xffff  }
0x35: {  	s5 =	simm.s32 $0x20;
	s7 =	sadd.s32 $0x10, s4;
	v4 =	vld.idx.msk [tilespmem:v4+s2+$0x0], $0xffff  }
.LBB2_4:
0x36: {  	p5 =	sne.s32 s5, $0x4E10;
	v5 =	vmov s7  }
0x37: {  	v6 =	vor.u32 s7, v1;
	v5 =	vshll.u32 v5, $0x1  }
0x38: {  	v6 =	vand.u32 $0x7F, v6;
	v5 =	vand.u32 $0x1FF00, v5  }
0x39: {  	v5 =	vor.u32 v6, v5  }
0x3a: {  	v6 =	vor.u32 $0x80, v5  }
.Ltmp3:
0x3b: {  	(pc) =	sbr.rel @p5 .LBB2_4-.Ltmp3, $4  }
0x3c: {  	[tilespmem:v3+s23+$0x0] =	vst.idx.add.f32.msk $0xffff, v2  }
0x3d: {  	[tilespmem:v4+s24+$0x0] =	vst.idx.add.f32.msk $0xffff, v2  }
0x3e: {  	v3 =	vld.idx.msk [tilespmem:v5+s2+$0x0], $0xffff  }
0x3f: {  	s7 =	sadd.s32 s5, s4;
	s5 =	sadd.s32 $0x10, s5;
	v4 =	vld.idx.msk [tilespmem:v6+s2+$0x0], $0xffff  }
0x40: {  	_ = 	snop  }
0x41: {  	v5 =	vmov s7  }
0x42: {  	v6 =	vor.u32 s7, v1;
	v5 =	vshll.u32 v5, $0x1  }
0x43: {  	v6 =	vand.u32 $0x7F, v6;
	v5 =	vand.u32 $0x1FF00, v5  }
0x44: {  	v5 =	vor.u32 v6, v5  }
0x45: {  	v6 =	vor.u32 $0x80, v5;
	_ =	sdelay $0x1  }
0x46: {  	[tilespmem:v3+s23+$0x0] =	vst.idx.add.f32.msk $0xffff, v2  }
0x47: {  	[tilespmem:v4+s24+$0x0] =	vst.idx.add.f32.msk $0xffff, v2  }
0x48: {  	v3 =	vld.idx.msk [tilespmem:v5+s2+$0x0], $0xffff  }
0x49: {  	v4 =	vld.idx.msk [tilespmem:v6+s2+$0x0], $0xffff;
	_ =	sdelay $0x6  }
0x4a: {  	[tilespmem:v3+s23+$0x0] =	vst.idx.add.f32.msk $0xffff, v2  }
0x4b: {  	s26 =	simm.s32 $0x80;
	s8 =	simm.s32 $0x100;
	[tilespmem:v4+s24+$0x0] =	vst.idx.add.f32.msk $0xffff, v2  }
0x4c: {  	[spmem:s6] =	stream.strided.scatter [tilespmem:s23], [sflag:$0x3], $0x2800, s8, s26, $0x38;
	[tilespmem:$0x1E700] =	vst v63  }
0x4d: {  	_ =	swait.ge [sflag:s28], $0x2800  }
0x4e: {  	[sflag:s28] =	ssyncset.done $0x0  }
0x4f: {  	s5 =	rddreg [dreg:$0x7];
	[sflag:s28] =	ssyncadd.s32 $0xFFFFD800  }
0x50: {  	[spmem:s5] =	stream.strided.scatter [tilespmem:s24], [sflag:$0x3], $0x2800, s8, s26, $0x38;
	[tilespmem:$0x1E700] =	vst v63  }
0x51: {  	_ =	swait.ge [sflag:s28], $0x2800  }
0x52: {  	[sflag:s28] =	ssyncset.done $0x0  }
0x53: {  	[sflag:s28] =	ssyncadd.s32 $0xFFFFD800  }
0x54: {  	s14 =	simm.s32 $0x500;
	[bflag:$0x0] =	sbarrier.arrive $0xFFFF  }
0x55: {  	s17 =	simm.s32 $0x5000;
	s13 =	simm.s32 $0xED00;
	s8 =	rddreg [dreg:$0x8]  }
0x56: {  	[tilespmem:s13], [sflag:$0x3] =	stream.strided.gather [spmem:s8], $0x5000, s17, s14, $0x38;
	[tilespmem:$0x1E700] =	vst v63  }
0x57: {  	s14 =	simm.s32 $0x0;
	_ =	swait.ge [sflag:s28], $0x5000  }
0x58: {  	s25 =	sand.u32 $0x70, s14;
	s26 =	sand.u32 $0x700, s14;
	[sflag:s28] =	ssyncset.done $0x0  }
0x59: {  	s13 =	sor.u32 s25, s26;
	[sflag:s28] =	ssyncadd.s32 $0xFFFFB000  }
0x5a: {  	v3 =	vld [tilespmem:s13+$0xED00];
	_ =	sdelay $0x3  }
0x5b: {  	s29 =	simm.s32 $0x13D00  }
0x5c: {  	[tilespmem:s29+$0x0] =	vst v3  }
0x5d: {  	v3 =	vld [tilespmem:s13+$0xED80];
	_ =	sdelay $0x1  }
0x5e: {  	s31 =	simm.s32 $0x10;
	s30 =	simm.s32 $0x20  }
0x5f: {  	s7 =	simm.s32 $0x13F80;
	s5 =	simm.s32 $0x13F80;
	s17 =	simm.s32 $0x20  }
0x60: {  	s8 =	sand.u32 $0x700, s17;
	s26 =	sand.u32 $0x70, s31;
	s25 =	simm.s32 $0x13D00  }
.LBB2_6:
0x61: {  	p5 =	sne.s32 s30, $0x270;
	s8 =	sor.u32 s26, s8;
	[tilespmem:s7+$0x0] =	vst v3  }
0x62: {  	v3 =	vld [tilespmem:s8+$0xED00];
	_ =	sdelay $0x3  }
0x63: {  	s25 =	sadd.s32 $0x10, s25  }
0x64: {  	[tilespmem:s25+$0x0] =	vst v3  }
.Ltmp4:
0x65: {  	v3 =	vld [tilespmem:s8+$0xED80];
	(pc) =	sbr.rel @p5 .LBB2_6-.Ltmp4, $3  }
0x66: {  	_ =	sdelay $0x1  }
0x67: {  	s17 =	sadd.s32 $0x20, s17;
	s7 =	sadd.s32 $0x10, s7  }
0x68: {  	s26 =	sand.u32 $0x70, s30;
	s30 =	sadd.s32 $0x10, s30;
	s8 =	sand.u32 $0x700, s17  }
0x69: {  	s8 =	sor.u32 s26, s8;
	[tilespmem:s7+$0x0] =	vst v3  }
0x6a: {  	v3 =	vld [tilespmem:s8+$0xED00];
	_ =	sdelay $0x3  }
0x6b: {  	s17 =	sadd.s32 $0x10, s25  }
0x6c: {  	[tilespmem:s17+$0x0] =	vst v3  }
0x6d: {  	v3 =	vld [tilespmem:s8+$0xED80];
	_ =	sdelay $0x3  }
0x6e: {  	s30 =	sadd.s32 $0x10, s7  }
0x6f: {  	[tilespmem:s30+$0x0] =	vst v3  }
0x70: {  	v3 =	vld [tilespmem:s29+$0x0]  }
0x71: {  	v4 =	vld [tilespmem:s13+$0xF200];
	_ =	sdelay $0x4  }
0x72: {  	v3 =	vadd.f32 v4, v3;
	_ =	sdelay $0x1  }
0x73: {  	[tilespmem:s29+$0x0] =	vst v3  }
0x74: {  	v3 =	vld [tilespmem:s5+$0x0]  }
0x75: {  	v4 =	vld [tilespmem:s13+$0xF280];
	_ =	sdelay $0x4  }
0x76: {  	s7 =	simm.s32 $0x13F80;
	v3 =	vadd.f32 v4, v3  }
.LBB2_8:
0x77: {  	s14 =	sadd.s32 $0x20, s14;
	s29 =	sadd.s32 $0x10, s29;
	s5 =	sadd.s32 $0x10, s5  }
0x78: {  	s8 =	sand.u32 $0x70, s31;
	p5 =	sne.s32 s31, $0x270;
	s13 =	sand.u32 $0x700, s14;
	[tilespmem:s7+$0x0] =	vst v3  }
0x79: {  	s31 =	sadd.s32 $0x10, s31;
	s7 =	smov.u32 s5;
	v3 =	vld [tilespmem:s29+$0x0];
	s8 =	sor.u32 s8, s13  }
0x7a: {  	v4 =	vld [tilespmem:s8+$0xF200];
	_ =	sdelay $0x4  }
0x7b: {  	v3 =	vadd.f32 v4, v3;
	_ =	sdelay $0x1  }
0x7c: {  	[tilespmem:s29+$0x0] =	vst v3  }
0x7d: {  	v3 =	vld [tilespmem:s5+$0x0]  }
0x7e: {  	v4 =	vld [tilespmem:s8+$0xF280]  }
.Ltmp5:
0x7f: {  	(pc) =	sbr.rel @p5 .LBB2_8-.Ltmp5, $2  }
0x80: {  	_ =	sdelay $0x2  }
0x81: {  	s17 =	simm.s32 $0x0;
	s30 =	simm.s32 $0x13D00;
	s13 =	simm.s32 $0x13F80;
	v3 =	vadd.f32 v4, v3  }
0x82: {  	_ = 	snop  }
0x83: {  	s5 =	sand.u32 $0x70, s17;
	s26 =	sand.u32 $0x700, s17;
	[tilespmem:s7+$0x0] =	vst v3  }
0x84: {  	s5 =	sor.u32 s5, s26;
	v3 =	vld [tilespmem:s30+$0x0]  }
0x85: {  	v4 =	vld [tilespmem:s5+$0xF700];
	_ =	sdelay $0x4  }
0x86: {  	v3 =	vadd.f32 v4, v3;
	_ =	sdelay $0x1  }
0x87: {  	[tilespmem:s30+$0x0] =	vst v3  }
0x88: {  	v3 =	vld [tilespmem:s13+$0x0]  }
0x89: {  	v4 =	vld [tilespmem:s5+$0xF780];
	_ =	sdelay $0x3  }
0x8a: {  	s14 =	simm.s32 $0x10;
	s29 =	simm.s32 $0x0  }
0x8b: {  	s31 =	simm.s32 $0x13D00;
	s25 =	simm.s32 $0x13F80;
	s7 =	simm.s32 $0x13F80;
	v3 =	vadd.f32 v4, v3  }
.LBB2_10:
0x8c: {  	s29 =	sadd.s32 $0x20, s29;
	s31 =	sadd.s32 $0x10, s31;
	s7 =	sadd.s32 $0x10, s7  }
0x8d: {  	s8 =	sand.u32 $0x70, s14;
	p5 =	sne.s32 s14, $0x270;
	s26 =	sand.u32 $0x700, s29;
	[tilespmem:s25+$0x0] =	vst v3  }
0x8e: {  	s14 =	sadd.s32 $0x10, s14;
	s25 =	smov.u32 s7;
	v3 =	vld [tilespmem:s31+$0x0];
	s8 =	sor.u32 s8, s26  }
0x8f: {  	v4 =	vld [tilespmem:s8+$0xF700];
	_ =	sdelay $0x4  }
0x90: {  	v3 =	vadd.f32 v4, v3;
	_ =	sdelay $0x1  }
0x91: {  	[tilespmem:s31+$0x0] =	vst v3  }
0x92: {  	v3 =	vld [tilespmem:s7+$0x0]  }
0x93: {  	v4 =	vld [tilespmem:s8+$0xF780]  }
.Ltmp6:
0x94: {  	(pc) =	sbr.rel @p5 .LBB2_10-.Ltmp6, $2  }
0x95: {  	_ =	sdelay $0x2  }
0x96: {  	v3 =	vadd.f32 v4, v3  }
0x97: {  	_ = 	snop  }
0x98: {  	[tilespmem:s25+$0x0] =	vst v3  }
0x99: {  	v3 =	vld [tilespmem:s30+$0x0]  }
0x9a: {  	v4 =	vld [tilespmem:s5+$0xFC00];
	_ =	sdelay $0x4  }
0x9b: {  	v3 =	vadd.f32 v4, v3;
	_ =	sdelay $0x1  }
0x9c: {  	[tilespmem:s30+$0x0] =	vst v3  }
0x9d: {  	v3 =	vld [tilespmem:s13+$0x0]  }
0x9e: {  	v4 =	vld [tilespmem:s5+$0xFC80];
	_ =	sdelay $0x4  }
0x9f: {  	s7 =	simm.s32 $0x13F80;
	s5 =	simm.s32 $0x10;
	v3 =	vadd.f32 v4, v3  }
.LBB2_12:
0xa0: {  	s17 =	sadd.s32 $0x20, s17;
	s30 =	sadd.s32 $0x10, s30;
	s13 =	sadd.s32 $0x10, s13  }
0xa1: {  	s8 =	sand.u32 $0x70, s5;
	p5 =	sne.s32 s5, $0x270;
	s14 =	sand.u32 $0x700, s17;
	[tilespmem:s7+$0x0] =	vst v3  }
0xa2: {  	s5 =	sadd.s32 $0x10, s5;
	s7 =	smov.u32 s13;
	v3 =	vld [tilespmem:s30+$0x0];
	s8 =	sor.u32 s8, s14  }
0xa3: {  	v4 =	vld [tilespmem:s8+$0xFC00];
	_ =	sdelay $0x4  }
0xa4: {  	v3 =	vadd.f32 v4, v3;
	_ =	sdelay $0x1  }
0xa5: {  	[tilespmem:s30+$0x0] =	vst v3  }
0xa6: {  	v3 =	vld [tilespmem:s13+$0x0]  }
0xa7: {  	v4 =	vld [tilespmem:s8+$0xFC80]  }
.Ltmp7:
0xa8: {  	(pc) =	sbr.rel @p5 .LBB2_12-.Ltmp7, $2  }
0xa9: {  	_ =	sdelay $0x2  }
0xaa: {  	s29 =	simm.s32 $0x0;
	s31 =	simm.s32 $0x13D00;
	s14 =	simm.s32 $0x13F80;
	v3 =	vadd.f32 v4, v3  }
0xab: {  	_ = 	snop  }
0xac: {  	s5 =	sand.u32 $0x70, s29;
	s26 =	sand.u32 $0x700, s29;
	[tilespmem:s7+$0x0] =	vst v3  }
0xad: {  	s5 =	sor.u32 s5, s26;
	v3 =	vld [tilespmem:s31+$0x0]  }
0xae: {  	v4 =	vld [tilespmem:s5+$0x10100];
	_ =	sdelay $0x4  }
0xaf: {  	v3 =	vadd.f32 v4, v3;
	_ =	sdelay $0x1  }
0xb0: {  	[tilespmem:s31+$0x0] =	vst v3  }
0xb1: {  	v3 =	vld [tilespmem:s14+$0x0]  }
0xb2: {  	v4 =	vld [tilespmem:s5+$0x10180];
	_ =	sdelay $0x3  }
0xb3: {  	s13 =	simm.s32 $0x10;
	s17 =	simm.s32 $0x0  }
0xb4: {  	s30 =	simm.s32 $0x13D00;
	s25 =	simm.s32 $0x13F80;
	s7 =	simm.s32 $0x13F80;
	v3 =	vadd.f32 v4, v3  }
.LBB2_14:
0xb5: {  	s17 =	sadd.s32 $0x20, s17;
	s30 =	sadd.s32 $0x10, s30;
	s7 =	sadd.s32 $0x10, s7  }
0xb6: {  	s8 =	sand.u32 $0x70, s13;
	p5 =	sne.s32 s13, $0x270;
	s26 =	sand.u32 $0x700, s17;
	[tilespmem:s25+$0x0] =	vst v3  }
0xb7: {  	s13 =	sadd.s32 $0x10, s13;
	s25 =	smov.u32 s7;
	v3 =	vld [tilespmem:s30+$0x0];
	s8 =	sor.u32 s8, s26  }
0xb8: {  	v4 =	vld [tilespmem:s8+$0x10100];
	_ =	sdelay $0x4  }
0xb9: {  	v3 =	vadd.f32 v4, v3;
	_ =	sdelay $0x1  }
0xba: {  	[tilespmem:s30+$0x0] =	vst v3  }
0xbb: {  	v3 =	vld [tilespmem:s7+$0x0]  }
0xbc: {  	v4 =	vld [tilespmem:s8+$0x10180]  }
.Ltmp8:
0xbd: {  	(pc) =	sbr.rel @p5 .LBB2_14-.Ltmp8, $2  }
0xbe: {  	_ =	sdelay $0x2  }
0xbf: {  	v3 =	vadd.f32 v4, v3  }
0xc0: {  	_ = 	snop  }
0xc1: {  	[tilespmem:s25+$0x0] =	vst v3  }
0xc2: {  	v3 =	vld [tilespmem:s31+$0x0]  }
0xc3: {  	v4 =	vld [tilespmem:s5+$0x10600];
	_ =	sdelay $0x4  }
0xc4: {  	v3 =	vadd.f32 v4, v3;
	_ =	sdelay $0x1  }
0xc5: {  	[tilespmem:s31+$0x0] =	vst v3  }
0xc6: {  	v3 =	vld [tilespmem:s14+$0x0]  }
0xc7: {  	v4 =	vld [tilespmem:s5+$0x10680];
	_ =	sdelay $0x4  }
0xc8: {  	s7 =	simm.s32 $0x13F80;
	s5 =	simm.s32 $0x10;
	v3 =	vadd.f32 v4, v3  }
.LBB2_16:
0xc9: {  	s29 =	sadd.s32 $0x20, s29;
	s31 =	sadd.s32 $0x10, s31;
	s14 =	sadd.s32 $0x10, s14  }
0xca: {  	s8 =	sand.u32 $0x70, s5;
	p5 =	sne.s32 s5, $0x270;
	s13 =	sand.u32 $0x700, s29;
	[tilespmem:s7+$0x0] =	vst v3  }
0xcb: {  	s5 =	sadd.s32 $0x10, s5;
	s7 =	smov.u32 s14;
	v3 =	vld [tilespmem:s31+$0x0];
	s8 =	sor.u32 s8, s13  }
0xcc: {  	v4 =	vld [tilespmem:s8+$0x10600];
	_ =	sdelay $0x4  }
0xcd: {  	v3 =	vadd.f32 v4, v3;
	_ =	sdelay $0x1  }
0xce: {  	[tilespmem:s31+$0x0] =	vst v3  }
0xcf: {  	v3 =	vld [tilespmem:s14+$0x0]  }
0xd0: {  	v4 =	vld [tilespmem:s8+$0x10680]  }
.Ltmp9:
0xd1: {  	(pc) =	sbr.rel @p5 .LBB2_16-.Ltmp9, $2  }
0xd2: {  	_ =	sdelay $0x2  }
0xd3: {  	s17 =	simm.s32 $0x0;
	s30 =	simm.s32 $0x13D00;
	s13 =	simm.s32 $0x13F80;
	v3 =	vadd.f32 v4, v3  }
0xd4: {  	_ = 	snop  }
0xd5: {  	s5 =	sand.u32 $0x70, s17;
	s26 =	sand.u32 $0x700, s17;
	[tilespmem:s7+$0x0] =	vst v3  }
0xd6: {  	s5 =	sor.u32 s5, s26;
	v3 =	vld [tilespmem:s30+$0x0]  }
0xd7: {  	v4 =	vld [tilespmem:s5+$0x10B00];
	_ =	sdelay $0x4  }
0xd8: {  	v3 =	vadd.f32 v4, v3;
	_ =	sdelay $0x1  }
0xd9: {  	[tilespmem:s30+$0x0] =	vst v3  }
0xda: {  	v3 =	vld [tilespmem:s13+$0x0]  }
0xdb: {  	v4 =	vld [tilespmem:s5+$0x10B80];
	_ =	sdelay $0x3  }
0xdc: {  	s14 =	simm.s32 $0x10;
	s29 =	simm.s32 $0x0  }
0xdd: {  	s31 =	simm.s32 $0x13D00;
	s25 =	simm.s32 $0x13F80;
	s7 =	simm.s32 $0x13F80;
	v3 =	vadd.f32 v4, v3  }
.LBB2_18:
0xde: {  	s29 =	sadd.s32 $0x20, s29;
	s31 =	sadd.s32 $0x10, s31;
	s7 =	sadd.s32 $0x10, s7  }
0xdf: {  	s8 =	sand.u32 $0x70, s14;
	p5 =	sne.s32 s14, $0x270;
	s26 =	sand.u32 $0x700, s29;
	[tilespmem:s25+$0x0] =	vst v3  }
0xe0: {  	s14 =	sadd.s32 $0x10, s14;
	s25 =	smov.u32 s7;
	v3 =	vld [tilespmem:s31+$0x0];
	s8 =	sor.u32 s8, s26  }
0xe1: {  	v4 =	vld [tilespmem:s8+$0x10B00];
	_ =	sdelay $0x4  }
0xe2: {  	v3 =	vadd.f32 v4, v3;
	_ =	sdelay $0x1  }
0xe3: {  	[tilespmem:s31+$0x0] =	vst v3  }
0xe4: {  	v3 =	vld [tilespmem:s7+$0x0]  }
0xe5: {  	v4 =	vld [tilespmem:s8+$0x10B80]  }
.Ltmp10:
0xe6: {  	(pc) =	sbr.rel @p5 .LBB2_18-.Ltmp10, $2  }
0xe7: {  	_ =	sdelay $0x2  }
0xe8: {  	v3 =	vadd.f32 v4, v3  }
0xe9: {  	_ = 	snop  }
0xea: {  	[tilespmem:s25+$0x0] =	vst v3  }
0xeb: {  	v3 =	vld [tilespmem:s30+$0x0]  }
0xec: {  	v4 =	vld [tilespmem:s5+$0x11000];
	_ =	sdelay $0x4  }
0xed: {  	v3 =	vadd.f32 v4, v3;
	_ =	sdelay $0x1  }
0xee: {  	[tilespmem:s30+$0x0] =	vst v3  }
0xef: {  	v3 =	vld [tilespmem:s13+$0x0]  }
0xf0: {  	v4 =	vld [tilespmem:s5+$0x11080];
	_ =	sdelay $0x4  }
0xf1: {  	s7 =	simm.s32 $0x13F80;
	s5 =	simm.s32 $0x10;
	v3 =	vadd.f32 v4, v3  }
.LBB2_20:
0xf2: {  	s17 =	sadd.s32 $0x20, s17;
	s30 =	sadd.s32 $0x10, s30;
	s13 =	sadd.s32 $0x10, s13  }
0xf3: {  	s8 =	sand.u32 $0x70, s5;
	p5 =	sne.s32 s5, $0x270;
	s14 =	sand.u32 $0x700, s17;
	[tilespmem:s7+$0x0] =	vst v3  }
0xf4: {  	s5 =	sadd.s32 $0x10, s5;
	s7 =	smov.u32 s13;
	v3 =	vld [tilespmem:s30+$0x0];
	s8 =	sor.u32 s8, s14  }
0xf5: {  	v4 =	vld [tilespmem:s8+$0x11000];
	_ =	sdelay $0x4  }
0xf6: {  	v3 =	vadd.f32 v4, v3;
	_ =	sdelay $0x1  }
0xf7: {  	[tilespmem:s30+$0x0] =	vst v3  }
0xf8: {  	v3 =	vld [tilespmem:s13+$0x0]  }
0xf9: {  	v4 =	vld [tilespmem:s8+$0x11080]  }
.Ltmp11:
0xfa: {  	(pc) =	sbr.rel @p5 .LBB2_20-.Ltmp11, $2  }
0xfb: {  	_ =	sdelay $0x2  }
0xfc: {  	s29 =	simm.s32 $0x0;
	s31 =	simm.s32 $0x13D00;
	s14 =	simm.s32 $0x13F80;
	v3 =	vadd.f32 v4, v3  }
0xfd: {  	_ = 	snop  }
0xfe: {  	s5 =	sand.u32 $0x70, s29;
	s26 =	sand.u32 $0x700, s29;
	[tilespmem:s7+$0x0] =	vst v3  }
0xff: {  	s5 =	sor.u32 s5, s26;
	v3 =	vld [tilespmem:s31+$0x0]  }
0x100: {  	v4 =	vld [tilespmem:s5+$0x11500];
	_ =	sdelay $0x4  }
0x101: {  	v3 =	vadd.f32 v4, v3;
	_ =	sdelay $0x1  }
0x102: {  	[tilespmem:s31+$0x0] =	vst v3  }
0x103: {  	v3 =	vld [tilespmem:s14+$0x0]  }
0x104: {  	v4 =	vld [tilespmem:s5+$0x11580];
	_ =	sdelay $0x3  }
0x105: {  	s13 =	simm.s32 $0x10;
	s17 =	simm.s32 $0x0  }
0x106: {  	s30 =	simm.s32 $0x13D00;
	s25 =	simm.s32 $0x13F80;
	s7 =	simm.s32 $0x13F80;
	v3 =	vadd.f32 v4, v3  }
.LBB2_22:
0x107: {  	s17 =	sadd.s32 $0x20, s17;
	s30 =	sadd.s32 $0x10, s30;
	s7 =	sadd.s32 $0x10, s7  }
0x108: {  	s8 =	sand.u32 $0x70, s13;
	p5 =	sne.s32 s13, $0x270;
	s26 =	sand.u32 $0x700, s17;
	[tilespmem:s25+$0x0] =	vst v3  }
0x109: {  	s13 =	sadd.s32 $0x10, s13;
	s25 =	smov.u32 s7;
	v3 =	vld [tilespmem:s30+$0x0];
	s8 =	sor.u32 s8, s26  }
0x10a: {  	v4 =	vld [tilespmem:s8+$0x11500];
	_ =	sdelay $0x4  }
0x10b: {  	v3 =	vadd.f32 v4, v3;
	_ =	sdelay $0x1  }
0x10c: {  	[tilespmem:s30+$0x0] =	vst v3  }
0x10d: {  	v3 =	vld [tilespmem:s7+$0x0]  }
0x10e: {  	v4 =	vld [tilespmem:s8+$0x11580]  }
.Ltmp12:
0x10f: {  	(pc) =	sbr.rel @p5 .LBB2_22-.Ltmp12, $2  }
0x110: {  	_ =	sdelay $0x2  }
0x111: {  	v3 =	vadd.f32 v4, v3  }
0x112: {  	_ = 	snop  }
0x113: {  	[tilespmem:s25+$0x0] =	vst v3  }
0x114: {  	v3 =	vld [tilespmem:s31+$0x0]  }
0x115: {  	v4 =	vld [tilespmem:s5+$0x11A00];
	_ =	sdelay $0x4  }
0x116: {  	v3 =	vadd.f32 v4, v3;
	_ =	sdelay $0x1  }
0x117: {  	[tilespmem:s31+$0x0] =	vst v3  }
0x118: {  	v3 =	vld [tilespmem:s14+$0x0]  }
0x119: {  	v4 =	vld [tilespmem:s5+$0x11A80];
	_ =	sdelay $0x4  }
0x11a: {  	s7 =	simm.s32 $0x13F80;
	s5 =	simm.s32 $0x10;
	v3 =	vadd.f32 v4, v3  }
.LBB2_24:
0x11b: {  	s29 =	sadd.s32 $0x20, s29;
	s31 =	sadd.s32 $0x10, s31;
	s14 =	sadd.s32 $0x10, s14  }
0x11c: {  	s8 =	sand.u32 $0x70, s5;
	p5 =	sne.s32 s5, $0x270;
	s13 =	sand.u32 $0x700, s29;
	[tilespmem:s7+$0x0] =	vst v3  }
0x11d: {  	s5 =	sadd.s32 $0x10, s5;
	s7 =	smov.u32 s14;
	v3 =	vld [tilespmem:s31+$0x0];
	s8 =	sor.u32 s8, s13  }
0x11e: {  	v4 =	vld [tilespmem:s8+$0x11A00];
	_ =	sdelay $0x4  }
0x11f: {  	v3 =	vadd.f32 v4, v3;
	_ =	sdelay $0x1  }
0x120: {  	[tilespmem:s31+$0x0] =	vst v3  }
0x121: {  	v3 =	vld [tilespmem:s14+$0x0]  }
0x122: {  	v4 =	vld [tilespmem:s8+$0x11A80]  }
.Ltmp13:
0x123: {  	(pc) =	sbr.rel @p5 .LBB2_24-.Ltmp13, $2  }
0x124: {  	_ =	sdelay $0x2  }
0x125: {  	s17 =	simm.s32 $0x0;
	s30 =	simm.s32 $0x13D00;
	s13 =	simm.s32 $0x13F80;
	v3 =	vadd.f32 v4, v3  }
0x126: {  	_ = 	snop  }
0x127: {  	s5 =	sand.u32 $0x70, s17;
	s26 =	sand.u32 $0x700, s17;
	[tilespmem:s7+$0x0] =	vst v3  }
0x128: {  	s5 =	sor.u32 s5, s26;
	v3 =	vld [tilespmem:s30+$0x0]  }
0x129: {  	v4 =	vld [tilespmem:s5+$0x11F00];
	_ =	sdelay $0x4  }
0x12a: {  	v3 =	vadd.f32 v4, v3;
	_ =	sdelay $0x1  }
0x12b: {  	[tilespmem:s30+$0x0] =	vst v3  }
0x12c: {  	v3 =	vld [tilespmem:s13+$0x0]  }
0x12d: {  	v4 =	vld [tilespmem:s5+$0x11F80];
	_ =	sdelay $0x3  }
0x12e: {  	s14 =	simm.s32 $0x10;
	s29 =	simm.s32 $0x0  }
0x12f: {  	s31 =	simm.s32 $0x13D00;
	s25 =	simm.s32 $0x13F80;
	s7 =	simm.s32 $0x13F80;
	v3 =	vadd.f32 v4, v3  }
.LBB2_26:
0x130: {  	s29 =	sadd.s32 $0x20, s29;
	s31 =	sadd.s32 $0x10, s31;
	s7 =	sadd.s32 $0x10, s7  }
0x131: {  	s8 =	sand.u32 $0x70, s14;
	p5 =	sne.s32 s14, $0x270;
	s26 =	sand.u32 $0x700, s29;
	[tilespmem:s25+$0x0] =	vst v3  }
0x132: {  	s14 =	sadd.s32 $0x10, s14;
	s25 =	smov.u32 s7;
	v3 =	vld [tilespmem:s31+$0x0];
	s8 =	sor.u32 s8, s26  }
0x133: {  	v4 =	vld [tilespmem:s8+$0x11F00];
	_ =	sdelay $0x4  }
0x134: {  	v3 =	vadd.f32 v4, v3;
	_ =	sdelay $0x1  }
0x135: {  	[tilespmem:s31+$0x0] =	vst v3  }
0x136: {  	v3 =	vld [tilespmem:s7+$0x0]  }
0x137: {  	v4 =	vld [tilespmem:s8+$0x11F80]  }
.Ltmp14:
0x138: {  	(pc) =	sbr.rel @p5 .LBB2_26-.Ltmp14, $2  }
0x139: {  	_ =	sdelay $0x2  }
0x13a: {  	v3 =	vadd.f32 v4, v3  }
0x13b: {  	_ = 	snop  }
0x13c: {  	[tilespmem:s25+$0x0] =	vst v3  }
0x13d: {  	v3 =	vld [tilespmem:s30+$0x0]  }
0x13e: {  	v4 =	vld [tilespmem:s5+$0x12400];
	_ =	sdelay $0x4  }
0x13f: {  	v3 =	vadd.f32 v4, v3;
	_ =	sdelay $0x1  }
0x140: {  	[tilespmem:s30+$0x0] =	vst v3  }
0x141: {  	v3 =	vld [tilespmem:s13+$0x0]  }
0x142: {  	v4 =	vld [tilespmem:s5+$0x12480];
	_ =	sdelay $0x4  }
0x143: {  	s7 =	simm.s32 $0x13F80;
	s5 =	simm.s32 $0x10;
	v3 =	vadd.f32 v4, v3  }
.LBB2_28:
0x144: {  	s17 =	sadd.s32 $0x20, s17;
	s30 =	sadd.s32 $0x10, s30;
	s13 =	sadd.s32 $0x10, s13  }
0x145: {  	s8 =	sand.u32 $0x70, s5;
	p5 =	sne.s32 s5, $0x270;
	s14 =	sand.u32 $0x700, s17;
	[tilespmem:s7+$0x0] =	vst v3  }
0x146: {  	s5 =	sadd.s32 $0x10, s5;
	s7 =	smov.u32 s13;
	v3 =	vld [tilespmem:s30+$0x0];
	s8 =	sor.u32 s8, s14  }
0x147: {  	v4 =	vld [tilespmem:s8+$0x12400];
	_ =	sdelay $0x4  }
0x148: {  	v3 =	vadd.f32 v4, v3;
	_ =	sdelay $0x1  }
0x149: {  	[tilespmem:s30+$0x0] =	vst v3  }
0x14a: {  	v3 =	vld [tilespmem:s13+$0x0]  }
0x14b: {  	v4 =	vld [tilespmem:s8+$0x12480]  }
.Ltmp15:
0x14c: {  	(pc) =	sbr.rel @p5 .LBB2_28-.Ltmp15, $2  }
0x14d: {  	_ =	sdelay $0x2  }
0x14e: {  	s29 =	simm.s32 $0x0;
	s31 =	simm.s32 $0x13D00;
	s14 =	simm.s32 $0x13F80;
	v3 =	vadd.f32 v4, v3  }
0x14f: {  	_ = 	snop  }
0x150: {  	s5 =	sand.u32 $0x70, s29;
	s26 =	sand.u32 $0x700, s29;
	[tilespmem:s7+$0x0] =	vst v3  }
0x151: {  	s5 =	sor.u32 s5, s26;
	v3 =	vld [tilespmem:s31+$0x0]  }
0x152: {  	v4 =	vld [tilespmem:s5+$0x12900];
	_ =	sdelay $0x4  }
0x153: {  	v3 =	vadd.f32 v4, v3;
	_ =	sdelay $0x1  }
0x154: {  	[tilespmem:s31+$0x0] =	vst v3  }
0x155: {  	v3 =	vld [tilespmem:s14+$0x0]  }
0x156: {  	v4 =	vld [tilespmem:s5+$0x12980];
	_ =	sdelay $0x3  }
0x157: {  	s13 =	simm.s32 $0x10;
	s17 =	simm.s32 $0x0  }
0x158: {  	s30 =	simm.s32 $0x13D00;
	s25 =	simm.s32 $0x13F80;
	s7 =	simm.s32 $0x13F80;
	v3 =	vadd.f32 v4, v3  }
.LBB2_30:
0x159: {  	s17 =	sadd.s32 $0x20, s17;
	s30 =	sadd.s32 $0x10, s30;
	s7 =	sadd.s32 $0x10, s7  }
0x15a: {  	s8 =	sand.u32 $0x70, s13;
	p5 =	sne.s32 s13, $0x270;
	s26 =	sand.u32 $0x700, s17;
	[tilespmem:s25+$0x0] =	vst v3  }
0x15b: {  	s13 =	sadd.s32 $0x10, s13;
	s25 =	smov.u32 s7;
	v3 =	vld [tilespmem:s30+$0x0];
	s8 =	sor.u32 s8, s26  }
0x15c: {  	v4 =	vld [tilespmem:s8+$0x12900];
	_ =	sdelay $0x4  }
0x15d: {  	v3 =	vadd.f32 v4, v3;
	_ =	sdelay $0x1  }
0x15e: {  	[tilespmem:s30+$0x0] =	vst v3  }
0x15f: {  	v3 =	vld [tilespmem:s7+$0x0]  }
0x160: {  	v4 =	vld [tilespmem:s8+$0x12980]  }
.Ltmp16:
0x161: {  	(pc) =	sbr.rel @p5 .LBB2_30-.Ltmp16, $2  }
0x162: {  	_ =	sdelay $0x2  }
0x163: {  	v3 =	vadd.f32 v4, v3  }
0x164: {  	_ = 	snop  }
0x165: {  	[tilespmem:s25+$0x0] =	vst v3  }
0x166: {  	v3 =	vld [tilespmem:s31+$0x0]  }
0x167: {  	v4 =	vld [tilespmem:s5+$0x12E00];
	_ =	sdelay $0x4  }
0x168: {  	v3 =	vadd.f32 v4, v3;
	_ =	sdelay $0x1  }
0x169: {  	[tilespmem:s31+$0x0] =	vst v3  }
0x16a: {  	v3 =	vld [tilespmem:s14+$0x0]  }
0x16b: {  	v4 =	vld [tilespmem:s5+$0x12E80];
	_ =	sdelay $0x4  }
0x16c: {  	s7 =	simm.s32 $0x13F80;
	s5 =	simm.s32 $0x10;
	v3 =	vadd.f32 v4, v3  }
.LBB2_32:
0x16d: {  	s29 =	sadd.s32 $0x20, s29;
	s31 =	sadd.s32 $0x10, s31;
	s14 =	sadd.s32 $0x10, s14  }
0x16e: {  	s8 =	sand.u32 $0x70, s5;
	p5 =	sne.s32 s5, $0x270;
	s13 =	sand.u32 $0x700, s29;
	[tilespmem:s7+$0x0] =	vst v3  }
0x16f: {  	s5 =	sadd.s32 $0x10, s5;
	s7 =	smov.u32 s14;
	v3 =	vld [tilespmem:s31+$0x0];
	s8 =	sor.u32 s8, s13  }
0x170: {  	v4 =	vld [tilespmem:s8+$0x12E00];
	_ =	sdelay $0x4  }
0x171: {  	v3 =	vadd.f32 v4, v3;
	_ =	sdelay $0x1  }
0x172: {  	[tilespmem:s31+$0x0] =	vst v3  }
0x173: {  	v3 =	vld [tilespmem:s14+$0x0]  }
0x174: {  	v4 =	vld [tilespmem:s8+$0x12E80]  }
.Ltmp17:
0x175: {  	(pc) =	sbr.rel @p5 .LBB2_32-.Ltmp17, $2  }
0x176: {  	_ =	sdelay $0x2  }
0x177: {  	s17 =	simm.s32 $0x13D00;
	s30 =	simm.s32 $0x13F80;
	s13 =	simm.s32 $0x0;
	v3 =	vadd.f32 v4, v3  }
0x178: {  	_ = 	snop  }
0x179: {  	s5 =	sand.u32 $0x70, s13;
	s26 =	sand.u32 $0x700, s13;
	[tilespmem:s7+$0x0] =	vst v3  }
0x17a: {  	s5 =	sor.u32 s5, s26;
	v3 =	vld [tilespmem:s17+$0x0]  }
0x17b: {  	v4 =	vld [tilespmem:s5+$0x13300];
	_ =	sdelay $0x4  }
0x17c: {  	v3 =	vadd.f32 v4, v3;
	_ =	sdelay $0x1  }
0x17d: {  	[tilespmem:s17+$0x0] =	vst v3  }
0x17e: {  	v3 =	vld [tilespmem:s30+$0x0]  }
0x17f: {  	v4 =	vld [tilespmem:s5+$0x13380];
	_ =	sdelay $0x3  }
0x180: {  	s14 =	simm.s32 $0x10;
	s29 =	simm.s32 $0x0  }
0x181: {  	s31 =	simm.s32 $0x13D00;
	s25 =	simm.s32 $0x13F80;
	s7 =	simm.s32 $0x13F80;
	v3 =	vadd.f32 v4, v3  }
.LBB2_34:
0x182: {  	s29 =	sadd.s32 $0x20, s29;
	s31 =	sadd.s32 $0x10, s31;
	s7 =	sadd.s32 $0x10, s7  }
0x183: {  	s8 =	sand.u32 $0x70, s14;
	p5 =	sne.s32 s14, $0x270;
	s26 =	sand.u32 $0x700, s29;
	[tilespmem:s25+$0x0] =	vst v3  }
0x184: {  	s14 =	sadd.s32 $0x10, s14;
	s25 =	smov.u32 s7;
	v3 =	vld [tilespmem:s31+$0x0];
	s8 =	sor.u32 s8, s26  }
0x185: {  	v4 =	vld [tilespmem:s8+$0x13300];
	_ =	sdelay $0x4  }
0x186: {  	v3 =	vadd.f32 v4, v3;
	_ =	sdelay $0x1  }
0x187: {  	[tilespmem:s31+$0x0] =	vst v3  }
0x188: {  	v3 =	vld [tilespmem:s7+$0x0]  }
0x189: {  	v4 =	vld [tilespmem:s8+$0x13380]  }
.Ltmp18:
0x18a: {  	(pc) =	sbr.rel @p5 .LBB2_34-.Ltmp18, $2  }
0x18b: {  	_ =	sdelay $0x2  }
0x18c: {  	v3 =	vadd.f32 v4, v3  }
0x18d: {  	_ = 	snop  }
0x18e: {  	[tilespmem:s25+$0x0] =	vst v3  }
0x18f: {  	v3 =	vld [tilespmem:s17+$0x0]  }
0x190: {  	v4 =	vld [tilespmem:s5+$0x13800];
	_ =	sdelay $0x4  }
0x191: {  	v3 =	vadd.f32 v4, v3;
	_ =	sdelay $0x1  }
0x192: {  	[tilespmem:s17+$0x0] =	vst v3  }
0x193: {  	v3 =	vld [tilespmem:s30+$0x0]  }
0x194: {  	v4 =	vld [tilespmem:s5+$0x13880];
	_ =	sdelay $0x4  }
0x195: {  	s7 =	simm.s32 $0x13F80;
	s5 =	simm.s32 $0x10;
	v3 =	vadd.f32 v4, v3  }
.LBB2_36:
0x196: {  	s13 =	sadd.s32 $0x20, s13;
	s17 =	sadd.s32 $0x10, s17;
	s30 =	sadd.s32 $0x10, s30  }
0x197: {  	s8 =	sand.u32 $0x70, s5;
	p5 =	sne.s32 s5, $0x270;
	s14 =	sand.u32 $0x700, s13;
	[tilespmem:s7+$0x0] =	vst v3  }
0x198: {  	s5 =	sadd.s32 $0x10, s5;
	s7 =	smov.u32 s30;
	v3 =	vld [tilespmem:s17+$0x0];
	s8 =	sor.u32 s8, s14  }
0x199: {  	v4 =	vld [tilespmem:s8+$0x13800];
	_ =	sdelay $0x4  }
0x19a: {  	v3 =	vadd.f32 v4, v3;
	_ =	sdelay $0x1  }
0x19b: {  	[tilespmem:s17+$0x0] =	vst v3  }
0x19c: {  	v3 =	vld [tilespmem:s30+$0x0]  }
0x19d: {  	v4 =	vld [tilespmem:s8+$0x13880]  }
.Ltmp19:
0x19e: {  	(pc) =	sbr.rel @p5 .LBB2_36-.Ltmp19, $2  }
0x19f: {  	_ =	sdelay $0x2  }
0x1a0: {  	v3 =	vadd.f32 v4, v3  }
0x1a1: {  	_ = 	snop  }
0x1a2: {  	s29 =	simm.s32 $0x0;
	[tilespmem:s7+$0x0] =	vst v3  }
0x1a3: {  	v3 =	vld [tilespmem:s29+$0x13F80]  }
0x1a4: {  	v4 =	vld [tilespmem:s29+$0x13D00];
	_ =	sdelay $0x3  }
0x1a5: {  	s17 =	simm.s32 $0x10;
	v3 =	vmax.f32 v3, $1.000000000e+00  }
0x1a6: {  	v4 =	vmax.f32 v4, $1.000000000e+00;
	v5 =	vshra.s32 v3, $0x1;
	v7 =	vmul.f32 $5.000000000e-01, v3;
	v3 =	vld [tilespmem:s17+$0x13F80]  }
0x1a7: {  	v8 =	vshra.s32 v4, $0x1;
	v13 =	vmul.f32 $5.000000000e-01, v4;
	v4 =	vld [tilespmem:s17+$0x13D00];
	v5 =	vsub.s32 $0x5F3759DF, v5  }
0x1a8: {  	v8 =	vsub.s32 $0x5F3759DF, v8;
	v6 =	vmul.f32 v5, v7  }
0x1a9: {  	v9 =	vmul.f32 v8, v13  }
0x1aa: {  	v6 =	vmul.f32 v5, v6  }
0x1ab: {  	v9 =	vmul.f32 v8, v9  }
0x1ac: {  	s30 =	simm.s32 $0x20;
	v3 =	vmax.f32 v3, $1.000000000e+00;
	v12 =	vmax.f32 v4, $1.000000000e+00;
	v6 =	vsub.f32 $1.500000000e+00, v6  }
0x1ad: {  	v11 =	vld [tilespmem:s30+$0x13D00];
	v10 =	vshra.s32 v3, $0x1;
	v3 =	vmul.f32 $5.000000000e-01, v3;
	v4 =	vmul.f32 $5.000000000e-01, v12  }
0x1ae: {  	v9 =	vsub.f32 $1.500000000e+00, v9;
	v12 =	vshra.s32 v12, $0x1;
	v10 =	vsub.s32 $0x5F3759DF, v10  }
0x1af: {  	v16 =	vsub.s32 $0x5F3759DF, v12;
	v14 =	vmul.f32 v5, v6;
	v5 =	vmul.f32 v10, v3;
	v6 =	vld [tilespmem:s30+$0x13F80]  }
0x1b0: {  	v17 =	vmul.f32 v8, v9;
	v9 =	vmul.f32 v16, v4  }
0x1b1: {  	s31 =	simm.s32 $0x30;
	v15 =	vmul.f32 v14, v7;
	v5 =	vmul.f32 v10, v5  }
0x1b2: {  	v21 =	vld [tilespmem:s31+$0x13F80];
	v11 =	vmax.f32 v11, $1.000000000e+00;
	v9 =	vmul.f32 v16, v9  }
0x1b3: {  	v18 =	vshra.s32 v11, $0x1;
	v8 =	vsub.f32 $1.500000000e+00, v5;
	v12 =	vmul.f32 v15, v14  }
0x1b4: {  	v15 =	vmul.f32 v17, v13;
	v9 =	vsub.f32 $1.500000000e+00, v9;
	v5 =	vmax.f32 v6, $1.000000000e+00  }
0x1b5: {  	v19 =	vld [tilespmem:s31+$0x13D00];
	v6 =	vshra.s32 v5, $0x1;
	v5 =	vmul.f32 $5.000000000e-01, v5;
	v8 =	vmul.f32 v10, v8  }
0x1b6: {  	v22 =	vsub.s32 $0x5F3759DF, v6;
	v6 =	vmul.f32 $5.000000000e-01, v11;
	v11 =	vsub.f32 $1.500000000e+00, v12  }
0x1b7: {  	v24 =	vmax.f32 v21, $1.000000000e+00;
	v15 =	vmul.f32 v15, v17;
	v12 =	vmul.f32 v22, v5  }
0x1b8: {  	v10 =	vsub.s32 $0x5F3759DF, v18;
	v9 =	vmul.f32 v16, v9;
	v11 =	vmul.f32 v11, v14  }
0x1b9: {  	v20 =	vmul.f32 v8, v3;
	v14 =	vsub.f32 $1.500000000e+00, v15;
	v18 =	vmul.f32 v22, v12  }
0x1ba: {  	v12 =	vmul.f32 v10, v6;
	v16 =	vmul.f32 v11, v7;
	v7 =	vmax.f32 v19, $1.000000000e+00  }
0x1bb: {  	v19 =	vmul.f32 v9, v4;
	v15 =	vmul.f32 v14, v17;
	v23 =	vsub.f32 $1.500000000e+00, v18  }
0x1bc: {  	v18 =	vmul.f32 v20, v8;
	v14 =	vshra.s32 v7, $0x1;
	v7 =	vmul.f32 $5.000000000e-01, v7  }
0x1bd: {  	v20 =	vmul.f32 v16, v11;
	v16 =	vsub.s32 $0x5F3759DF, v14;
	v25 =	vmul.f32 v15, v13  }
0x1be: {  	v13 =	vshra.s32 v24, $0x1;
	v14 =	vmul.f32 $5.000000000e-01, v24;
	v21 =	vmul.f32 v16, v7  }
0x1bf: {  	s5 =	simm.s32 $0x100;
	v17 =	vmul.f32 v22, v23;
	v13 =	vsub.s32 $0x5F3759DF, v13;
	v22 =	vmul.f32 v25, v15  }
.LBB2_38:
0x1c0: {  	s7 =	sshra.s32 s5, $0x2;
	p5 =	sne.s32 s5, $0x9C0;
	s5 =	sadd.s32 $0x40, s5;
	v23 =	vmul.f32 v10, v12;
	v18 =	vsub.f32 $1.500000000e+00, v18;
	v20 =	vsub.f32 $1.500000000e+00, v20;
	v12 =	vmovc v21  }
0x1c1: {  	v19 =	vmul.f32 v19, v9;
	v21 =	vld [tilespmem:s7+$0x13D00];
	v24 =	vmul.f32 v13, v14;
	v22 =	vsub.f32 $1.500000000e+00, v22  }
0x1c2: {  	v26 =	vmul.f32 v17, v5;
	v25 =	vld [tilespmem:s7+$0x13F80];
	v23 =	vsub.f32 $1.500000000e+00, v23;
	v20 =	vmul.f32 v20, v11  }
0x1c3: {  	v27 =	vsub.f32 $1.500000000e+00, v19;
	v11 =	vmul.f32 v18, v8;
	v8 =	vmovc v17;
	v24 =	vmul.f32 v13, v24  }
0x1c4: {  	v22 =	vmul.f32 v22, v15;
	v17 =	vmul.f32 v10, v23;
	[tilespmem:s29+$0x14480] =	vst v20;
	v10 =	vmov v16  }
0x1c5: {  	v18 =	vmul.f32 v26, v8;
	v16 =	vmul.f32 v11, v3;
	v3 =	vmovc v5;
	v5 =	vmovc v14;
	v23 =	vsub.f32 $1.500000000e+00, v24  }
.Ltmp20:
0x1c6: {  	v15 =	vmul.f32 v27, v9;
	v14 =	vmax.f32 v21, $1.000000000e+00;
	v19 =	vmul.f32 v17, v6;
	[tilespmem:s29+$0x14200] =	vst v22;
	v9 =	vmovc v17;
	s29 =	smov.u32 s17;
	s17 =	smov.u32 s30;
	(pc) =	sbr.rel @p5 .LBB2_38-.Ltmp20, $4  }
0x1c7: {  	v20 =	vmul.f32 v16, v11;
	s30 =	smov.u32 s31;
	s31 =	smov.u32 s7;
	v17 =	vshra.s32 v14, $0x1;
	v14 =	vmul.f32 $5.000000000e-01, v14  }
0x1c8: {  	v24 =	vmul.f32 v15, v4;
	v4 =	vmovc v6;
	v6 =	vmovc v7;
	v22 =	vmax.f32 v25, $1.000000000e+00;
	v16 =	vsub.s32 $0x5F3759DF, v17  }
0x1c9: {  	v25 =	vshra.s32 v22, $0x1;
	v17 =	vmul.f32 v13, v23;
	v21 =	vmul.f32 v16, v14;
	v7 =	vmovc v14  }
0x1ca: {  	v13 =	vsub.s32 $0x5F3759DF, v25;
	v14 =	vmul.f32 $5.000000000e-01, v22;
	v22 =	vmul.f32 v24, v15  }
0x1cb: {  	v12 =	vmul.f32 v10, v12  }
0x1cc: {  	v18 =	vsub.f32 $1.500000000e+00, v18;
	v20 =	vsub.f32 $1.500000000e+00, v20;
	v23 =	vmul.f32 v13, v14  }
0x1cd: {  	v19 =	vmul.f32 v19, v9;
	v21 =	vmul.f32 v16, v21;
	v12 =	vsub.f32 $1.500000000e+00, v12  }
0x1ce: {  	v24 =	vmul.f32 v17, v5;
	v22 =	vsub.f32 $1.500000000e+00, v22;
	v23 =	vmul.f32 v13, v23  }
0x1cf: {  	v11 =	vmul.f32 v20, v11;
	v54 =	vsub.f32 $1.500000000e+00, v21;
	v10 =	vmul.f32 v10, v12  }
0x1d0: {  	v8 =	vmul.f32 v18, v8;
	v53 =	vmul.f32 v22, v15;
	v52 =	vsub.f32 $1.500000000e+00, v23  }
0x1d1: {  	v15 =	vmul.f32 v16, v54;
	v57 =	vmul.f32 v10, v6  }
0x1d2: {  	v19 =	vsub.f32 $1.500000000e+00, v19;
	v55 =	vmul.f32 v24, v17;
	v56 =	vmul.f32 v13, v52  }
0x1d3: {  	v59 =	vmul.f32 v15, v7;
	v18 =	vmul.f32 v57, v10  }
0x1d4: {  	v9 =	vmul.f32 v19, v9;
	v58 =	vmul.f32 v56, v14  }
0x1d5: {  	v3 =	vmul.f32 v8, v3;
	v19 =	vmul.f32 v59, v15;
	v18 =	vsub.f32 $1.500000000e+00, v18  }
0x1d6: {  	v20 =	vsub.f32 $1.500000000e+00, v55;
	v4 =	vmul.f32 v9, v4;
	v16 =	vmul.f32 v58, v56  }
0x1d7: {  	v3 =	vmul.f32 v3, v8;
	v61 =	vsub.f32 $1.500000000e+00, v19;
	v10 =	vmul.f32 v18, v10  }
0x1d8: {  	v60 =	vmul.f32 v20, v17;
	v4 =	vmul.f32 v4, v9;
	v16 =	vsub.f32 $1.500000000e+00, v16  }
0x1d9: {  	v15 =	vmul.f32 v61, v15;
	v6 =	vmul.f32 v10, v6  }
0x1da: {  	v5 =	vmul.f32 v60, v5;
	v13 =	vmul.f32 v16, v56  }
0x1db: {  	v4 =	vsub.f32 $1.500000000e+00, v4;
	v7 =	vmul.f32 v15, v7;
	v6 =	vmul.f32 v6, v10  }
0x1dc: {  	v3 =	vsub.f32 $1.500000000e+00, v3;
	v5 =	vmul.f32 v5, v60;
	v62 =	vmul.f32 v13, v14  }
0x1dd: {  	[tilespmem:s29+$0x14480] =	vst v11;
	v4 =	vmul.f32 v4, v9;
	v7 =	vmul.f32 v7, v15;
	v6 =	vsub.f32 $1.500000000e+00, v6  }
0x1de: {  	[tilespmem:s29+$0x14200] =	vst v53;
	v3 =	vmul.f32 v3, v8;
	v5 =	vsub.f32 $1.500000000e+00, v5;
	v8 =	vmul.f32 v62, v13  }
0x1df: {  	[tilespmem:s17+$0x14200] =	vst v4;
	v4 =	vmul.f32 v6, v10;
	v6 =	vsub.f32 $1.500000000e+00, v7  }
0x1e0: {  	[tilespmem:s17+$0x14480] =	vst v3;
	v3 =	vmul.f32 v5, v60;
	v5 =	vsub.f32 $1.500000000e+00, v8  }
0x1e1: {  	[tilespmem:s30+$0x14200] =	vst v4;
	v4 =	vmul.f32 v6, v15  }
0x1e2: {  	[tilespmem:s30+$0x14480] =	vst v3;
	v3 =	vmul.f32 v5, v13  }
0x1e3: {  	[tilespmem:s31+$0x14200] =	vst v4  }
0x1e4: {  	s5 =	simm.s32 @!p0 $0x0;
	s7 =	simm.s32 @!p0 $0x14480;
	[tilespmem:s31+$0x14480] =	vst v3  }
0x1e5: {  	[hbm4b:s9+s5] =	stream.linear.scatter @!p0 [tilespmem:s7], [sflag:$0x3], $0x280, $0x38;
	[tilespmem:$0x1E700] =	vst v63  }
0x1e6: {  	s5 =	simm.s32 @!p0 $0x3  }
0x1e7: {  	_ =	swait.ge @!p0 [sflag:s5], $0x280  }
0x1e8: {  	[sflag:s5] =	ssyncset.done @!p0 $0x0  }
0x1e9: {  	[sflag:s5] =	ssyncadd.s32 @!p0 $0xFFFFFD80  }
0x1ea: {  	[tilespmem:s0], [sflag:$0x1] =	stream.linear.gather [hbm4b:s10+s2], $0x2800, $0x38;
	[tilespmem:$0x1E700] =	vst v63  }
0x1eb: {  	_ =	swait.ge [sflag:s22], $0x2800  }
0x1ec: {  	s8 =	sadd.s32 $0x0, s3;
	[sflag:s22] =	ssyncset.done $0x0  }
0x1ed: {  	s7 =	simm.s32 @!p1 $0x16F00;
	s5 =	simm.s32 @!p1 $0x0;
	[sflag:s22] =	ssyncadd.s32 $0xFFFFD800  }
0x1ee: {  	v3 =	vmov s8;
	[tilespmem:s7], [sflag:$0x1] =	stream.linear.gather @!p1 [hbm4b:s11+s5], $0x2800, $0x38;
	[tilespmem:$0x1E700] =	vst v63  }
0x1ef: {  	s5 =	simm.s32 $0x14740  }
0x1f0: {  	v7 =	vld [tilespmem:s5+$0x30]  }
0x1f1: {  	v10 =	vld [tilespmem:s5+$0x10]  }
0x1f2: {  	v8 =	vld [tilespmem:s5+$0xFFFFFFC0]  }
0x1f3: {  	v4 =	vld.idx.msk [tilespmem:v3+s1+$0x0], $0xffff  }
0x1f4: {  	v63 =	vld [tilespmem:s5+$0xFFFFFFE0]  }
0x1f5: {  	v3 =	vld [tilespmem:s5+$0xFFFFFFF0]  }
0x1f6: {  	v5 =	vld [tilespmem:s5+$0x20]  }
0x1f7: {  	v6 =	vld [tilespmem:s5+$0xFFFFFFD0]  }
0x1f8: {  	v11 =	vmul.f32 v7, v4;
	v7 =	vld [tilespmem:s5+$0x0]  }
0x1f9: {  	v9 =	vmul.f32 v8, v4  }
0x1fa: {  	s13 =	simm.s32 $0x1;
	s14 =	simm.s32 $0x14740;
	v8 =	vmul.f32 v63, v4;
	v10 =	vmul.f32 v10, v4  }
.LBB2_40:
0x1fb: {  	p5 =	sne.s32 s13, $0x4F  }
0x1fc: {  	v6 =	vmul.f32 v6, v4;
	v5 =	vmul.f32 v5, v4;
	[tilespmem:s5+$0x30] =	vst v11;
	s14 =	sadd.s32 $0x80, s14;
	s7 =	smov.u32 s13;
	s13 =	sadd.s32 $0x1, s13  }
0x1fd: {  	[tilespmem:s5+$0xFFFFFFC0] =	vst v9;
	v9 =	vmul.f32 v3, v4;
	v4 =	vmul.f32 v7, v4  }
0x1fe: {  	s7 =	sadd.s32 s7, s3;
	[tilespmem:s5+$0x10] =	vst v10  }
0x1ff: {  	v7 =	vmov s7;
	[tilespmem:s5+$0xFFFFFFE0] =	vst v8  }
0x200: {  	v3 =	vld [tilespmem:s14+$0xFFFFFFF0];
	[tilespmem:s5+$0xFFFFFFF0] =	vst v9  }
0x201: {  	v8 =	vld [tilespmem:s14+$0x30];
	[tilespmem:s5+$0x0] =	vst v4  }
0x202: {  	v10 =	vld [tilespmem:s14+$0x10];
	[tilespmem:s5+$0x20] =	vst v5  }
0x203: {  	v9 =	vld [tilespmem:s14+$0xFFFFFFC0];
	[tilespmem:s5+$0xFFFFFFD0] =	vst v6;
	s5 =	smov.u32 s14  }
0x204: {  	v4 =	vld.idx.msk [tilespmem:v7+s1+$0x0], $0xffff  }
0x205: {  	v12 =	vld [tilespmem:s14+$0xFFFFFFE0]  }
0x206: {  	v5 =	vld [tilespmem:s14+$0x20]  }
.Ltmp21:
0x207: {  	v6 =	vld [tilespmem:s14+$0xFFFFFFD0];
	(pc) =	sbr.rel @p5 .LBB2_40-.Ltmp21, $3  }
0x208: {  	v7 =	vld [tilespmem:s14+$0x0];
	_ =	sdelay $0x1  }
0x209: {  	v9 =	vmul.f32 v9, v4;
	v11 =	vmul.f32 v8, v4  }
0x20a: {  	v10 =	vmul.f32 v10, v4;
	v8 =	vmul.f32 v12, v4  }
0x20b: {  	[tilespmem:s5+$0x30] =	vst v11  }
0x20c: {  	[tilespmem:s5+$0xFFFFFFC0] =	vst v9  }
0x20d: {  	v3 =	vmul.f32 v3, v4;
	[tilespmem:s5+$0x10] =	vst v10  }
0x20e: {  	v5 =	vmul.f32 v5, v4;
	[tilespmem:s5+$0xFFFFFFE0] =	vst v8  }
.Ltmp22:
0x20f: {  	v7 =	vmul.f32 v7, v4;
	[tilespmem:s5+$0xFFFFFFF0] =	vst v3;
	(pc) =	sbr.rel @p1 .LBB2_52-.Ltmp22, $4  }
0x210: {  	v3 =	vmul.f32 v6, v4;
	[tilespmem:s5+$0x20] =	vst v5  }
0x211: {  	[tilespmem:s5+$0x0] =	vst v7  }
0x212: {  	[tilespmem:s5+$0xFFFFFFD0] =	vst v3  }
0x213: {  	[hbm4b:s12+s2] =	stream.linear.scatter [tilespmem:s0], [sflag:$0x2], $0x2800, $0x38;
	[tilespmem:$0x1E700] =	vst v63  }
0x214: {  	_ =	swait.ge [sflag:s22], $0x2800  }
0x215: {  	s5 =	sadd.s32 $0x0, s19;
	s7 =	simm.s32 @!p2 $0x0;
	[sflag:s22] =	ssyncset.done $0x0  }
0x216: {  	s8 =	simm.s32 @!p2 $0x14700;
	v3 =	vmov s5;
	s5 =	rddreg [dreg:$0x9];
	[sflag:s22] =	ssyncadd.s32 $0xFFFFD800  }
0x217: {  	[tilespmem:s8], [sflag:$0x1] =	stream.linear.gather @!p2 [hbm4b:s5+s7], $0x2800, $0x38;
	[tilespmem:$0x1E700] =	vst v63  }
0x218: {  	s5 =	simm.s32 $0x16F70  }
0x219: {  	v7 =	vld [tilespmem:s5+$0x0]  }
0x21a: {  	v10 =	vld [tilespmem:s5+$0xFFFFFFE0]  }
0x21b: {  	v8 =	vld [tilespmem:s5+$0xFFFFFF90]  }
0x21c: {  	v3 =	vld.idx.msk [tilespmem:v3+s1+$0x0], $0xffff  }
0x21d: {  	v12 =	vld [tilespmem:s5+$0xFFFFFFB0]  }
0x21e: {  	v4 =	vld [tilespmem:s5+$0xFFFFFFF0]  }
0x21f: {  	v5 =	vld [tilespmem:s5+$0xFFFFFFC0]  }
0x220: {  	v6 =	vld [tilespmem:s5+$0xFFFFFFA0]  }
0x221: {  	v11 =	vmul.f32 v7, v3;
	v7 =	vld [tilespmem:s5+$0xFFFFFFD0]  }
0x222: {  	v9 =	vmul.f32 v8, v3  }
0x223: {  	s13 =	simm.s32 $0x1;
	s14 =	simm.s32 $0x16F70;
	v8 =	vmul.f32 v12, v3;
	v10 =	vmul.f32 v10, v3  }
.LBB2_43:
0x224: {  	p5 =	sne.s32 s13, $0x4F  }
0x225: {  	v6 =	vmul.f32 v6, v3;
	v12 =	vmul.f32 v4, v3;
	[tilespmem:s5+$0x0] =	vst v11;
	s14 =	sadd.s32 $0x80, s14;
	s7 =	smov.u32 s13;
	s13 =	sadd.s32 $0x1, s13  }
0x226: {  	v5 =	vmul.f32 v5, v3;
	[tilespmem:s5+$0xFFFFFF90] =	vst v9;
	v3 =	vmul.f32 v7, v3  }
0x227: {  	s7 =	sadd.s32 s7, s19;
	[tilespmem:s5+$0xFFFFFFE0] =	vst v10  }
0x228: {  	v7 =	vmov s7;
	[tilespmem:s5+$0xFFFFFFB0] =	vst v8  }
0x229: {  	v4 =	vld [tilespmem:s14+$0xFFFFFFF0];
	[tilespmem:s5+$0xFFFFFFC0] =	vst v5  }
0x22a: {  	v8 =	vld [tilespmem:s14+$0x0];
	[tilespmem:s5+$0xFFFFFFD0] =	vst v3  }
0x22b: {  	v5 =	vld [tilespmem:s14+$0xFFFFFFC0];
	[tilespmem:s5+$0xFFFFFFF0] =	vst v12  }
0x22c: {  	v10 =	vld [tilespmem:s14+$0xFFFFFFE0];
	[tilespmem:s5+$0xFFFFFFA0] =	vst v6;
	s5 =	smov.u32 s14  }
0x22d: {  	v3 =	vld.idx.msk [tilespmem:v7+s1+$0x0], $0xffff  }
0x22e: {  	v9 =	vld [tilespmem:s14+$0xFFFFFF90]  }
0x22f: {  	v12 =	vld [tilespmem:s14+$0xFFFFFFB0]  }
.Ltmp23:
0x230: {  	v6 =	vld [tilespmem:s14+$0xFFFFFFA0];
	(pc) =	sbr.rel @p5 .LBB2_43-.Ltmp23, $3  }
0x231: {  	v7 =	vld [tilespmem:s14+$0xFFFFFFD0];
	_ =	sdelay $0x1  }
0x232: {  	v11 =	vmul.f32 v8, v3;
	v9 =	vmul.f32 v9, v3  }
0x233: {  	v10 =	vmul.f32 v10, v3;
	v8 =	vmul.f32 v12, v3  }
0x234: {  	[tilespmem:s5+$0x0] =	vst v11  }
0x235: {  	[tilespmem:s5+$0xFFFFFF90] =	vst v9  }
0x236: {  	v5 =	vmul.f32 v5, v3;
	[tilespmem:s5+$0xFFFFFFE0] =	vst v10  }
0x237: {  	v4 =	vmul.f32 v4, v3;
	[tilespmem:s5+$0xFFFFFFB0] =	vst v8  }
.Ltmp24:
0x238: {  	v7 =	vmul.f32 v7, v3;
	[tilespmem:s5+$0xFFFFFFC0] =	vst v5;
	(pc) =	sbr.rel @p2 .LBB2_54-.Ltmp24, $4  }
0x239: {  	v3 =	vmul.f32 v6, v3;
	[tilespmem:s5+$0xFFFFFFF0] =	vst v4  }
0x23a: {  	[tilespmem:s5+$0xFFFFFFD0] =	vst v7  }
0x23b: {  	s31 =	rddreg [dreg:$0xa];
	s7 =	simm.s32 $0x16F00;
	[tilespmem:s5+$0xFFFFFFA0] =	vst v3  }
0x23c: {  	[hbm4b:s31+s2] =	stream.linear.scatter [tilespmem:s7], [sflag:$0x2], $0x2800, $0x38;
	[tilespmem:$0x1E700] =	vst v63  }
0x23d: {  	_ =	swait.ge [sflag:s22], $0x2800  }
0x23e: {  	s5 =	simm.s32 @!p3 $0x0;
	[sflag:s22] =	ssyncset.done $0x0  }
0x23f: {  	s7 =	simm.s32 @!p3 $0x16F00;
	s8 =	rddreg [dreg:$0xb];
	[sflag:s22] =	ssyncadd.s32 $0xFFFFD800  }
0x240: {  	[tilespmem:s7], [sflag:$0x1] =	stream.linear.gather @!p3 [hbm4b:s8+s5], $0x2800, $0x38;
	[tilespmem:$0x1E700] =	vst v63  }
0x241: {  	s31 =	sadd.s32 $0x0, s20;
	_ =	swait.ge [sflag:s15], $0x2800  }
0x242: {  	v3 =	vmov s31;
	[sflag:s15] =	ssyncset.done $0x0  }
0x243: {  	s5 =	simm.s32 $0x14740;
	[sflag:s15] =	ssyncadd.s32 $0xFFFFD800  }
0x244: {  	v7 =	vld [tilespmem:s5+$0x30]  }
0x245: {  	v10 =	vld [tilespmem:s5+$0x10]  }
0x246: {  	v8 =	vld [tilespmem:s5+$0xFFFFFFC0]  }
0x247: {  	v4 =	vld.idx.msk [tilespmem:v3+s1+$0x0], $0xffff  }
0x248: {  	v12 =	vld [tilespmem:s5+$0xFFFFFFE0]  }
0x249: {  	v3 =	vld [tilespmem:s5+$0xFFFFFFF0]  }
0x24a: {  	v5 =	vld [tilespmem:s5+$0x20]  }
0x24b: {  	v6 =	vld [tilespmem:s5+$0xFFFFFFD0]  }
0x24c: {  	v11 =	vmul.f32 v7, v4;
	v7 =	vld [tilespmem:s5+$0x0]  }
0x24d: {  	v9 =	vmul.f32 v8, v4  }
0x24e: {  	s13 =	simm.s32 $0x1;
	s14 =	simm.s32 $0x14740;
	v8 =	vmul.f32 v12, v4;
	v10 =	vmul.f32 v10, v4  }
.LBB2_46:
0x24f: {  	p5 =	sne.s32 s13, $0x4F  }
0x250: {  	v6 =	vmul.f32 v6, v4;
	v5 =	vmul.f32 v5, v4;
	[tilespmem:s5+$0x30] =	vst v11;
	s14 =	sadd.s32 $0x80, s14;
	s7 =	smov.u32 s13;
	s13 =	sadd.s32 $0x1, s13  }
0x251: {  	[tilespmem:s5+$0xFFFFFFC0] =	vst v9;
	v9 =	vmul.f32 v3, v4;
	v4 =	vmul.f32 v7, v4  }
0x252: {  	s7 =	sadd.s32 s7, s20;
	[tilespmem:s5+$0x10] =	vst v10  }
0x253: {  	v7 =	vmov s7;
	[tilespmem:s5+$0xFFFFFFE0] =	vst v8  }
0x254: {  	v3 =	vld [tilespmem:s14+$0xFFFFFFF0];
	[tilespmem:s5+$0xFFFFFFF0] =	vst v9  }
0x255: {  	v8 =	vld [tilespmem:s14+$0x30];
	[tilespmem:s5+$0x0] =	vst v4  }
0x256: {  	v10 =	vld [tilespmem:s14+$0x10];
	[tilespmem:s5+$0x20] =	vst v5  }
0x257: {  	v9 =	vld [tilespmem:s14+$0xFFFFFFC0];
	[tilespmem:s5+$0xFFFFFFD0] =	vst v6;
	s5 =	smov.u32 s14  }
0x258: {  	v4 =	vld.idx.msk [tilespmem:v7+s1+$0x0], $0xffff  }
0x259: {  	v12 =	vld [tilespmem:s14+$0xFFFFFFE0]  }
0x25a: {  	v5 =	vld [tilespmem:s14+$0x20]  }
.Ltmp25:
0x25b: {  	v6 =	vld [tilespmem:s14+$0xFFFFFFD0];
	(pc) =	sbr.rel @p5 .LBB2_46-.Ltmp25, $3  }
0x25c: {  	v7 =	vld [tilespmem:s14+$0x0];
	_ =	sdelay $0x1  }
0x25d: {  	v9 =	vmul.f32 v9, v4;
	v11 =	vmul.f32 v8, v4  }
0x25e: {  	v10 =	vmul.f32 v10, v4;
	v8 =	vmul.f32 v12, v4  }
0x25f: {  	[tilespmem:s5+$0x30] =	vst v11  }
0x260: {  	[tilespmem:s5+$0xFFFFFFC0] =	vst v9  }
0x261: {  	v3 =	vmul.f32 v3, v4;
	[tilespmem:s5+$0x10] =	vst v10  }
0x262: {  	v5 =	vmul.f32 v5, v4;
	[tilespmem:s5+$0xFFFFFFE0] =	vst v8  }
.Ltmp26:
0x263: {  	v7 =	vmul.f32 v7, v4;
	[tilespmem:s5+$0xFFFFFFF0] =	vst v3;
	(pc) =	sbr.rel @p3 .LBB2_51-.Ltmp26, $4  }
0x264: {  	v3 =	vmul.f32 v6, v4;
	[tilespmem:s5+$0x20] =	vst v5  }
0x265: {  	[tilespmem:s5+$0x0] =	vst v7  }
0x266: {  	s31 =	rddreg [dreg:$0xc];
	[tilespmem:s5+$0xFFFFFFD0] =	vst v3  }
0x267: {  	[hbm4b:s31+s2] =	stream.linear.scatter [tilespmem:s0], [sflag:$0x2], $0x2800, $0x38;
	[tilespmem:$0x1E700] =	vst v63  }
0x268: {  	_ =	swait.ge [sflag:s22], $0x2800  }
0x269: {  	[sflag:s22] =	ssyncset.done $0x0  }
0x26a: {  	s5 =	sadd.s32 $0x0, s21;
	[sflag:s22] =	ssyncadd.s32 $0xFFFFD800  }
0x26b: {  	v3 =	vmov s5;
	_ =	swait.ge [sflag:s15], $0x2800  }
0x26c: {  	[sflag:s15] =	ssyncset.done $0x0  }
0x26d: {  	s5 =	simm.s32 $0x16F70;
	[sflag:s15] =	ssyncadd.s32 $0xFFFFD800  }
0x26e: {  	v7 =	vld [tilespmem:s5+$0x0]  }
0x26f: {  	v10 =	vld [tilespmem:s5+$0xFFFFFFE0]  }
0x270: {  	v3 =	vld.idx.msk [tilespmem:v3+s1+$0x0], $0xffff  }
0x271: {  	v8 =	vld [tilespmem:s5+$0xFFFFFF90]  }
0x272: {  	v12 =	vld [tilespmem:s5+$0xFFFFFFB0]  }
0x273: {  	v4 =	vld [tilespmem:s5+$0xFFFFFFF0]  }
0x274: {  	v5 =	vld [tilespmem:s5+$0xFFFFFFC0]  }
0x275: {  	v6 =	vld [tilespmem:s5+$0xFFFFFFA0]  }
0x276: {  	v11 =	vmul.f32 v7, v3;
	v7 =	vld [tilespmem:s5+$0xFFFFFFD0]  }
0x277: {  	v9 =	vmul.f32 v8, v3  }
0x278: {  	s13 =	simm.s32 $0x1;
	s14 =	simm.s32 $0x16F70;
	v8 =	vmul.f32 v12, v3;
	v10 =	vmul.f32 v10, v3  }
.LBB2_49:
0x279: {  	p5 =	seq.s32 s13, $0x4F  }
0x27a: {  	v6 =	vmul.f32 v6, v3;
	v12 =	vmul.f32 v4, v3;
	[tilespmem:s5+$0x0] =	vst v11;
	s14 =	sadd.s32 $0x80, s14;
	s7 =	smov.u32 s13;
	s13 =	sadd.s32 $0x1, s13  }
0x27b: {  	v5 =	vmul.f32 v5, v3;
	[tilespmem:s5+$0xFFFFFF90] =	vst v9;
	v3 =	vmul.f32 v7, v3  }
0x27c: {  	s7 =	sadd.s32 s7, s21;
	[tilespmem:s5+$0xFFFFFFE0] =	vst v10  }
0x27d: {  	v7 =	vmov s7;
	[tilespmem:s5+$0xFFFFFFB0] =	vst v8  }
0x27e: {  	v4 =	vld [tilespmem:s14+$0xFFFFFFF0];
	[tilespmem:s5+$0xFFFFFFC0] =	vst v5  }
0x27f: {  	v8 =	vld [tilespmem:s14+$0x0];
	[tilespmem:s5+$0xFFFFFFD0] =	vst v3  }
0x280: {  	v5 =	vld [tilespmem:s14+$0xFFFFFFC0];
	[tilespmem:s5+$0xFFFFFFF0] =	vst v12  }
0x281: {  	v10 =	vld [tilespmem:s14+$0xFFFFFFE0];
	[tilespmem:s5+$0xFFFFFFA0] =	vst v6;
	s5 =	smov.u32 s14  }
0x282: {  	v3 =	vld.idx.msk [tilespmem:v7+s1+$0x0], $0xffff  }
0x283: {  	v9 =	vld [tilespmem:s14+$0xFFFFFF90]  }
0x284: {  	v12 =	vld [tilespmem:s14+$0xFFFFFFB0]  }
.Ltmp27:
0x285: {  	v6 =	vld [tilespmem:s14+$0xFFFFFFA0];
	(pc) =	sbr.rel @!p5 .LBB2_49-.Ltmp27, $3  }
0x286: {  	v7 =	vld [tilespmem:s14+$0xFFFFFFD0];
	_ =	sdelay $0x1  }
0x287: {  	v11 =	vmul.f32 v8, v3;
	v9 =	vmul.f32 v9, v3  }
0x288: {  	v10 =	vmul.f32 v10, v3;
	v8 =	vmul.f32 v12, v3  }
0x289: {  	[tilespmem:s5+$0x0] =	vst v11  }
0x28a: {  	[tilespmem:s5+$0xFFFFFF90] =	vst v9  }
0x28b: {  	v5 =	vmul.f32 v5, v3;
	[tilespmem:s5+$0xFFFFFFE0] =	vst v10  }
0x28c: {  	v4 =	vmul.f32 v4, v3;
	[tilespmem:s5+$0xFFFFFFB0] =	vst v8  }
.Ltmp28:
0x28d: {  	v7 =	vmul.f32 v7, v3;
	[tilespmem:s5+$0xFFFFFFC0] =	vst v5;
	(pc) =	sbr.rel .LBB2_51-.Ltmp28, $4  }
0x28e: {  	v3 =	vmul.f32 v6, v3;
	[tilespmem:s5+$0xFFFFFFF0] =	vst v4  }
0x28f: {  	[tilespmem:s5+$0xFFFFFFD0] =	vst v7  }
0x290: {  	s31 =	rddreg [dreg:$0xd];
	s7 =	simm.s32 $0x16F00;
	[tilespmem:s5+$0xFFFFFFA0] =	vst v3  }
0x291: {  	[hbm4b:s31+s2] =	stream.linear.scatter [tilespmem:s7], [sflag:$0x2], $0x2800, $0x38;
	[tilespmem:$0x1E700] =	vst v63  }
.LBB2_54:
.Ltmp29:
0x292: {  	(pc) =	sbr.rel @p4 .LBB2_51-.Ltmp29, $4  }
.Ltmp30:
0x293: {  	(pc) =	sbr.rel @!p4 .LBB2_52-.Ltmp30, $4  }
0x294: {  	_ = 	snop  }
0x295: {  	_ = 	snop  }
0x296: {  	_ = 	snop  }
0x297: {  	_ = 	snop  }
.LBB2_53:
0x298: {  	_ =	sfence.sel $0x180000  }
0x299: {  	[bflag:$0x0] =	sbarrier.arrive $0xFFFF  }
0x29a: {  	_ =	strace $0x90000047  }
0x29b: {  	s0 =	stileid.u32;
	[bflag:$0x2] =	sbarrier.arrive $0xFFFF  }
0x29c: {  	p0 =	sne.s32 s0, $0x0;
	s0 =	rddreg [dreg:$0x5]  }
0x29d: {  	s0 =	sadd.s32 @!p0 $0x100000, s0  }
0x29e: {  	[sflag:s0] =	ssyncadd.tile.s32 @!p0 $0x1;
	_ =	shalt  }
.Lfunc_end2:
_tile_overlayer_lowered:
.L_overlay_start_2:
0x29f: {  	(tag) =	ssettag $0x2  }
0x2a0: {  	s0 =	rddreg [dreg:$0x0];
	s2 =	stileid.u32  }
0x2a1: {  	s1 =	rddreg [dreg:$0x1];
	p0 =	sne.s32 s2, $0x0  }
0x2a2: {  	s3 =	rddreg [dreg:$0x2];
	[bflag:$0x3] =	sbarrier.arrive $0xFFFF;
	s2 =	simm.s32 @!p0 $0x1C03  }
0x2a3: {  	[timem:s3], [sflag:s2] =	dma.local @!p0 [hbm:s0], s1  }
0x2a4: {  	s0 =	simm.s32 @!p0 $0x3  }
0x2a5: {  	_ =	swait.ge @!p0 [sflag:s0], s1  }
0x2a6: {  	s1 =	ssub.s32 @!p0 $0x0, s1;
	[sflag:s0] =	ssyncset.done @!p0 $0x0  }
0x2a7: {  	[sflag:s0] =	ssyncadd.s32 @!p0 s1  }
0x2a8: {  	[bflag:$0x3] =	sbarrier.arrive $0xFFFF  }
0x2a9: {  	_ =	shalt  }

// kernel: kernel.8.cloned.1.call-start
scs
__scs_entry_jumppad:
0x0: {  	(pc) =	sbr.rel $0x88, $3  }
0x1: {  	(tag) =	ssettag $0x0;
	lr =	simm.s32 $0x1  }
0x2: {  	[smem:$0x3F9B] =	sst lr;
	_ =	strace $0xD0000000  }
0x3: {  	_ = 	snop  }
0x4: {  	_ = 	snop  }
0x5: {  	_ = 	snop  }
0x6: {  	_ = 	snop  }
0x7: {  	_ = 	snop  }
__scs_overlays_trampoline_lowered:
0x8: {  	[smem:$0x3FAA] =	sst s0  }
0x9: {  	[smem:$0x3FAB] =	sst s1  }
0xa: {  	[smem:$0x3FAC] =	sst s2  }
0xb: {  	[smem:$0x3FAD] =	sst s3  }
0xc: {  	[smem:$0x3FAE] =	sst s4  }
0xd: {  	[smem:$0x3FAF] =	sst s5  }
0xe: {  	[smem:$0x3FB0] =	sst s6  }
0xf: {  	[smem:$0x3FB1] =	sst s7  }
0x10: {  	[smem:$0x3FB2] =	sst s8  }
0x11: {  	[smem:$0x3FB3] =	sst s9;
	s0 =	simm.s32 @!p0 $0x0  }
0x12: {  	s1 =	sld [smem:$0x3F99];
	s0 =	simm.s32 @p0 $0x1  }
0x13: {  	[smem:$0x3FB4] =	sst s0;
	s0 =	simm.s32 @!p1 $0x0  }
0x14: {  	s2 =	sld [smem:$0x3F98];
	s0 =	simm.s32 @p1 $0x1  }
0x15: {  	[smem:$0x3FB5] =	sst s0;
	s0 =	simm.s32 @!p2 $0x0  }
0x16: {  	s3 =	sld [smem:$0x3FDB];
	s0 =	simm.s32 @p2 $0x1  }
0x17: {  	s4 =	simm.s32 $0x1BF5;
	[smem:$0x3FB7] =	sst s0  }
0x18: {  	s0 =	sld [smem:$0x3F9A];
	_ =	swait.ge [sflag:s4], $0x0  }
0x19: {  	s7 =	sld [smem:$0x3F9B]  }
0x1a: {  	s8 =	sadd.s32 $0xFFFFE003, lr  }
0x1b: {  	s9 =	sadd.s32 $0xFFFFFEF7, lr;
	s5 =	simm.s32 $0xFFFFFFFF;
	p2 =	slt.u32 s8, $0xFFFFF086  }
0x1c: {  	p1 =	slt.u32 s9, $0xF7A;
	s5 =	simm.s32 @!p2 $0x0  }
0x1d: {  	s5 =	simm.s32 @p1 $0x1;
	p0 =	seq.s32 s7, s2  }
0x1e: {  	s7 =	smul.u32 @!p0 $0xF7A, s2;
	p2 =	seq.s32 @!p0 s5, $0x0  }
0x1f: {  	s9 =	smul.u32 $0xF7A, s1;
	s8 =	simm.s32 @!p0 $0x1BF5;
	p2 =	por !p2, p0  }
0x20: {  	[sflag:s8] =	ssyncset.s32 @!p0 $0xFFFFF086;
	s6 =	sadd.s32 @!p0 s3, s7;
	s7 =	simm.s32 @!p0 $0x108  }
0x21: {  	s3 =	sadd.s32 s3, s9;
	s6 =	sadd.s32 @!p0 $0x88, s6;
	s7 =	simm.s32 @p2 $0x1082  }
0x22: {  	[simem:s7], [sflag:s8] =	dma.local @!p0 [hbm:s6], $0xF7A  }
0x23: {  	s9 =	sor.u32 $0xD0000000, s2;
	s6 =	simm.s32 $0x108;
	_ =	swait.ge @!p0 [sflag:s8], $0x0  }
0x24: {  	s3 =	sadd.s32 $0x88, s3;
	s6 =	simm.s32 @!p1 $0x1082;
	[sflag:s4] =	ssyncset.s32 $0xFFFFF086  }
0x25: {  	[simem:s6], [sflag:s4] =	dma.local [hbm:s3], $0xF7A  }
0x26: {  	[smem:$0x3F9B] =	sst s1;
	(tag) =	ssettag s2;
	_ =	strace s9  }
0x27: {  	s1 =	sld [smem:$0x3FAB]  }
0x28: {  	s2 =	sld [smem:$0x3FAC]  }
0x29: {  	s4 =	sld [smem:$0x3FAE]  }
0x2a: {  	p0 =	seq.s32 s5, $0x0;
	s5 =	sld [smem:$0x3FAF]  }
0x2b: {  	s6 =	sld [smem:$0x3FB0]  }
0x2c: {  	s7 =	sld [smem:$0x3FB1]  }
0x2d: {  	s3 =	simm.s32 $0x108;
	s8 =	sld [smem:$0x3FB2]  }
0x2e: {  	s3 =	simm.s32 @!p0 $0x1082;
	s9 =	sld [smem:$0x3FB3]  }
0x2f: {  	lr =	sadd.s32 s0, s3;
	s0 =	sld [smem:$0x3FAA]  }
0x30: {  	s3 =	sld [smem:$0x3FAD]  }
0x31: {  	[smem:$0x3FB6] =	sst s10  }
0x32: {  	s10 =	sld [smem:$0x3FB4];
	_ =	sdelay $0x3  }
0x33: {  	p0 =	seq.s32 s10, $0x1;
	s10 =	sld [smem:$0x3FB6];
	_ =	sdelay $0x3  }
0x34: {  	[smem:$0x3FB6] =	sst s10  }
0x35: {  	s10 =	sld [smem:$0x3FB5];
	_ =	sdelay $0x3  }
0x36: {  	p1 =	seq.s32 s10, $0x1;
	s10 =	sld [smem:$0x3FB6];
	_ =	sdelay $0x3  }
0x37: {  	[smem:$0x3FB6] =	sst s10  }
0x38: {  	s10 =	sld [smem:$0x3FB7]  }
0x39: {  	_ = 	snop;
	(pc) =	sbr.ind lr, $3  }
0x3a: {  	_ = 	snop  }
0x3b: {  	_ = 	snop  }
0x3c: {  	p2 =	seq.s32 s10, $0x1;
	s10 =	sld [smem:$0x3FB6]  }
0x3d: {  	_ =	shalt  }
0x3e: {  	_ =	shalt  }
0x3f: {  	_ =	shalt  }
0x40: {  	_ =	shalt  }
0x41: {  	_ =	shalt  }
0x42: {  	_ =	shalt  }
0x43: {  	_ =	shalt  }
0x44: {  	_ =	shalt  }
0x45: {  	_ =	shalt  }
0x46: {  	_ =	shalt  }
0x47: {  	_ =	shalt  }
0x48: {  	_ =	shalt  }
0x49: {  	_ =	shalt  }
0x4a: {  	_ =	shalt  }
0x4b: {  	_ =	shalt  }
0x4c: {  	_ =	shalt  }
0x4d: {  	_ =	shalt  }
0x4e: {  	_ =	shalt  }
0x4f: {  	_ =	shalt  }
0x50: {  	_ =	shalt  }
0x51: {  	_ =	shalt  }
0x52: {  	_ =	shalt  }
0x53: {  	_ =	shalt  }
0x54: {  	_ =	shalt  }
0x55: {  	_ =	shalt  }
0x56: {  	_ =	shalt  }
0x57: {  	_ =	shalt  }
0x58: {  	_ =	shalt  }
0x59: {  	_ =	shalt  }
0x5a: {  	_ =	shalt  }
0x5b: {  	_ =	shalt  }
0x5c: {  	_ =	shalt  }
0x5d: {  	_ =	shalt  }
0x5e: {  	_ =	shalt  }
0x5f: {  	_ =	shalt  }
0x60: {  	_ =	shalt  }
0x61: {  	_ =	shalt  }
0x62: {  	_ =	shalt  }
0x63: {  	_ =	shalt  }
0x64: {  	_ =	shalt  }
0x65: {  	_ =	shalt  }
0x66: {  	_ =	shalt  }
0x67: {  	_ =	shalt  }
0x68: {  	_ =	shalt  }
0x69: {  	_ =	shalt  }
0x6a: {  	_ =	shalt  }
0x6b: {  	_ =	shalt  }
0x6c: {  	_ =	shalt  }
0x6d: {  	_ =	shalt  }
0x6e: {  	_ =	shalt  }
0x6f: {  	_ =	shalt  }
0x70: {  	_ =	shalt  }
0x71: {  	_ =	shalt  }
0x72: {  	_ =	shalt  }
0x73: {  	_ =	shalt  }
0x74: {  	_ =	shalt  }
0x75: {  	_ =	shalt  }
0x76: {  	_ =	shalt  }
0x77: {  	_ =	shalt  }
0x78: {  	_ =	shalt  }
0x79: {  	_ =	shalt  }
0x7a: {  	_ =	shalt  }
0x7b: {  	_ =	shalt  }
0x7c: {  	_ =	shalt  }
0x7d: {  	_ =	shalt  }
0x7e: {  	_ =	shalt  }
0x7f: {  	_ =	shalt  }
0x80: {  	_ =	shalt  }
0x81: {  	_ =	shalt  }
0x82: {  	_ =	shalt  }
0x83: {  	_ =	shalt  }
0x84: {  	_ =	shalt  }
0x85: {  	_ =	shalt  }
0x86: {  	_ =	shalt  }
0x87: {  	_ =	shalt  }
.Lfunc_end0:
.L_simem_size_0:
called_computation.1_lowered:
.L_overlay_start_0:
0x88: {  	s2 =	sld [smem:$0x3FD9]  }
0x89: {  	s3 =	sld [smem:$0x3FFE];
	_ =	sdelay $0x1  }
0x8a: {  	s1 =	srdreg.scid  }
0x8b: {  	s0 =	sand.u32 $0x1, s1  }
0x8c: {  	s17 =	sshll.u32 s0, $0xA;
	s2 =	sadd.s32 s3, s2  }
0x8d: {  	s2 =	sadd.s32 s2, s17  }
0x8e: {  	[smem:$0x3FC2] =	sst s2  }
0x8f: {  	_ = 	snop  }
0x90: {  	s2 =	sld [smem:$0x3FC8];
	(tm) =	ssettm $0x1  }
0x91: {  	s18 =	sld [smem:$0x3FFB];
	_ =	sdelay $0x3  }
0x92: {  	_ =	strace s18  }
0x93: {  	s3 =	sld [smem:$0x3FFC];
	_ =	sdelay $0x3  }
0x94: {  	_ =	strace s3  }
0x95: {  	s3 =	sld [smem:$0x3FFD];
	_ =	sdelay $0x3  }
0x96: {  	_ =	strace s3  }
0x97: {  	_ =	strace $0x8FFFFFFF  }
0x98: {  	s19 =	sld [smem:$0x3FDB];
	_ =	sdelay $0x1  }
0x99: {  	s4 =	simm.s32 $_scs_section_size  }
0x9a: {  	s5 =	simm.s32 $_size__tile_overlayer_lowered;
	s6 =	simm.s32 $_tile_overlayer_lowered  }
0x9b: {  	s22 =	simm.s32 $0x1BFF;
	s21 =	sshll.u32 s6, $0x1;
	s3 =	sadd.s32 s4, s19  }
0x9c: {  	s7 =	simm.s32 $0x0;
	s20 =	sshll.u32 s5, $0x1;
	s5 =	sadd.s32 s21, s3  }
0x9d: {  	[timem:s7], [sflag:s22] =	dma.local [hbm:s5], s20  }
0x9e: {  	_ =	swait.ge [sflag:s22], s20  }
0x9f: {  	s4 =	ssub.s32 $0x0, s20;
	[sflag:s22] =	ssyncset.done $0x0  }
0xa0: {  	[sflag:s22] =	ssyncadd.s32 s4;
	_ =	sdelay $0x1  }
0xa1: {  	s23 =	simm.s32 $0x1B8B  }
0xa2: {  	_ =	swait.ge [sflag:s23], $0x1  }
0xa3: {  	[sflag:s23] =	ssyncset.done $0x0  }
0xa4: {  	s25 =	simm.s32 $0x1B8E;
	s24 =	sld [smem:$0x3FFE];
	[sflag:s23] =	ssyncadd.s32 $0xFFFFFFFF  }
0xa5: {  	s26 =	simm.s32 $execute0_lowered;
	[smem:$0x3FD2] =	sst s25  }
0xa6: {  	s5 =	sshll.u32 s26, $0x1;
	_ =	strace $0x80000049;
	[dreg:$0x1] =	wrdreg $0xFFFFFFFF  }
0xa7: {  	s28 =	simm.s32 $_size_execute0_lowered;
	s3 =	sadd.s32 s3, s5;
	[dreg:$0x0] =	wrdreg $0x0  }
0xa8: {  	s5 =	sshll.u32 s28, $0x1;
	[dreg:$0x2] =	wrdreg s3  }
0xa9: {  	[dreg:$0x3] =	wrdreg s5  }
0xaa: {  	[dreg:$0x4] =	wrdreg $0xC0  }
0xab: {  	_ =	task [dreg:s7], $0x5FFFF  }
0xac: {  	[dreg:$0x1] =	wrdreg $0xFFFFFFFF  }
0xad: {  	[dreg:$0x0] =	wrdreg $0x60  }
0xae: {  	[dreg:$0x2] =	wrdreg s24  }
0xaf: {  	[dreg:$0x3] =	wrdreg s2  }
0xb0: {  	[dreg:$0x4] =	wrdreg $0x9F000  }
0xb1: {  	[dreg:$0x5] =	wrdreg $0x9  }
0xb2: {  	_ =	task.clear_ibuf [dreg:s7], $0x6FFFF;
	_ =	strace $0x90000049  }
0xb3: {  	s29 =	simm.s32 $0x9;
	_ =	strace $0x8000004B  }
0xb4: {  	_ =	swait.ge [sflag:s29], $0x1  }
0xb5: {  	[sflag:s29] =	ssyncadd.s32 $0xFFFFFFFF  }
0xb6: {  	_ =	strace $0x9000004B  }
0xb7: {  	_ =	sfence  }
0xb8: {  	s30 =	sld [smem:$0x0];
	_ =	sdelay $0x2  }
0xb9: {  	s31 =	sshll.u32 s1, $0xD;
	s1 =	sshrl.u32 s1, $0x2  }
0xba: {  	s3 =	sand.u32 $0x4000, s31;
	s1 =	sadd.s32 s1, s30  }
0xbb: {  	s0 =	sor.u32 s3, s0;
	s1 =	sshll.u32 s1, $0x11  }
0xbc: {  	s0 =	sor.u32 s1, s0  }
0xbd: {  	s0 =	sadd.s32 $0x8F2B, s0  }
0xbe: {  	[sflag:s0] =	ssyncadd.remote.s32 $0x1  }
0xbf: {  	_ =	sfence.sel $0xFFFF  }
0xc0: {  	[dreg:$0x0] =	wrdreg $0xFFFFFFFF;
	(pc) =	sbr.abs _section_cstart, $3  }
0xc1: {  	[dreg:$0x1] =	wrdreg $0xFFFFFFFF  }
0xc2: {  	_ =	task.clear_ibuf [dreg:s7], $0x2FFFF;
	_ =	strace $0x9FFFFFFF  }
0xc3: {  	(tm) =	ssettm $0x7FFFFFFF  }
tec
execute0_lowered:
.L_overlay_start_1:
0x0: {  	(tag) =	ssettag $0x1  }
0x1: {  	s0 =	rddreg [dreg:$0x0]  }
0x2: {  	s7 =	rddreg [dreg:$0x1]  }
0x3: {  	s1 =	rddreg [dreg:$0x2]  }
0x4: {  	s3 =	simm.s32 $0x0;
	s2 =	srdreg.scid;
	s16 =	stileid.u32  }
0x5: {  	s28 =	simm.s32 $0x5700;
	s29 =	simm.s32 $0x5F00;
	s30 =	simm.s32 $0x6700  }
0x6: {  	s31 =	simm.s32 $0x6F00;
	[smem:$0x7FF] =	sst s3;
	s8 =	sand.u32 $0x1, s2  }
0x7: {  	s23 =	smul.u32 $0x50000, s16;
	s4 =	sadd.s32 $0x1800, s0;
	s6 =	sadd.s32 $0x29800, s0  }
0x8: {  	s18 =	smul.u32 $0x14000, s16;
	_ =	strace $0x8000004A;
	s24 =	sshll.u32 s8, $0x4  }
0x9: {  	s9 =	ssub.s32 $0x2, s8;
	s8 =	smul.u32 $0x140000, s8;
	s2 =	sshrl.u32 s23, $0x2  }
0xa: {  	s0 =	sor.u32 s16, s24;
	s10 =	sshrl.u32 s9, $0x1;
	s5 =	sadd.s32 s2, s1  }
0xb: {  	s20 =	sadd.s32 $0xC000, s18;
	s11 =	smul.u32 $0x2710, s0;
	s2 =	sadd.s32 $0x2800, s5  }
0xc: {  	s0 =	ssub.s32 s9, s10;
	s25 =	sadd.s32 $0x5000, s5;
	[dreg:$0x5] =	wrdreg s2  }
0xd: {  	s26 =	sadd.s32 $0x7800, s5;
	s9 =	sadd.s32 $0xA000, s5;
	[dreg:$0x6] =	wrdreg s25  }
0xe: {  	s10 =	sadd.s32 $0xC800, s5;
	s14 =	sadd.s32 $0xF000, s5;
	[dreg:$0x7] =	wrdreg s26  }
0xf: {  	s15 =	sadd.s32 $0x11800, s5;
	[dreg:$0x8] =	wrdreg s9;
	s2 =	sand.u32 $0x70, s11  }
0x10: {  	v0 =	vlaneseq.u32;
	[dreg:$0x9] =	wrdreg s10;
	s12 =	sshrl.u32 s11, $0x2;
	s13 =	sadd.s32 $0x10, s2  }
0x11: {  	vm0 =	vmmov $0xffff;
	[dreg:$0xa] =	wrdreg s14;
	s17 =	sadd.s32 $0x20, s2;
	s21 =	sadd.s32 $0x30, s2;
	v1 =	vmov s13;
	v2 =	vor.u32 s13, v0  }
0x12: {  	[dreg:$0xb] =	wrdreg s15;
	s22 =	sadd.s32 $0x40, s2;
	s23 =	sadd.s32 $0x26C0, s2;
	v3 =	vor.u32 s17, v0;
	v4 =	vmov s21;
	v5 =	vor.u32 s21, v0  }
0x13: {  	s14 =	sadd.s32 s18, s8;
	s9 =	sand.u32 $0x1FFE0, s12;
	s12 =	sadd.s32 $0x26D0, s2;
	v6 =	vmov s22;
	v7 =	vor.u32 s22, v0;
	v8 =	vmov s23  }
0x14: {  	s11 =	simm.s32 $0x4;
	s24 =	sadd.s32 $0x26E0, s2;
	s25 =	sadd.s32 $0x26F0, s2;
	v9 =	vor.u32 s23, v0;
	v10 =	vmov s12;
	v11 =	vor.u32 s12, v0  }
0x15: {  	s14 =	sshrl.u32 s14, $0x3;
	s7 =	sadd.s32 s7, s9;
	s13 =	sadd.s32 $0x4000, s18;
	v12 =	vmov s24;
	v13 =	vor.u32 s24, v0;
	v1 =	vshll.u32 v1, $0x1  }
0x16: {  	s26 =	sadd.s32 s6, s14;
	s9 =	sadd.s32 $0x10000, s18;
	v14 =	vmov s25;
	s21 =	sadd.s32 s8, s20;
	v2 =	vand.u32 $0x7F, v2;
	v1 =	vand.u32 $0x100, v1  }
0x17: {  	v15 =	vor.u32 s25, v0;
	s23 =	smul.u32 $0x2710, s16;
	s25 =	sadd.s32 s20, s1;
	s20 =	simm.s32 $0x4F00;
	v1 =	vor.u32 v2, v1;
	v2 =	vmov s17  }
0x18: {  	s12 =	simm.s32 $0x0;
	[dreg:$0xc] =	wrdreg s7;
	v3 =	vand.u32 $0x7F, v3;
	s15 =	sadd.s32 s8, s13;
	v4 =	vshll.u32 v4, $0x1;
	v2 =	vshll.u32 v2, $0x1  }
0x19: {  	[dreg:$0xd] =	wrdreg s26;
	s22 =	sshrl.u32 s21, $0x3;
	s24 =	sadd.s32 s13, s1;
	v63 =	vand.u32 $0x7F, v15;
	v4 =	vand.u32 $0x100, v4;
	v2 =	vand.u32 $0x100, v2  }
0x1a: {  	s21 =	simm.s32 $0x1;
	s15 =	sshrl.u32 s15, $0x3;
	s26 =	sand.u32 $0x70, s23;
	v2 =	vor.u32 v3, v2;
	v3 =	vand.u32 $0x7F, v5;
	v5 =	vshll.u32 v6, $0x1  }
0x1b: {  	s14 =	sadd.s32 s6, s15;
	s15 =	sadd.s32 $0x8000, s18;
	s17 =	sadd.s32 s6, s22;
	v6 =	vand.u32 $0x7F, v7;
	v5 =	vand.u32 $0x100, v5;
	v3 =	vor.u32 v3, v4  }
0x1c: {  	[dreg:$0x4] =	wrdreg s26;
	s22 =	sshrl.u32 s24, $0x3;
	s24 =	sshrl.u32 s25, $0x3;
	v4 =	vor.u32 v6, v5;
	v5 =	vshll.u32 v8, $0x1;
	v6 =	vand.u32 $0x7F, v9  }
0x1d: {  	s26 =	simm.s32 $0x5;
	[dreg:$0xe] =	wrdreg s14;
	s19 =	sadd.s32 s8, s15;
	v9 =	vshll.u32 v10, $0x1;
	v10 =	vshll.u32 v12, $0x1;
	v5 =	vand.u32 $0x4F00, v5  }
0x1e: {  	s8 =	sadd.s32 s8, s9;
	s7 =	sadd.s32 s15, s1;
	s9 =	sadd.s32 s9, s1;
	v7 =	vor.u32 $0x4E80, v0;
	v10 =	vand.u32 $0x4F00, v10;
	v8 =	vor.u32 v6, v5  }
0x1f: {  	s10 =	sshrl.u32 s19, $0x3;
	s8 =	sshrl.u32 s8, $0x3;
	s19 =	smax.u32 s0, $0x1;
	v6 =	vor.u32 s2, v7;
	v7 =	vand.u32 $0x7F, v11;
	v11 =	vand.u32 $0x7F, v13  }
0x20: {  	s23 =	sshrl.u32 s7, $0x3;
	s25 =	sshrl.u32 s9, $0x3;
	s0 =	simm.s32 $0x7700;
	v9 =	vand.u32 $0x4F00, v9;
	v10 =	vor.u32 v11, v10;
	v11 =	vshll.u32 v14, $0x1  }
0x21: {  	s7 =	simm.s32 $0x8F00;
	s9 =	simm.s32 $0x2;
	s10 =	sadd.s32 s6, s10;
	v9 =	vor.u32 v7, v9;
	v7 =	vor.u32 $0x80, v8;
	v11 =	vand.u32 $0x4F00, v11  }
0x22: {  	s18 =	sadd.s32 s6, s8;
	s6 =	simm.s32 $0x8700;
	s8 =	simm.s32 $0x9700;
	v8 =	vor.u32 $0x80, v9;
	v9 =	vor.u32 $0x80, v10;
	v10 =	vor.u32 v63, v11  }
0x23: {  	[dreg:$0xf] =	wrdreg s10;
	s10 =	simm.s32 $0x3;
	v5 =	vor.u32 s2, v0;
	s2 =	simm.s32 $0x7F00;
	v11 =	vimm.f32 $0.0e+00;
	v10 =	vor.u32 $0x80, v10  }
.LBB2_1:
0x24: {  	s13 =	simm.s32 $0x0;
	s14 =	simm.s32 $0x200  }
.LBB2_2:
0x25: {  	p0 =	sne.s32 s14, $0x9E00;
	[tilespmem:s13+$0x4F70] =	vst v11  }
0x26: {  	[tilespmem:s13+$0x4F00] =	vst v11  }
0x27: {  	[tilespmem:s13+$0x4F10] =	vst v11  }
.Ltmp0:
0x28: {  	[tilespmem:s13+$0x4F20] =	vst v11;
	(pc) =	sbr.rel @p0 .LBB2_2-.Ltmp0, $4  }
0x29: {  	[tilespmem:s13+$0x4F30] =	vst v11  }
0x2a: {  	[tilespmem:s13+$0x4F40] =	vst v11  }
0x2b: {  	[tilespmem:s13+$0x4F50] =	vst v11  }
0x2c: {  	[tilespmem:s13+$0x4F60] =	vst v11;
	s13 =	sshra.s32 s14, $0x2;
	s14 =	sadd.s32 $0x200, s14  }
0x2d: {  	[tilespmem:s13+$0x4F70] =	vst v11  }
0x2e: {  	[tilespmem:s13+$0x4F00] =	vst v11  }
0x2f: {  	[tilespmem:s13+$0x4F10] =	vst v11  }
0x30: {  	[tilespmem:s13+$0x4F20] =	vst v11  }
0x31: {  	[tilespmem:s13+$0x4F30] =	vst v11  }
0x32: {  	[tilespmem:s13+$0x4F40] =	vst v11  }
0x33: {  	[tilespmem:s13+$0x4F50] =	vst v11  }
0x34: {  	[tilespmem:s13+$0x4F60] =	vst v11  }
0x35: {  	[spmem:s5] =	stream.linear.scatter [tilespmem:s20], [sflag:$0x1], $0x2800, $0x38;
	[tilespmem:$0x1DF00] =	vst v63  }
0x36: {  	s16 =	rddreg [dreg:$0x5]  }
0x37: {  	[spmem:s16] =	stream.linear.scatter [tilespmem:s20], [sflag:$0x1], $0x2800, $0x38;
	[tilespmem:$0x1DF00] =	vst v63  }
0x38: {  	s14 =	rddreg [dreg:$0x6]  }
0x39: {  	[spmem:s14] =	stream.linear.scatter [tilespmem:s20], [sflag:$0x1], $0x2800, $0x38;
	[tilespmem:$0x1DF00] =	vst v63  }
0x3a: {  	s15 =	rddreg [dreg:$0x7]  }
0x3b: {  	[spmem:s15] =	stream.linear.scatter [tilespmem:s20], [sflag:$0x1], $0x2800, $0x38;
	[tilespmem:$0x1DF00] =	vst v63  }
0x3c: {  	s16 =	rddreg [dreg:$0x8]  }
0x3d: {  	[spmem:s16] =	stream.linear.scatter [tilespmem:s20], [sflag:$0x1], $0x2800, $0x38;
	[tilespmem:$0x1DF00] =	vst v63  }
0x3e: {  	s14 =	rddreg [dreg:$0x9]  }
0x3f: {  	[spmem:s14] =	stream.linear.scatter [tilespmem:s20], [sflag:$0x1], $0x2800, $0x38;
	[tilespmem:$0x1DF00] =	vst v63  }
0x40: {  	s15 =	rddreg [dreg:$0xa]  }
0x41: {  	[spmem:s15] =	stream.linear.scatter [tilespmem:s20], [sflag:$0x1], $0x2800, $0x38;
	[tilespmem:$0x1DF00] =	vst v63  }
0x42: {  	s16 =	rddreg [dreg:$0xb]  }
0x43: {  	[spmem:s16] =	stream.linear.scatter [tilespmem:s20], [sflag:$0x1], $0x2800, $0x38;
	[tilespmem:$0x1DF00] =	vst v63  }
0x44: {  	_ =	swait.ge [sflag:s21], $0x2800  }
0x45: {  	[sflag:s21] =	ssyncset.done $0x0  }
0x46: {  	[sflag:s21] =	ssyncadd.s32 $0xFFFFD800  }
0x47: {  	_ =	swait.ge [sflag:s21], $0x2800  }
0x48: {  	[sflag:s21] =	ssyncset.done $0x0  }
0x49: {  	[sflag:s21] =	ssyncadd.s32 $0xFFFFD800  }
0x4a: {  	_ =	swait.ge [sflag:s21], $0x2800  }
0x4b: {  	[sflag:s21] =	ssyncset.done $0x0  }
0x4c: {  	[sflag:s21] =	ssyncadd.s32 $0xFFFFD800  }
0x4d: {  	_ =	swait.ge [sflag:s21], $0x2800  }
0x4e: {  	[sflag:s21] =	ssyncset.done $0x0  }
0x4f: {  	[sflag:s21] =	ssyncadd.s32 $0xFFFFD800  }
0x50: {  	_ =	swait.ge [sflag:s21], $0x2800  }
0x51: {  	[sflag:s21] =	ssyncset.done $0x0  }
0x52: {  	[sflag:s21] =	ssyncadd.s32 $0xFFFFD800  }
0x53: {  	_ =	swait.ge [sflag:s21], $0x2800  }
0x54: {  	[sflag:s21] =	ssyncset.done $0x0  }
0x55: {  	[sflag:s21] =	ssyncadd.s32 $0xFFFFD800  }
0x56: {  	_ =	swait.ge [sflag:s21], $0x2800  }
0x57: {  	[sflag:s21] =	ssyncset.done $0x0  }
0x58: {  	[sflag:s21] =	ssyncadd.s32 $0xFFFFD800  }
0x59: {  	_ =	swait.ge [sflag:s21], $0x2800  }
0x5a: {  	[sflag:s21] =	ssyncset.done $0x0  }
0x5b: {  	[sflag:s21] =	ssyncadd.s32 $0xFFFFD800  }
0x5c: {  	[bflag:$0x0] =	sbarrier.arrive $0xFFFF  }
0x5d: {  	s13 =	simm.s32 $0x0;
	s14 =	rddreg [dreg:$0xc]  }
0x5e: {  	[tilespmem:s13], [sflag:$0x5] =	stream.linear.gather [hbm4b:s14+s13], $0x4F00, $0x38;
	[tilespmem:$0x1DF00] =	vst v63  }
0x5f: {  	_ =	swait.ge [sflag:s26], $0x4F00  }
0x60: {  	[sflag:s26] =	ssyncset.done $0x0  }
0x61: {  	[sflag:s26] =	ssyncadd.s32 $0xFFFFB100  }
0x62: {  	v12 =	vld.idx.msk [tilespmem:v5+s13+$0x0], $0xffff;
	_ =	sdelay $0x7  }
0x63: {  	[tilespmem:s20], [sflag:$0x1] =	stream.indirect_vreg.gather [hbm4b:s4+s13], $0x80, v12, vm0, $0xb8;
	[tilespmem:$0x1DF00] =	vst v63  }
0x64: {  	v12 =	vld.idx.msk [tilespmem:v1+s13+$0x0], $0xffff;
	_ =	sdelay $0x7  }
0x65: {  	[tilespmem:s28], [sflag:$0x1] =	stream.indirect_vreg.gather [hbm4b:s4+s13], $0x80, v12, vm0, $0xb8;
	[tilespmem:$0x1DF00] =	vst v63  }
0x66: {  	v12 =	vld.idx.msk [tilespmem:v2+s13+$0x0], $0xffff;
	_ =	sdelay $0x7  }
0x67: {  	[tilespmem:s29], [sflag:$0x1] =	stream.indirect_vreg.gather [hbm4b:s4+s13], $0x80, v12, vm0, $0xb8;
	[tilespmem:$0x1DF00] =	vst v63  }
0x68: {  	v12 =	vld.idx.msk [tilespmem:v3+s13+$0x0], $0xffff;
	_ =	sdelay $0x7  }
0x69: {  	[tilespmem:s30], [sflag:$0x1] =	stream.indirect_vreg.gather [hbm4b:s4+s13], $0x80, v12, vm0, $0xb8;
	[tilespmem:$0x1DF00] =	vst v63  }
0x6a: {  	v12 =	vld.idx.msk [tilespmem:v4+s13+$0x0], $0xffff;
	_ =	sdelay $0x7  }
0x6b: {  	[tilespmem:s31], [sflag:$0x1] =	stream.indirect_vreg.gather [hbm4b:s4+s13], $0x80, v12, vm0, $0xb8;
	[tilespmem:$0x1DF00] =	vst v63  }
.LBB2_4:
0x6c: {  	_ =	swait.ge [sflag:s21], $0x800  }
0x6d: {  	[sflag:s21] =	ssyncset.done $0x0  }
0x6e: {  	[sflag:s21] =	ssyncadd.s32 $0xFFFFF800  }
0x6f: {  	_ =	swait.ge [sflag:s21], $0x800  }
0x70: {  	[sflag:s21] =	ssyncset.done $0x0  }
0x71: {  	[sflag:s21] =	ssyncadd.s32 $0xFFFFF800  }
0x72: {  	_ =	swait.ge [sflag:s21], $0x800  }
0x73: {  	[sflag:s21] =	ssyncset.done $0x0  }
0x74: {  	[sflag:s21] =	ssyncadd.s32 $0xFFFFF800  }
0x75: {  	_ =	swait.ge [sflag:s21], $0x800  }
0x76: {  	[sflag:s21] =	ssyncset.done $0x0  }
0x77: {  	[sflag:s21] =	ssyncadd.s32 $0xFFFFF800  }
0x78: {  	_ =	swait.ge [sflag:s21], $0x800  }
0x79: {  	p0 =	seq.s32 s13, $0x0;
	[sflag:s21] =	ssyncset.done $0x0  }
0x7a: {  	s15 =	simm.s32 @!p0 $0x4;
	[sflag:s21] =	ssyncadd.s32 $0xFFFFF800  }
0x7b: {  	_ =	swait.ge @!p0 [sflag:s15], $0x800  }
0x7c: {  	[sflag:s15] =	ssyncset.done @!p0 $0x0  }
0x7d: {  	[sflag:s15] =	ssyncadd.s32 @!p0 $0xFFFFF800  }
0x7e: {  	_ =	swait.ge @!p0 [sflag:s15], $0x800  }
0x7f: {  	[sflag:s15] =	ssyncset.done @!p0 $0x0  }
0x80: {  	[sflag:s15] =	ssyncadd.s32 @!p0 $0xFFFFF800  }
0x81: {  	_ =	swait.ge @!p0 [sflag:s15], $0x800  }
0x82: {  	[sflag:s15] =	ssyncset.done @!p0 $0x0  }
0x83: {  	[sflag:s15] =	ssyncadd.s32 @!p0 $0xFFFFF800  }
0x84: {  	_ =	swait.ge @!p0 [sflag:s15], $0x800  }
0x85: {  	[sflag:s15] =	ssyncset.done @!p0 $0x0  }
0x86: {  	[sflag:s15] =	ssyncadd.s32 @!p0 $0xFFFFF800  }
0x87: {  	_ =	swait.ge @!p0 [sflag:s15], $0x800  }
0x88: {  	s14 =	rddreg [dreg:$0x4]  }
0x89: {  	s14 =	sadd.s32 s13, s14  }
0x8a: {  	s16 =	sadd.s32 $0x50, s14  }
0x8b: {  	v12 =	vmov s16  }
0x8c: {  	v13 =	vor.u32 s16, v0;
	v12 =	vshll.u32 v12, $0x1  }
0x8d: {  	v13 =	vand.u32 $0x7F, v13;
	v12 =	vand.u32 $0x7FFFFF00, v12  }
0x8e: {  	v12 =	vor.u32 v13, v12;
	_ =	sdelay $0x2  }
0x8f: {  	[sflag:s15] =	ssyncset.done @!p0 $0x0  }
0x90: {  	[sflag:s15] =	ssyncadd.s32 @!p0 $0xFFFFF800  }
0x91: {  	s16 =	sadd.s32 $0x60, s14;
	v14 =	vld.idx.msk [tilespmem:v12+s3+$0x0], $0xffff  }
0x92: {  	v38 =	vmov s16  }
0x93: {  	v15 =	vor.u32 s16, v0;
	v13 =	vshll.u32 v38, $0x1  }
0x94: {  	v15 =	vand.u32 $0x7F, v15;
	v13 =	vand.u32 $0x7FFFFF00, v13  }
0x95: {  	v13 =	vor.u32 v15, v13;
	_ =	sdelay $0x3  }
0x96: {  	[tilespmem:s0], [sflag:$0x2] =	stream.indirect_vreg.gather [hbm4b:s4+s3], $0x80, v14, vm0, $0xb8;
	[tilespmem:$0x1DF00] =	vst v63  }
0x97: {  	s16 =	sadd.s32 $0x70, s14;
	v15 =	vld.idx.msk [tilespmem:v13+s3+$0x0], $0xffff  }
0x98: {  	v39 =	vmov s16  }
0x99: {  	v16 =	vor.u32 s16, v0;
	v14 =	vshll.u32 v39, $0x1  }
0x9a: {  	v16 =	vand.u32 $0x7F, v16;
	v14 =	vand.u32 $0x7FFFFF00, v14  }
0x9b: {  	v14 =	vor.u32 v16, v14;
	_ =	sdelay $0x3  }
0x9c: {  	[tilespmem:s2], [sflag:$0x2] =	stream.indirect_vreg.gather [hbm4b:s4+s3], $0x80, v15, vm0, $0xb8;
	[tilespmem:$0x1DF00] =	vst v63  }
0x9d: {  	s16 =	sadd.s32 $0x80, s14;
	v16 =	vld.idx.msk [tilespmem:v14+s3+$0x0], $0xffff  }
0x9e: {  	v40 =	vmov s16  }
0x9f: {  	v17 =	vor.u32 s16, v0;
	v15 =	vshll.u32 v40, $0x1  }
0xa0: {  	v17 =	vand.u32 $0x7F, v17;
	v15 =	vand.u32 $0x7FFFFF00, v15  }
0xa1: {  	v15 =	vor.u32 v17, v15;
	_ =	sdelay $0x3  }
0xa2: {  	[tilespmem:s6], [sflag:$0x2] =	stream.indirect_vreg.gather [hbm4b:s4+s3], $0x80, v16, vm0, $0xb8;
	[tilespmem:$0x1DF00] =	vst v63  }
0xa3: {  	s16 =	sadd.s32 $0x90, s14;
	v17 =	vld.idx.msk [tilespmem:v15+s3+$0x0], $0xffff  }
0xa4: {  	v41 =	vmov s16  }
0xa5: {  	v18 =	vor.u32 s16, v0;
	v16 =	vshll.u32 v41, $0x1  }
0xa6: {  	v18 =	vand.u32 $0x7F, v18;
	v16 =	vand.u32 $0x7FFFFF00, v16  }
0xa7: {  	v16 =	vor.u32 v18, v16;
	_ =	sdelay $0x3  }
0xa8: {  	[tilespmem:s7], [sflag:$0x2] =	stream.indirect_vreg.gather [hbm4b:s4+s3], $0x80, v17, vm0, $0xb8;
	[tilespmem:$0x1DF00] =	vst v63  }
0xa9: {  	v42 =	vmov s14;
	v17 =	vld.idx.msk [tilespmem:v16+s3+$0x0], $0xffff  }
0xaa: {  	v19 =	vor.u32 s14, v0;
	v18 =	vshll.u32 v42, $0x1  }
0xab: {  	v19 =	vand.u32 $0x7F, v19;
	v18 =	vand.u32 $0xFF00, v18  }
0xac: {  	v18 =	vor.u32 v19, v18  }
0xad: {  	v18 =	vor.u32 $0x80, v18;
	_ =	sdelay $0x2  }
0xae: {  	s16 =	sadd.s32 $0x10, s14  }
0xaf: {  	[tilespmem:s8], [sflag:$0x2] =	stream.indirect_vreg.gather [hbm4b:s4+s3], $0x80, v17, vm0, $0xb8;
	[tilespmem:$0x1DF00] =	vst v63  }
0xb0: {  	v43 =	vmov s16;
	v17 =	vld.idx.msk [tilespmem:v18+s3+$0x0], $0xffff  }
0xb1: {  	v44 =	vor.u32 s16, v0;
	v18 =	vshll.u32 v43, $0x1  }
0xb2: {  	v19 =	vand.u32 $0x7F, v44;
	v18 =	vand.u32 $0x7FFFFF00, v18  }
0xb3: {  	v18 =	vor.u32 v19, v18  }
0xb4: {  	v18 =	vor.u32 $0x80, v18;
	_ =	sdelay $0x2  }
0xb5: {  	s16 =	sadd.s32 $0x20, s14  }
0xb6: {  	[spmem:s1] =	stream.indirect_vreg.scatter.add.f32 [tilespmem:s20], [sflag:$0x3], $0x80, v17, vm0, $0xb8;
	[tilespmem:$0x1DF00] =	vst v63  }
0xb7: {  	v45 =	vmov s16;
	v17 =	vld.idx.msk [tilespmem:v18+s3+$0x0], $0xffff  }
0xb8: {  	v46 =	vor.u32 s16, v0;
	v18 =	vshll.u32 v45, $0x1  }
0xb9: {  	v19 =	vand.u32 $0x7F, v46;
	v18 =	vand.u32 $0x7FFFFF00, v18  }
0xba: {  	v18 =	vor.u32 v19, v18  }
0xbb: {  	v18 =	vor.u32 $0x80, v18;
	_ =	sdelay $0x2  }
0xbc: {  	s16 =	sadd.s32 $0x30, s14  }
0xbd: {  	[spmem:s1] =	stream.indirect_vreg.scatter.add.f32 [tilespmem:s28], [sflag:$0x3], $0x80, v17, vm0, $0xb8;
	[tilespmem:$0x1DF00] =	vst v63  }
0xbe: {  	v47 =	vmov s16;
	v17 =	vld.idx.msk [tilespmem:v18+s3+$0x0], $0xffff  }
0xbf: {  	v48 =	vor.u32 s16, v0;
	v18 =	vshll.u32 v47, $0x1  }
0xc0: {  	v19 =	vand.u32 $0x7F, v48;
	v18 =	vand.u32 $0x7FFFFF00, v18  }
0xc1: {  	v18 =	vor.u32 v19, v18  }
0xc2: {  	v18 =	vor.u32 $0x80, v18;
	_ =	sdelay $0x2  }
0xc3: {  	s16 =	sadd.s32 $0x40, s14  }
0xc4: {  	[spmem:s1] =	stream.indirect_vreg.scatter.add.f32 [tilespmem:s29], [sflag:$0x3], $0x80, v17, vm0, $0xb8;
	[tilespmem:$0x1DF00] =	vst v63  }
0xc5: {  	v49 =	vmov s16;
	v17 =	vld.idx.msk [tilespmem:v18+s3+$0x0], $0xffff  }
0xc6: {  	v50 =	vor.u32 s16, v0;
	v18 =	vshll.u32 v49, $0x1  }
0xc7: {  	v19 =	vand.u32 $0x7F, v50;
	v18 =	vand.u32 $0x7FFFFF00, v18  }
0xc8: {  	v18 =	vor.u32 v19, v18  }
0xc9: {  	v18 =	vor.u32 $0x80, v18;
	_ =	sdelay $0x3  }
0xca: {  	[spmem:s1] =	stream.indirect_vreg.scatter.add.f32 [tilespmem:s30], [sflag:$0x3], $0x80, v17, vm0, $0xb8;
	[tilespmem:$0x1DF00] =	vst v63  }
0xcb: {  	v17 =	vld.idx.msk [tilespmem:v18+s3+$0x0], $0xffff;
	_ =	sdelay $0x7  }
0xcc: {  	[spmem:s1] =	stream.indirect_vreg.scatter.add.f32 [tilespmem:s31], [sflag:$0x3], $0x80, v17, vm0, $0xb8;
	[tilespmem:$0x1DF00] =	vst v63  }
0xcd: {  	_ =	swait.ge [sflag:s9], $0x800  }
0xce: {  	[sflag:s9] =	ssyncset.done $0x0  }
0xcf: {  	[sflag:s9] =	ssyncadd.s32 $0xFFFFF800  }
0xd0: {  	_ =	swait.ge [sflag:s9], $0x800  }
0xd1: {  	[sflag:s9] =	ssyncset.done $0x0  }
0xd2: {  	[sflag:s9] =	ssyncadd.s32 $0xFFFFF800  }
0xd3: {  	_ =	swait.ge [sflag:s9], $0x800  }
0xd4: {  	[sflag:s9] =	ssyncset.done $0x0  }
0xd5: {  	[sflag:s9] =	ssyncadd.s32 $0xFFFFF800  }
0xd6: {  	_ =	swait.ge [sflag:s9], $0x800  }
0xd7: {  	[sflag:s9] =	ssyncset.done $0x0  }
0xd8: {  	[sflag:s9] =	ssyncadd.s32 $0xFFFFF800  }
0xd9: {  	_ =	swait.ge [sflag:s9], $0x800  }
0xda: {  	[sflag:s9] =	ssyncset.done $0x0  }
0xdb: {  	[sflag:s9] =	ssyncadd.s32 $0xFFFFF800  }
0xdc: {  	_ =	swait.ge [sflag:s10], $0x800  }
0xdd: {  	[sflag:s10] =	ssyncset.done $0x0  }
0xde: {  	[sflag:s10] =	ssyncadd.s32 $0xFFFFF800  }
0xdf: {  	_ =	swait.ge [sflag:s10], $0x800  }
0xe0: {  	[sflag:s10] =	ssyncset.done $0x0  }
0xe1: {  	[sflag:s10] =	ssyncadd.s32 $0xFFFFF800  }
0xe2: {  	s16 =	sadd.s32 $0xA0, s14;
	_ =	swait.ge [sflag:s10], $0x800  }
0xe3: {  	v51 =	vmov s16;
	[sflag:s10] =	ssyncset.done $0x0  }
0xe4: {  	v52 =	vor.u32 s16, v0;
	v17 =	vshll.u32 v51, $0x1;
	[sflag:s10] =	ssyncadd.s32 $0xFFFFF800  }
0xe5: {  	v18 =	vand.u32 $0x7F, v52;
	v17 =	vand.u32 $0x7FFFFF00, v17;
	_ =	swait.ge [sflag:s10], $0x800  }
0xe6: {  	v17 =	vor.u32 v18, v17;
	[sflag:s10] =	ssyncset.done $0x0  }
0xe7: {  	[sflag:s10] =	ssyncadd.s32 $0xFFFFF800  }
0xe8: {  	_ =	swait.ge [sflag:s10], $0x800  }
0xe9: {  	[sflag:s10] =	ssyncset.done $0x0  }
0xea: {  	[sflag:s10] =	ssyncadd.s32 $0xFFFFF800  }
0xeb: {  	s16 =	sadd.s32 $0xB0, s14;
	v17 =	vld.idx.msk [tilespmem:v17+s3+$0x0], $0xffff  }
0xec: {  	v53 =	vmov s16  }
0xed: {  	v54 =	vor.u32 s16, v0;
	v18 =	vshll.u32 v53, $0x1  }
0xee: {  	v19 =	vand.u32 $0x7F, v54;
	v18 =	vand.u32 $0x7FFFFF00, v18  }
0xef: {  	v18 =	vor.u32 v19, v18;
	_ =	sdelay $0x3  }
0xf0: {  	[tilespmem:s20], [sflag:$0x1] =	stream.indirect_vreg.gather [hbm4b:s4+s3], $0x80, v17, vm0, $0xb8;
	[tilespmem:$0x1DF00] =	vst v63  }
0xf1: {  	s16 =	sadd.s32 $0xC0, s14;
	v17 =	vld.idx.msk [tilespmem:v18+s3+$0x0], $0xffff  }
0xf2: {  	v55 =	vmov s16  }
0xf3: {  	v56 =	vor.u32 s16, v0;
	v18 =	vshll.u32 v55, $0x1  }
0xf4: {  	v19 =	vand.u32 $0x7F, v56;
	v18 =	vand.u32 $0x7FFFFF00, v18  }
0xf5: {  	v18 =	vor.u32 v19, v18;
	_ =	sdelay $0x3  }
0xf6: {  	[tilespmem:s28], [sflag:$0x1] =	stream.indirect_vreg.gather [hbm4b:s4+s3], $0x80, v17, vm0, $0xb8;
	[tilespmem:$0x1DF00] =	vst v63  }
0xf7: {  	s16 =	sadd.s32 $0xD0, s14;
	v17 =	vld.idx.msk [tilespmem:v18+s3+$0x0], $0xffff  }
0xf8: {  	v57 =	vmov s16  }
0xf9: {  	v58 =	vor.u32 s16, v0;
	v18 =	vshll.u32 v57, $0x1  }
0xfa: {  	v19 =	vand.u32 $0x7F, v58;
	v18 =	vand.u32 $0x7FFFFF00, v18  }
0xfb: {  	v18 =	vor.u32 v19, v18;
	_ =	sdelay $0x3  }
0xfc: {  	[tilespmem:s29], [sflag:$0x1] =	stream.indirect_vreg.gather [hbm4b:s4+s3], $0x80, v17, vm0, $0xb8;
	[tilespmem:$0x1DF00] =	vst v63  }
0xfd: {  	s14 =	sadd.s32 $0xE0, s14;
	v17 =	vld.idx.msk [tilespmem:v18+s3+$0x0], $0xffff  }
0xfe: {  	v59 =	vmov s14  }
0xff: {  	v60 =	vor.u32 s14, v0;
	v18 =	vshll.u32 v59, $0x1  }
0x100: {  	v19 =	vand.u32 $0x7F, v60;
	v18 =	vand.u32 $0x7FFFFF00, v18  }
0x101: {  	v18 =	vor.u32 v19, v18;
	_ =	sdelay $0x3  }
0x102: {  	[tilespmem:s30], [sflag:$0x1] =	stream.indirect_vreg.gather [hbm4b:s4+s3], $0x80, v17, vm0, $0xb8;
	[tilespmem:$0x1DF00] =	vst v63  }
0x103: {  	v17 =	vld.idx.msk [tilespmem:v18+s3+$0x0], $0xffff;
	_ =	sdelay $0x3  }
0x104: {  	v12 =	vor.u32 $0x80, v12;
	_ =	sdelay $0x3  }
0x105: {  	[tilespmem:s31], [sflag:$0x1] =	stream.indirect_vreg.gather [hbm4b:s4+s3], $0x80, v17, vm0, $0xb8;
	[tilespmem:$0x1DF00] =	vst v63  }
0x106: {  	v12 =	vld.idx.msk [tilespmem:v12+s3+$0x0], $0xffff;
	_ =	sdelay $0x3  }
0x107: {  	v13 =	vor.u32 $0x80, v13;
	_ =	sdelay $0x3  }
0x108: {  	[spmem:s1] =	stream.indirect_vreg.scatter.add.f32 [tilespmem:s0], [sflag:$0x4], $0x80, v12, vm0, $0xb8;
	[tilespmem:$0x1DF00] =	vst v63  }
0x109: {  	v12 =	vld.idx.msk [tilespmem:v13+s3+$0x0], $0xffff;
	_ =	sdelay $0x3  }
0x10a: {  	v61 =	vor.u32 $0x80, v14;
	_ =	sdelay $0x3  }
0x10b: {  	[spmem:s1] =	stream.indirect_vreg.scatter.add.f32 [tilespmem:s2], [sflag:$0x4], $0x80, v12, vm0, $0xb8;
	[tilespmem:$0x1DF00] =	vst v63  }
0x10c: {  	v12 =	vld.idx.msk [tilespmem:v61+s3+$0x0], $0xffff;
	_ =	sdelay $0x3  }
0x10d: {  	v62 =	vor.u32 $0x80, v15;
	_ =	sdelay $0x3  }
0x10e: {  	[spmem:s1] =	stream.indirect_vreg.scatter.add.f32 [tilespmem:s6], [sflag:$0x4], $0x80, v12, vm0, $0xb8;
	[tilespmem:$0x1DF00] =	vst v63  }
0x10f: {  	v12 =	vld.idx.msk [tilespmem:v62+s3+$0x0], $0xffff;
	_ =	sdelay $0x3  }
0x110: {  	v63 =	vor.u32 $0x80, v16;
	_ =	sdelay $0x3  }
0x111: {  	[spmem:s1] =	stream.indirect_vreg.scatter.add.f32 [tilespmem:s7], [sflag:$0x4], $0x80, v12, vm0, $0xb8;
	[tilespmem:$0x1DF00] =	vst v63  }
0x112: {  	v12 =	vld.idx.msk [tilespmem:v63+s3+$0x0], $0xffff;
	_ =	sdelay $0x1  }
0x113: {  	s13 =	sadd.s32 $0xA0, s13  }
0x114: {  	p0 =	sne.s32 s13, $0x26C0  }
.Ltmp1:
0x115: {  	_ = 	snop;
	(pc) =	sbr.rel @p0 .LBB2_4-.Ltmp1, $2  }
0x116: {  	_ =	sdelay $0x2  }
0x117: {  	[spmem:s1] =	stream.indirect_vreg.scatter.add.f32 [tilespmem:s8], [sflag:$0x4], $0x80, v12, vm0, $0xb8;
	[tilespmem:$0x1DF00] =	vst v63  }
0x118: {  	_ =	swait.ge [sflag:s21], $0x800  }
0x119: {  	[sflag:s21] =	ssyncset.done $0x0  }
0x11a: {  	[sflag:s21] =	ssyncadd.s32 $0xFFFFF800  }
0x11b: {  	_ =	swait.ge [sflag:s21], $0x800  }
0x11c: {  	[sflag:s21] =	ssyncset.done $0x0  }
0x11d: {  	[sflag:s21] =	ssyncadd.s32 $0xFFFFF800  }
0x11e: {  	_ =	swait.ge [sflag:s21], $0x800  }
0x11f: {  	[sflag:s21] =	ssyncset.done $0x0  }
0x120: {  	[sflag:s21] =	ssyncadd.s32 $0xFFFFF800  }
0x121: {  	_ =	swait.ge [sflag:s21], $0x800  }
0x122: {  	[sflag:s21] =	ssyncset.done $0x0  }
0x123: {  	[sflag:s21] =	ssyncadd.s32 $0xFFFFF800  }
0x124: {  	_ =	swait.ge [sflag:s21], $0x800  }
0x125: {  	[sflag:s21] =	ssyncset.done $0x0  }
0x126: {  	[sflag:s21] =	ssyncadd.s32 $0xFFFFF800  }
0x127: {  	_ =	swait.ge [sflag:s11], $0x800  }
0x128: {  	[sflag:s11] =	ssyncset.done $0x0  }
0x129: {  	[sflag:s11] =	ssyncadd.s32 $0xFFFFF800  }
0x12a: {  	_ =	swait.ge [sflag:s11], $0x800  }
0x12b: {  	[sflag:s11] =	ssyncset.done $0x0  }
0x12c: {  	[sflag:s11] =	ssyncadd.s32 $0xFFFFF800  }
0x12d: {  	_ =	swait.ge [sflag:s11], $0x800  }
0x12e: {  	[sflag:s11] =	ssyncset.done $0x0  }
0x12f: {  	[sflag:s11] =	ssyncadd.s32 $0xFFFFF800  }
0x130: {  	_ =	swait.ge [sflag:s11], $0x800  }
0x131: {  	[sflag:s11] =	ssyncset.done $0x0  }
0x132: {  	[sflag:s11] =	ssyncadd.s32 $0xFFFFF800  }
0x133: {  	_ =	swait.ge [sflag:s11], $0x800  }
0x134: {  	[sflag:s11] =	ssyncset.done $0x0  }
0x135: {  	[sflag:s11] =	ssyncadd.s32 $0xFFFFF800  }
0x136: {  	v12 =	vld.idx.msk [tilespmem:v7+s3+$0x0], $0xffff;
	_ =	sdelay $0x7  }
0x137: {  	[spmem:s1] =	stream.indirect_vreg.scatter.add.f32 [tilespmem:s20], [sflag:$0x3], $0x80, v12, vm0, $0xb8;
	[tilespmem:$0x1DF00] =	vst v63  }
0x138: {  	v12 =	vld.idx.msk [tilespmem:v8+s3+$0x0], $0xffff;
	_ =	sdelay $0x7  }
0x139: {  	[spmem:s1] =	stream.indirect_vreg.scatter.add.f32 [tilespmem:s28], [sflag:$0x3], $0x80, v12, vm0, $0xb8;
	[tilespmem:$0x1DF00] =	vst v63  }
0x13a: {  	v12 =	vld.idx.msk [tilespmem:v9+s3+$0x0], $0xffff;
	_ =	sdelay $0x7  }
0x13b: {  	[spmem:s1] =	stream.indirect_vreg.scatter.add.f32 [tilespmem:s29], [sflag:$0x3], $0x80, v12, vm0, $0xb8;
	[tilespmem:$0x1DF00] =	vst v63  }
0x13c: {  	v12 =	vld.idx.msk [tilespmem:v10+s3+$0x0], $0xffff;
	_ =	sdelay $0x7  }
0x13d: {  	[spmem:s1] =	stream.indirect_vreg.scatter.add.f32 [tilespmem:s30], [sflag:$0x3], $0x80, v12, vm0, $0xb8;
	[tilespmem:$0x1DF00] =	vst v63  }
0x13e: {  	v12 =	vld.idx.msk [tilespmem:v6+s3+$0x0], $0xffff;
	_ =	sdelay $0x7  }
0x13f: {  	[spmem:s1] =	stream.indirect_vreg.scatter.add.f32 [tilespmem:s31], [sflag:$0x3], $0x80, v12, vm0, $0xb8;
	[tilespmem:$0x1DF00] =	vst v63  }
0x140: {  	_ =	swait.ge [sflag:s10], $0x800  }
0x141: {  	[sflag:s10] =	ssyncset.done $0x0  }
0x142: {  	[sflag:s10] =	ssyncadd.s32 $0xFFFFF800  }
0x143: {  	_ =	swait.ge [sflag:s10], $0x800  }
0x144: {  	[sflag:s10] =	ssyncset.done $0x0  }
0x145: {  	[sflag:s10] =	ssyncadd.s32 $0xFFFFF800  }
0x146: {  	_ =	swait.ge [sflag:s10], $0x800  }
0x147: {  	[sflag:s10] =	ssyncset.done $0x0  }
0x148: {  	[sflag:s10] =	ssyncadd.s32 $0xFFFFF800  }
0x149: {  	_ =	swait.ge [sflag:s10], $0x800  }
0x14a: {  	[sflag:s10] =	ssyncset.done $0x0  }
0x14b: {  	[sflag:s10] =	ssyncadd.s32 $0xFFFFF800  }
0x14c: {  	_ =	swait.ge [sflag:s10], $0x800  }
0x14d: {  	[sflag:s10] =	ssyncset.done $0x0  }
0x14e: {  	s13 =	stileid.u32;
	[sflag:s10] =	ssyncadd.s32 $0xFFFFF800  }
0x14f: {  	s13 =	sshll.u32 s13, $0x6;
	[bflag:$0x0] =	sbarrier.arrive $0xFFFF  }
0x150: {  	s14 =	sshrl.u32 s5, $0x3;
	s13 =	sor.u32 $0x1C05, s13;
	s15 =	rddreg [dreg:$0xd]  }
0x151: {  	[hbm:s15], [sflag:s13] =	dma.local [spmem:s14], $0x800  }
0x152: {  	_ =	swait.ge [sflag:s26], $0x800  }
0x153: {  	[sflag:s26] =	ssyncset.done $0x0  }
0x154: {  	s15 =	rddreg [dreg:$0xe];
	[sflag:s26] =	ssyncadd.s32 $0xFFFFF800  }
0x155: {  	[hbm:s15], [sflag:s13] =	dma.local [spmem:s22], $0x800  }
0x156: {  	_ =	swait.ge [sflag:s26], $0x800  }
0x157: {  	[sflag:s26] =	ssyncset.done $0x0  }
0x158: {  	s16 =	rddreg [dreg:$0xf];
	[sflag:s26] =	ssyncadd.s32 $0xFFFFF800  }
0x159: {  	[hbm:s16], [sflag:s13] =	dma.local [spmem:s23], $0x800  }
0x15a: {  	_ =	swait.ge [sflag:s26], $0x800  }
0x15b: {  	[sflag:s26] =	ssyncset.done $0x0  }
0x15c: {  	[sflag:s26] =	ssyncadd.s32 $0xFFFFF800  }
0x15d: {  	[hbm:s17], [sflag:s13] =	dma.local [spmem:s24], $0x800  }
0x15e: {  	s12 =	sadd.s32 $0x1, s12;
	_ =	swait.ge [sflag:s26], $0x800  }
0x15f: {  	p0 =	sne.s32 s12, s19;
	[sflag:s26] =	ssyncset.done $0x0  }
.Ltmp2:
0x160: {  	[sflag:s26] =	ssyncadd.s32 $0xFFFFF800;
	(pc) =	sbr.rel @p0 .LBB2_1-.Ltmp2, $4  }
0x161: {  	[hbm:s18], [sflag:s13] =	dma.local [spmem:s25], $0x800  }
0x162: {  	_ =	swait.ge [sflag:s26], $0x800  }
0x163: {  	[sflag:s26] =	ssyncset.done $0x0  }
0x164: {  	[sflag:s26] =	ssyncadd.s32 $0xFFFFF800  }
0x165: {  	_ =	sfence.sel $0x180000  }
0x166: {  	[bflag:$0x0] =	sbarrier.arrive $0xFFFF  }
0x167: {  	_ =	strace $0x9000004A  }
0x168: {  	s0 =	stileid.u32;
	[bflag:$0x2] =	sbarrier.arrive $0xFFFF  }
0x169: {  	p0 =	sne.s32 s0, $0x0;
	s0 =	rddreg [dreg:$0x3]  }
0x16a: {  	s0 =	sadd.s32 @!p0 $0x100000, s0  }
0x16b: {  	[sflag:s0] =	ssyncadd.tile.s32 @!p0 $0x1;
	_ =	shalt  }
.Lfunc_end2:
_tile_overlayer_lowered:
.L_overlay_start_2:
0x16c: {  	(tag) =	ssettag $0x2  }
0x16d: {  	s0 =	rddreg [dreg:$0x0];
	s2 =	stileid.u32  }
0x16e: {  	s1 =	rddreg [dreg:$0x1];
	p0 =	sne.s32 s2, $0x0  }
0x16f: {  	s3 =	rddreg [dreg:$0x2];
	[bflag:$0x3] =	sbarrier.arrive $0xFFFF;
	s2 =	simm.s32 @!p0 $0x1C05  }
0x170: {  	[timem:s3], [sflag:s2] =	dma.local @!p0 [hbm:s0], s1  }
0x171: {  	s0 =	simm.s32 @!p0 $0x5  }
0x172: {  	_ =	swait.ge @!p0 [sflag:s0], s1  }
0x173: {  	s1 =	ssub.s32 @!p0 $0x0, s1;
	[sflag:s0] =	ssyncset.done @!p0 $0x0  }
0x174: {  	[sflag:s0] =	ssyncadd.s32 @!p0 s1  }
0x175: {  	[bflag:$0x3] =	sbarrier.arrive $0xFFFF  }
0x176: {  	_ =	shalt  }

</sc_bundles>
